<compile_context>
chip_gen: v7x
topology: tpu7x:2x2x1
jax: 0.10.2.dev20260603
libtpu: 0.0.44.dev20260713+nightly
codegen_flags: <defaults>
</compile_context>

<pallas_src>
import functools

import jax
import jax.numpy as jnp
from jax import lax
from jax.experimental import pallas as pl
from jax.experimental.pallas import tpu as pltpu
from jax.experimental.pallas import tpu_sc as plsc

N = 10000
E = 320000
G = 64
LATENT = 64
OUT = 1024
HIDDEN = 100

NC, NS = 2, 16
NW = NC * NS
CHUNK = 128
IB = 8
CHUNKS = 80
E_PAD = NW * CHUNKS * CHUNK
N_PAD = 10240
RPS = N_PAD // NS
STG = 128
NSTG = RPS // STG
BLK = 512
NBLK = N_PAD // BLK

def _edge_pool_kernel_body(dst_hbm, el_hbm, zeros_hbm, feat_out,
                           dstv, rowsv, feat_sh):
    c = lax.axis_index("c")
    s = lax.axis_index("s")
    wid = s * NC + c
    r0 = s * RPS
    pltpu.sync_copy(zeros_hbm, rowsv)
    for r in range(NSTG):
        pltpu.sync_copy(rowsv, feat_sh.at[pl.ds(r0 + r * STG, STG)])
    plsc.subcore_barrier()

    def body(jb, carry):
        pltpu.sync_copy(dst_hbm.at[wid, pl.ds(jb * IB, IB)], dstv)
        for j in range(IB):
            base = (wid * CHUNKS + jb * IB + j) * CHUNK
            pltpu.sync_copy(el_hbm.at[pl.ds(base, CHUNK)], rowsv)
            pltpu.sync_copy(rowsv, feat_sh.at[dstv.at[j]], add=True)
        return carry

    lax.fori_loop(0, CHUNKS // IB, body, 0)
    plsc.subcore_barrier()
    for r in range(NSTG):
        pltpu.sync_copy(feat_sh.at[pl.ds(r0 + r * STG, STG)], rowsv)
        pltpu.sync_copy(rowsv, feat_out.at[c, pl.ds(r0 + r * STG, STG)])


def _n2n_kernel_body(src_hbm, dst_hbm, cur_hbm, zeros_hbm, out_hbm,
                     srcv, dstv, rowsv, acc_sh, sem):
    c = lax.axis_index("c")
    s = lax.axis_index("s")
    wid = s * NC + c
    r0 = s * RPS
    pltpu.sync_copy(zeros_hbm, rowsv)
    for r in range(NSTG):
        pltpu.sync_copy(rowsv, acc_sh.at[pl.ds(r0 + r * STG, STG)])
    plsc.subcore_barrier()

    def body(jb, carry):
        pltpu.sync_copy(src_hbm.at[wid, pl.ds(jb * IB, IB)], srcv)
        pltpu.sync_copy(dst_hbm.at[wid, pl.ds(jb * IB, IB)], dstv)
        for j in range(IB):
            pltpu.async_copy(cur_hbm.at[srcv.at[j]], rowsv, sem).wait()
            pltpu.sync_copy(rowsv, acc_sh.at[dstv.at[j]], add=True)
        return carry

    lax.fori_loop(0, CHUNKS // IB, body, 0)
    plsc.subcore_barrier()
    for r in range(NSTG):
        pltpu.sync_copy(acc_sh.at[pl.ds(r0 + r * STG, STG)], rowsv)
        pltpu.sync_copy(rowsv, out_hbm.at[c, pl.ds(r0 + r * STG, STG)])


@functools.cache
def _sc_kernels():
    mesh = plsc.VectorSubcoreMesh(core_axis_name="c", subcore_axis_name="s",
                                  num_cores=NC, num_subcores=NS)
    edge_pool = pl.kernel(
        _edge_pool_kernel_body,
        out_type=jax.ShapeDtypeStruct((NC, N_PAD, LATENT), jnp.float32),
        mesh=mesh,
        scratch_types=(
            pltpu.VMEM((IB, CHUNK), jnp.int32),
            pltpu.VMEM((CHUNK, LATENT), jnp.float32),
            pltpu.VMEM_SHARED((N_PAD, LATENT), jnp.float32),
        ),
        compiler_params=pltpu.CompilerParams(use_tc_tiling_on_sc=False),
    )
    n2n = pl.kernel(
        _n2n_kernel_body,
        out_type=jax.ShapeDtypeStruct((NC, N_PAD, LATENT), jnp.float32),
        mesh=mesh,
        scratch_types=(
            pltpu.VMEM((IB, CHUNK), jnp.int32),
            pltpu.VMEM((IB, CHUNK), jnp.int32),
            pltpu.VMEM((CHUNK, LATENT), jnp.float32),
            pltpu.VMEM_SHARED((N_PAD, LATENT), jnp.float32),
            pltpu.SemaphoreType.DMA,
        ),
        compiler_params=pltpu.CompilerParams(use_tc_tiling_on_sc=False),
    )
    return edge_pool, n2n


def _elin_body(ef, We, be, out_ref):
    out_ref[...] = (jnp.dot(ef[...], We[...],
                            preferred_element_type=jnp.float32)
                    + be[...])


def _premix_body(nf, ea0, ea1, Wn, bn, im_ref, cur_ref):
    im = (jnp.dot(nf[...], Wn[...], preferred_element_type=jnp.float32)
          + bn[...] + ea0[...] + ea1[...])
    im_ref[...] = im
    cur_ref[...] = jnp.maximum(im, 0.0)


def _conv_body(a0, a1, W, b, im, cur_ref):
    x = (jnp.dot(a0[...] + a1[...], W[...],
                 preferred_element_type=jnp.float32)
         + b[...] + im[...])
    cur_ref[...] = jnp.maximum(x, 0.0)


def _head_body(cur, outW, outb, P, h1W, h1b, h2W, h2b, labels,
               pred_ref, mae_ref, mse_ref, acc_ref):
    i = pl.program_id(0)

    @pl.when(i == 0)
    def _():
        acc_ref[...] = jnp.zeros_like(acc_ref)

    t = jnp.maximum(
        jnp.dot(cur[...], outW[...], preferred_element_type=jnp.float32)
        + outb[...], 0.0)
    acc_ref[...] += jnp.dot(P[...], t, preferred_element_type=jnp.float32,
                            precision=lax.Precision.HIGHEST)

    @pl.when(i == NBLK - 1)
    def _():
        y = jnp.maximum(acc_ref[...], 0.0)
        h1 = jnp.maximum(
            jnp.dot(y, h1W[...], preferred_element_type=jnp.float32)
            + h1b[...], 0.0)
        pred = (jnp.dot(h1, h2W[...], preferred_element_type=jnp.float32)
                + h2b[...])
        pred_ref[...] = pred
        d = pred - labels[...]
        inv = 1.0 / G
        mse_ref[...] = jnp.sum(d * d, axis=0, keepdims=True) * inv
        mae_ref[...] = jnp.sum(jnp.abs(d), axis=0, keepdims=True) * inv


BLK_E = 2048
NBLK_E = E_PAD // BLK_E

_elin = pl.pallas_call(
    _elin_body,
    grid=(NBLK_E,),
    in_specs=[
        pl.BlockSpec((BLK_E, 16), lambda i: (i, 0)),
        pl.BlockSpec((16, LATENT), lambda i: (0, 0)),
        pl.BlockSpec((1, LATENT), lambda i: (0, 0)),
    ],
    out_specs=pl.BlockSpec((BLK_E, LATENT), lambda i: (i, 0)),
    out_shape=jax.ShapeDtypeStruct((E_PAD, LATENT), jnp.float32),
)

_premix = pl.pallas_call(
    _premix_body,
    grid=(NBLK,),
    in_specs=[
        pl.BlockSpec((BLK, 128), lambda i: (i, 0)),
        pl.BlockSpec((BLK, LATENT), lambda i: (i, 0)),
        pl.BlockSpec((BLK, LATENT), lambda i: (i, 0)),
        pl.BlockSpec((128, LATENT), lambda i: (0, 0)),
        pl.BlockSpec((1, LATENT), lambda i: (0, 0)),
    ],
    out_specs=[pl.BlockSpec((BLK, LATENT), lambda i: (i, 0))] * 2,
    out_shape=[jax.ShapeDtypeStruct((N_PAD, LATENT), jnp.float32)] * 2,
)

_conv = pl.pallas_call(
    _conv_body,
    grid=(NBLK,),
    in_specs=[
        pl.BlockSpec((BLK, LATENT), lambda i: (i, 0)),
        pl.BlockSpec((BLK, LATENT), lambda i: (i, 0)),
        pl.BlockSpec((LATENT, LATENT), lambda i: (0, 0)),
        pl.BlockSpec((1, LATENT), lambda i: (0, 0)),
        pl.BlockSpec((BLK, LATENT), lambda i: (i, 0)),
    ],
    out_specs=pl.BlockSpec((BLK, LATENT), lambda i: (i, 0)),
    out_shape=jax.ShapeDtypeStruct((N_PAD, LATENT), jnp.float32),
)

_head = pl.pallas_call(
    _head_body,
    grid=(NBLK,),
    in_specs=[
        pl.BlockSpec((BLK, LATENT), lambda i: (i, 0)),
        pl.BlockSpec((LATENT, OUT), lambda i: (0, 0)),
        pl.BlockSpec((1, OUT), lambda i: (0, 0)),
        pl.BlockSpec((G, BLK), lambda i: (0, i)),
        pl.BlockSpec((OUT, HIDDEN), lambda i: (0, 0)),
        pl.BlockSpec((1, HIDDEN), lambda i: (0, 0)),
        pl.BlockSpec((HIDDEN, 1), lambda i: (0, 0)),
        pl.BlockSpec((1, 1), lambda i: (0, 0)),
        pl.BlockSpec((G, 1), lambda i: (0, 0)),
    ],
    out_specs=[
        pl.BlockSpec((G, 1), lambda i: (0, 0)),
        pl.BlockSpec((1, 1), lambda i: (0, 0)),
        pl.BlockSpec((1, 1), lambda i: (0, 0)),
    ],
    out_shape=[
        jax.ShapeDtypeStruct((G, 1), jnp.float32),
        jax.ShapeDtypeStruct((1, 1), jnp.float32),
        jax.ShapeDtypeStruct((1, 1), jnp.float32),
    ],
    scratch_shapes=[pltpu.VMEM((G, OUT), jnp.float32)],
)


def kernel(node_feat, edge_feat, labels, edge_index, graph_ids,
           W_n2l, b_n2l, W_e2l, b_e2l, conv_W, conv_b,
           out_W, out_b, h1_W, h1_b, h2_W, h2_b):
    src = edge_index[0].astype(jnp.int32)
    dst = edge_index[1].astype(jnp.int32)
    pad = E_PAD - E
    ar = jnp.arange(pad, dtype=jnp.int32)
    pad_src = (ar * 997) % N
    pad_dst = N + (ar % (N_PAD - N))
    src_p = jnp.concatenate([src, pad_src]).reshape(NW, CHUNKS, CHUNK)
    dst_p = jnp.concatenate([dst, pad_dst]).reshape(NW, CHUNKS, CHUNK)
    ef_p = jnp.pad(edge_feat, ((0, pad), (0, 0)))
    nf_p = jnp.pad(node_feat, ((0, N_PAD - N), (0, 0)))
    zeros64 = jnp.zeros((STG, LATENT), jnp.float32)
    P = (graph_ids[None, :] ==
         jnp.arange(G, dtype=graph_ids.dtype)[:, None]).astype(jnp.float32)
    P = jnp.pad(P, ((0, 0), (0, N_PAD - N)))

    _edge_pool, _n2n = _sc_kernels()
    el = _elin(ef_p, W_e2l, b_e2l.reshape(1, -1))
    ea = _edge_pool(dst_p, el, zeros64)
    im, cur = _premix(nf_p, ea[0], ea[1],
                      W_n2l, b_n2l.reshape(1, -1))
    for _ in range(3):
        acc = _n2n(src_p, dst_p, cur, zeros64)
        cur = _conv(acc[0], acc[1], conv_W, conv_b.reshape(1, -1), im)
    pred, mae, mse = _head(cur, out_W, out_b.reshape(1, -1), P,
                           h1_W, h1_b.reshape(1, -1),
                           h2_W, h2_b.reshape(1, -1), labels)
    return pred, mae[0, 0], mse[0, 0]

# --- scband reference (transcript-rebuilt; emitter-appended) ---
"""Pipeline reference for scband-s2-vregressor-40106404610848 (READ-ONLY COPY).

The authoritative reference and input builder live on the scoring server;
editing this copy changes nothing except your own understanding.
"""

import jax, jax.numpy as jnp
import numpy as np

N = 10000
E = 320000
G = 64
D_NODE = 128
D_EDGE = 16
LATENT = 64
OUT = 1024
HIDDEN = 100
MAX_LV = 3


def setup_inputs(seed: int = 0) -> dict:
    key = jax.random.key(seed)
    ks = jax.random.split(key, 16)
    node_feat = jax.random.normal(ks[0], (N, D_NODE), jnp.float32)
    edge_feat = jax.random.normal(ks[1], (E, D_EDGE), jnp.float32)
    labels = jax.random.normal(ks[2], (G, 1), jnp.float32)
    edge_index = jax.random.randint(ks[3], (2, E), 0, N, jnp.int32)
    graph_ids = jnp.sort(jax.random.randint(ks[4], (N,), 0, G, jnp.int32))
    s = 0.05
    W_n2l = jax.random.normal(ks[5], (D_NODE, LATENT), jnp.float32) * s
    b_n2l = jnp.zeros((LATENT,), jnp.float32)
    W_e2l = jax.random.normal(ks[6], (D_EDGE, LATENT), jnp.float32) * s
    b_e2l = jnp.zeros((LATENT,), jnp.float32)
    conv_W = jax.random.normal(ks[7], (LATENT, LATENT), jnp.float32) * s
    conv_b = jnp.zeros((LATENT,), jnp.float32)
    out_W = jax.random.normal(ks[8], (LATENT, OUT), jnp.float32) * s
    out_b = jnp.zeros((OUT,), jnp.float32)
    h1_W = jax.random.normal(ks[9], (OUT, HIDDEN), jnp.float32) * s
    h1_b = jnp.zeros((HIDDEN,), jnp.float32)
    h2_W = jax.random.normal(ks[10], (HIDDEN, 1), jnp.float32) * s
    h2_b = jnp.zeros((1,), jnp.float32)
    return {
        "node_feat": node_feat, "edge_feat": edge_feat, "labels": labels,
        "edge_index": edge_index, "graph_ids": graph_ids,
        "W_n2l": W_n2l, "b_n2l": b_n2l, "W_e2l": W_e2l, "b_e2l": b_e2l,
        "conv_W": conv_W, "conv_b": conv_b, "out_W": out_W, "out_b": out_b,
        "h1_W": h1_W, "h1_b": h1_b, "h2_W": h2_W, "h2_b": h2_b,
    }


def reference(node_feat, edge_feat, labels, edge_index, graph_ids,
              W_n2l, b_n2l, W_e2l, b_e2l, conv_W, conv_b,
              out_W, out_b, h1_W, h1_b, h2_W, h2_b):
    src = edge_index[0]
    dst = edge_index[1]
    # EmbedMeanField.mean_field
    input_node_linear = node_feat @ W_n2l + b_n2l                       # [N, LATENT]
    input_edge_linear = edge_feat @ W_e2l + b_e2l                       # [E, LATENT]
    e2npool_input = jax.ops.segment_sum(input_edge_linear, dst, num_segments=N)  # e2n_sp spmm
    input_message = input_node_linear + e2npool_input
    input_potential = jax.nn.relu(input_message)
    cur_message_layer = input_potential
    for _ in range(MAX_LV):
        # n2n_sp spmm: gather at src, scatter-add to dst
        n2npool = jax.ops.segment_sum(cur_message_layer[src], dst, num_segments=N)
        node_linear = n2npool @ conv_W + conv_b
        merged_linear = node_linear + input_message
        cur_message_layer = jax.nn.relu(merged_linear)
    out_linear = cur_message_layer @ out_W + out_b                      # [N, OUT]
    reluact_fp = jax.nn.relu(out_linear)
    # subg_sp spmm: per-graph sum pooling
    y_potential = jax.ops.segment_sum(reluact_fp, graph_ids, num_segments=G)
    embed = jax.nn.relu(y_potential)                                    # [G, OUT]
    # MLPRegression
    h1 = jax.nn.relu(embed @ h1_W + h1_b)
    pred = h1 @ h2_W + h2_b                                             # [G, 1]
    mse = jnp.mean((pred - labels) ** 2)
    mae = jnp.mean(jnp.abs(pred - labels))
    return pred, mae, mse


if False:  # reference __main__ guard neutralized (emitter)
    inp = setup_inputs()
    out = reference(**inp)
    print([o.shape for o in out])

if __name__ == "__main__":
    import jax
    _d = setup_inputs()
    print(jax.jit(kernel)(*tuple(_d.values())))

</pallas_src>

<mosaic_0001>
#map = affine_map<(d0, d1) -> (0, 0, 0)>
#map1 = affine_map<(d0, d1) -> (0, 0)>
module attributes {stable_mosaic.version = 14 : i64} {
  func.func @_n2n_kernel_body(%arg0: i32, %arg1: i32, %arg2: memref<32x80x128xi32, #tpu.memory_space<hbm>>, %arg3: memref<32x80x128xi32, #tpu.memory_space<hbm>>, %arg4: memref<10240x64xf32, #tpu.memory_space<hbm>>, %arg5: memref<128x64xf32, #tpu.memory_space<hbm>>, %arg6: memref<2x10240x64xf32, #tpu.memory_space<hbm>>, %arg7: memref<8x128xi32, #tpu.memory_space<vmem>>, %arg8: memref<8x128xi32, #tpu.memory_space<vmem>>, %arg9: memref<128x64xf32, #tpu.memory_space<vmem>>, %arg10: memref<10240x64xf32, #tpu.memory_space<vmem_shared>>, %arg11: memref<!tpu.dma_semaphore, #tpu.memory_space<semaphore_mem>>) attributes {dimension_semantics = [#tpu.dimension_semantics<core_parallel>, #tpu.dimension_semantics<subcore_parallel>], iteration_bounds = array<i64: 2, 16>, scalar_prefetch = 0 : i64, scratch_operands = 5 : i64, tpu.core_type = #tpu.core_type<sc_vector_subcore>, window_params = [{transform_indices = #map}, {transform_indices = #map}, {transform_indices = #map1}, {transform_indices = #map1}, {transform_indices = #map}]} {
    %mul3A = arith.constant 2 : i32
    %mul3A_0 = arith.muli %arg1, %mul3A : i32
    %add3A = arith.addi %mul3A_0, %arg0 : i32
    %mul3A_1 = arith.constant 640 : i32
    %mul3A_2 = arith.muli %arg1, %mul3A_1 : i32
    "tpu.region"() ({
      %run_scoped3A = tpu.sem_alloc : memref<!tpu.dma_semaphore, #tpu.memory_space<semaphore_mem>>
      tpu.enqueue_dma source(%arg5 : memref<128x64xf32, #tpu.memory_space<hbm>>) target(%arg9 : memref<128x64xf32, #tpu.memory_space<vmem>>) target_semaphore(%run_scoped3A : memref<!tpu.dma_semaphore, #tpu.memory_space<semaphore_mem>>)
      tpu.wait_dma2 semaphore(%run_scoped3A : memref<!tpu.dma_semaphore, #tpu.memory_space<semaphore_mem>>) src(%arg5 : memref<128x64xf32, #tpu.memory_space<hbm>>) dst(%arg9 : memref<128x64xf32, #tpu.memory_space<vmem>>)
      tpu.yield
    }) : () -> ()
    %add3A_3 = arith.constant 0 : i32
    %add3A_4 = arith.addi %mul3A_2, %add3A_3 : i32
    "tpu.region"() ({
      %run_scoped3A = tpu.sem_alloc : memref<!tpu.dma_semaphore, #tpu.memory_space<semaphore_mem>>
      %dma_start3A = arith.constant 0 : i32
      %dma_start3A_39 = tpu.memref_slice %arg10[%add3A_4, %dma_start3A] : memref<10240x64xf32, #tpu.memory_space<vmem_shared>> -> memref<128x64xf32, #tpu.memory_space<vmem_shared>>
      %dma_start3A_40 = arith.constant 0 : i32
      %dma_start3A_41 = tpu.memref_slice %arg10[%add3A_4, %dma_start3A_40] : memref<10240x64xf32, #tpu.memory_space<vmem_shared>> -> memref<128x64xf32, #tpu.memory_space<vmem_shared>>
      tpu.enqueue_dma source(%arg9 : memref<128x64xf32, #tpu.memory_space<vmem>>) target(%dma_start3A_41 : memref<128x64xf32, #tpu.memory_space<vmem_shared>>) target_semaphore(%run_scoped3A : memref<!tpu.dma_semaphore, #tpu.memory_space<semaphore_mem>>)
      %dma_wait3A = arith.constant 0 : i32
      %dma_wait3A_42 = tpu.memref_slice %arg10[%add3A_4, %dma_wait3A] : memref<10240x64xf32, #tpu.memory_space<vmem_shared>> -> memref<128x64xf32, #tpu.memory_space<vmem_shared>>
      %dma_wait3A_43 = arith.constant 0 : i32
      %dma_wait3A_44 = tpu.memref_slice %arg10[%add3A_4, %dma_wait3A_43] : memref<10240x64xf32, #tpu.memory_space<vmem_shared>> -> memref<128x64xf32, #tpu.memory_space<vmem_shared>>
      tpu.wait_dma2 semaphore(%run_scoped3A : memref<!tpu.dma_semaphore, #tpu.memory_space<semaphore_mem>>) src(%arg9 : memref<128x64xf32, #tpu.memory_space<vmem>>) dst(%dma_wait3A_44 : memref<128x64xf32, #tpu.memory_space<vmem_shared>>)
      tpu.yield
    }) : () -> ()
    %add3A_5 = arith.constant 128 : i32
    %add3A_6 = arith.addi %mul3A_2, %add3A_5 : i32
    "tpu.region"() ({
      %run_scoped3A = tpu.sem_alloc : memref<!tpu.dma_semaphore, #tpu.memory_space<semaphore_mem>>
      %dma_start3A = arith.constant 0 : i32
      %dma_start3A_39 = tpu.memref_slice %arg10[%add3A_6, %dma_start3A] : memref<10240x64xf32, #tpu.memory_space<vmem_shared>> -> memref<128x64xf32, #tpu.memory_space<vmem_shared>>
      %dma_start3A_40 = arith.constant 0 : i32
      %dma_start3A_41 = tpu.memref_slice %arg10[%add3A_6, %dma_start3A_40] : memref<10240x64xf32, #tpu.memory_space<vmem_shared>> -> memref<128x64xf32, #tpu.memory_space<vmem_shared>>
      tpu.enqueue_dma source(%arg9 : memref<128x64xf32, #tpu.memory_space<vmem>>) target(%dma_start3A_41 : memref<128x64xf32, #tpu.memory_space<vmem_shared>>) target_semaphore(%run_scoped3A : memref<!tpu.dma_semaphore, #tpu.memory_space<semaphore_mem>>)
      %dma_wait3A = arith.constant 0 : i32
      %dma_wait3A_42 = tpu.memref_slice %arg10[%add3A_6, %dma_wait3A] : memref<10240x64xf32, #tpu.memory_space<vmem_shared>> -> memref<128x64xf32, #tpu.memory_space<vmem_shared>>
      %dma_wait3A_43 = arith.constant 0 : i32
      %dma_wait3A_44 = tpu.memref_slice %arg10[%add3A_6, %dma_wait3A_43] : memref<10240x64xf32, #tpu.memory_space<vmem_shared>> -> memref<128x64xf32, #tpu.memory_space<vmem_shared>>
      tpu.wait_dma2 semaphore(%run_scoped3A : memref<!tpu.dma_semaphore, #tpu.memory_space<semaphore_mem>>) src(%arg9 : memref<128x64xf32, #tpu.memory_space<vmem>>) dst(%dma_wait3A_44 : memref<128x64xf32, #tpu.memory_space<vmem_shared>>)
      tpu.yield
    }) : () -> ()
    %add3A_7 = arith.constant 256 : i32
    %add3A_8 = arith.addi %mul3A_2, %add3A_7 : i32
    "tpu.region"() ({
      %run_scoped3A = tpu.sem_alloc : memref<!tpu.dma_semaphore, #tpu.memory_space<semaphore_mem>>
      %dma_start3A = arith.constant 0 : i32
      %dma_start3A_39 = tpu.memref_slice %arg10[%add3A_8, %dma_start3A] : memref<10240x64xf32, #tpu.memory_space<vmem_shared>> -> memref<128x64xf32, #tpu.memory_space<vmem_shared>>
      %dma_start3A_40 = arith.constant 0 : i32
      %dma_start3A_41 = tpu.memref_slice %arg10[%add3A_8, %dma_start3A_40] : memref<10240x64xf32, #tpu.memory_space<vmem_shared>> -> memref<128x64xf32, #tpu.memory_space<vmem_shared>>
      tpu.enqueue_dma source(%arg9 : memref<128x64xf32, #tpu.memory_space<vmem>>) target(%dma_start3A_41 : memref<128x64xf32, #tpu.memory_space<vmem_shared>>) target_semaphore(%run_scoped3A : memref<!tpu.dma_semaphore, #tpu.memory_space<semaphore_mem>>)
      %dma_wait3A = arith.constant 0 : i32
      %dma_wait3A_42 = tpu.memref_slice %arg10[%add3A_8, %dma_wait3A] : memref<10240x64xf32, #tpu.memory_space<vmem_shared>> -> memref<128x64xf32, #tpu.memory_space<vmem_shared>>
      %dma_wait3A_43 = arith.constant 0 : i32
      %dma_wait3A_44 = tpu.memref_slice %arg10[%add3A_8, %dma_wait3A_43] : memref<10240x64xf32, #tpu.memory_space<vmem_shared>> -> memref<128x64xf32, #tpu.memory_space<vmem_shared>>
      tpu.wait_dma2 semaphore(%run_scoped3A : memref<!tpu.dma_semaphore, #tpu.memory_space<semaphore_mem>>) src(%arg9 : memref<128x64xf32, #tpu.memory_space<vmem>>) dst(%dma_wait3A_44 : memref<128x64xf32, #tpu.memory_space<vmem_shared>>)
      tpu.yield
    }) : () -> ()
    %add3A_9 = arith.constant 384 : i32
    %add3A_10 = arith.addi %mul3A_2, %add3A_9 : i32
    "tpu.region"() ({
      %run_scoped3A = tpu.sem_alloc : memref<!tpu.dma_semaphore, #tpu.memory_space<semaphore_mem>>
      %dma_start3A = arith.constant 0 : i32
      %dma_start3A_39 = tpu.memref_slice %arg10[%add3A_10, %dma_start3A] : memref<10240x64xf32, #tpu.memory_space<vmem_shared>> -> memref<128x64xf32, #tpu.memory_space<vmem_shared>>
      %dma_start3A_40 = arith.constant 0 : i32
      %dma_start3A_41 = tpu.memref_slice %arg10[%add3A_10, %dma_start3A_40] : memref<10240x64xf32, #tpu.memory_space<vmem_shared>> -> memref<128x64xf32, #tpu.memory_space<vmem_shared>>
      tpu.enqueue_dma source(%arg9 : memref<128x64xf32, #tpu.memory_space<vmem>>) target(%dma_start3A_41 : memref<128x64xf32, #tpu.memory_space<vmem_shared>>) target_semaphore(%run_scoped3A : memref<!tpu.dma_semaphore, #tpu.memory_space<semaphore_mem>>)
      %dma_wait3A = arith.constant 0 : i32
      %dma_wait3A_42 = tpu.memref_slice %arg10[%add3A_10, %dma_wait3A] : memref<10240x64xf32, #tpu.memory_space<vmem_shared>> -> memref<128x64xf32, #tpu.memory_space<vmem_shared>>
      %dma_wait3A_43 = arith.constant 0 : i32
      %dma_wait3A_44 = tpu.memref_slice %arg10[%add3A_10, %dma_wait3A_43] : memref<10240x64xf32, #tpu.memory_space<vmem_shared>> -> memref<128x64xf32, #tpu.memory_space<vmem_shared>>
      tpu.wait_dma2 semaphore(%run_scoped3A : memref<!tpu.dma_semaphore, #tpu.memory_space<semaphore_mem>>) src(%arg9 : memref<128x64xf32, #tpu.memory_space<vmem>>) dst(%dma_wait3A_44 : memref<128x64xf32, #tpu.memory_space<vmem_shared>>)
      tpu.yield
    }) : () -> ()
    %add3A_11 = arith.constant 512 : i32
    %add3A_12 = arith.addi %mul3A_2, %add3A_11 : i32
    "tpu.region"() ({
      %run_scoped3A = tpu.sem_alloc : memref<!tpu.dma_semaphore, #tpu.memory_space<semaphore_mem>>
      %dma_start3A = arith.constant 0 : i32
      %dma_start3A_39 = tpu.memref_slice %arg10[%add3A_12, %dma_start3A] : memref<10240x64xf32, #tpu.memory_space<vmem_shared>> -> memref<128x64xf32, #tpu.memory_space<vmem_shared>>
      %dma_start3A_40 = arith.constant 0 : i32
      %dma_start3A_41 = tpu.memref_slice %arg10[%add3A_12, %dma_start3A_40] : memref<10240x64xf32, #tpu.memory_space<vmem_shared>> -> memref<128x64xf32, #tpu.memory_space<vmem_shared>>
      tpu.enqueue_dma source(%arg9 : memref<128x64xf32, #tpu.memory_space<vmem>>) target(%dma_start3A_41 : memref<128x64xf32, #tpu.memory_space<vmem_shared>>) target_semaphore(%run_scoped3A : memref<!tpu.dma_semaphore, #tpu.memory_space<semaphore_mem>>)
      %dma_wait3A = arith.constant 0 : i32
      %dma_wait3A_42 = tpu.memref_slice %arg10[%add3A_12, %dma_wait3A] : memref<10240x64xf32, #tpu.memory_space<vmem_shared>> -> memref<128x64xf32, #tpu.memory_space<vmem_shared>>
      %dma_wait3A_43 = arith.constant 0 : i32
      %dma_wait3A_44 = tpu.memref_slice %arg10[%add3A_12, %dma_wait3A_43] : memref<10240x64xf32, #tpu.memory_space<vmem_shared>> -> memref<128x64xf32, #tpu.memory_space<vmem_shared>>
      tpu.wait_dma2 semaphore(%run_scoped3A : memref<!tpu.dma_semaphore, #tpu.memory_space<semaphore_mem>>) src(%arg9 : memref<128x64xf32, #tpu.memory_space<vmem>>) dst(%dma_wait3A_44 : memref<128x64xf32, #tpu.memory_space<vmem_shared>>)
      tpu.yield
    }) : () -> ()
    %barrier3A = arith.constant 0 : index
    tpu.barrier barrier_id(%barrier3A)
    %scan3A = arith.constant 0 : i32
    %scan3A_13 = arith.constant 0 : i32
    %scan3A_14 = arith.constant 10 : i32
    %scan3A_15 = arith.addi %scan3A_13, %scan3A_14 : i32
    %scan3A_16 = arith.constant 1 : i32
    scf.for %scan3A_39 = %scan3A_13 to %scan3A_15 step %scan3A_16  : i32 {
      %mul3A_40 = arith.constant 8 : i32
      %mul3A_41 = arith.muli %scan3A_39, %mul3A_40 : i32
      "tpu.region"() ({
        %run_scoped3A_161 = tpu.sem_alloc : memref<!tpu.dma_semaphore, #tpu.memory_space<semaphore_mem>>
        %dma_start3A_162 = arith.constant 0 : i32
        %dma_start3A_163 = tpu.memref_slice %arg2[%add3A, %mul3A_41, %dma_start3A_162] : memref<32x80x128xi32, #tpu.memory_space<hbm>> -> memref<1x8x128xi32, #tpu.memory_space<hbm>>
        %dma_start3A_164 = tpu.memref_squeeze %dma_start3A_163 : memref<1x8x128xi32, #tpu.memory_space<hbm>> -> memref<8x128xi32, #tpu.memory_space<hbm>>
        %dma_start3A_165 = arith.constant 0 : i32
        %dma_start3A_166 = tpu.memref_slice %arg2[%add3A, %mul3A_41, %dma_start3A_165] : memref<32x80x128xi32, #tpu.memory_space<hbm>> -> memref<1x8x128xi32, #tpu.memory_space<hbm>>
        %dma_start3A_167 = tpu.memref_squeeze %dma_start3A_166 : memref<1x8x128xi32, #tpu.memory_space<hbm>> -> memref<8x128xi32, #tpu.memory_space<hbm>>
        tpu.enqueue_dma source(%dma_start3A_167 : memref<8x128xi32, #tpu.memory_space<hbm>>) target(%arg7 : memref<8x128xi32, #tpu.memory_space<vmem>>) target_semaphore(%run_scoped3A_161 : memref<!tpu.dma_semaphore, #tpu.memory_space<semaphore_mem>>)
        %dma_wait3A_168 = arith.constant 0 : i32
        %dma_wait3A_169 = tpu.memref_slice %arg2[%add3A, %mul3A_41, %dma_wait3A_168] : memref<32x80x128xi32, #tpu.memory_space<hbm>> -> memref<1x8x128xi32, #tpu.memory_space<hbm>>
        %dma_wait3A_170 = tpu.memref_squeeze %dma_wait3A_169 : memref<1x8x128xi32, #tpu.memory_space<hbm>> -> memref<8x128xi32, #tpu.memory_space<hbm>>
        %dma_wait3A_171 = arith.constant 0 : i32
        %dma_wait3A_172 = tpu.memref_slice %arg2[%add3A, %mul3A_41, %dma_wait3A_171] : memref<32x80x128xi32, #tpu.memory_space<hbm>> -> memref<1x8x128xi32, #tpu.memory_space<hbm>>
        %dma_wait3A_173 = tpu.memref_squeeze %dma_wait3A_172 : memref<1x8x128xi32, #tpu.memory_space<hbm>> -> memref<8x128xi32, #tpu.memory_space<hbm>>
        tpu.wait_dma2 semaphore(%run_scoped3A_161 : memref<!tpu.dma_semaphore, #tpu.memory_space<semaphore_mem>>) src(%dma_wait3A_173 : memref<8x128xi32, #tpu.memory_space<hbm>>) dst(%arg7 : memref<8x128xi32, #tpu.memory_space<vmem>>)
        tpu.yield
      }) : () -> ()
      %mul3A_42 = arith.constant 8 : i32
      %mul3A_43 = arith.muli %scan3A_39, %mul3A_42 : i32
      "tpu.region"() ({
        %run_scoped3A_161 = tpu.sem_alloc : memref<!tpu.dma_semaphore, #tpu.memory_space<semaphore_mem>>
        %dma_start3A_162 = arith.constant 0 : i32
        %dma_start3A_163 = tpu.memref_slice %arg3[%add3A, %mul3A_43, %dma_start3A_162] : memref<32x80x128xi32, #tpu.memory_space<hbm>> -> memref<1x8x128xi32, #tpu.memory_space<hbm>>
        %dma_start3A_164 = tpu.memref_squeeze %dma_start3A_163 : memref<1x8x128xi32, #tpu.memory_space<hbm>> -> memref<8x128xi32, #tpu.memory_space<hbm>>
        %dma_start3A_165 = arith.constant 0 : i32
        %dma_start3A_166 = tpu.memref_slice %arg3[%add3A, %mul3A_43, %dma_start3A_165] : memref<32x80x128xi32, #tpu.memory_space<hbm>> -> memref<1x8x128xi32, #tpu.memory_space<hbm>>
        %dma_start3A_167 = tpu.memref_squeeze %dma_start3A_166 : memref<1x8x128xi32, #tpu.memory_space<hbm>> -> memref<8x128xi32, #tpu.memory_space<hbm>>
        tpu.enqueue_dma source(%dma_start3A_167 : memref<8x128xi32, #tpu.memory_space<hbm>>) target(%arg8 : memref<8x128xi32, #tpu.memory_space<vmem>>) target_semaphore(%run_scoped3A_161 : memref<!tpu.dma_semaphore, #tpu.memory_space<semaphore_mem>>)
        %dma_wait3A_168 = arith.constant 0 : i32
        %dma_wait3A_169 = tpu.memref_slice %arg3[%add3A, %mul3A_43, %dma_wait3A_168] : memref<32x80x128xi32, #tpu.memory_space<hbm>> -> memref<1x8x128xi32, #tpu.memory_space<hbm>>
        %dma_wait3A_170 = tpu.memref_squeeze %dma_wait3A_169 : memref<1x8x128xi32, #tpu.memory_space<hbm>> -> memref<8x128xi32, #tpu.memory_space<hbm>>
        %dma_wait3A_171 = arith.constant 0 : i32
        %dma_wait3A_172 = tpu.memref_slice %arg3[%add3A, %mul3A_43, %dma_wait3A_171] : memref<32x80x128xi32, #tpu.memory_space<hbm>> -> memref<1x8x128xi32, #tpu.memory_space<hbm>>
        %dma_wait3A_173 = tpu.memref_squeeze %dma_wait3A_172 : memref<1x8x128xi32, #tpu.memory_space<hbm>> -> memref<8x128xi32, #tpu.memory_space<hbm>>
        tpu.wait_dma2 semaphore(%run_scoped3A_161 : memref<!tpu.dma_semaphore, #tpu.memory_space<semaphore_mem>>) src(%dma_wait3A_173 : memref<8x128xi32, #tpu.memory_space<hbm>>) dst(%arg8 : memref<8x128xi32, #tpu.memory_space<vmem>>)
        tpu.yield
      }) : () -> ()
      %dma_start3A = arith.constant 0 : i32
      %dma_start3A_44 = arith.constant 0 : i32
      %dma_start3A_45 = tpu.memref_slice %arg7[%dma_start3A, %dma_start3A_44] : memref<8x128xi32, #tpu.memory_space<vmem>> -> memref<1x128xi32, #tpu.memory_space<vmem>>
      %dma_start3A_46 = tpu.memref_squeeze %dma_start3A_45 : memref<1x128xi32, #tpu.memory_space<vmem>> -> memref<128xi32, #tpu.memory_space<vmem>>
      %dma_start3A_47 = arith.constant 0 : i32
      %dma_start3A_48 = arith.constant 0 : i32
      %dma_start3A_49 = tpu.memref_slice %arg4[%dma_start3A_47, %dma_start3A_48] : memref<10240x64xf32, #tpu.memory_space<hbm>> -> memref<10240x64xf32, #tpu.memory_space<hbm>>
      tpu.enqueue_indirect_dma source(%dma_start3A_49 : memref<10240x64xf32, #tpu.memory_space<hbm>>) target(%arg9 : memref<128x64xf32, #tpu.memory_space<vmem>>) offsets(%dma_start3A_46 : memref<128xi32, #tpu.memory_space<vmem>>) semaphore(%arg11 : memref<!tpu.dma_semaphore, #tpu.memory_space<semaphore_mem>>)
      %dma_wait3A = arith.constant 0 : i32
      %dma_wait3A_50 = arith.constant 0 : i32
      %dma_wait3A_51 = tpu.memref_slice %arg7[%dma_wait3A, %dma_wait3A_50] : memref<8x128xi32, #tpu.memory_space<vmem>> -> memref<1x128xi32, #tpu.memory_space<vmem>>
      %dma_wait3A_52 = tpu.memref_squeeze %dma_wait3A_51 : memref<1x128xi32, #tpu.memory_space<vmem>> -> memref<128xi32, #tpu.memory_space<vmem>>
      %dma_wait3A_53 = arith.constant 0 : i32
      %dma_wait3A_54 = arith.constant 0 : i32
      %dma_wait3A_55 = tpu.memref_slice %arg4[%dma_wait3A_53, %dma_wait3A_54] : memref<10240x64xf32, #tpu.memory_space<hbm>> -> memref<10240x64xf32, #tpu.memory_space<hbm>>
      tpu.wait_indirect_dma semaphore(%arg11 : memref<!tpu.dma_semaphore, #tpu.memory_space<semaphore_mem>>) src(%dma_wait3A_55 : memref<10240x64xf32, #tpu.memory_space<hbm>>) dst(%arg9 : memref<128x64xf32, #tpu.memory_space<vmem>>)
      %run_scoped3A = arith.constant 0 : i32
      "tpu.region"() ({
        %run_scoped3A_161 = tpu.sem_alloc : memref<!tpu.dma_semaphore, #tpu.memory_space<semaphore_mem>>
        %dma_start3A_162 = arith.constant 0 : i32
        %dma_start3A_163 = tpu.memref_slice %arg8[%run_scoped3A, %dma_start3A_162] : memref<8x128xi32, #tpu.memory_space<vmem>> -> memref<1x128xi32, #tpu.memory_space<vmem>>
        %dma_start3A_164 = tpu.memref_squeeze %dma_start3A_163 : memref<1x128xi32, #tpu.memory_space<vmem>> -> memref<128xi32, #tpu.memory_space<vmem>>
        %dma_start3A_165 = arith.constant 0 : i32
        %dma_start3A_166 = arith.constant 0 : i32
        %dma_start3A_167 = tpu.memref_slice %arg10[%dma_start3A_165, %dma_start3A_166] : memref<10240x64xf32, #tpu.memory_space<vmem_shared>> -> memref<10240x64xf32, #tpu.memory_space<vmem_shared>>
        tpu.enqueue_indirect_dma source(%arg9 : memref<128x64xf32, #tpu.memory_space<vmem>>) target(%dma_start3A_167 : memref<10240x64xf32, #tpu.memory_space<vmem_shared>>) offsets(%dma_start3A_164 : memref<128xi32, #tpu.memory_space<vmem>>) semaphore(%run_scoped3A_161 : memref<!tpu.dma_semaphore, #tpu.memory_space<semaphore_mem>>) {add = true}
        %dma_wait3A_168 = arith.constant 0 : i32
        %dma_wait3A_169 = tpu.memref_slice %arg8[%run_scoped3A, %dma_wait3A_168] : memref<8x128xi32, #tpu.memory_space<vmem>> -> memref<1x128xi32, #tpu.memory_space<vmem>>
        %dma_wait3A_170 = tpu.memref_squeeze %dma_wait3A_169 : memref<1x128xi32, #tpu.memory_space<vmem>> -> memref<128xi32, #tpu.memory_space<vmem>>
        %dma_wait3A_171 = arith.constant 0 : i32
        %dma_wait3A_172 = arith.constant 0 : i32
        %dma_wait3A_173 = tpu.memref_slice %arg10[%dma_wait3A_171, %dma_wait3A_172] : memref<10240x64xf32, #tpu.memory_space<vmem_shared>> -> memref<10240x64xf32, #tpu.memory_space<vmem_shared>>
        tpu.wait_indirect_dma semaphore(%run_scoped3A_161 : memref<!tpu.dma_semaphore, #tpu.memory_space<semaphore_mem>>) src(%arg9 : memref<128x64xf32, #tpu.memory_space<vmem>>) dst(%dma_wait3A_173 : memref<10240x64xf32, #tpu.memory_space<vmem_shared>>)
        tpu.yield
      }) : () -> ()
      %dma_start3A_56 = arith.constant 1 : i32
      %dma_start3A_57 = arith.constant 0 : i32
      %dma_start3A_58 = tpu.memref_slice %arg7[%dma_start3A_56, %dma_start3A_57] : memref<8x128xi32, #tpu.memory_space<vmem>> -> memref<1x128xi32, #tpu.memory_space<vmem>>
      %dma_start3A_59 = tpu.memref_squeeze %dma_start3A_58 : memref<1x128xi32, #tpu.memory_space<vmem>> -> memref<128xi32, #tpu.memory_space<vmem>>
      %dma_start3A_60 = arith.constant 0 : i32
      %dma_start3A_61 = arith.constant 0 : i32
      %dma_start3A_62 = tpu.memref_slice %arg4[%dma_start3A_60, %dma_start3A_61] : memref<10240x64xf32, #tpu.memory_space<hbm>> -> memref<10240x64xf32, #tpu.memory_space<hbm>>
      tpu.enqueue_indirect_dma source(%dma_start3A_62 : memref<10240x64xf32, #tpu.memory_space<hbm>>) target(%arg9 : memref<128x64xf32, #tpu.memory_space<vmem>>) offsets(%dma_start3A_59 : memref<128xi32, #tpu.memory_space<vmem>>) semaphore(%arg11 : memref<!tpu.dma_semaphore, #tpu.memory_space<semaphore_mem>>)
      %dma_wait3A_63 = arith.constant 1 : i32
      %dma_wait3A_64 = arith.constant 0 : i32
      %dma_wait3A_65 = tpu.memref_slice %arg7[%dma_wait3A_63, %dma_wait3A_64] : memref<8x128xi32, #tpu.memory_space<vmem>> -> memref<1x128xi32, #tpu.memory_space<vmem>>
      %dma_wait3A_66 = tpu.memref_squeeze %dma_wait3A_65 : memref<1x128xi32, #tpu.memory_space<vmem>> -> memref<128xi32, #tpu.memory_space<vmem>>
      %dma_wait3A_67 = arith.constant 0 : i32
      %dma_wait3A_68 = arith.constant 0 : i32
      %dma_wait3A_69 = tpu.memref_slice %arg4[%dma_wait3A_67, %dma_wait3A_68] : memref<10240x64xf32, #tpu.memory_space<hbm>> -> memref<10240x64xf32, #tpu.memory_space<hbm>>
      tpu.wait_indirect_dma semaphore(%arg11 : memref<!tpu.dma_semaphore, #tpu.memory_space<semaphore_mem>>) src(%dma_wait3A_69 : memref<10240x64xf32, #tpu.memory_space<hbm>>) dst(%arg9 : memref<128x64xf32, #tpu.memory_space<vmem>>)
      %run_scoped3A_70 = arith.constant 1 : i32
      "tpu.region"() ({
        %run_scoped3A_161 = tpu.sem_alloc : memref<!tpu.dma_semaphore, #tpu.memory_space<semaphore_mem>>
        %dma_start3A_162 = arith.constant 0 : i32
        %dma_start3A_163 = tpu.memref_slice %arg8[%run_scoped3A_70, %dma_start3A_162] : memref<8x128xi32, #tpu.memory_space<vmem>> -> memref<1x128xi32, #tpu.memory_space<vmem>>
        %dma_start3A_164 = tpu.memref_squeeze %dma_start3A_163 : memref<1x128xi32, #tpu.memory_space<vmem>> -> memref<128xi32, #tpu.memory_space<vmem>>
        %dma_start3A_165 = arith.constant 0 : i32
        %dma_start3A_166 = arith.constant 0 : i32
        %dma_start3A_167 = tpu.memref_slice %arg10[%dma_start3A_165, %dma_start3A_166] : memref<10240x64xf32, #tpu.memory_space<vmem_shared>> -> memref<10240x64xf32, #tpu.memory_space<vmem_shared>>
        tpu.enqueue_indirect_dma source(%arg9 : memref<128x64xf32, #tpu.memory_space<vmem>>) target(%dma_start3A_167 : memref<10240x64xf32, #tpu.memory_space<vmem_shared>>) offsets(%dma_start3A_164 : memref<128xi32, #tpu.memory_space<vmem>>) semaphore(%run_scoped3A_161 : memref<!tpu.dma_semaphore, #tpu.memory_space<semaphore_mem>>) {add = true}
        %dma_wait3A_168 = arith.constant 0 : i32
        %dma_wait3A_169 = tpu.memref_slice %arg8[%run_scoped3A_70, %dma_wait3A_168] : memref<8x128xi32, #tpu.memory_space<vmem>> -> memref<1x128xi32, #tpu.memory_space<vmem>>
        %dma_wait3A_170 = tpu.memref_squeeze %dma_wait3A_169 : memref<1x128xi32, #tpu.memory_space<vmem>> -> memref<128xi32, #tpu.memory_space<vmem>>
        %dma_wait3A_171 = arith.constant 0 : i32
        %dma_wait3A_172 = arith.constant 0 : i32
        %dma_wait3A_173 = tpu.memref_slice %arg10[%dma_wait3A_171, %dma_wait3A_172] : memref<10240x64xf32, #tpu.memory_space<vmem_shared>> -> memref<10240x64xf32, #tpu.memory_space<vmem_shared>>
        tpu.wait_indirect_dma semaphore(%run_scoped3A_161 : memref<!tpu.dma_semaphore, #tpu.memory_space<semaphore_mem>>) src(%arg9 : memref<128x64xf32, #tpu.memory_space<vmem>>) dst(%dma_wait3A_173 : memref<10240x64xf32, #tpu.memory_space<vmem_shared>>)
        tpu.yield
      }) : () -> ()
      %dma_start3A_71 = arith.constant 2 : i32
      %dma_start3A_72 = arith.constant 0 : i32
      %dma_start3A_73 = tpu.memref_slice %arg7[%dma_start3A_71, %dma_start3A_72] : memref<8x128xi32, #tpu.memory_space<vmem>> -> memref<1x128xi32, #tpu.memory_space<vmem>>
      %dma_start3A_74 = tpu.memref_squeeze %dma_start3A_73 : memref<1x128xi32, #tpu.memory_space<vmem>> -> memref<128xi32, #tpu.memory_space<vmem>>
      %dma_start3A_75 = arith.constant 0 : i32
      %dma_start3A_76 = arith.constant 0 : i32
      %dma_start3A_77 = tpu.memref_slice %arg4[%dma_start3A_75, %dma_start3A_76] : memref<10240x64xf32, #tpu.memory_space<hbm>> -> memref<10240x64xf32, #tpu.memory_space<hbm>>
      tpu.enqueue_indirect_dma source(%dma_start3A_77 : memref<10240x64xf32, #tpu.memory_space<hbm>>) target(%arg9 : memref<128x64xf32, #tpu.memory_space<vmem>>) offsets(%dma_start3A_74 : memref<128xi32, #tpu.memory_space<vmem>>) semaphore(%arg11 : memref<!tpu.dma_semaphore, #tpu.memory_space<semaphore_mem>>)
      %dma_wait3A_78 = arith.constant 2 : i32
      %dma_wait3A_79 = arith.constant 0 : i32
      %dma_wait3A_80 = tpu.memref_slice %arg7[%dma_wait3A_78, %dma_wait3A_79] : memref<8x128xi32, #tpu.memory_space<vmem>> -> memref<1x128xi32, #tpu.memory_space<vmem>>
      %dma_wait3A_81 = tpu.memref_squeeze %dma_wait3A_80 : memref<1x128xi32, #tpu.memory_space<vmem>> -> memref<128xi32, #tpu.memory_space<vmem>>
      %dma_wait3A_82 = arith.constant 0 : i32
      %dma_wait3A_83 = arith.constant 0 : i32
      %dma_wait3A_84 = tpu.memref_slice %arg4[%dma_wait3A_82, %dma_wait3A_83] : memref<10240x64xf32, #tpu.memory_space<hbm>> -> memref<10240x64xf32, #tpu.memory_space<hbm>>
      tpu.wait_indirect_dma semaphore(%arg11 : memref<!tpu.dma_semaphore, #tpu.memory_space<semaphore_mem>>) src(%dma_wait3A_84 : memref<10240x64xf32, #tpu.memory_space<hbm>>) dst(%arg9 : memref<128x64xf32, #tpu.memory_space<vmem>>)
      %run_scoped3A_85 = arith.constant 2 : i32
      "tpu.region"() ({
        %run_scoped3A_161 = tpu.sem_alloc : memref<!tpu.dma_semaphore, #tpu.memory_space<semaphore_mem>>
        %dma_start3A_162 = arith.constant 0 : i32
        %dma_start3A_163 = tpu.memref_slice %arg8[%run_scoped3A_85, %dma_start3A_162] : memref<8x128xi32, #tpu.memory_space<vmem>> -> memref<1x128xi32, #tpu.memory_space<vmem>>
        %dma_start3A_164 = tpu.memref_squeeze %dma_start3A_163 : memref<1x128xi32, #tpu.memory_space<vmem>> -> memref<128xi32, #tpu.memory_space<vmem>>
        %dma_start3A_165 = arith.constant 0 : i32
        %dma_start3A_166 = arith.constant 0 : i32
        %dma_start3A_167 = tpu.memref_slice %arg10[%dma_start3A_165, %dma_start3A_166] : memref<10240x64xf32, #tpu.memory_space<vmem_shared>> -> memref<10240x64xf32, #tpu.memory_space<vmem_shared>>
        tpu.enqueue_indirect_dma source(%arg9 : memref<128x64xf32, #tpu.memory_space<vmem>>) target(%dma_start3A_167 : memref<10240x64xf32, #tpu.memory_space<vmem_shared>>) offsets(%dma_start3A_164 : memref<128xi32, #tpu.memory_space<vmem>>) semaphore(%run_scoped3A_161 : memref<!tpu.dma_semaphore, #tpu.memory_space<semaphore_mem>>) {add = true}
        %dma_wait3A_168 = arith.constant 0 : i32
        %dma_wait3A_169 = tpu.memref_slice %arg8[%run_scoped3A_85, %dma_wait3A_168] : memref<8x128xi32, #tpu.memory_space<vmem>> -> memref<1x128xi32, #tpu.memory_space<vmem>>
        %dma_wait3A_170 = tpu.memref_squeeze %dma_wait3A_169 : memref<1x128xi32, #tpu.memory_space<vmem>> -> memref<128xi32, #tpu.memory_space<vmem>>
        %dma_wait3A_171 = arith.constant 0 : i32
        %dma_wait3A_172 = arith.constant 0 : i32
        %dma_wait3A_173 = tpu.memref_slice %arg10[%dma_wait3A_171, %dma_wait3A_172] : memref<10240x64xf32, #tpu.memory_space<vmem_shared>> -> memref<10240x64xf32, #tpu.memory_space<vmem_shared>>
        tpu.wait_indirect_dma semaphore(%run_scoped3A_161 : memref<!tpu.dma_semaphore, #tpu.memory_space<semaphore_mem>>) src(%arg9 : memref<128x64xf32, #tpu.memory_space<vmem>>) dst(%dma_wait3A_173 : memref<10240x64xf32, #tpu.memory_space<vmem_shared>>)
        tpu.yield
      }) : () -> ()
      %dma_start3A_86 = arith.constant 3 : i32
      %dma_start3A_87 = arith.constant 0 : i32
      %dma_start3A_88 = tpu.memref_slice %arg7[%dma_start3A_86, %dma_start3A_87] : memref<8x128xi32, #tpu.memory_space<vmem>> -> memref<1x128xi32, #tpu.memory_space<vmem>>
      %dma_start3A_89 = tpu.memref_squeeze %dma_start3A_88 : memref<1x128xi32, #tpu.memory_space<vmem>> -> memref<128xi32, #tpu.memory_space<vmem>>
      %dma_start3A_90 = arith.constant 0 : i32
      %dma_start3A_91 = arith.constant 0 : i32
      %dma_start3A_92 = tpu.memref_slice %arg4[%dma_start3A_90, %dma_start3A_91] : memref<10240x64xf32, #tpu.memory_space<hbm>> -> memref<10240x64xf32, #tpu.memory_space<hbm>>
      tpu.enqueue_indirect_dma source(%dma_start3A_92 : memref<10240x64xf32, #tpu.memory_space<hbm>>) target(%arg9 : memref<128x64xf32, #tpu.memory_space<vmem>>) offsets(%dma_start3A_89 : memref<128xi32, #tpu.memory_space<vmem>>) semaphore(%arg11 : memref<!tpu.dma_semaphore, #tpu.memory_space<semaphore_mem>>)
      %dma_wait3A_93 = arith.constant 3 : i32
      %dma_wait3A_94 = arith.constant 0 : i32
      %dma_wait3A_95 = tpu.memref_slice %arg7[%dma_wait3A_93, %dma_wait3A_94] : memref<8x128xi32, #tpu.memory_space<vmem>> -> memref<1x128xi32, #tpu.memory_space<vmem>>
      %dma_wait3A_96 = tpu.memref_squeeze %dma_wait3A_95 : memref<1x128xi32, #tpu.memory_space<vmem>> -> memref<128xi32, #tpu.memory_space<vmem>>
      %dma_wait3A_97 = arith.constant 0 : i32
      %dma_wait3A_98 = arith.constant 0 : i32
      %dma_wait3A_99 = tpu.memref_slice %arg4[%dma_wait3A_97, %dma_wait3A_98] : memref<10240x64xf32, #tpu.memory_space<hbm>> -> memref<10240x64xf32, #tpu.memory_space<hbm>>
      tpu.wait_indirect_dma semaphore(%arg11 : memref<!tpu.dma_semaphore, #tpu.memory_space<semaphore_mem>>) src(%dma_wait3A_99 : memref<10240x64xf32, #tpu.memory_space<hbm>>) dst(%arg9 : memref<128x64xf32, #tpu.memory_space<vmem>>)
      %run_scoped3A_100 = arith.constant 3 : i32
      "tpu.region"() ({
        %run_scoped3A_161 = tpu.sem_alloc : memref<!tpu.dma_semaphore, #tpu.memory_space<semaphore_mem>>
        %dma_start3A_162 = arith.constant 0 : i32
        %dma_start3A_163 = tpu.memref_slice %arg8[%run_scoped3A_100, %dma_start3A_162] : memref<8x128xi32, #tpu.memory_space<vmem>> -> memref<1x128xi32, #tpu.memory_space<vmem>>
        %dma_start3A_164 = tpu.memref_squeeze %dma_start3A_163 : memref<1x128xi32, #tpu.memory_space<vmem>> -> memref<128xi32, #tpu.memory_space<vmem>>
        %dma_start3A_165 = arith.constant 0 : i32
        %dma_start3A_166 = arith.constant 0 : i32
        %dma_start3A_167 = tpu.memref_slice %arg10[%dma_start3A_165, %dma_start3A_166] : memref<10240x64xf32, #tpu.memory_space<vmem_shared>> -> memref<10240x64xf32, #tpu.memory_space<vmem_shared>>
        tpu.enqueue_indirect_dma source(%arg9 : memref<128x64xf32, #tpu.memory_space<vmem>>) target(%dma_start3A_167 : memref<10240x64xf32, #tpu.memory_space<vmem_shared>>) offsets(%dma_start3A_164 : memref<128xi32, #tpu.memory_space<vmem>>) semaphore(%run_scoped3A_161 : memref<!tpu.dma_semaphore, #tpu.memory_space<semaphore_mem>>) {add = true}
        %dma_wait3A_168 = arith.constant 0 : i32
        %dma_wait3A_169 = tpu.memref_slice %arg8[%run_scoped3A_100, %dma_wait3A_168] : memref<8x128xi32, #tpu.memory_space<vmem>> -> memref<1x128xi32, #tpu.memory_space<vmem>>
        %dma_wait3A_170 = tpu.memref_squeeze %dma_wait3A_169 : memref<1x128xi32, #tpu.memory_space<vmem>> -> memref<128xi32, #tpu.memory_space<vmem>>
        %dma_wait3A_171 = arith.constant 0 : i32
        %dma_wait3A_172 = arith.constant 0 : i32
        %dma_wait3A_173 = tpu.memref_slice %arg10[%dma_wait3A_171, %dma_wait3A_172] : memref<10240x64xf32, #tpu.memory_space<vmem_shared>> -> memref<10240x64xf32, #tpu.memory_space<vmem_shared>>
        tpu.wait_indirect_dma semaphore(%run_scoped3A_161 : memref<!tpu.dma_semaphore, #tpu.memory_space<semaphore_mem>>) src(%arg9 : memref<128x64xf32, #tpu.memory_space<vmem>>) dst(%dma_wait3A_173 : memref<10240x64xf32, #tpu.memory_space<vmem_shared>>)
        tpu.yield
      }) : () -> ()
      %dma_start3A_101 = arith.constant 4 : i32
      %dma_start3A_102 = arith.constant 0 : i32
      %dma_start3A_103 = tpu.memref_slice %arg7[%dma_start3A_101, %dma_start3A_102] : memref<8x128xi32, #tpu.memory_space<vmem>> -> memref<1x128xi32, #tpu.memory_space<vmem>>
      %dma_start3A_104 = tpu.memref_squeeze %dma_start3A_103 : memref<1x128xi32, #tpu.memory_space<vmem>> -> memref<128xi32, #tpu.memory_space<vmem>>
      %dma_start3A_105 = arith.constant 0 : i32
      %dma_start3A_106 = arith.constant 0 : i32
      %dma_start3A_107 = tpu.memref_slice %arg4[%dma_start3A_105, %dma_start3A_106] : memref<10240x64xf32, #tpu.memory_space<hbm>> -> memref<10240x64xf32, #tpu.memory_space<hbm>>
      tpu.enqueue_indirect_dma source(%dma_start3A_107 : memref<10240x64xf32, #tpu.memory_space<hbm>>) target(%arg9 : memref<128x64xf32, #tpu.memory_space<vmem>>) offsets(%dma_start3A_104 : memref<128xi32, #tpu.memory_space<vmem>>) semaphore(%arg11 : memref<!tpu.dma_semaphore, #tpu.memory_space<semaphore_mem>>)
      %dma_wait3A_108 = arith.constant 4 : i32
      %dma_wait3A_109 = arith.constant 0 : i32
      %dma_wait3A_110 = tpu.memref_slice %arg7[%dma_wait3A_108, %dma_wait3A_109] : memref<8x128xi32, #tpu.memory_space<vmem>> -> memref<1x128xi32, #tpu.memory_space<vmem>>
      %dma_wait3A_111 = tpu.memref_squeeze %dma_wait3A_110 : memref<1x128xi32, #tpu.memory_space<vmem>> -> memref<128xi32, #tpu.memory_space<vmem>>
      %dma_wait3A_112 = arith.constant 0 : i32
      %dma_wait3A_113 = arith.constant 0 : i32
      %dma_wait3A_114 = tpu.memref_slice %arg4[%dma_wait3A_112, %dma_wait3A_113] : memref<10240x64xf32, #tpu.memory_space<hbm>> -> memref<10240x64xf32, #tpu.memory_space<hbm>>
      tpu.wait_indirect_dma semaphore(%arg11 : memref<!tpu.dma_semaphore, #tpu.memory_space<semaphore_mem>>) src(%dma_wait3A_114 : memref<10240x64xf32, #tpu.memory_space<hbm>>) dst(%arg9 : memref<128x64xf32, #tpu.memory_space<vmem>>)
      %run_scoped3A_115 = arith.constant 4 : i32
      "tpu.region"() ({
        %run_scoped3A_161 = tpu.sem_alloc : memref<!tpu.dma_semaphore, #tpu.memory_space<semaphore_mem>>
        %dma_start3A_162 = arith.constant 0 : i32
        %dma_start3A_163 = tpu.memref_slice %arg8[%run_scoped3A_115, %dma_start3A_162] : memref<8x128xi32, #tpu.memory_space<vmem>> -> memref<1x128xi32, #tpu.memory_space<vmem>>
        %dma_start3A_164 = tpu.memref_squeeze %dma_start3A_163 : memref<1x128xi32, #tpu.memory_space<vmem>> -> memref<128xi32, #tpu.memory_space<vmem>>
        %dma_start3A_165 = arith.constant 0 : i32
        %dma_start3A_166 = arith.constant 0 : i32
        %dma_start3A_167 = tpu.memref_slice %arg10[%dma_start3A_165, %dma_start3A_166] : memref<10240x64xf32, #tpu.memory_space<vmem_shared>> -> memref<10240x64xf32, #tpu.memory_space<vmem_shared>>
        tpu.enqueue_indirect_dma source(%arg9 : memref<128x64xf32, #tpu.memory_space<vmem>>) target(%dma_start3A_167 : memref<10240x64xf32, #tpu.memory_space<vmem_shared>>) offsets(%dma_start3A_164 : memref<128xi32, #tpu.memory_space<vmem>>) semaphore(%run_scoped3A_161 : memref<!tpu.dma_semaphore, #tpu.memory_space<semaphore_mem>>) {add = true}
        %dma_wait3A_168 = arith.constant 0 : i32
        %dma_wait3A_169 = tpu.memref_slice %arg8[%run_scoped3A_115, %dma_wait3A_168] : memref<8x128xi32, #tpu.memory_space<vmem>> -> memref<1x128xi32, #tpu.memory_space<vmem>>
        %dma_wait3A_170 = tpu.memref_squeeze %dma_wait3A_169 : memref<1x128xi32, #tpu.memory_space<vmem>> -> memref<128xi32, #tpu.memory_space<vmem>>
        %dma_wait3A_171 = arith.constant 0 : i32
        %dma_wait3A_172 = arith.constant 0 : i32
        %dma_wait3A_173 = tpu.memref_slice %arg10[%dma_wait3A_171, %dma_wait3A_172] : memref<10240x64xf32, #tpu.memory_space<vmem_shared>> -> memref<10240x64xf32, #tpu.memory_space<vmem_shared>>
        tpu.wait_indirect_dma semaphore(%run_scoped3A_161 : memref<!tpu.dma_semaphore, #tpu.memory_space<semaphore_mem>>) src(%arg9 : memref<128x64xf32, #tpu.memory_space<vmem>>) dst(%dma_wait3A_173 : memref<10240x64xf32, #tpu.memory_space<vmem_shared>>)
        tpu.yield
      }) : () -> ()
      %dma_start3A_116 = arith.constant 5 : i32
      %dma_start3A_117 = arith.constant 0 : i32
      %dma_start3A_118 = tpu.memref_slice %arg7[%dma_start3A_116, %dma_start3A_117] : memref<8x128xi32, #tpu.memory_space<vmem>> -> memref<1x128xi32, #tpu.memory_space<vmem>>
      %dma_start3A_119 = tpu.memref_squeeze %dma_start3A_118 : memref<1x128xi32, #tpu.memory_space<vmem>> -> memref<128xi32, #tpu.memory_space<vmem>>
      %dma_start3A_120 = arith.constant 0 : i32
      %dma_start3A_121 = arith.constant 0 : i32
      %dma_start3A_122 = tpu.memref_slice %arg4[%dma_start3A_120, %dma_start3A_121] : memref<10240x64xf32, #tpu.memory_space<hbm>> -> memref<10240x64xf32, #tpu.memory_space<hbm>>
      tpu.enqueue_indirect_dma source(%dma_start3A_122 : memref<10240x64xf32, #tpu.memory_space<hbm>>) target(%arg9 : memref<128x64xf32, #tpu.memory_space<vmem>>) offsets(%dma_start3A_119 : memref<128xi32, #tpu.memory_space<vmem>>) semaphore(%arg11 : memref<!tpu.dma_semaphore, #tpu.memory_space<semaphore_mem>>)
      %dma_wait3A_123 = arith.constant 5 : i32
      %dma_wait3A_124 = arith.constant 0 : i32
      %dma_wait3A_125 = tpu.memref_slice %arg7[%dma_wait3A_123, %dma_wait3A_124] : memref<8x128xi32, #tpu.memory_space<vmem>> -> memref<1x128xi32, #tpu.memory_space<vmem>>
      %dma_wait3A_126 = tpu.memref_squeeze %dma_wait3A_125 : memref<1x128xi32, #tpu.memory_space<vmem>> -> memref<128xi32, #tpu.memory_space<vmem>>
      %dma_wait3A_127 = arith.constant 0 : i32
      %dma_wait3A_128 = arith.constant 0 : i32
      %dma_wait3A_129 = tpu.memref_slice %arg4[%dma_wait3A_127, %dma_wait3A_128] : memref<10240x64xf32, #tpu.memory_space<hbm>> -> memref<10240x64xf32, #tpu.memory_space<hbm>>
      tpu.wait_indirect_dma semaphore(%arg11 : memref<!tpu.dma_semaphore, #tpu.memory_space<semaphore_mem>>) src(%dma_wait3A_129 : memref<10240x64xf32, #tpu.memory_space<hbm>>) dst(%arg9 : memref<128x64xf32, #tpu.memory_space<vmem>>)
      %run_scoped3A_130 = arith.constant 5 : i32
      "tpu.region"() ({
        %run_scoped3A_161 = tpu.sem_alloc : memref<!tpu.dma_semaphore, #tpu.memory_space<semaphore_mem>>
        %dma_start3A_162 = arith.constant 0 : i32
        %dma_start3A_163 = tpu.memref_slice %arg8[%run_scoped3A_130, %dma_start3A_162] : memref<8x128xi32, #tpu.memory_space<vmem>> -> memref<1x128xi32, #tpu.memory_space<vmem>>
        %dma_start3A_164 = tpu.memref_squeeze %dma_start3A_163 : memref<1x128xi32, #tpu.memory_space<vmem>> -> memref<128xi32, #tpu.memory_space<vmem>>
        %dma_start3A_165 = arith.constant 0 : i32
        %dma_start3A_166 = arith.constant 0 : i32
        %dma_start3A_167 = tpu.memref_slice %arg10[%dma_start3A_165, %dma_start3A_166] : memref<10240x64xf32, #tpu.memory_space<vmem_shared>> -> memref<10240x64xf32, #tpu.memory_space<vmem_shared>>
        tpu.enqueue_indirect_dma source(%arg9 : memref<128x64xf32, #tpu.memory_space<vmem>>) target(%dma_start3A_167 : memref<10240x64xf32, #tpu.memory_space<vmem_shared>>) offsets(%dma_start3A_164 : memref<128xi32, #tpu.memory_space<vmem>>) semaphore(%run_scoped3A_161 : memref<!tpu.dma_semaphore, #tpu.memory_space<semaphore_mem>>) {add = true}
        %dma_wait3A_168 = arith.constant 0 : i32
        %dma_wait3A_169 = tpu.memref_slice %arg8[%run_scoped3A_130, %dma_wait3A_168] : memref<8x128xi32, #tpu.memory_space<vmem>> -> memref<1x128xi32, #tpu.memory_space<vmem>>
        %dma_wait3A_170 = tpu.memref_squeeze %dma_wait3A_169 : memref<1x128xi32, #tpu.memory_space<vmem>> -> memref<128xi32, #tpu.memory_space<vmem>>
        %dma_wait3A_171 = arith.constant 0 : i32
        %dma_wait3A_172 = arith.constant 0 : i32
        %dma_wait3A_173 = tpu.memref_slice %arg10[%dma_wait3A_171, %dma_wait3A_172] : memref<10240x64xf32, #tpu.memory_space<vmem_shared>> -> memref<10240x64xf32, #tpu.memory_space<vmem_shared>>
        tpu.wait_indirect_dma semaphore(%run_scoped3A_161 : memref<!tpu.dma_semaphore, #tpu.memory_space<semaphore_mem>>) src(%arg9 : memref<128x64xf32, #tpu.memory_space<vmem>>) dst(%dma_wait3A_173 : memref<10240x64xf32, #tpu.memory_space<vmem_shared>>)
        tpu.yield
      }) : () -> ()
      %dma_start3A_131 = arith.constant 6 : i32
      %dma_start3A_132 = arith.constant 0 : i32
      %dma_start3A_133 = tpu.memref_slice %arg7[%dma_start3A_131, %dma_start3A_132] : memref<8x128xi32, #tpu.memory_space<vmem>> -> memref<1x128xi32, #tpu.memory_space<vmem>>
      %dma_start3A_134 = tpu.memref_squeeze %dma_start3A_133 : memref<1x128xi32, #tpu.memory_space<vmem>> -> memref<128xi32, #tpu.memory_space<vmem>>
      %dma_start3A_135 = arith.constant 0 : i32
      %dma_start3A_136 = arith.constant 0 : i32
      %dma_start3A_137 = tpu.memref_slice %arg4[%dma_start3A_135, %dma_start3A_136] : memref<10240x64xf32, #tpu.memory_space<hbm>> -> memref<10240x64xf32, #tpu.memory_space<hbm>>
      tpu.enqueue_indirect_dma source(%dma_start3A_137 : memref<10240x64xf32, #tpu.memory_space<hbm>>) target(%arg9 : memref<128x64xf32, #tpu.memory_space<vmem>>) offsets(%dma_start3A_134 : memref<128xi32, #tpu.memory_space<vmem>>) semaphore(%arg11 : memref<!tpu.dma_semaphore, #tpu.memory_space<semaphore_mem>>)
      %dma_wait3A_138 = arith.constant 6 : i32
      %dma_wait3A_139 = arith.constant 0 : i32
      %dma_wait3A_140 = tpu.memref_slice %arg7[%dma_wait3A_138, %dma_wait3A_139] : memref<8x128xi32, #tpu.memory_space<vmem>> -> memref<1x128xi32, #tpu.memory_space<vmem>>
      %dma_wait3A_141 = tpu.memref_squeeze %dma_wait3A_140 : memref<1x128xi32, #tpu.memory_space<vmem>> -> memref<128xi32, #tpu.memory_space<vmem>>
      %dma_wait3A_142 = arith.constant 0 : i32
      %dma_wait3A_143 = arith.constant 0 : i32
      %dma_wait3A_144 = tpu.memref_slice %arg4[%dma_wait3A_142, %dma_wait3A_143] : memref<10240x64xf32, #tpu.memory_space<hbm>> -> memref<10240x64xf32, #tpu.memory_space<hbm>>
      tpu.wait_indirect_dma semaphore(%arg11 : memref<!tpu.dma_semaphore, #tpu.memory_space<semaphore_mem>>) src(%dma_wait3A_144 : memref<10240x64xf32, #tpu.memory_space<hbm>>) dst(%arg9 : memref<128x64xf32, #tpu.memory_space<vmem>>)
      %run_scoped3A_145 = arith.constant 6 : i32
      "tpu.region"() ({
        %run_scoped3A_161 = tpu.sem_alloc : memref<!tpu.dma_semaphore, #tpu.memory_space<semaphore_mem>>
        %dma_start3A_162 = arith.constant 0 : i32
        %dma_start3A_163 = tpu.memref_slice %arg8[%run_scoped3A_145, %dma_start3A_162] : memref<8x128xi32, #tpu.memory_space<vmem>> -> memref<1x128xi32, #tpu.memory_space<vmem>>
        %dma_start3A_164 = tpu.memref_squeeze %dma_start3A_163 : memref<1x128xi32, #tpu.memory_space<vmem>> -> memref<128xi32, #tpu.memory_space<vmem>>
        %dma_start3A_165 = arith.constant 0 : i32
        %dma_start3A_166 = arith.constant 0 : i32
        %dma_start3A_167 = tpu.memref_slice %arg10[%dma_start3A_165, %dma_start3A_166] : memref<10240x64xf32, #tpu.memory_space<vmem_shared>> -> memref<10240x64xf32, #tpu.memory_space<vmem_shared>>
        tpu.enqueue_indirect_dma source(%arg9 : memref<128x64xf32, #tpu.memory_space<vmem>>) target(%dma_start3A_167 : memref<10240x64xf32, #tpu.memory_space<vmem_shared>>) offsets(%dma_start3A_164 : memref<128xi32, #tpu.memory_space<vmem>>) semaphore(%run_scoped3A_161 : memref<!tpu.dma_semaphore, #tpu.memory_space<semaphore_mem>>) {add = true}
        %dma_wait3A_168 = arith.constant 0 : i32
        %dma_wait3A_169 = tpu.memref_slice %arg8[%run_scoped3A_145, %dma_wait3A_168] : memref<8x128xi32, #tpu.memory_space<vmem>> -> memref<1x128xi32, #tpu.memory_space<vmem>>
        %dma_wait3A_170 = tpu.memref_squeeze %dma_wait3A_169 : memref<1x128xi32, #tpu.memory_space<vmem>> -> memref<128xi32, #tpu.memory_space<vmem>>
        %dma_wait3A_171 = arith.constant 0 : i32
        %dma_wait3A_172 = arith.constant 0 : i32
        %dma_wait3A_173 = tpu.memref_slice %arg10[%dma_wait3A_171, %dma_wait3A_172] : memref<10240x64xf32, #tpu.memory_space<vmem_shared>> -> memref<10240x64xf32, #tpu.memory_space<vmem_shared>>
        tpu.wait_indirect_dma semaphore(%run_scoped3A_161 : memref<!tpu.dma_semaphore, #tpu.memory_space<semaphore_mem>>) src(%arg9 : memref<128x64xf32, #tpu.memory_space<vmem>>) dst(%dma_wait3A_173 : memref<10240x64xf32, #tpu.memory_space<vmem_shared>>)
        tpu.yield
      }) : () -> ()
      %dma_start3A_146 = arith.constant 7 : i32
      %dma_start3A_147 = arith.constant 0 : i32
      %dma_start3A_148 = tpu.memref_slice %arg7[%dma_start3A_146, %dma_start3A_147] : memref<8x128xi32, #tpu.memory_space<vmem>> -> memref<1x128xi32, #tpu.memory_space<vmem>>
      %dma_start3A_149 = tpu.memref_squeeze %dma_start3A_148 : memref<1x128xi32, #tpu.memory_space<vmem>> -> memref<128xi32, #tpu.memory_space<vmem>>
      %dma_start3A_150 = arith.constant 0 : i32
      %dma_start3A_151 = arith.constant 0 : i32
      %dma_start3A_152 = tpu.memref_slice %arg4[%dma_start3A_150, %dma_start3A_151] : memref<10240x64xf32, #tpu.memory_space<hbm>> -> memref<10240x64xf32, #tpu.memory_space<hbm>>
      tpu.enqueue_indirect_dma source(%dma_start3A_152 : memref<10240x64xf32, #tpu.memory_space<hbm>>) target(%arg9 : memref<128x64xf32, #tpu.memory_space<vmem>>) offsets(%dma_start3A_149 : memref<128xi32, #tpu.memory_space<vmem>>) semaphore(%arg11 : memref<!tpu.dma_semaphore, #tpu.memory_space<semaphore_mem>>)
      %dma_wait3A_153 = arith.constant 7 : i32
      %dma_wait3A_154 = arith.constant 0 : i32
      %dma_wait3A_155 = tpu.memref_slice %arg7[%dma_wait3A_153, %dma_wait3A_154] : memref<8x128xi32, #tpu.memory_space<vmem>> -> memref<1x128xi32, #tpu.memory_space<vmem>>
      %dma_wait3A_156 = tpu.memref_squeeze %dma_wait3A_155 : memref<1x128xi32, #tpu.memory_space<vmem>> -> memref<128xi32, #tpu.memory_space<vmem>>
      %dma_wait3A_157 = arith.constant 0 : i32
      %dma_wait3A_158 = arith.constant 0 : i32
      %dma_wait3A_159 = tpu.memref_slice %arg4[%dma_wait3A_157, %dma_wait3A_158] : memref<10240x64xf32, #tpu.memory_space<hbm>> -> memref<10240x64xf32, #tpu.memory_space<hbm>>
      tpu.wait_indirect_dma semaphore(%arg11 : memref<!tpu.dma_semaphore, #tpu.memory_space<semaphore_mem>>) src(%dma_wait3A_159 : memref<10240x64xf32, #tpu.memory_space<hbm>>) dst(%arg9 : memref<128x64xf32, #tpu.memory_space<vmem>>)
      %run_scoped3A_160 = arith.constant 7 : i32
      "tpu.region"() ({
        %run_scoped3A_161 = tpu.sem_alloc : memref<!tpu.dma_semaphore, #tpu.memory_space<semaphore_mem>>
        %dma_start3A_162 = arith.constant 0 : i32
        %dma_start3A_163 = tpu.memref_slice %arg8[%run_scoped3A_160, %dma_start3A_162] : memref<8x128xi32, #tpu.memory_space<vmem>> -> memref<1x128xi32, #tpu.memory_space<vmem>>
        %dma_start3A_164 = tpu.memref_squeeze %dma_start3A_163 : memref<1x128xi32, #tpu.memory_space<vmem>> -> memref<128xi32, #tpu.memory_space<vmem>>
        %dma_start3A_165 = arith.constant 0 : i32
        %dma_start3A_166 = arith.constant 0 : i32
        %dma_start3A_167 = tpu.memref_slice %arg10[%dma_start3A_165, %dma_start3A_166] : memref<10240x64xf32, #tpu.memory_space<vmem_shared>> -> memref<10240x64xf32, #tpu.memory_space<vmem_shared>>
        tpu.enqueue_indirect_dma source(%arg9 : memref<128x64xf32, #tpu.memory_space<vmem>>) target(%dma_start3A_167 : memref<10240x64xf32, #tpu.memory_space<vmem_shared>>) offsets(%dma_start3A_164 : memref<128xi32, #tpu.memory_space<vmem>>) semaphore(%run_scoped3A_161 : memref<!tpu.dma_semaphore, #tpu.memory_space<semaphore_mem>>) {add = true}
        %dma_wait3A_168 = arith.constant 0 : i32
        %dma_wait3A_169 = tpu.memref_slice %arg8[%run_scoped3A_160, %dma_wait3A_168] : memref<8x128xi32, #tpu.memory_space<vmem>> -> memref<1x128xi32, #tpu.memory_space<vmem>>
        %dma_wait3A_170 = tpu.memref_squeeze %dma_wait3A_169 : memref<1x128xi32, #tpu.memory_space<vmem>> -> memref<128xi32, #tpu.memory_space<vmem>>
        %dma_wait3A_171 = arith.constant 0 : i32
        %dma_wait3A_172 = arith.constant 0 : i32
        %dma_wait3A_173 = tpu.memref_slice %arg10[%dma_wait3A_171, %dma_wait3A_172] : memref<10240x64xf32, #tpu.memory_space<vmem_shared>> -> memref<10240x64xf32, #tpu.memory_space<vmem_shared>>
        tpu.wait_indirect_dma semaphore(%run_scoped3A_161 : memref<!tpu.dma_semaphore, #tpu.memory_space<semaphore_mem>>) src(%arg9 : memref<128x64xf32, #tpu.memory_space<vmem>>) dst(%dma_wait3A_173 : memref<10240x64xf32, #tpu.memory_space<vmem_shared>>)
        tpu.yield
      }) : () -> ()
    }
    %scan3A_17 = arith.constant 10 : i32
    %barrier3A_18 = arith.constant 0 : index
    tpu.barrier barrier_id(%barrier3A_18)
    %add3A_19 = arith.constant 0 : i32
    %add3A_20 = arith.addi %mul3A_2, %add3A_19 : i32
    "tpu.region"() ({
      %run_scoped3A = tpu.sem_alloc : memref<!tpu.dma_semaphore, #tpu.memory_space<semaphore_mem>>
      %dma_start3A = arith.constant 0 : i32
      %dma_start3A_39 = tpu.memref_slice %arg10[%add3A_20, %dma_start3A] : memref<10240x64xf32, #tpu.memory_space<vmem_shared>> -> memref<128x64xf32, #tpu.memory_space<vmem_shared>>
      %dma_start3A_40 = arith.constant 0 : i32
      %dma_start3A_41 = tpu.memref_slice %arg10[%add3A_20, %dma_start3A_40] : memref<10240x64xf32, #tpu.memory_space<vmem_shared>> -> memref<128x64xf32, #tpu.memory_space<vmem_shared>>
      tpu.enqueue_dma source(%dma_start3A_41 : memref<128x64xf32, #tpu.memory_space<vmem_shared>>) target(%arg9 : memref<128x64xf32, #tpu.memory_space<vmem>>) target_semaphore(%run_scoped3A : memref<!tpu.dma_semaphore, #tpu.memory_space<semaphore_mem>>)
      %dma_wait3A = arith.constant 0 : i32
      %dma_wait3A_42 = tpu.memref_slice %arg10[%add3A_20, %dma_wait3A] : memref<10240x64xf32, #tpu.memory_space<vmem_shared>> -> memref<128x64xf32, #tpu.memory_space<vmem_shared>>
      %dma_wait3A_43 = arith.constant 0 : i32
      %dma_wait3A_44 = tpu.memref_slice %arg10[%add3A_20, %dma_wait3A_43] : memref<10240x64xf32, #tpu.memory_space<vmem_shared>> -> memref<128x64xf32, #tpu.memory_space<vmem_shared>>
      tpu.wait_dma2 semaphore(%run_scoped3A : memref<!tpu.dma_semaphore, #tpu.memory_space<semaphore_mem>>) src(%dma_wait3A_44 : memref<128x64xf32, #tpu.memory_space<vmem_shared>>) dst(%arg9 : memref<128x64xf32, #tpu.memory_space<vmem>>)
      tpu.yield
    }) : () -> ()
    %add3A_21 = arith.constant 0 : i32
    %add3A_22 = arith.addi %mul3A_2, %add3A_21 : i32
    "tpu.region"() ({
      %run_scoped3A = tpu.sem_alloc : memref<!tpu.dma_semaphore, #tpu.memory_space<semaphore_mem>>
      %dma_start3A = arith.constant 0 : i32
      %dma_start3A_39 = tpu.memref_slice %arg6[%arg0, %add3A_22, %dma_start3A] : memref<2x10240x64xf32, #tpu.memory_space<hbm>> -> memref<1x128x64xf32, #tpu.memory_space<hbm>>
      %dma_start3A_40 = tpu.memref_squeeze %dma_start3A_39 : memref<1x128x64xf32, #tpu.memory_space<hbm>> -> memref<128x64xf32, #tpu.memory_space<hbm>>
      %dma_start3A_41 = arith.constant 0 : i32
      %dma_start3A_42 = tpu.memref_slice %arg6[%arg0, %add3A_22, %dma_start3A_41] : memref<2x10240x64xf32, #tpu.memory_space<hbm>> -> memref<1x128x64xf32, #tpu.memory_space<hbm>>
      %dma_start3A_43 = tpu.memref_squeeze %dma_start3A_42 : memref<1x128x64xf32, #tpu.memory_space<hbm>> -> memref<128x64xf32, #tpu.memory_space<hbm>>
      tpu.enqueue_dma source(%arg9 : memref<128x64xf32, #tpu.memory_space<vmem>>) target(%dma_start3A_43 : memref<128x64xf32, #tpu.memory_space<hbm>>) target_semaphore(%run_scoped3A : memref<!tpu.dma_semaphore, #tpu.memory_space<semaphore_mem>>)
      %dma_wait3A = arith.constant 0 : i32
      %dma_wait3A_44 = tpu.memref_slice %arg6[%arg0, %add3A_22, %dma_wait3A] : memref<2x10240x64xf32, #tpu.memory_space<hbm>> -> memref<1x128x64xf32, #tpu.memory_space<hbm>>
      %dma_wait3A_45 = tpu.memref_squeeze %dma_wait3A_44 : memref<1x128x64xf32, #tpu.memory_space<hbm>> -> memref<128x64xf32, #tpu.memory_space<hbm>>
      %dma_wait3A_46 = arith.constant 0 : i32
      %dma_wait3A_47 = tpu.memref_slice %arg6[%arg0, %add3A_22, %dma_wait3A_46] : memref<2x10240x64xf32, #tpu.memory_space<hbm>> -> memref<1x128x64xf32, #tpu.memory_space<hbm>>
      %dma_wait3A_48 = tpu.memref_squeeze %dma_wait3A_47 : memref<1x128x64xf32, #tpu.memory_space<hbm>> -> memref<128x64xf32, #tpu.memory_space<hbm>>
      tpu.wait_dma2 semaphore(%run_scoped3A : memref<!tpu.dma_semaphore, #tpu.memory_space<semaphore_mem>>) src(%arg9 : memref<128x64xf32, #tpu.memory_space<vmem>>) dst(%dma_wait3A_48 : memref<128x64xf32, #tpu.memory_space<hbm>>)
      tpu.yield
    }) : () -> ()
    %add3A_23 = arith.constant 128 : i32
    %add3A_24 = arith.addi %mul3A_2, %add3A_23 : i32
    "tpu.region"() ({
      %run_scoped3A = tpu.sem_alloc : memref<!tpu.dma_semaphore, #tpu.memory_space<semaphore_mem>>
      %dma_start3A = arith.constant 0 : i32
      %dma_start3A_39 = tpu.memref_slice %arg10[%add3A_24, %dma_start3A] : memref<10240x64xf32, #tpu.memory_space<vmem_shared>> -> memref<128x64xf32, #tpu.memory_space<vmem_shared>>
      %dma_start3A_40 = arith.constant 0 : i32
      %dma_start3A_41 = tpu.memref_slice %arg10[%add3A_24, %dma_start3A_40] : memref<10240x64xf32, #tpu.memory_space<vmem_shared>> -> memref<128x64xf32, #tpu.memory_space<vmem_shared>>
      tpu.enqueue_dma source(%dma_start3A_41 : memref<128x64xf32, #tpu.memory_space<vmem_shared>>) target(%arg9 : memref<128x64xf32, #tpu.memory_space<vmem>>) target_semaphore(%run_scoped3A : memref<!tpu.dma_semaphore, #tpu.memory_space<semaphore_mem>>)
      %dma_wait3A = arith.constant 0 : i32
      %dma_wait3A_42 = tpu.memref_slice %arg10[%add3A_24, %dma_wait3A] : memref<10240x64xf32, #tpu.memory_space<vmem_shared>> -> memref<128x64xf32, #tpu.memory_space<vmem_shared>>
      %dma_wait3A_43 = arith.constant 0 : i32
      %dma_wait3A_44 = tpu.memref_slice %arg10[%add3A_24, %dma_wait3A_43] : memref<10240x64xf32, #tpu.memory_space<vmem_shared>> -> memref<128x64xf32, #tpu.memory_space<vmem_shared>>
      tpu.wait_dma2 semaphore(%run_scoped3A : memref<!tpu.dma_semaphore, #tpu.memory_space<semaphore_mem>>) src(%dma_wait3A_44 : memref<128x64xf32, #tpu.memory_space<vmem_shared>>) dst(%arg9 : memref<128x64xf32, #tpu.memory_space<vmem>>)
      tpu.yield
    }) : () -> ()
    %add3A_25 = arith.constant 128 : i32
    %add3A_26 = arith.addi %mul3A_2, %add3A_25 : i32
    "tpu.region"() ({
      %run_scoped3A = tpu.sem_alloc : memref<!tpu.dma_semaphore, #tpu.memory_space<semaphore_mem>>
      %dma_start3A = arith.constant 0 : i32
      %dma_start3A_39 = tpu.memref_slice %arg6[%arg0, %add3A_26, %dma_start3A] : memref<2x10240x64xf32, #tpu.memory_space<hbm>> -> memref<1x128x64xf32, #tpu.memory_space<hbm>>
      %dma_start3A_40 = tpu.memref_squeeze %dma_start3A_39 : memref<1x128x64xf32, #tpu.memory_space<hbm>> -> memref<128x64xf32, #tpu.memory_space<hbm>>
      %dma_start3A_41 = arith.constant 0 : i32
      %dma_start3A_42 = tpu.memref_slice %arg6[%arg0, %add3A_26, %dma_start3A_41] : memref<2x10240x64xf32, #tpu.memory_space<hbm>> -> memref<1x128x64xf32, #tpu.memory_space<hbm>>
      %dma_start3A_43 = tpu.memref_squeeze %dma_start3A_42 : memref<1x128x64xf32, #tpu.memory_space<hbm>> -> memref<128x64xf32, #tpu.memory_space<hbm>>
      tpu.enqueue_dma source(%arg9 : memref<128x64xf32, #tpu.memory_space<vmem>>) target(%dma_start3A_43 : memref<128x64xf32, #tpu.memory_space<hbm>>) target_semaphore(%run_scoped3A : memref<!tpu.dma_semaphore, #tpu.memory_space<semaphore_mem>>)
      %dma_wait3A = arith.constant 0 : i32
      %dma_wait3A_44 = tpu.memref_slice %arg6[%arg0, %add3A_26, %dma_wait3A] : memref<2x10240x64xf32, #tpu.memory_space<hbm>> -> memref<1x128x64xf32, #tpu.memory_space<hbm>>
      %dma_wait3A_45 = tpu.memref_squeeze %dma_wait3A_44 : memref<1x128x64xf32, #tpu.memory_space<hbm>> -> memref<128x64xf32, #tpu.memory_space<hbm>>
      %dma_wait3A_46 = arith.constant 0 : i32
      %dma_wait3A_47 = tpu.memref_slice %arg6[%arg0, %add3A_26, %dma_wait3A_46] : memref<2x10240x64xf32, #tpu.memory_space<hbm>> -> memref<1x128x64xf32, #tpu.memory_space<hbm>>
      %dma_wait3A_48 = tpu.memref_squeeze %dma_wait3A_47 : memref<1x128x64xf32, #tpu.memory_space<hbm>> -> memref<128x64xf32, #tpu.memory_space<hbm>>
      tpu.wait_dma2 semaphore(%run_scoped3A : memref<!tpu.dma_semaphore, #tpu.memory_space<semaphore_mem>>) src(%arg9 : memref<128x64xf32, #tpu.memory_space<vmem>>) dst(%dma_wait3A_48 : memref<128x64xf32, #tpu.memory_space<hbm>>)
      tpu.yield
    }) : () -> ()
    %add3A_27 = arith.constant 256 : i32
    %add3A_28 = arith.addi %mul3A_2, %add3A_27 : i32
    "tpu.region"() ({
      %run_scoped3A = tpu.sem_alloc : memref<!tpu.dma_semaphore, #tpu.memory_space<semaphore_mem>>
      %dma_start3A = arith.constant 0 : i32
      %dma_start3A_39 = tpu.memref_slice %arg10[%add3A_28, %dma_start3A] : memref<10240x64xf32, #tpu.memory_space<vmem_shared>> -> memref<128x64xf32, #tpu.memory_space<vmem_shared>>
      %dma_start3A_40 = arith.constant 0 : i32
      %dma_start3A_41 = tpu.memref_slice %arg10[%add3A_28, %dma_start3A_40] : memref<10240x64xf32, #tpu.memory_space<vmem_shared>> -> memref<128x64xf32, #tpu.memory_space<vmem_shared>>
      tpu.enqueue_dma source(%dma_start3A_41 : memref<128x64xf32, #tpu.memory_space<vmem_shared>>) target(%arg9 : memref<128x64xf32, #tpu.memory_space<vmem>>) target_semaphore(%run_scoped3A : memref<!tpu.dma_semaphore, #tpu.memory_space<semaphore_mem>>)
      %dma_wait3A = arith.constant 0 : i32
      %dma_wait3A_42 = tpu.memref_slice %arg10[%add3A_28, %dma_wait3A] : memref<10240x64xf32, #tpu.memory_space<vmem_shared>> -> memref<128x64xf32, #tpu.memory_space<vmem_shared>>
      %dma_wait3A_43 = arith.constant 0 : i32
      %dma_wait3A_44 = tpu.memref_slice %arg10[%add3A_28, %dma_wait3A_43] : memref<10240x64xf32, #tpu.memory_space<vmem_shared>> -> memref<128x64xf32, #tpu.memory_space<vmem_shared>>
      tpu.wait_dma2 semaphore(%run_scoped3A : memref<!tpu.dma_semaphore, #tpu.memory_space<semaphore_mem>>) src(%dma_wait3A_44 : memref<128x64xf32, #tpu.memory_space<vmem_shared>>) dst(%arg9 : memref<128x64xf32, #tpu.memory_space<vmem>>)
      tpu.yield
    }) : () -> ()
    %add3A_29 = arith.constant 256 : i32
    %add3A_30 = arith.addi %mul3A_2, %add3A_29 : i32
    "tpu.region"() ({
      %run_scoped3A = tpu.sem_alloc : memref<!tpu.dma_semaphore, #tpu.memory_space<semaphore_mem>>
      %dma_start3A = arith.constant 0 : i32
      %dma_start3A_39 = tpu.memref_slice %arg6[%arg0, %add3A_30, %dma_start3A] : memref<2x10240x64xf32, #tpu.memory_space<hbm>> -> memref<1x128x64xf32, #tpu.memory_space<hbm>>
      %dma_start3A_40 = tpu.memref_squeeze %dma_start3A_39 : memref<1x128x64xf32, #tpu.memory_space<hbm>> -> memref<128x64xf32, #tpu.memory_space<hbm>>
      %dma_start3A_41 = arith.constant 0 : i32
      %dma_start3A_42 = tpu.memref_slice %arg6[%arg0, %add3A_30, %dma_start3A_41] : memref<2x10240x64xf32, #tpu.memory_space<hbm>> -> memref<1x128x64xf32, #tpu.memory_space<hbm>>
      %dma_start3A_43 = tpu.memref_squeeze %dma_start3A_42 : memref<1x128x64xf32, #tpu.memory_space<hbm>> -> memref<128x64xf32, #tpu.memory_space<hbm>>
      tpu.enqueue_dma source(%arg9 : memref<128x64xf32, #tpu.memory_space<vmem>>) target(%dma_start3A_43 : memref<128x64xf32, #tpu.memory_space<hbm>>) target_semaphore(%run_scoped3A : memref<!tpu.dma_semaphore, #tpu.memory_space<semaphore_mem>>)
      %dma_wait3A = arith.constant 0 : i32
      %dma_wait3A_44 = tpu.memref_slice %arg6[%arg0, %add3A_30, %dma_wait3A] : memref<2x10240x64xf32, #tpu.memory_space<hbm>> -> memref<1x128x64xf32, #tpu.memory_space<hbm>>
      %dma_wait3A_45 = tpu.memref_squeeze %dma_wait3A_44 : memref<1x128x64xf32, #tpu.memory_space<hbm>> -> memref<128x64xf32, #tpu.memory_space<hbm>>
      %dma_wait3A_46 = arith.constant 0 : i32
      %dma_wait3A_47 = tpu.memref_slice %arg6[%arg0, %add3A_30, %dma_wait3A_46] : memref<2x10240x64xf32, #tpu.memory_space<hbm>> -> memref<1x128x64xf32, #tpu.memory_space<hbm>>
      %dma_wait3A_48 = tpu.memref_squeeze %dma_wait3A_47 : memref<1x128x64xf32, #tpu.memory_space<hbm>> -> memref<128x64xf32, #tpu.memory_space<hbm>>
      tpu.wait_dma2 semaphore(%run_scoped3A : memref<!tpu.dma_semaphore, #tpu.memory_space<semaphore_mem>>) src(%arg9 : memref<128x64xf32, #tpu.memory_space<vmem>>) dst(%dma_wait3A_48 : memref<128x64xf32, #tpu.memory_space<hbm>>)
      tpu.yield
    }) : () -> ()
    %add3A_31 = arith.constant 384 : i32
    %add3A_32 = arith.addi %mul3A_2, %add3A_31 : i32
    "tpu.region"() ({
      %run_scoped3A = tpu.sem_alloc : memref<!tpu.dma_semaphore, #tpu.memory_space<semaphore_mem>>
      %dma_start3A = arith.constant 0 : i32
      %dma_start3A_39 = tpu.memref_slice %arg10[%add3A_32, %dma_start3A] : memref<10240x64xf32, #tpu.memory_space<vmem_shared>> -> memref<128x64xf32, #tpu.memory_space<vmem_shared>>
      %dma_start3A_40 = arith.constant 0 : i32
      %dma_start3A_41 = tpu.memref_slice %arg10[%add3A_32, %dma_start3A_40] : memref<10240x64xf32, #tpu.memory_space<vmem_shared>> -> memref<128x64xf32, #tpu.memory_space<vmem_shared>>
      tpu.enqueue_dma source(%dma_start3A_41 : memref<128x64xf32, #tpu.memory_space<vmem_shared>>) target(%arg9 : memref<128x64xf32, #tpu.memory_space<vmem>>) target_semaphore(%run_scoped3A : memref<!tpu.dma_semaphore, #tpu.memory_space<semaphore_mem>>)
      %dma_wait3A = arith.constant 0 : i32
      %dma_wait3A_42 = tpu.memref_slice %arg10[%add3A_32, %dma_wait3A] : memref<10240x64xf32, #tpu.memory_space<vmem_shared>> -> memref<128x64xf32, #tpu.memory_space<vmem_shared>>
      %dma_wait3A_43 = arith.constant 0 : i32
      %dma_wait3A_44 = tpu.memref_slice %arg10[%add3A_32, %dma_wait3A_43] : memref<10240x64xf32, #tpu.memory_space<vmem_shared>> -> memref<128x64xf32, #tpu.memory_space<vmem_shared>>
      tpu.wait_dma2 semaphore(%run_scoped3A : memref<!tpu.dma_semaphore, #tpu.memory_space<semaphore_mem>>) src(%dma_wait3A_44 : memref<128x64xf32, #tpu.memory_space<vmem_shared>>) dst(%arg9 : memref<128x64xf32, #tpu.memory_space<vmem>>)
      tpu.yield
    }) : () -> ()
    %add3A_33 = arith.constant 384 : i32
    %add3A_34 = arith.addi %mul3A_2, %add3A_33 : i32
    "tpu.region"() ({
      %run_scoped3A = tpu.sem_alloc : memref<!tpu.dma_semaphore, #tpu.memory_space<semaphore_mem>>
      %dma_start3A = arith.constant 0 : i32
      %dma_start3A_39 = tpu.memref_slice %arg6[%arg0, %add3A_34, %dma_start3A] : memref<2x10240x64xf32, #tpu.memory_space<hbm>> -> memref<1x128x64xf32, #tpu.memory_space<hbm>>
      %dma_start3A_40 = tpu.memref_squeeze %dma_start3A_39 : memref<1x128x64xf32, #tpu.memory_space<hbm>> -> memref<128x64xf32, #tpu.memory_space<hbm>>
      %dma_start3A_41 = arith.constant 0 : i32
      %dma_start3A_42 = tpu.memref_slice %arg6[%arg0, %add3A_34, %dma_start3A_41] : memref<2x10240x64xf32, #tpu.memory_space<hbm>> -> memref<1x128x64xf32, #tpu.memory_space<hbm>>
      %dma_start3A_43 = tpu.memref_squeeze %dma_start3A_42 : memref<1x128x64xf32, #tpu.memory_space<hbm>> -> memref<128x64xf32, #tpu.memory_space<hbm>>
      tpu.enqueue_dma source(%arg9 : memref<128x64xf32, #tpu.memory_space<vmem>>) target(%dma_start3A_43 : memref<128x64xf32, #tpu.memory_space<hbm>>) target_semaphore(%run_scoped3A : memref<!tpu.dma_semaphore, #tpu.memory_space<semaphore_mem>>)
      %dma_wait3A = arith.constant 0 : i32
      %dma_wait3A_44 = tpu.memref_slice %arg6[%arg0, %add3A_34, %dma_wait3A] : memref<2x10240x64xf32, #tpu.memory_space<hbm>> -> memref<1x128x64xf32, #tpu.memory_space<hbm>>
      %dma_wait3A_45 = tpu.memref_squeeze %dma_wait3A_44 : memref<1x128x64xf32, #tpu.memory_space<hbm>> -> memref<128x64xf32, #tpu.memory_space<hbm>>
      %dma_wait3A_46 = arith.constant 0 : i32
      %dma_wait3A_47 = tpu.memref_slice %arg6[%arg0, %add3A_34, %dma_wait3A_46] : memref<2x10240x64xf32, #tpu.memory_space<hbm>> -> memref<1x128x64xf32, #tpu.memory_space<hbm>>
      %dma_wait3A_48 = tpu.memref_squeeze %dma_wait3A_47 : memref<1x128x64xf32, #tpu.memory_space<hbm>> -> memref<128x64xf32, #tpu.memory_space<hbm>>
      tpu.wait_dma2 semaphore(%run_scoped3A : memref<!tpu.dma_semaphore, #tpu.memory_space<semaphore_mem>>) src(%arg9 : memref<128x64xf32, #tpu.memory_space<vmem>>) dst(%dma_wait3A_48 : memref<128x64xf32, #tpu.memory_space<hbm>>)
      tpu.yield
    }) : () -> ()
    %add3A_35 = arith.constant 512 : i32
    %add3A_36 = arith.addi %mul3A_2, %add3A_35 : i32
    "tpu.region"() ({
      %run_scoped3A = tpu.sem_alloc : memref<!tpu.dma_semaphore, #tpu.memory_space<semaphore_mem>>
      %dma_start3A = arith.constant 0 : i32
      %dma_start3A_39 = tpu.memref_slice %arg10[%add3A_36, %dma_start3A] : memref<10240x64xf32, #tpu.memory_space<vmem_shared>> -> memref<128x64xf32, #tpu.memory_space<vmem_shared>>
      %dma_start3A_40 = arith.constant 0 : i32
      %dma_start3A_41 = tpu.memref_slice %arg10[%add3A_36, %dma_start3A_40] : memref<10240x64xf32, #tpu.memory_space<vmem_shared>> -> memref<128x64xf32, #tpu.memory_space<vmem_shared>>
      tpu.enqueue_dma source(%dma_start3A_41 : memref<128x64xf32, #tpu.memory_space<vmem_shared>>) target(%arg9 : memref<128x64xf32, #tpu.memory_space<vmem>>) target_semaphore(%run_scoped3A : memref<!tpu.dma_semaphore, #tpu.memory_space<semaphore_mem>>)
      %dma_wait3A = arith.constant 0 : i32
      %dma_wait3A_42 = tpu.memref_slice %arg10[%add3A_36, %dma_wait3A] : memref<10240x64xf32, #tpu.memory_space<vmem_shared>> -> memref<128x64xf32, #tpu.memory_space<vmem_shared>>
      %dma_wait3A_43 = arith.constant 0 : i32
      %dma_wait3A_44 = tpu.memref_slice %arg10[%add3A_36, %dma_wait3A_43] : memref<10240x64xf32, #tpu.memory_space<vmem_shared>> -> memref<128x64xf32, #tpu.memory_space<vmem_shared>>
      tpu.wait_dma2 semaphore(%run_scoped3A : memref<!tpu.dma_semaphore, #tpu.memory_space<semaphore_mem>>) src(%dma_wait3A_44 : memref<128x64xf32, #tpu.memory_space<vmem_shared>>) dst(%arg9 : memref<128x64xf32, #tpu.memory_space<vmem>>)
      tpu.yield
    }) : () -> ()
    %add3A_37 = arith.constant 512 : i32
    %add3A_38 = arith.addi %mul3A_2, %add3A_37 : i32
    "tpu.region"() ({
      %run_scoped3A = tpu.sem_alloc : memref<!tpu.dma_semaphore, #tpu.memory_space<semaphore_mem>>
      %dma_start3A = arith.constant 0 : i32
      %dma_start3A_39 = tpu.memref_slice %arg6[%arg0, %add3A_38, %dma_start3A] : memref<2x10240x64xf32, #tpu.memory_space<hbm>> -> memref<1x128x64xf32, #tpu.memory_space<hbm>>
      %dma_start3A_40 = tpu.memref_squeeze %dma_start3A_39 : memref<1x128x64xf32, #tpu.memory_space<hbm>> -> memref<128x64xf32, #tpu.memory_space<hbm>>
      %dma_start3A_41 = arith.constant 0 : i32
      %dma_start3A_42 = tpu.memref_slice %arg6[%arg0, %add3A_38, %dma_start3A_41] : memref<2x10240x64xf32, #tpu.memory_space<hbm>> -> memref<1x128x64xf32, #tpu.memory_space<hbm>>
      %dma_start3A_43 = tpu.memref_squeeze %dma_start3A_42 : memref<1x128x64xf32, #tpu.memory_space<hbm>> -> memref<128x64xf32, #tpu.memory_space<hbm>>
      tpu.enqueue_dma source(%arg9 : memref<128x64xf32, #tpu.memory_space<vmem>>) target(%dma_start3A_43 : memref<128x64xf32, #tpu.memory_space<hbm>>) target_semaphore(%run_scoped3A : memref<!tpu.dma_semaphore, #tpu.memory_space<semaphore_mem>>)
      %dma_wait3A = arith.constant 0 : i32
      %dma_wait3A_44 = tpu.memref_slice %arg6[%arg0, %add3A_38, %dma_wait3A] : memref<2x10240x64xf32, #tpu.memory_space<hbm>> -> memref<1x128x64xf32, #tpu.memory_space<hbm>>
      %dma_wait3A_45 = tpu.memref_squeeze %dma_wait3A_44 : memref<1x128x64xf32, #tpu.memory_space<hbm>> -> memref<128x64xf32, #tpu.memory_space<hbm>>
      %dma_wait3A_46 = arith.constant 0 : i32
      %dma_wait3A_47 = tpu.memref_slice %arg6[%arg0, %add3A_38, %dma_wait3A_46] : memref<2x10240x64xf32, #tpu.memory_space<hbm>> -> memref<1x128x64xf32, #tpu.memory_space<hbm>>
      %dma_wait3A_48 = tpu.memref_squeeze %dma_wait3A_47 : memref<1x128x64xf32, #tpu.memory_space<hbm>> -> memref<128x64xf32, #tpu.memory_space<hbm>>
      tpu.wait_dma2 semaphore(%run_scoped3A : memref<!tpu.dma_semaphore, #tpu.memory_space<semaphore_mem>>) src(%arg9 : memref<128x64xf32, #tpu.memory_space<vmem>>) dst(%dma_wait3A_48 : memref<128x64xf32, #tpu.memory_space<hbm>>)
      tpu.yield
    }) : () -> ()
    return
  }
}

#map = affine_map<(d0, d1) -> (0, 0, 0)>
#map1 = affine_map<(d0, d1) -> (0, 0)>
module attributes {stable_mosaic.version = 14 : i64} {
  func.func @_edge_pool_kernel_body(%arg0: i32, %arg1: i32, %arg2: memref<32x80x128xi32, #tpu.memory_space<hbm>>, %arg3: memref<327680x64xf32, #tpu.memory_space<hbm>>, %arg4: memref<128x64xf32, #tpu.memory_space<hbm>>, %arg5: memref<2x10240x64xf32, #tpu.memory_space<hbm>>, %arg6: memref<8x128xi32, #tpu.memory_space<vmem>>, %arg7: memref<128x64xf32, #tpu.memory_space<vmem>>, %arg8: memref<10240x64xf32, #tpu.memory_space<vmem_shared>>) attributes {dimension_semantics = [#tpu.dimension_semantics<core_parallel>, #tpu.dimension_semantics<subcore_parallel>], iteration_bounds = array<i64: 2, 16>, scalar_prefetch = 0 : i64, scratch_operands = 3 : i64, tpu.core_type = #tpu.core_type<sc_vector_subcore>, window_params = [{transform_indices = #map}, {transform_indices = #map1}, {transform_indices = #map1}, {transform_indices = #map}]} {
    %mul3A = arith.constant 2 : i32
    %mul3A_0 = arith.muli %arg1, %mul3A : i32
    %add3A = arith.addi %mul3A_0, %arg0 : i32
    %mul3A_1 = arith.constant 640 : i32
    %mul3A_2 = arith.muli %arg1, %mul3A_1 : i32
    "tpu.region"() ({
      %run_scoped3A = tpu.sem_alloc : memref<!tpu.dma_semaphore, #tpu.memory_space<semaphore_mem>>
      tpu.enqueue_dma source(%arg4 : memref<128x64xf32, #tpu.memory_space<hbm>>) target(%arg7 : memref<128x64xf32, #tpu.memory_space<vmem>>) target_semaphore(%run_scoped3A : memref<!tpu.dma_semaphore, #tpu.memory_space<semaphore_mem>>)
      tpu.wait_dma2 semaphore(%run_scoped3A : memref<!tpu.dma_semaphore, #tpu.memory_space<semaphore_mem>>) src(%arg4 : memref<128x64xf32, #tpu.memory_space<hbm>>) dst(%arg7 : memref<128x64xf32, #tpu.memory_space<vmem>>)
      tpu.yield
    }) : () -> ()
    %add3A_3 = arith.constant 0 : i32
    %add3A_4 = arith.addi %mul3A_2, %add3A_3 : i32
    "tpu.region"() ({
      %run_scoped3A = tpu.sem_alloc : memref<!tpu.dma_semaphore, #tpu.memory_space<semaphore_mem>>
      %dma_start3A = arith.constant 0 : i32
      %dma_start3A_39 = tpu.memref_slice %arg8[%add3A_4, %dma_start3A] : memref<10240x64xf32, #tpu.memory_space<vmem_shared>> -> memref<128x64xf32, #tpu.memory_space<vmem_shared>>
      %dma_start3A_40 = arith.constant 0 : i32
      %dma_start3A_41 = tpu.memref_slice %arg8[%add3A_4, %dma_start3A_40] : memref<10240x64xf32, #tpu.memory_space<vmem_shared>> -> memref<128x64xf32, #tpu.memory_space<vmem_shared>>
      tpu.enqueue_dma source(%arg7 : memref<128x64xf32, #tpu.memory_space<vmem>>) target(%dma_start3A_41 : memref<128x64xf32, #tpu.memory_space<vmem_shared>>) target_semaphore(%run_scoped3A : memref<!tpu.dma_semaphore, #tpu.memory_space<semaphore_mem>>)
      %dma_wait3A = arith.constant 0 : i32
      %dma_wait3A_42 = tpu.memref_slice %arg8[%add3A_4, %dma_wait3A] : memref<10240x64xf32, #tpu.memory_space<vmem_shared>> -> memref<128x64xf32, #tpu.memory_space<vmem_shared>>
      %dma_wait3A_43 = arith.constant 0 : i32
      %dma_wait3A_44 = tpu.memref_slice %arg8[%add3A_4, %dma_wait3A_43] : memref<10240x64xf32, #tpu.memory_space<vmem_shared>> -> memref<128x64xf32, #tpu.memory_space<vmem_shared>>
      tpu.wait_dma2 semaphore(%run_scoped3A : memref<!tpu.dma_semaphore, #tpu.memory_space<semaphore_mem>>) src(%arg7 : memref<128x64xf32, #tpu.memory_space<vmem>>) dst(%dma_wait3A_44 : memref<128x64xf32, #tpu.memory_space<vmem_shared>>)
      tpu.yield
    }) : () -> ()
    %add3A_5 = arith.constant 128 : i32
    %add3A_6 = arith.addi %mul3A_2, %add3A_5 : i32
    "tpu.region"() ({
      %run_scoped3A = tpu.sem_alloc : memref<!tpu.dma_semaphore, #tpu.memory_space<semaphore_mem>>
      %dma_start3A = arith.constant 0 : i32
      %dma_start3A_39 = tpu.memref_slice %arg8[%add3A_6, %dma_start3A] : memref<10240x64xf32, #tpu.memory_space<vmem_shared>> -> memref<128x64xf32, #tpu.memory_space<vmem_shared>>
      %dma_start3A_40 = arith.constant 0 : i32
      %dma_start3A_41 = tpu.memref_slice %arg8[%add3A_6, %dma_start3A_40] : memref<10240x64xf32, #tpu.memory_space<vmem_shared>> -> memref<128x64xf32, #tpu.memory_space<vmem_shared>>
      tpu.enqueue_dma source(%arg7 : memref<128x64xf32, #tpu.memory_space<vmem>>) target(%dma_start3A_41 : memref<128x64xf32, #tpu.memory_space<vmem_shared>>) target_semaphore(%run_scoped3A : memref<!tpu.dma_semaphore, #tpu.memory_space<semaphore_mem>>)
      %dma_wait3A = arith.constant 0 : i32
      %dma_wait3A_42 = tpu.memref_slice %arg8[%add3A_6, %dma_wait3A] : memref<10240x64xf32, #tpu.memory_space<vmem_shared>> -> memref<128x64xf32, #tpu.memory_space<vmem_shared>>
      %dma_wait3A_43 = arith.constant 0 : i32
      %dma_wait3A_44 = tpu.memref_slice %arg8[%add3A_6, %dma_wait3A_43] : memref<10240x64xf32, #tpu.memory_space<vmem_shared>> -> memref<128x64xf32, #tpu.memory_space<vmem_shared>>
      tpu.wait_dma2 semaphore(%run_scoped3A : memref<!tpu.dma_semaphore, #tpu.memory_space<semaphore_mem>>) src(%arg7 : memref<128x64xf32, #tpu.memory_space<vmem>>) dst(%dma_wait3A_44 : memref<128x64xf32, #tpu.memory_space<vmem_shared>>)
      tpu.yield
    }) : () -> ()
    %add3A_7 = arith.constant 256 : i32
    %add3A_8 = arith.addi %mul3A_2, %add3A_7 : i32
    "tpu.region"() ({
      %run_scoped3A = tpu.sem_alloc : memref<!tpu.dma_semaphore, #tpu.memory_space<semaphore_mem>>
      %dma_start3A = arith.constant 0 : i32
      %dma_start3A_39 = tpu.memref_slice %arg8[%add3A_8, %dma_start3A] : memref<10240x64xf32, #tpu.memory_space<vmem_shared>> -> memref<128x64xf32, #tpu.memory_space<vmem_shared>>
      %dma_start3A_40 = arith.constant 0 : i32
      %dma_start3A_41 = tpu.memref_slice %arg8[%add3A_8, %dma_start3A_40] : memref<10240x64xf32, #tpu.memory_space<vmem_shared>> -> memref<128x64xf32, #tpu.memory_space<vmem_shared>>
      tpu.enqueue_dma source(%arg7 : memref<128x64xf32, #tpu.memory_space<vmem>>) target(%dma_start3A_41 : memref<128x64xf32, #tpu.memory_space<vmem_shared>>) target_semaphore(%run_scoped3A : memref<!tpu.dma_semaphore, #tpu.memory_space<semaphore_mem>>)
      %dma_wait3A = arith.constant 0 : i32
      %dma_wait3A_42 = tpu.memref_slice %arg8[%add3A_8, %dma_wait3A] : memref<10240x64xf32, #tpu.memory_space<vmem_shared>> -> memref<128x64xf32, #tpu.memory_space<vmem_shared>>
      %dma_wait3A_43 = arith.constant 0 : i32
      %dma_wait3A_44 = tpu.memref_slice %arg8[%add3A_8, %dma_wait3A_43] : memref<10240x64xf32, #tpu.memory_space<vmem_shared>> -> memref<128x64xf32, #tpu.memory_space<vmem_shared>>
      tpu.wait_dma2 semaphore(%run_scoped3A : memref<!tpu.dma_semaphore, #tpu.memory_space<semaphore_mem>>) src(%arg7 : memref<128x64xf32, #tpu.memory_space<vmem>>) dst(%dma_wait3A_44 : memref<128x64xf32, #tpu.memory_space<vmem_shared>>)
      tpu.yield
    }) : () -> ()
    %add3A_9 = arith.constant 384 : i32
    %add3A_10 = arith.addi %mul3A_2, %add3A_9 : i32
    "tpu.region"() ({
      %run_scoped3A = tpu.sem_alloc : memref<!tpu.dma_semaphore, #tpu.memory_space<semaphore_mem>>
      %dma_start3A = arith.constant 0 : i32
      %dma_start3A_39 = tpu.memref_slice %arg8[%add3A_10, %dma_start3A] : memref<10240x64xf32, #tpu.memory_space<vmem_shared>> -> memref<128x64xf32, #tpu.memory_space<vmem_shared>>
      %dma_start3A_40 = arith.constant 0 : i32
      %dma_start3A_41 = tpu.memref_slice %arg8[%add3A_10, %dma_start3A_40] : memref<10240x64xf32, #tpu.memory_space<vmem_shared>> -> memref<128x64xf32, #tpu.memory_space<vmem_shared>>
      tpu.enqueue_dma source(%arg7 : memref<128x64xf32, #tpu.memory_space<vmem>>) target(%dma_start3A_41 : memref<128x64xf32, #tpu.memory_space<vmem_shared>>) target_semaphore(%run_scoped3A : memref<!tpu.dma_semaphore, #tpu.memory_space<semaphore_mem>>)
      %dma_wait3A = arith.constant 0 : i32
      %dma_wait3A_42 = tpu.memref_slice %arg8[%add3A_10, %dma_wait3A] : memref<10240x64xf32, #tpu.memory_space<vmem_shared>> -> memref<128x64xf32, #tpu.memory_space<vmem_shared>>
      %dma_wait3A_43 = arith.constant 0 : i32
      %dma_wait3A_44 = tpu.memref_slice %arg8[%add3A_10, %dma_wait3A_43] : memref<10240x64xf32, #tpu.memory_space<vmem_shared>> -> memref<128x64xf32, #tpu.memory_space<vmem_shared>>
      tpu.wait_dma2 semaphore(%run_scoped3A : memref<!tpu.dma_semaphore, #tpu.memory_space<semaphore_mem>>) src(%arg7 : memref<128x64xf32, #tpu.memory_space<vmem>>) dst(%dma_wait3A_44 : memref<128x64xf32, #tpu.memory_space<vmem_shared>>)
      tpu.yield
    }) : () -> ()
    %add3A_11 = arith.constant 512 : i32
    %add3A_12 = arith.addi %mul3A_2, %add3A_11 : i32
    "tpu.region"() ({
      %run_scoped3A = tpu.sem_alloc : memref<!tpu.dma_semaphore, #tpu.memory_space<semaphore_mem>>
      %dma_start3A = arith.constant 0 : i32
      %dma_start3A_39 = tpu.memref_slice %arg8[%add3A_12, %dma_start3A] : memref<10240x64xf32, #tpu.memory_space<vmem_shared>> -> memref<128x64xf32, #tpu.memory_space<vmem_shared>>
      %dma_start3A_40 = arith.constant 0 : i32
      %dma_start3A_41 = tpu.memref_slice %arg8[%add3A_12, %dma_start3A_40] : memref<10240x64xf32, #tpu.memory_space<vmem_shared>> -> memref<128x64xf32, #tpu.memory_space<vmem_shared>>
      tpu.enqueue_dma source(%arg7 : memref<128x64xf32, #tpu.memory_space<vmem>>) target(%dma_start3A_41 : memref<128x64xf32, #tpu.memory_space<vmem_shared>>) target_semaphore(%run_scoped3A : memref<!tpu.dma_semaphore, #tpu.memory_space<semaphore_mem>>)
      %dma_wait3A = arith.constant 0 : i32
      %dma_wait3A_42 = tpu.memref_slice %arg8[%add3A_12, %dma_wait3A] : memref<10240x64xf32, #tpu.memory_space<vmem_shared>> -> memref<128x64xf32, #tpu.memory_space<vmem_shared>>
      %dma_wait3A_43 = arith.constant 0 : i32
      %dma_wait3A_44 = tpu.memref_slice %arg8[%add3A_12, %dma_wait3A_43] : memref<10240x64xf32, #tpu.memory_space<vmem_shared>> -> memref<128x64xf32, #tpu.memory_space<vmem_shared>>
      tpu.wait_dma2 semaphore(%run_scoped3A : memref<!tpu.dma_semaphore, #tpu.memory_space<semaphore_mem>>) src(%arg7 : memref<128x64xf32, #tpu.memory_space<vmem>>) dst(%dma_wait3A_44 : memref<128x64xf32, #tpu.memory_space<vmem_shared>>)
      tpu.yield
    }) : () -> ()
    %barrier3A = arith.constant 0 : index
    tpu.barrier barrier_id(%barrier3A)
    %scan3A = arith.constant 0 : i32
    %scan3A_13 = arith.constant 0 : i32
    %scan3A_14 = arith.constant 10 : i32
    %scan3A_15 = arith.addi %scan3A_13, %scan3A_14 : i32
    %scan3A_16 = arith.constant 1 : i32
    scf.for %scan3A_39 = %scan3A_13 to %scan3A_15 step %scan3A_16  : i32 {
      %mul3A_40 = arith.constant 8 : i32
      %mul3A_41 = arith.muli %scan3A_39, %mul3A_40 : i32
      "tpu.region"() ({
        %run_scoped3A_121 = tpu.sem_alloc : memref<!tpu.dma_semaphore, #tpu.memory_space<semaphore_mem>>
        %dma_start3A = arith.constant 0 : i32
        %dma_start3A_122 = tpu.memref_slice %arg2[%add3A, %mul3A_41, %dma_start3A] : memref<32x80x128xi32, #tpu.memory_space<hbm>> -> memref<1x8x128xi32, #tpu.memory_space<hbm>>
        %dma_start3A_123 = tpu.memref_squeeze %dma_start3A_122 : memref<1x8x128xi32, #tpu.memory_space<hbm>> -> memref<8x128xi32, #tpu.memory_space<hbm>>
        %dma_start3A_124 = arith.constant 0 : i32
        %dma_start3A_125 = tpu.memref_slice %arg2[%add3A, %mul3A_41, %dma_start3A_124] : memref<32x80x128xi32, #tpu.memory_space<hbm>> -> memref<1x8x128xi32, #tpu.memory_space<hbm>>
        %dma_start3A_126 = tpu.memref_squeeze %dma_start3A_125 : memref<1x8x128xi32, #tpu.memory_space<hbm>> -> memref<8x128xi32, #tpu.memory_space<hbm>>
        tpu.enqueue_dma source(%dma_start3A_126 : memref<8x128xi32, #tpu.memory_space<hbm>>) target(%arg6 : memref<8x128xi32, #tpu.memory_space<vmem>>) target_semaphore(%run_scoped3A_121 : memref<!tpu.dma_semaphore, #tpu.memory_space<semaphore_mem>>)
        %dma_wait3A = arith.constant 0 : i32
        %dma_wait3A_127 = tpu.memref_slice %arg2[%add3A, %mul3A_41, %dma_wait3A] : memref<32x80x128xi32, #tpu.memory_space<hbm>> -> memref<1x8x128xi32, #tpu.memory_space<hbm>>
        %dma_wait3A_128 = tpu.memref_squeeze %dma_wait3A_127 : memref<1x8x128xi32, #tpu.memory_space<hbm>> -> memref<8x128xi32, #tpu.memory_space<hbm>>
        %dma_wait3A_129 = arith.constant 0 : i32
        %dma_wait3A_130 = tpu.memref_slice %arg2[%add3A, %mul3A_41, %dma_wait3A_129] : memref<32x80x128xi32, #tpu.memory_space<hbm>> -> memref<1x8x128xi32, #tpu.memory_space<hbm>>
        %dma_wait3A_131 = tpu.memref_squeeze %dma_wait3A_130 : memref<1x8x128xi32, #tpu.memory_space<hbm>> -> memref<8x128xi32, #tpu.memory_space<hbm>>
        tpu.wait_dma2 semaphore(%run_scoped3A_121 : memref<!tpu.dma_semaphore, #tpu.memory_space<semaphore_mem>>) src(%dma_wait3A_131 : memref<8x128xi32, #tpu.memory_space<hbm>>) dst(%arg6 : memref<8x128xi32, #tpu.memory_space<vmem>>)
        tpu.yield
      }) : () -> ()
      %mul3A_42 = arith.constant 80 : i32
      %mul3A_43 = arith.muli %add3A, %mul3A_42 : i32
      %mul3A_44 = arith.constant 8 : i32
      %mul3A_45 = arith.muli %scan3A_39, %mul3A_44 : i32
      %add3A_46 = arith.addi %mul3A_43, %mul3A_45 : i32
      %add3A_47 = arith.constant 0 : i32
      %add3A_48 = arith.addi %add3A_46, %add3A_47 : i32
      %mul3A_49 = arith.constant 128 : i32
      %mul3A_50 = arith.muli %add3A_48, %mul3A_49 : i32
      "tpu.region"() ({
        %run_scoped3A_121 = tpu.sem_alloc : memref<!tpu.dma_semaphore, #tpu.memory_space<semaphore_mem>>
        %dma_start3A = arith.constant 0 : i32
        %dma_start3A_122 = tpu.memref_slice %arg3[%mul3A_50, %dma_start3A] : memref<327680x64xf32, #tpu.memory_space<hbm>> -> memref<128x64xf32, #tpu.memory_space<hbm>>
        %dma_start3A_123 = arith.constant 0 : i32
        %dma_start3A_124 = tpu.memref_slice %arg3[%mul3A_50, %dma_start3A_123] : memref<327680x64xf32, #tpu.memory_space<hbm>> -> memref<128x64xf32, #tpu.memory_space<hbm>>
        tpu.enqueue_dma source(%dma_start3A_124 : memref<128x64xf32, #tpu.memory_space<hbm>>) target(%arg7 : memref<128x64xf32, #tpu.memory_space<vmem>>) target_semaphore(%run_scoped3A_121 : memref<!tpu.dma_semaphore, #tpu.memory_space<semaphore_mem>>)
        %dma_wait3A = arith.constant 0 : i32
        %dma_wait3A_125 = tpu.memref_slice %arg3[%mul3A_50, %dma_wait3A] : memref<327680x64xf32, #tpu.memory_space<hbm>> -> memref<128x64xf32, #tpu.memory_space<hbm>>
        %dma_wait3A_126 = arith.constant 0 : i32
        %dma_wait3A_127 = tpu.memref_slice %arg3[%mul3A_50, %dma_wait3A_126] : memref<327680x64xf32, #tpu.memory_space<hbm>> -> memref<128x64xf32, #tpu.memory_space<hbm>>
        tpu.wait_dma2 semaphore(%run_scoped3A_121 : memref<!tpu.dma_semaphore, #tpu.memory_space<semaphore_mem>>) src(%dma_wait3A_127 : memref<128x64xf32, #tpu.memory_space<hbm>>) dst(%arg7 : memref<128x64xf32, #tpu.memory_space<vmem>>)
        tpu.yield
      }) : () -> ()
      %run_scoped3A = arith.constant 0 : i32
      "tpu.region"() ({
        %run_scoped3A_121 = tpu.sem_alloc : memref<!tpu.dma_semaphore, #tpu.memory_space<semaphore_mem>>
        %dma_start3A = arith.constant 0 : i32
        %dma_start3A_122 = tpu.memref_slice %arg6[%run_scoped3A, %dma_start3A] : memref<8x128xi32, #tpu.memory_space<vmem>> -> memref<1x128xi32, #tpu.memory_space<vmem>>
        %dma_start3A_123 = tpu.memref_squeeze %dma_start3A_122 : memref<1x128xi32, #tpu.memory_space<vmem>> -> memref<128xi32, #tpu.memory_space<vmem>>
        %dma_start3A_124 = arith.constant 0 : i32
        %dma_start3A_125 = arith.constant 0 : i32
        %dma_start3A_126 = tpu.memref_slice %arg8[%dma_start3A_124, %dma_start3A_125] : memref<10240x64xf32, #tpu.memory_space<vmem_shared>> -> memref<10240x64xf32, #tpu.memory_space<vmem_shared>>
        tpu.enqueue_indirect_dma source(%arg7 : memref<128x64xf32, #tpu.memory_space<vmem>>) target(%dma_start3A_126 : memref<10240x64xf32, #tpu.memory_space<vmem_shared>>) offsets(%dma_start3A_123 : memref<128xi32, #tpu.memory_space<vmem>>) semaphore(%run_scoped3A_121 : memref<!tpu.dma_semaphore, #tpu.memory_space<semaphore_mem>>) {add = true}
        %dma_wait3A = arith.constant 0 : i32
        %dma_wait3A_127 = tpu.memref_slice %arg6[%run_scoped3A, %dma_wait3A] : memref<8x128xi32, #tpu.memory_space<vmem>> -> memref<1x128xi32, #tpu.memory_space<vmem>>
        %dma_wait3A_128 = tpu.memref_squeeze %dma_wait3A_127 : memref<1x128xi32, #tpu.memory_space<vmem>> -> memref<128xi32, #tpu.memory_space<vmem>>
        %dma_wait3A_129 = arith.constant 0 : i32
        %dma_wait3A_130 = arith.constant 0 : i32
        %dma_wait3A_131 = tpu.memref_slice %arg8[%dma_wait3A_129, %dma_wait3A_130] : memref<10240x64xf32, #tpu.memory_space<vmem_shared>> -> memref<10240x64xf32, #tpu.memory_space<vmem_shared>>
        tpu.wait_indirect_dma semaphore(%run_scoped3A_121 : memref<!tpu.dma_semaphore, #tpu.memory_space<semaphore_mem>>) src(%arg7 : memref<128x64xf32, #tpu.memory_space<vmem>>) dst(%dma_wait3A_131 : memref<10240x64xf32, #tpu.memory_space<vmem_shared>>)
        tpu.yield
      }) : () -> ()
      %mul3A_51 = arith.constant 80 : i32
      %mul3A_52 = arith.muli %add3A, %mul3A_51 : i32
      %mul3A_53 = arith.constant 8 : i32
      %mul3A_54 = arith.muli %scan3A_39, %mul3A_53 : i32
      %add3A_55 = arith.addi %mul3A_52, %mul3A_54 : i32
      %add3A_56 = arith.constant 1 : i32
      %add3A_57 = arith.addi %add3A_55, %add3A_56 : i32
      %mul3A_58 = arith.constant 128 : i32
      %mul3A_59 = arith.muli %add3A_57, %mul3A_58 : i32
      "tpu.region"() ({
        %run_scoped3A_121 = tpu.sem_alloc : memref<!tpu.dma_semaphore, #tpu.memory_space<semaphore_mem>>
        %dma_start3A = arith.constant 0 : i32
        %dma_start3A_122 = tpu.memref_slice %arg3[%mul3A_59, %dma_start3A] : memref<327680x64xf32, #tpu.memory_space<hbm>> -> memref<128x64xf32, #tpu.memory_space<hbm>>
        %dma_start3A_123 = arith.constant 0 : i32
        %dma_start3A_124 = tpu.memref_slice %arg3[%mul3A_59, %dma_start3A_123] : memref<327680x64xf32, #tpu.memory_space<hbm>> -> memref<128x64xf32, #tpu.memory_space<hbm>>
        tpu.enqueue_dma source(%dma_start3A_124 : memref<128x64xf32, #tpu.memory_space<hbm>>) target(%arg7 : memref<128x64xf32, #tpu.memory_space<vmem>>) target_semaphore(%run_scoped3A_121 : memref<!tpu.dma_semaphore, #tpu.memory_space<semaphore_mem>>)
        %dma_wait3A = arith.constant 0 : i32
        %dma_wait3A_125 = tpu.memref_slice %arg3[%mul3A_59, %dma_wait3A] : memref<327680x64xf32, #tpu.memory_space<hbm>> -> memref<128x64xf32, #tpu.memory_space<hbm>>
        %dma_wait3A_126 = arith.constant 0 : i32
        %dma_wait3A_127 = tpu.memref_slice %arg3[%mul3A_59, %dma_wait3A_126] : memref<327680x64xf32, #tpu.memory_space<hbm>> -> memref<128x64xf32, #tpu.memory_space<hbm>>
        tpu.wait_dma2 semaphore(%run_scoped3A_121 : memref<!tpu.dma_semaphore, #tpu.memory_space<semaphore_mem>>) src(%dma_wait3A_127 : memref<128x64xf32, #tpu.memory_space<hbm>>) dst(%arg7 : memref<128x64xf32, #tpu.memory_space<vmem>>)
        tpu.yield
      }) : () -> ()
      %run_scoped3A_60 = arith.constant 1 : i32
      "tpu.region"() ({
        %run_scoped3A_121 = tpu.sem_alloc : memref<!tpu.dma_semaphore, #tpu.memory_space<semaphore_mem>>
        %dma_start3A = arith.constant 0 : i32
        %dma_start3A_122 = tpu.memref_slice %arg6[%run_scoped3A_60, %dma_start3A] : memref<8x128xi32, #tpu.memory_space<vmem>> -> memref<1x128xi32, #tpu.memory_space<vmem>>
        %dma_start3A_123 = tpu.memref_squeeze %dma_start3A_122 : memref<1x128xi32, #tpu.memory_space<vmem>> -> memref<128xi32, #tpu.memory_space<vmem>>
        %dma_start3A_124 = arith.constant 0 : i32
        %dma_start3A_125 = arith.constant 0 : i32
        %dma_start3A_126 = tpu.memref_slice %arg8[%dma_start3A_124, %dma_start3A_125] : memref<10240x64xf32, #tpu.memory_space<vmem_shared>> -> memref<10240x64xf32, #tpu.memory_space<vmem_shared>>
        tpu.enqueue_indirect_dma source(%arg7 : memref<128x64xf32, #tpu.memory_space<vmem>>) target(%dma_start3A_126 : memref<10240x64xf32, #tpu.memory_space<vmem_shared>>) offsets(%dma_start3A_123 : memref<128xi32, #tpu.memory_space<vmem>>) semaphore(%run_scoped3A_121 : memref<!tpu.dma_semaphore, #tpu.memory_space<semaphore_mem>>) {add = true}
        %dma_wait3A = arith.constant 0 : i32
        %dma_wait3A_127 = tpu.memref_slice %arg6[%run_scoped3A_60, %dma_wait3A] : memref<8x128xi32, #tpu.memory_space<vmem>> -> memref<1x128xi32, #tpu.memory_space<vmem>>
        %dma_wait3A_128 = tpu.memref_squeeze %dma_wait3A_127 : memref<1x128xi32, #tpu.memory_space<vmem>> -> memref<128xi32, #tpu.memory_space<vmem>>
        %dma_wait3A_129 = arith.constant 0 : i32
        %dma_wait3A_130 = arith.constant 0 : i32
        %dma_wait3A_131 = tpu.memref_slice %arg8[%dma_wait3A_129, %dma_wait3A_130] : memref<10240x64xf32, #tpu.memory_space<vmem_shared>> -> memref<10240x64xf32, #tpu.memory_space<vmem_shared>>
        tpu.wait_indirect_dma semaphore(%run_scoped3A_121 : memref<!tpu.dma_semaphore, #tpu.memory_space<semaphore_mem>>) src(%arg7 : memref<128x64xf32, #tpu.memory_space<vmem>>) dst(%dma_wait3A_131 : memref<10240x64xf32, #tpu.memory_space<vmem_shared>>)
        tpu.yield
      }) : () -> ()
      %mul3A_61 = arith.constant 80 : i32
      %mul3A_62 = arith.muli %add3A, %mul3A_61 : i32
      %mul3A_63 = arith.constant 8 : i32
      %mul3A_64 = arith.muli %scan3A_39, %mul3A_63 : i32
      %add3A_65 = arith.addi %mul3A_62, %mul3A_64 : i32
      %add3A_66 = arith.constant 2 : i32
      %add3A_67 = arith.addi %add3A_65, %add3A_66 : i32
      %mul3A_68 = arith.constant 128 : i32
      %mul3A_69 = arith.muli %add3A_67, %mul3A_68 : i32
      "tpu.region"() ({
        %run_scoped3A_121 = tpu.sem_alloc : memref<!tpu.dma_semaphore, #tpu.memory_space<semaphore_mem>>
        %dma_start3A = arith.constant 0 : i32
        %dma_start3A_122 = tpu.memref_slice %arg3[%mul3A_69, %dma_start3A] : memref<327680x64xf32, #tpu.memory_space<hbm>> -> memref<128x64xf32, #tpu.memory_space<hbm>>
        %dma_start3A_123 = arith.constant 0 : i32
        %dma_start3A_124 = tpu.memref_slice %arg3[%mul3A_69, %dma_start3A_123] : memref<327680x64xf32, #tpu.memory_space<hbm>> -> memref<128x64xf32, #tpu.memory_space<hbm>>
        tpu.enqueue_dma source(%dma_start3A_124 : memref<128x64xf32, #tpu.memory_space<hbm>>) target(%arg7 : memref<128x64xf32, #tpu.memory_space<vmem>>) target_semaphore(%run_scoped3A_121 : memref<!tpu.dma_semaphore, #tpu.memory_space<semaphore_mem>>)
        %dma_wait3A = arith.constant 0 : i32
        %dma_wait3A_125 = tpu.memref_slice %arg3[%mul3A_69, %dma_wait3A] : memref<327680x64xf32, #tpu.memory_space<hbm>> -> memref<128x64xf32, #tpu.memory_space<hbm>>
        %dma_wait3A_126 = arith.constant 0 : i32
        %dma_wait3A_127 = tpu.memref_slice %arg3[%mul3A_69, %dma_wait3A_126] : memref<327680x64xf32, #tpu.memory_space<hbm>> -> memref<128x64xf32, #tpu.memory_space<hbm>>
        tpu.wait_dma2 semaphore(%run_scoped3A_121 : memref<!tpu.dma_semaphore, #tpu.memory_space<semaphore_mem>>) src(%dma_wait3A_127 : memref<128x64xf32, #tpu.memory_space<hbm>>) dst(%arg7 : memref<128x64xf32, #tpu.memory_space<vmem>>)
        tpu.yield
      }) : () -> ()
      %run_scoped3A_70 = arith.constant 2 : i32
      "tpu.region"() ({
        %run_scoped3A_121 = tpu.sem_alloc : memref<!tpu.dma_semaphore, #tpu.memory_space<semaphore_mem>>
        %dma_start3A = arith.constant 0 : i32
        %dma_start3A_122 = tpu.memref_slice %arg6[%run_scoped3A_70, %dma_start3A] : memref<8x128xi32, #tpu.memory_space<vmem>> -> memref<1x128xi32, #tpu.memory_space<vmem>>
        %dma_start3A_123 = tpu.memref_squeeze %dma_start3A_122 : memref<1x128xi32, #tpu.memory_space<vmem>> -> memref<128xi32, #tpu.memory_space<vmem>>
        %dma_start3A_124 = arith.constant 0 : i32
        %dma_start3A_125 = arith.constant 0 : i32
        %dma_start3A_126 = tpu.memref_slice %arg8[%dma_start3A_124, %dma_start3A_125] : memref<10240x64xf32, #tpu.memory_space<vmem_shared>> -> memref<10240x64xf32, #tpu.memory_space<vmem_shared>>
        tpu.enqueue_indirect_dma source(%arg7 : memref<128x64xf32, #tpu.memory_space<vmem>>) target(%dma_start3A_126 : memref<10240x64xf32, #tpu.memory_space<vmem_shared>>) offsets(%dma_start3A_123 : memref<128xi32, #tpu.memory_space<vmem>>) semaphore(%run_scoped3A_121 : memref<!tpu.dma_semaphore, #tpu.memory_space<semaphore_mem>>) {add = true}
        %dma_wait3A = arith.constant 0 : i32
        %dma_wait3A_127 = tpu.memref_slice %arg6[%run_scoped3A_70, %dma_wait3A] : memref<8x128xi32, #tpu.memory_space<vmem>> -> memref<1x128xi32, #tpu.memory_space<vmem>>
        %dma_wait3A_128 = tpu.memref_squeeze %dma_wait3A_127 : memref<1x128xi32, #tpu.memory_space<vmem>> -> memref<128xi32, #tpu.memory_space<vmem>>
        %dma_wait3A_129 = arith.constant 0 : i32
        %dma_wait3A_130 = arith.constant 0 : i32
        %dma_wait3A_131 = tpu.memref_slice %arg8[%dma_wait3A_129, %dma_wait3A_130] : memref<10240x64xf32, #tpu.memory_space<vmem_shared>> -> memref<10240x64xf32, #tpu.memory_space<vmem_shared>>
        tpu.wait_indirect_dma semaphore(%run_scoped3A_121 : memref<!tpu.dma_semaphore, #tpu.memory_space<semaphore_mem>>) src(%arg7 : memref<128x64xf32, #tpu.memory_space<vmem>>) dst(%dma_wait3A_131 : memref<10240x64xf32, #tpu.memory_space<vmem_shared>>)
        tpu.yield
      }) : () -> ()
      %mul3A_71 = arith.constant 80 : i32
      %mul3A_72 = arith.muli %add3A, %mul3A_71 : i32
      %mul3A_73 = arith.constant 8 : i32
      %mul3A_74 = arith.muli %scan3A_39, %mul3A_73 : i32
      %add3A_75 = arith.addi %mul3A_72, %mul3A_74 : i32
      %add3A_76 = arith.constant 3 : i32
      %add3A_77 = arith.addi %add3A_75, %add3A_76 : i32
      %mul3A_78 = arith.constant 128 : i32
      %mul3A_79 = arith.muli %add3A_77, %mul3A_78 : i32
      "tpu.region"() ({
        %run_scoped3A_121 = tpu.sem_alloc : memref<!tpu.dma_semaphore, #tpu.memory_space<semaphore_mem>>
        %dma_start3A = arith.constant 0 : i32
        %dma_start3A_122 = tpu.memref_slice %arg3[%mul3A_79, %dma_start3A] : memref<327680x64xf32, #tpu.memory_space<hbm>> -> memref<128x64xf32, #tpu.memory_space<hbm>>
        %dma_start3A_123 = arith.constant 0 : i32
        %dma_start3A_124 = tpu.memref_slice %arg3[%mul3A_79, %dma_start3A_123] : memref<327680x64xf32, #tpu.memory_space<hbm>> -> memref<128x64xf32, #tpu.memory_space<hbm>>
        tpu.enqueue_dma source(%dma_start3A_124 : memref<128x64xf32, #tpu.memory_space<hbm>>) target(%arg7 : memref<128x64xf32, #tpu.memory_space<vmem>>) target_semaphore(%run_scoped3A_121 : memref<!tpu.dma_semaphore, #tpu.memory_space<semaphore_mem>>)
        %dma_wait3A = arith.constant 0 : i32
        %dma_wait3A_125 = tpu.memref_slice %arg3[%mul3A_79, %dma_wait3A] : memref<327680x64xf32, #tpu.memory_space<hbm>> -> memref<128x64xf32, #tpu.memory_space<hbm>>
        %dma_wait3A_126 = arith.constant 0 : i32
        %dma_wait3A_127 = tpu.memref_slice %arg3[%mul3A_79, %dma_wait3A_126] : memref<327680x64xf32, #tpu.memory_space<hbm>> -> memref<128x64xf32, #tpu.memory_space<hbm>>
        tpu.wait_dma2 semaphore(%run_scoped3A_121 : memref<!tpu.dma_semaphore, #tpu.memory_space<semaphore_mem>>) src(%dma_wait3A_127 : memref<128x64xf32, #tpu.memory_space<hbm>>) dst(%arg7 : memref<128x64xf32, #tpu.memory_space<vmem>>)
        tpu.yield
      }) : () -> ()
      %run_scoped3A_80 = arith.constant 3 : i32
      "tpu.region"() ({
        %run_scoped3A_121 = tpu.sem_alloc : memref<!tpu.dma_semaphore, #tpu.memory_space<semaphore_mem>>
        %dma_start3A = arith.constant 0 : i32
        %dma_start3A_122 = tpu.memref_slice %arg6[%run_scoped3A_80, %dma_start3A] : memref<8x128xi32, #tpu.memory_space<vmem>> -> memref<1x128xi32, #tpu.memory_space<vmem>>
        %dma_start3A_123 = tpu.memref_squeeze %dma_start3A_122 : memref<1x128xi32, #tpu.memory_space<vmem>> -> memref<128xi32, #tpu.memory_space<vmem>>
        %dma_start3A_124 = arith.constant 0 : i32
        %dma_start3A_125 = arith.constant 0 : i32
        %dma_start3A_126 = tpu.memref_slice %arg8[%dma_start3A_124, %dma_start3A_125] : memref<10240x64xf32, #tpu.memory_space<vmem_shared>> -> memref<10240x64xf32, #tpu.memory_space<vmem_shared>>
        tpu.enqueue_indirect_dma source(%arg7 : memref<128x64xf32, #tpu.memory_space<vmem>>) target(%dma_start3A_126 : memref<10240x64xf32, #tpu.memory_space<vmem_shared>>) offsets(%dma_start3A_123 : memref<128xi32, #tpu.memory_space<vmem>>) semaphore(%run_scoped3A_121 : memref<!tpu.dma_semaphore, #tpu.memory_space<semaphore_mem>>) {add = true}
        %dma_wait3A = arith.constant 0 : i32
        %dma_wait3A_127 = tpu.memref_slice %arg6[%run_scoped3A_80, %dma_wait3A] : memref<8x128xi32, #tpu.memory_space<vmem>> -> memref<1x128xi32, #tpu.memory_space<vmem>>
        %dma_wait3A_128 = tpu.memref_squeeze %dma_wait3A_127 : memref<1x128xi32, #tpu.memory_space<vmem>> -> memref<128xi32, #tpu.memory_space<vmem>>
        %dma_wait3A_129 = arith.constant 0 : i32
        %dma_wait3A_130 = arith.constant 0 : i32
        %dma_wait3A_131 = tpu.memref_slice %arg8[%dma_wait3A_129, %dma_wait3A_130] : memref<10240x64xf32, #tpu.memory_space<vmem_shared>> -> memref<10240x64xf32, #tpu.memory_space<vmem_shared>>
        tpu.wait_indirect_dma semaphore(%run_scoped3A_121 : memref<!tpu.dma_semaphore, #tpu.memory_space<semaphore_mem>>) src(%arg7 : memref<128x64xf32, #tpu.memory_space<vmem>>) dst(%dma_wait3A_131 : memref<10240x64xf32, #tpu.memory_space<vmem_shared>>)
        tpu.yield
      }) : () -> ()
      %mul3A_81 = arith.constant 80 : i32
      %mul3A_82 = arith.muli %add3A, %mul3A_81 : i32
      %mul3A_83 = arith.constant 8 : i32
      %mul3A_84 = arith.muli %scan3A_39, %mul3A_83 : i32
      %add3A_85 = arith.addi %mul3A_82, %mul3A_84 : i32
      %add3A_86 = arith.constant 4 : i32
      %add3A_87 = arith.addi %add3A_85, %add3A_86 : i32
      %mul3A_88 = arith.constant 128 : i32
      %mul3A_89 = arith.muli %add3A_87, %mul3A_88 : i32
      "tpu.region"() ({
        %run_scoped3A_121 = tpu.sem_alloc : memref<!tpu.dma_semaphore, #tpu.memory_space<semaphore_mem>>
        %dma_start3A = arith.constant 0 : i32
        %dma_start3A_122 = tpu.memref_slice %arg3[%mul3A_89, %dma_start3A] : memref<327680x64xf32, #tpu.memory_space<hbm>> -> memref<128x64xf32, #tpu.memory_space<hbm>>
        %dma_start3A_123 = arith.constant 0 : i32
        %dma_start3A_124 = tpu.memref_slice %arg3[%mul3A_89, %dma_start3A_123] : memref<327680x64xf32, #tpu.memory_space<hbm>> -> memref<128x64xf32, #tpu.memory_space<hbm>>
        tpu.enqueue_dma source(%dma_start3A_124 : memref<128x64xf32, #tpu.memory_space<hbm>>) target(%arg7 : memref<128x64xf32, #tpu.memory_space<vmem>>) target_semaphore(%run_scoped3A_121 : memref<!tpu.dma_semaphore, #tpu.memory_space<semaphore_mem>>)
        %dma_wait3A = arith.constant 0 : i32
        %dma_wait3A_125 = tpu.memref_slice %arg3[%mul3A_89, %dma_wait3A] : memref<327680x64xf32, #tpu.memory_space<hbm>> -> memref<128x64xf32, #tpu.memory_space<hbm>>
        %dma_wait3A_126 = arith.constant 0 : i32
        %dma_wait3A_127 = tpu.memref_slice %arg3[%mul3A_89, %dma_wait3A_126] : memref<327680x64xf32, #tpu.memory_space<hbm>> -> memref<128x64xf32, #tpu.memory_space<hbm>>
        tpu.wait_dma2 semaphore(%run_scoped3A_121 : memref<!tpu.dma_semaphore, #tpu.memory_space<semaphore_mem>>) src(%dma_wait3A_127 : memref<128x64xf32, #tpu.memory_space<hbm>>) dst(%arg7 : memref<128x64xf32, #tpu.memory_space<vmem>>)
        tpu.yield
      }) : () -> ()
      %run_scoped3A_90 = arith.constant 4 : i32
      "tpu.region"() ({
        %run_scoped3A_121 = tpu.sem_alloc : memref<!tpu.dma_semaphore, #tpu.memory_space<semaphore_mem>>
        %dma_start3A = arith.constant 0 : i32
        %dma_start3A_122 = tpu.memref_slice %arg6[%run_scoped3A_90, %dma_start3A] : memref<8x128xi32, #tpu.memory_space<vmem>> -> memref<1x128xi32, #tpu.memory_space<vmem>>
        %dma_start3A_123 = tpu.memref_squeeze %dma_start3A_122 : memref<1x128xi32, #tpu.memory_space<vmem>> -> memref<128xi32, #tpu.memory_space<vmem>>
        %dma_start3A_124 = arith.constant 0 : i32
        %dma_start3A_125 = arith.constant 0 : i32
        %dma_start3A_126 = tpu.memref_slice %arg8[%dma_start3A_124, %dma_start3A_125] : memref<10240x64xf32, #tpu.memory_space<vmem_shared>> -> memref<10240x64xf32, #tpu.memory_space<vmem_shared>>
        tpu.enqueue_indirect_dma source(%arg7 : memref<128x64xf32, #tpu.memory_space<vmem>>) target(%dma_start3A_126 : memref<10240x64xf32, #tpu.memory_space<vmem_shared>>) offsets(%dma_start3A_123 : memref<128xi32, #tpu.memory_space<vmem>>) semaphore(%run_scoped3A_121 : memref<!tpu.dma_semaphore, #tpu.memory_space<semaphore_mem>>) {add = true}
        %dma_wait3A = arith.constant 0 : i32
        %dma_wait3A_127 = tpu.memref_slice %arg6[%run_scoped3A_90, %dma_wait3A] : memref<8x128xi32, #tpu.memory_space<vmem>> -> memref<1x128xi32, #tpu.memory_space<vmem>>
        %dma_wait3A_128 = tpu.memref_squeeze %dma_wait3A_127 : memref<1x128xi32, #tpu.memory_space<vmem>> -> memref<128xi32, #tpu.memory_space<vmem>>
        %dma_wait3A_129 = arith.constant 0 : i32
        %dma_wait3A_130 = arith.constant 0 : i32
        %dma_wait3A_131 = tpu.memref_slice %arg8[%dma_wait3A_129, %dma_wait3A_130] : memref<10240x64xf32, #tpu.memory_space<vmem_shared>> -> memref<10240x64xf32, #tpu.memory_space<vmem_shared>>
        tpu.wait_indirect_dma semaphore(%run_scoped3A_121 : memref<!tpu.dma_semaphore, #tpu.memory_space<semaphore_mem>>) src(%arg7 : memref<128x64xf32, #tpu.memory_space<vmem>>) dst(%dma_wait3A_131 : memref<10240x64xf32, #tpu.memory_space<vmem_shared>>)
        tpu.yield
      }) : () -> ()
      %mul3A_91 = arith.constant 80 : i32
      %mul3A_92 = arith.muli %add3A, %mul3A_91 : i32
      %mul3A_93 = arith.constant 8 : i32
      %mul3A_94 = arith.muli %scan3A_39, %mul3A_93 : i32
      %add3A_95 = arith.addi %mul3A_92, %mul3A_94 : i32
      %add3A_96 = arith.constant 5 : i32
      %add3A_97 = arith.addi %add3A_95, %add3A_96 : i32
      %mul3A_98 = arith.constant 128 : i32
      %mul3A_99 = arith.muli %add3A_97, %mul3A_98 : i32
      "tpu.region"() ({
        %run_scoped3A_121 = tpu.sem_alloc : memref<!tpu.dma_semaphore, #tpu.memory_space<semaphore_mem>>
        %dma_start3A = arith.constant 0 : i32
        %dma_start3A_122 = tpu.memref_slice %arg3[%mul3A_99, %dma_start3A] : memref<327680x64xf32, #tpu.memory_space<hbm>> -> memref<128x64xf32, #tpu.memory_space<hbm>>
        %dma_start3A_123 = arith.constant 0 : i32
        %dma_start3A_124 = tpu.memref_slice %arg3[%mul3A_99, %dma_start3A_123] : memref<327680x64xf32, #tpu.memory_space<hbm>> -> memref<128x64xf32, #tpu.memory_space<hbm>>
        tpu.enqueue_dma source(%dma_start3A_124 : memref<128x64xf32, #tpu.memory_space<hbm>>) target(%arg7 : memref<128x64xf32, #tpu.memory_space<vmem>>) target_semaphore(%run_scoped3A_121 : memref<!tpu.dma_semaphore, #tpu.memory_space<semaphore_mem>>)
        %dma_wait3A = arith.constant 0 : i32
        %dma_wait3A_125 = tpu.memref_slice %arg3[%mul3A_99, %dma_wait3A] : memref<327680x64xf32, #tpu.memory_space<hbm>> -> memref<128x64xf32, #tpu.memory_space<hbm>>
        %dma_wait3A_126 = arith.constant 0 : i32
        %dma_wait3A_127 = tpu.memref_slice %arg3[%mul3A_99, %dma_wait3A_126] : memref<327680x64xf32, #tpu.memory_space<hbm>> -> memref<128x64xf32, #tpu.memory_space<hbm>>
        tpu.wait_dma2 semaphore(%run_scoped3A_121 : memref<!tpu.dma_semaphore, #tpu.memory_space<semaphore_mem>>) src(%dma_wait3A_127 : memref<128x64xf32, #tpu.memory_space<hbm>>) dst(%arg7 : memref<128x64xf32, #tpu.memory_space<vmem>>)
        tpu.yield
      }) : () -> ()
      %run_scoped3A_100 = arith.constant 5 : i32
      "tpu.region"() ({
        %run_scoped3A_121 = tpu.sem_alloc : memref<!tpu.dma_semaphore, #tpu.memory_space<semaphore_mem>>
        %dma_start3A = arith.constant 0 : i32
        %dma_start3A_122 = tpu.memref_slice %arg6[%run_scoped3A_100, %dma_start3A] : memref<8x128xi32, #tpu.memory_space<vmem>> -> memref<1x128xi32, #tpu.memory_space<vmem>>
        %dma_start3A_123 = tpu.memref_squeeze %dma_start3A_122 : memref<1x128xi32, #tpu.memory_space<vmem>> -> memref<128xi32, #tpu.memory_space<vmem>>
        %dma_start3A_124 = arith.constant 0 : i32
        %dma_start3A_125 = arith.constant 0 : i32
        %dma_start3A_126 = tpu.memref_slice %arg8[%dma_start3A_124, %dma_start3A_125] : memref<10240x64xf32, #tpu.memory_space<vmem_shared>> -> memref<10240x64xf32, #tpu.memory_space<vmem_shared>>
        tpu.enqueue_indirect_dma source(%arg7 : memref<128x64xf32, #tpu.memory_space<vmem>>) target(%dma_start3A_126 : memref<10240x64xf32, #tpu.memory_space<vmem_shared>>) offsets(%dma_start3A_123 : memref<128xi32, #tpu.memory_space<vmem>>) semaphore(%run_scoped3A_121 : memref<!tpu.dma_semaphore, #tpu.memory_space<semaphore_mem>>) {add = true}
        %dma_wait3A = arith.constant 0 : i32
        %dma_wait3A_127 = tpu.memref_slice %arg6[%run_scoped3A_100, %dma_wait3A] : memref<8x128xi32, #tpu.memory_space<vmem>> -> memref<1x128xi32, #tpu.memory_space<vmem>>
        %dma_wait3A_128 = tpu.memref_squeeze %dma_wait3A_127 : memref<1x128xi32, #tpu.memory_space<vmem>> -> memref<128xi32, #tpu.memory_space<vmem>>
        %dma_wait3A_129 = arith.constant 0 : i32
        %dma_wait3A_130 = arith.constant 0 : i32
        %dma_wait3A_131 = tpu.memref_slice %arg8[%dma_wait3A_129, %dma_wait3A_130] : memref<10240x64xf32, #tpu.memory_space<vmem_shared>> -> memref<10240x64xf32, #tpu.memory_space<vmem_shared>>
        tpu.wait_indirect_dma semaphore(%run_scoped3A_121 : memref<!tpu.dma_semaphore, #tpu.memory_space<semaphore_mem>>) src(%arg7 : memref<128x64xf32, #tpu.memory_space<vmem>>) dst(%dma_wait3A_131 : memref<10240x64xf32, #tpu.memory_space<vmem_shared>>)
        tpu.yield
      }) : () -> ()
      %mul3A_101 = arith.constant 80 : i32
      %mul3A_102 = arith.muli %add3A, %mul3A_101 : i32
      %mul3A_103 = arith.constant 8 : i32
      %mul3A_104 = arith.muli %scan3A_39, %mul3A_103 : i32
      %add3A_105 = arith.addi %mul3A_102, %mul3A_104 : i32
      %add3A_106 = arith.constant 6 : i32
      %add3A_107 = arith.addi %add3A_105, %add3A_106 : i32
      %mul3A_108 = arith.constant 128 : i32
      %mul3A_109 = arith.muli %add3A_107, %mul3A_108 : i32
      "tpu.region"() ({
        %run_scoped3A_121 = tpu.sem_alloc : memref<!tpu.dma_semaphore, #tpu.memory_space<semaphore_mem>>
        %dma_start3A = arith.constant 0 : i32
        %dma_start3A_122 = tpu.memref_slice %arg3[%mul3A_109, %dma_start3A] : memref<327680x64xf32, #tpu.memory_space<hbm>> -> memref<128x64xf32, #tpu.memory_space<hbm>>
        %dma_start3A_123 = arith.constant 0 : i32
        %dma_start3A_124 = tpu.memref_slice %arg3[%mul3A_109, %dma_start3A_123] : memref<327680x64xf32, #tpu.memory_space<hbm>> -> memref<128x64xf32, #tpu.memory_space<hbm>>
        tpu.enqueue_dma source(%dma_start3A_124 : memref<128x64xf32, #tpu.memory_space<hbm>>) target(%arg7 : memref<128x64xf32, #tpu.memory_space<vmem>>) target_semaphore(%run_scoped3A_121 : memref<!tpu.dma_semaphore, #tpu.memory_space<semaphore_mem>>)
        %dma_wait3A = arith.constant 0 : i32
        %dma_wait3A_125 = tpu.memref_slice %arg3[%mul3A_109, %dma_wait3A] : memref<327680x64xf32, #tpu.memory_space<hbm>> -> memref<128x64xf32, #tpu.memory_space<hbm>>
        %dma_wait3A_126 = arith.constant 0 : i32
        %dma_wait3A_127 = tpu.memref_slice %arg3[%mul3A_109, %dma_wait3A_126] : memref<327680x64xf32, #tpu.memory_space<hbm>> -> memref<128x64xf32, #tpu.memory_space<hbm>>
        tpu.wait_dma2 semaphore(%run_scoped3A_121 : memref<!tpu.dma_semaphore, #tpu.memory_space<semaphore_mem>>) src(%dma_wait3A_127 : memref<128x64xf32, #tpu.memory_space<hbm>>) dst(%arg7 : memref<128x64xf32, #tpu.memory_space<vmem>>)
        tpu.yield
      }) : () -> ()
      %run_scoped3A_110 = arith.constant 6 : i32
      "tpu.region"() ({
        %run_scoped3A_121 = tpu.sem_alloc : memref<!tpu.dma_semaphore, #tpu.memory_space<semaphore_mem>>
        %dma_start3A = arith.constant 0 : i32
        %dma_start3A_122 = tpu.memref_slice %arg6[%run_scoped3A_110, %dma_start3A] : memref<8x128xi32, #tpu.memory_space<vmem>> -> memref<1x128xi32, #tpu.memory_space<vmem>>
        %dma_start3A_123 = tpu.memref_squeeze %dma_start3A_122 : memref<1x128xi32, #tpu.memory_space<vmem>> -> memref<128xi32, #tpu.memory_space<vmem>>
        %dma_start3A_124 = arith.constant 0 : i32
        %dma_start3A_125 = arith.constant 0 : i32
        %dma_start3A_126 = tpu.memref_slice %arg8[%dma_start3A_124, %dma_start3A_125] : memref<10240x64xf32, #tpu.memory_space<vmem_shared>> -> memref<10240x64xf32, #tpu.memory_space<vmem_shared>>
        tpu.enqueue_indirect_dma source(%arg7 : memref<128x64xf32, #tpu.memory_space<vmem>>) target(%dma_start3A_126 : memref<10240x64xf32, #tpu.memory_space<vmem_shared>>) offsets(%dma_start3A_123 : memref<128xi32, #tpu.memory_space<vmem>>) semaphore(%run_scoped3A_121 : memref<!tpu.dma_semaphore, #tpu.memory_space<semaphore_mem>>) {add = true}
        %dma_wait3A = arith.constant 0 : i32
        %dma_wait3A_127 = tpu.memref_slice %arg6[%run_scoped3A_110, %dma_wait3A] : memref<8x128xi32, #tpu.memory_space<vmem>> -> memref<1x128xi32, #tpu.memory_space<vmem>>
        %dma_wait3A_128 = tpu.memref_squeeze %dma_wait3A_127 : memref<1x128xi32, #tpu.memory_space<vmem>> -> memref<128xi32, #tpu.memory_space<vmem>>
        %dma_wait3A_129 = arith.constant 0 : i32
        %dma_wait3A_130 = arith.constant 0 : i32
        %dma_wait3A_131 = tpu.memref_slice %arg8[%dma_wait3A_129, %dma_wait3A_130] : memref<10240x64xf32, #tpu.memory_space<vmem_shared>> -> memref<10240x64xf32, #tpu.memory_space<vmem_shared>>
        tpu.wait_indirect_dma semaphore(%run_scoped3A_121 : memref<!tpu.dma_semaphore, #tpu.memory_space<semaphore_mem>>) src(%arg7 : memref<128x64xf32, #tpu.memory_space<vmem>>) dst(%dma_wait3A_131 : memref<10240x64xf32, #tpu.memory_space<vmem_shared>>)
        tpu.yield
      }) : () -> ()
      %mul3A_111 = arith.constant 80 : i32
      %mul3A_112 = arith.muli %add3A, %mul3A_111 : i32
      %mul3A_113 = arith.constant 8 : i32
      %mul3A_114 = arith.muli %scan3A_39, %mul3A_113 : i32
      %add3A_115 = arith.addi %mul3A_112, %mul3A_114 : i32
      %add3A_116 = arith.constant 7 : i32
      %add3A_117 = arith.addi %add3A_115, %add3A_116 : i32
      %mul3A_118 = arith.constant 128 : i32
      %mul3A_119 = arith.muli %add3A_117, %mul3A_118 : i32
      "tpu.region"() ({
        %run_scoped3A_121 = tpu.sem_alloc : memref<!tpu.dma_semaphore, #tpu.memory_space<semaphore_mem>>
        %dma_start3A = arith.constant 0 : i32
        %dma_start3A_122 = tpu.memref_slice %arg3[%mul3A_119, %dma_start3A] : memref<327680x64xf32, #tpu.memory_space<hbm>> -> memref<128x64xf32, #tpu.memory_space<hbm>>
        %dma_start3A_123 = arith.constant 0 : i32
        %dma_start3A_124 = tpu.memref_slice %arg3[%mul3A_119, %dma_start3A_123] : memref<327680x64xf32, #tpu.memory_space<hbm>> -> memref<128x64xf32, #tpu.memory_space<hbm>>
        tpu.enqueue_dma source(%dma_start3A_124 : memref<128x64xf32, #tpu.memory_space<hbm>>) target(%arg7 : memref<128x64xf32, #tpu.memory_space<vmem>>) target_semaphore(%run_scoped3A_121 : memref<!tpu.dma_semaphore, #tpu.memory_space<semaphore_mem>>)
        %dma_wait3A = arith.constant 0 : i32
        %dma_wait3A_125 = tpu.memref_slice %arg3[%mul3A_119, %dma_wait3A] : memref<327680x64xf32, #tpu.memory_space<hbm>> -> memref<128x64xf32, #tpu.memory_space<hbm>>
        %dma_wait3A_126 = arith.constant 0 : i32
        %dma_wait3A_127 = tpu.memref_slice %arg3[%mul3A_119, %dma_wait3A_126] : memref<327680x64xf32, #tpu.memory_space<hbm>> -> memref<128x64xf32, #tpu.memory_space<hbm>>
        tpu.wait_dma2 semaphore(%run_scoped3A_121 : memref<!tpu.dma_semaphore, #tpu.memory_space<semaphore_mem>>) src(%dma_wait3A_127 : memref<128x64xf32, #tpu.memory_space<hbm>>) dst(%arg7 : memref<128x64xf32, #tpu.memory_space<vmem>>)
        tpu.yield
      }) : () -> ()
      %run_scoped3A_120 = arith.constant 7 : i32
      "tpu.region"() ({
        %run_scoped3A_121 = tpu.sem_alloc : memref<!tpu.dma_semaphore, #tpu.memory_space<semaphore_mem>>
        %dma_start3A = arith.constant 0 : i32
        %dma_start3A_122 = tpu.memref_slice %arg6[%run_scoped3A_120, %dma_start3A] : memref<8x128xi32, #tpu.memory_space<vmem>> -> memref<1x128xi32, #tpu.memory_space<vmem>>
        %dma_start3A_123 = tpu.memref_squeeze %dma_start3A_122 : memref<1x128xi32, #tpu.memory_space<vmem>> -> memref<128xi32, #tpu.memory_space<vmem>>
        %dma_start3A_124 = arith.constant 0 : i32
        %dma_start3A_125 = arith.constant 0 : i32
        %dma_start3A_126 = tpu.memref_slice %arg8[%dma_start3A_124, %dma_start3A_125] : memref<10240x64xf32, #tpu.memory_space<vmem_shared>> -> memref<10240x64xf32, #tpu.memory_space<vmem_shared>>
        tpu.enqueue_indirect_dma source(%arg7 : memref<128x64xf32, #tpu.memory_space<vmem>>) target(%dma_start3A_126 : memref<10240x64xf32, #tpu.memory_space<vmem_shared>>) offsets(%dma_start3A_123 : memref<128xi32, #tpu.memory_space<vmem>>) semaphore(%run_scoped3A_121 : memref<!tpu.dma_semaphore, #tpu.memory_space<semaphore_mem>>) {add = true}
        %dma_wait3A = arith.constant 0 : i32
        %dma_wait3A_127 = tpu.memref_slice %arg6[%run_scoped3A_120, %dma_wait3A] : memref<8x128xi32, #tpu.memory_space<vmem>> -> memref<1x128xi32, #tpu.memory_space<vmem>>
        %dma_wait3A_128 = tpu.memref_squeeze %dma_wait3A_127 : memref<1x128xi32, #tpu.memory_space<vmem>> -> memref<128xi32, #tpu.memory_space<vmem>>
        %dma_wait3A_129 = arith.constant 0 : i32
        %dma_wait3A_130 = arith.constant 0 : i32
        %dma_wait3A_131 = tpu.memref_slice %arg8[%dma_wait3A_129, %dma_wait3A_130] : memref<10240x64xf32, #tpu.memory_space<vmem_shared>> -> memref<10240x64xf32, #tpu.memory_space<vmem_shared>>
        tpu.wait_indirect_dma semaphore(%run_scoped3A_121 : memref<!tpu.dma_semaphore, #tpu.memory_space<semaphore_mem>>) src(%arg7 : memref<128x64xf32, #tpu.memory_space<vmem>>) dst(%dma_wait3A_131 : memref<10240x64xf32, #tpu.memory_space<vmem_shared>>)
        tpu.yield
      }) : () -> ()
    }
    %scan3A_17 = arith.constant 10 : i32
    %barrier3A_18 = arith.constant 0 : index
    tpu.barrier barrier_id(%barrier3A_18)
    %add3A_19 = arith.constant 0 : i32
    %add3A_20 = arith.addi %mul3A_2, %add3A_19 : i32
    "tpu.region"() ({
      %run_scoped3A = tpu.sem_alloc : memref<!tpu.dma_semaphore, #tpu.memory_space<semaphore_mem>>
      %dma_start3A = arith.constant 0 : i32
      %dma_start3A_39 = tpu.memref_slice %arg8[%add3A_20, %dma_start3A] : memref<10240x64xf32, #tpu.memory_space<vmem_shared>> -> memref<128x64xf32, #tpu.memory_space<vmem_shared>>
      %dma_start3A_40 = arith.constant 0 : i32
      %dma_start3A_41 = tpu.memref_slice %arg8[%add3A_20, %dma_start3A_40] : memref<10240x64xf32, #tpu.memory_space<vmem_shared>> -> memref<128x64xf32, #tpu.memory_space<vmem_shared>>
      tpu.enqueue_dma source(%dma_start3A_41 : memref<128x64xf32, #tpu.memory_space<vmem_shared>>) target(%arg7 : memref<128x64xf32, #tpu.memory_space<vmem>>) target_semaphore(%run_scoped3A : memref<!tpu.dma_semaphore, #tpu.memory_space<semaphore_mem>>)
      %dma_wait3A = arith.constant 0 : i32
      %dma_wait3A_42 = tpu.memref_slice %arg8[%add3A_20, %dma_wait3A] : memref<10240x64xf32, #tpu.memory_space<vmem_shared>> -> memref<128x64xf32, #tpu.memory_space<vmem_shared>>
      %dma_wait3A_43 = arith.constant 0 : i32
      %dma_wait3A_44 = tpu.memref_slice %arg8[%add3A_20, %dma_wait3A_43] : memref<10240x64xf32, #tpu.memory_space<vmem_shared>> -> memref<128x64xf32, #tpu.memory_space<vmem_shared>>
      tpu.wait_dma2 semaphore(%run_scoped3A : memref<!tpu.dma_semaphore, #tpu.memory_space<semaphore_mem>>) src(%dma_wait3A_44 : memref<128x64xf32, #tpu.memory_space<vmem_shared>>) dst(%arg7 : memref<128x64xf32, #tpu.memory_space<vmem>>)
      tpu.yield
    }) : () -> ()
    %add3A_21 = arith.constant 0 : i32
    %add3A_22 = arith.addi %mul3A_2, %add3A_21 : i32
    "tpu.region"() ({
      %run_scoped3A = tpu.sem_alloc : memref<!tpu.dma_semaphore, #tpu.memory_space<semaphore_mem>>
      %dma_start3A = arith.constant 0 : i32
      %dma_start3A_39 = tpu.memref_slice %arg5[%arg0, %add3A_22, %dma_start3A] : memref<2x10240x64xf32, #tpu.memory_space<hbm>> -> memref<1x128x64xf32, #tpu.memory_space<hbm>>
      %dma_start3A_40 = tpu.memref_squeeze %dma_start3A_39 : memref<1x128x64xf32, #tpu.memory_space<hbm>> -> memref<128x64xf32, #tpu.memory_space<hbm>>
      %dma_start3A_41 = arith.constant 0 : i32
      %dma_start3A_42 = tpu.memref_slice %arg5[%arg0, %add3A_22, %dma_start3A_41] : memref<2x10240x64xf32, #tpu.memory_space<hbm>> -> memref<1x128x64xf32, #tpu.memory_space<hbm>>
      %dma_start3A_43 = tpu.memref_squeeze %dma_start3A_42 : memref<1x128x64xf32, #tpu.memory_space<hbm>> -> memref<128x64xf32, #tpu.memory_space<hbm>>
      tpu.enqueue_dma source(%arg7 : memref<128x64xf32, #tpu.memory_space<vmem>>) target(%dma_start3A_43 : memref<128x64xf32, #tpu.memory_space<hbm>>) target_semaphore(%run_scoped3A : memref<!tpu.dma_semaphore, #tpu.memory_space<semaphore_mem>>)
      %dma_wait3A = arith.constant 0 : i32
      %dma_wait3A_44 = tpu.memref_slice %arg5[%arg0, %add3A_22, %dma_wait3A] : memref<2x10240x64xf32, #tpu.memory_space<hbm>> -> memref<1x128x64xf32, #tpu.memory_space<hbm>>
      %dma_wait3A_45 = tpu.memref_squeeze %dma_wait3A_44 : memref<1x128x64xf32, #tpu.memory_space<hbm>> -> memref<128x64xf32, #tpu.memory_space<hbm>>
      %dma_wait3A_46 = arith.constant 0 : i32
      %dma_wait3A_47 = tpu.memref_slice %arg5[%arg0, %add3A_22, %dma_wait3A_46] : memref<2x10240x64xf32, #tpu.memory_space<hbm>> -> memref<1x128x64xf32, #tpu.memory_space<hbm>>
      %dma_wait3A_48 = tpu.memref_squeeze %dma_wait3A_47 : memref<1x128x64xf32, #tpu.memory_space<hbm>> -> memref<128x64xf32, #tpu.memory_space<hbm>>
      tpu.wait_dma2 semaphore(%run_scoped3A : memref<!tpu.dma_semaphore, #tpu.memory_space<semaphore_mem>>) src(%arg7 : memref<128x64xf32, #tpu.memory_space<vmem>>) dst(%dma_wait3A_48 : memref<128x64xf32, #tpu.memory_space<hbm>>)
      tpu.yield
    }) : () -> ()
    %add3A_23 = arith.constant 128 : i32
    %add3A_24 = arith.addi %mul3A_2, %add3A_23 : i32
    "tpu.region"() ({
      %run_scoped3A = tpu.sem_alloc : memref<!tpu.dma_semaphore, #tpu.memory_space<semaphore_mem>>
      %dma_start3A = arith.constant 0 : i32
      %dma_start3A_39 = tpu.memref_slice %arg8[%add3A_24, %dma_start3A] : memref<10240x64xf32, #tpu.memory_space<vmem_shared>> -> memref<128x64xf32, #tpu.memory_space<vmem_shared>>
      %dma_start3A_40 = arith.constant 0 : i32
      %dma_start3A_41 = tpu.memref_slice %arg8[%add3A_24, %dma_start3A_40] : memref<10240x64xf32, #tpu.memory_space<vmem_shared>> -> memref<128x64xf32, #tpu.memory_space<vmem_shared>>
      tpu.enqueue_dma source(%dma_start3A_41 : memref<128x64xf32, #tpu.memory_space<vmem_shared>>) target(%arg7 : memref<128x64xf32, #tpu.memory_space<vmem>>) target_semaphore(%run_scoped3A : memref<!tpu.dma_semaphore, #tpu.memory_space<semaphore_mem>>)
      %dma_wait3A = arith.constant 0 : i32
      %dma_wait3A_42 = tpu.memref_slice %arg8[%add3A_24, %dma_wait3A] : memref<10240x64xf32, #tpu.memory_space<vmem_shared>> -> memref<128x64xf32, #tpu.memory_space<vmem_shared>>
      %dma_wait3A_43 = arith.constant 0 : i32
      %dma_wait3A_44 = tpu.memref_slice %arg8[%add3A_24, %dma_wait3A_43] : memref<10240x64xf32, #tpu.memory_space<vmem_shared>> -> memref<128x64xf32, #tpu.memory_space<vmem_shared>>
      tpu.wait_dma2 semaphore(%run_scoped3A : memref<!tpu.dma_semaphore, #tpu.memory_space<semaphore_mem>>) src(%dma_wait3A_44 : memref<128x64xf32, #tpu.memory_space<vmem_shared>>) dst(%arg7 : memref<128x64xf32, #tpu.memory_space<vmem>>)
      tpu.yield
    }) : () -> ()
    %add3A_25 = arith.constant 128 : i32
    %add3A_26 = arith.addi %mul3A_2, %add3A_25 : i32
    "tpu.region"() ({
      %run_scoped3A = tpu.sem_alloc : memref<!tpu.dma_semaphore, #tpu.memory_space<semaphore_mem>>
      %dma_start3A = arith.constant 0 : i32
      %dma_start3A_39 = tpu.memref_slice %arg5[%arg0, %add3A_26, %dma_start3A] : memref<2x10240x64xf32, #tpu.memory_space<hbm>> -> memref<1x128x64xf32, #tpu.memory_space<hbm>>
      %dma_start3A_40 = tpu.memref_squeeze %dma_start3A_39 : memref<1x128x64xf32, #tpu.memory_space<hbm>> -> memref<128x64xf32, #tpu.memory_space<hbm>>
      %dma_start3A_41 = arith.constant 0 : i32
      %dma_start3A_42 = tpu.memref_slice %arg5[%arg0, %add3A_26, %dma_start3A_41] : memref<2x10240x64xf32, #tpu.memory_space<hbm>> -> memref<1x128x64xf32, #tpu.memory_space<hbm>>
      %dma_start3A_43 = tpu.memref_squeeze %dma_start3A_42 : memref<1x128x64xf32, #tpu.memory_space<hbm>> -> memref<128x64xf32, #tpu.memory_space<hbm>>
      tpu.enqueue_dma source(%arg7 : memref<128x64xf32, #tpu.memory_space<vmem>>) target(%dma_start3A_43 : memref<128x64xf32, #tpu.memory_space<hbm>>) target_semaphore(%run_scoped3A : memref<!tpu.dma_semaphore, #tpu.memory_space<semaphore_mem>>)
      %dma_wait3A = arith.constant 0 : i32
      %dma_wait3A_44 = tpu.memref_slice %arg5[%arg0, %add3A_26, %dma_wait3A] : memref<2x10240x64xf32, #tpu.memory_space<hbm>> -> memref<1x128x64xf32, #tpu.memory_space<hbm>>
      %dma_wait3A_45 = tpu.memref_squeeze %dma_wait3A_44 : memref<1x128x64xf32, #tpu.memory_space<hbm>> -> memref<128x64xf32, #tpu.memory_space<hbm>>
      %dma_wait3A_46 = arith.constant 0 : i32
      %dma_wait3A_47 = tpu.memref_slice %arg5[%arg0, %add3A_26, %dma_wait3A_46] : memref<2x10240x64xf32, #tpu.memory_space<hbm>> -> memref<1x128x64xf32, #tpu.memory_space<hbm>>
      %dma_wait3A_48 = tpu.memref_squeeze %dma_wait3A_47 : memref<1x128x64xf32, #tpu.memory_space<hbm>> -> memref<128x64xf32, #tpu.memory_space<hbm>>
      tpu.wait_dma2 semaphore(%run_scoped3A : memref<!tpu.dma_semaphore, #tpu.memory_space<semaphore_mem>>) src(%arg7 : memref<128x64xf32, #tpu.memory_space<vmem>>) dst(%dma_wait3A_48 : memref<128x64xf32, #tpu.memory_space<hbm>>)
      tpu.yield
    }) : () -> ()
    %add3A_27 = arith.constant 256 : i32
    %add3A_28 = arith.addi %mul3A_2, %add3A_27 : i32
    "tpu.region"() ({
      %run_scoped3A = tpu.sem_alloc : memref<!tpu.dma_semaphore, #tpu.memory_space<semaphore_mem>>
      %dma_start3A = arith.constant 0 : i32
      %dma_start3A_39 = tpu.memref_slice %arg8[%add3A_28, %dma_start3A] : memref<10240x64xf32, #tpu.memory_space<vmem_shared>> -> memref<128x64xf32, #tpu.memory_space<vmem_shared>>
      %dma_start3A_40 = arith.constant 0 : i32
      %dma_start3A_41 = tpu.memref_slice %arg8[%add3A_28, %dma_start3A_40] : memref<10240x64xf32, #tpu.memory_space<vmem_shared>> -> memref<128x64xf32, #tpu.memory_space<vmem_shared>>
      tpu.enqueue_dma source(%dma_start3A_41 : memref<128x64xf32, #tpu.memory_space<vmem_shared>>) target(%arg7 : memref<128x64xf32, #tpu.memory_space<vmem>>) target_semaphore(%run_scoped3A : memref<!tpu.dma_semaphore, #tpu.memory_space<semaphore_mem>>)
      %dma_wait3A = arith.constant 0 : i32
      %dma_wait3A_42 = tpu.memref_slice %arg8[%add3A_28, %dma_wait3A] : memref<10240x64xf32, #tpu.memory_space<vmem_shared>> -> memref<128x64xf32, #tpu.memory_space<vmem_shared>>
      %dma_wait3A_43 = arith.constant 0 : i32
      %dma_wait3A_44 = tpu.memref_slice %arg8[%add3A_28, %dma_wait3A_43] : memref<10240x64xf32, #tpu.memory_space<vmem_shared>> -> memref<128x64xf32, #tpu.memory_space<vmem_shared>>
      tpu.wait_dma2 semaphore(%run_scoped3A : memref<!tpu.dma_semaphore, #tpu.memory_space<semaphore_mem>>) src(%dma_wait3A_44 : memref<128x64xf32, #tpu.memory_space<vmem_shared>>) dst(%arg7 : memref<128x64xf32, #tpu.memory_space<vmem>>)
      tpu.yield
    }) : () -> ()
    %add3A_29 = arith.constant 256 : i32
    %add3A_30 = arith.addi %mul3A_2, %add3A_29 : i32
    "tpu.region"() ({
      %run_scoped3A = tpu.sem_alloc : memref<!tpu.dma_semaphore, #tpu.memory_space<semaphore_mem>>
      %dma_start3A = arith.constant 0 : i32
      %dma_start3A_39 = tpu.memref_slice %arg5[%arg0, %add3A_30, %dma_start3A] : memref<2x10240x64xf32, #tpu.memory_space<hbm>> -> memref<1x128x64xf32, #tpu.memory_space<hbm>>
      %dma_start3A_40 = tpu.memref_squeeze %dma_start3A_39 : memref<1x128x64xf32, #tpu.memory_space<hbm>> -> memref<128x64xf32, #tpu.memory_space<hbm>>
      %dma_start3A_41 = arith.constant 0 : i32
      %dma_start3A_42 = tpu.memref_slice %arg5[%arg0, %add3A_30, %dma_start3A_41] : memref<2x10240x64xf32, #tpu.memory_space<hbm>> -> memref<1x128x64xf32, #tpu.memory_space<hbm>>
      %dma_start3A_43 = tpu.memref_squeeze %dma_start3A_42 : memref<1x128x64xf32, #tpu.memory_space<hbm>> -> memref<128x64xf32, #tpu.memory_space<hbm>>
      tpu.enqueue_dma source(%arg7 : memref<128x64xf32, #tpu.memory_space<vmem>>) target(%dma_start3A_43 : memref<128x64xf32, #tpu.memory_space<hbm>>) target_semaphore(%run_scoped3A : memref<!tpu.dma_semaphore, #tpu.memory_space<semaphore_mem>>)
      %dma_wait3A = arith.constant 0 : i32
      %dma_wait3A_44 = tpu.memref_slice %arg5[%arg0, %add3A_30, %dma_wait3A] : memref<2x10240x64xf32, #tpu.memory_space<hbm>> -> memref<1x128x64xf32, #tpu.memory_space<hbm>>
      %dma_wait3A_45 = tpu.memref_squeeze %dma_wait3A_44 : memref<1x128x64xf32, #tpu.memory_space<hbm>> -> memref<128x64xf32, #tpu.memory_space<hbm>>
      %dma_wait3A_46 = arith.constant 0 : i32
      %dma_wait3A_47 = tpu.memref_slice %arg5[%arg0, %add3A_30, %dma_wait3A_46] : memref<2x10240x64xf32, #tpu.memory_space<hbm>> -> memref<1x128x64xf32, #tpu.memory_space<hbm>>
      %dma_wait3A_48 = tpu.memref_squeeze %dma_wait3A_47 : memref<1x128x64xf32, #tpu.memory_space<hbm>> -> memref<128x64xf32, #tpu.memory_space<hbm>>
      tpu.wait_dma2 semaphore(%run_scoped3A : memref<!tpu.dma_semaphore, #tpu.memory_space<semaphore_mem>>) src(%arg7 : memref<128x64xf32, #tpu.memory_space<vmem>>) dst(%dma_wait3A_48 : memref<128x64xf32, #tpu.memory_space<hbm>>)
      tpu.yield
    }) : () -> ()
    %add3A_31 = arith.constant 384 : i32
    %add3A_32 = arith.addi %mul3A_2, %add3A_31 : i32
    "tpu.region"() ({
      %run_scoped3A = tpu.sem_alloc : memref<!tpu.dma_semaphore, #tpu.memory_space<semaphore_mem>>
      %dma_start3A = arith.constant 0 : i32
      %dma_start3A_39 = tpu.memref_slice %arg8[%add3A_32, %dma_start3A] : memref<10240x64xf32, #tpu.memory_space<vmem_shared>> -> memref<128x64xf32, #tpu.memory_space<vmem_shared>>
      %dma_start3A_40 = arith.constant 0 : i32
      %dma_start3A_41 = tpu.memref_slice %arg8[%add3A_32, %dma_start3A_40] : memref<10240x64xf32, #tpu.memory_space<vmem_shared>> -> memref<128x64xf32, #tpu.memory_space<vmem_shared>>
      tpu.enqueue_dma source(%dma_start3A_41 : memref<128x64xf32, #tpu.memory_space<vmem_shared>>) target(%arg7 : memref<128x64xf32, #tpu.memory_space<vmem>>) target_semaphore(%run_scoped3A : memref<!tpu.dma_semaphore, #tpu.memory_space<semaphore_mem>>)
      %dma_wait3A = arith.constant 0 : i32
      %dma_wait3A_42 = tpu.memref_slice %arg8[%add3A_32, %dma_wait3A] : memref<10240x64xf32, #tpu.memory_space<vmem_shared>> -> memref<128x64xf32, #tpu.memory_space<vmem_shared>>
      %dma_wait3A_43 = arith.constant 0 : i32
      %dma_wait3A_44 = tpu.memref_slice %arg8[%add3A_32, %dma_wait3A_43] : memref<10240x64xf32, #tpu.memory_space<vmem_shared>> -> memref<128x64xf32, #tpu.memory_space<vmem_shared>>
      tpu.wait_dma2 semaphore(%run_scoped3A : memref<!tpu.dma_semaphore, #tpu.memory_space<semaphore_mem>>) src(%dma_wait3A_44 : memref<128x64xf32, #tpu.memory_space<vmem_shared>>) dst(%arg7 : memref<128x64xf32, #tpu.memory_space<vmem>>)
      tpu.yield
    }) : () -> ()
    %add3A_33 = arith.constant 384 : i32
    %add3A_34 = arith.addi %mul3A_2, %add3A_33 : i32
    "tpu.region"() ({
      %run_scoped3A = tpu.sem_alloc : memref<!tpu.dma_semaphore, #tpu.memory_space<semaphore_mem>>
      %dma_start3A = arith.constant 0 : i32
      %dma_start3A_39 = tpu.memref_slice %arg5[%arg0, %add3A_34, %dma_start3A] : memref<2x10240x64xf32, #tpu.memory_space<hbm>> -> memref<1x128x64xf32, #tpu.memory_space<hbm>>
      %dma_start3A_40 = tpu.memref_squeeze %dma_start3A_39 : memref<1x128x64xf32, #tpu.memory_space<hbm>> -> memref<128x64xf32, #tpu.memory_space<hbm>>
      %dma_start3A_41 = arith.constant 0 : i32
      %dma_start3A_42 = tpu.memref_slice %arg5[%arg0, %add3A_34, %dma_start3A_41] : memref<2x10240x64xf32, #tpu.memory_space<hbm>> -> memref<1x128x64xf32, #tpu.memory_space<hbm>>
      %dma_start3A_43 = tpu.memref_squeeze %dma_start3A_42 : memref<1x128x64xf32, #tpu.memory_space<hbm>> -> memref<128x64xf32, #tpu.memory_space<hbm>>
      tpu.enqueue_dma source(%arg7 : memref<128x64xf32, #tpu.memory_space<vmem>>) target(%dma_start3A_43 : memref<128x64xf32, #tpu.memory_space<hbm>>) target_semaphore(%run_scoped3A : memref<!tpu.dma_semaphore, #tpu.memory_space<semaphore_mem>>)
      %dma_wait3A = arith.constant 0 : i32
      %dma_wait3A_44 = tpu.memref_slice %arg5[%arg0, %add3A_34, %dma_wait3A] : memref<2x10240x64xf32, #tpu.memory_space<hbm>> -> memref<1x128x64xf32, #tpu.memory_space<hbm>>
      %dma_wait3A_45 = tpu.memref_squeeze %dma_wait3A_44 : memref<1x128x64xf32, #tpu.memory_space<hbm>> -> memref<128x64xf32, #tpu.memory_space<hbm>>
      %dma_wait3A_46 = arith.constant 0 : i32
      %dma_wait3A_47 = tpu.memref_slice %arg5[%arg0, %add3A_34, %dma_wait3A_46] : memref<2x10240x64xf32, #tpu.memory_space<hbm>> -> memref<1x128x64xf32, #tpu.memory_space<hbm>>
      %dma_wait3A_48 = tpu.memref_squeeze %dma_wait3A_47 : memref<1x128x64xf32, #tpu.memory_space<hbm>> -> memref<128x64xf32, #tpu.memory_space<hbm>>
      tpu.wait_dma2 semaphore(%run_scoped3A : memref<!tpu.dma_semaphore, #tpu.memory_space<semaphore_mem>>) src(%arg7 : memref<128x64xf32, #tpu.memory_space<vmem>>) dst(%dma_wait3A_48 : memref<128x64xf32, #tpu.memory_space<hbm>>)
      tpu.yield
    }) : () -> ()
    %add3A_35 = arith.constant 512 : i32
    %add3A_36 = arith.addi %mul3A_2, %add3A_35 : i32
    "tpu.region"() ({
      %run_scoped3A = tpu.sem_alloc : memref<!tpu.dma_semaphore, #tpu.memory_space<semaphore_mem>>
      %dma_start3A = arith.constant 0 : i32
      %dma_start3A_39 = tpu.memref_slice %arg8[%add3A_36, %dma_start3A] : memref<10240x64xf32, #tpu.memory_space<vmem_shared>> -> memref<128x64xf32, #tpu.memory_space<vmem_shared>>
      %dma_start3A_40 = arith.constant 0 : i32
      %dma_start3A_41 = tpu.memref_slice %arg8[%add3A_36, %dma_start3A_40] : memref<10240x64xf32, #tpu.memory_space<vmem_shared>> -> memref<128x64xf32, #tpu.memory_space<vmem_shared>>
      tpu.enqueue_dma source(%dma_start3A_41 : memref<128x64xf32, #tpu.memory_space<vmem_shared>>) target(%arg7 : memref<128x64xf32, #tpu.memory_space<vmem>>) target_semaphore(%run_scoped3A : memref<!tpu.dma_semaphore, #tpu.memory_space<semaphore_mem>>)
      %dma_wait3A = arith.constant 0 : i32
      %dma_wait3A_42 = tpu.memref_slice %arg8[%add3A_36, %dma_wait3A] : memref<10240x64xf32, #tpu.memory_space<vmem_shared>> -> memref<128x64xf32, #tpu.memory_space<vmem_shared>>
      %dma_wait3A_43 = arith.constant 0 : i32
      %dma_wait3A_44 = tpu.memref_slice %arg8[%add3A_36, %dma_wait3A_43] : memref<10240x64xf32, #tpu.memory_space<vmem_shared>> -> memref<128x64xf32, #tpu.memory_space<vmem_shared>>
      tpu.wait_dma2 semaphore(%run_scoped3A : memref<!tpu.dma_semaphore, #tpu.memory_space<semaphore_mem>>) src(%dma_wait3A_44 : memref<128x64xf32, #tpu.memory_space<vmem_shared>>) dst(%arg7 : memref<128x64xf32, #tpu.memory_space<vmem>>)
      tpu.yield
    }) : () -> ()
    %add3A_37 = arith.constant 512 : i32
    %add3A_38 = arith.addi %mul3A_2, %add3A_37 : i32
    "tpu.region"() ({
      %run_scoped3A = tpu.sem_alloc : memref<!tpu.dma_semaphore, #tpu.memory_space<semaphore_mem>>
      %dma_start3A = arith.constant 0 : i32
      %dma_start3A_39 = tpu.memref_slice %arg5[%arg0, %add3A_38, %dma_start3A] : memref<2x10240x64xf32, #tpu.memory_space<hbm>> -> memref<1x128x64xf32, #tpu.memory_space<hbm>>
      %dma_start3A_40 = tpu.memref_squeeze %dma_start3A_39 : memref<1x128x64xf32, #tpu.memory_space<hbm>> -> memref<128x64xf32, #tpu.memory_space<hbm>>
      %dma_start3A_41 = arith.constant 0 : i32
      %dma_start3A_42 = tpu.memref_slice %arg5[%arg0, %add3A_38, %dma_start3A_41] : memref<2x10240x64xf32, #tpu.memory_space<hbm>> -> memref<1x128x64xf32, #tpu.memory_space<hbm>>
      %dma_start3A_43 = tpu.memref_squeeze %dma_start3A_42 : memref<1x128x64xf32, #tpu.memory_space<hbm>> -> memref<128x64xf32, #tpu.memory_space<hbm>>
      tpu.enqueue_dma source(%arg7 : memref<128x64xf32, #tpu.memory_space<vmem>>) target(%dma_start3A_43 : memref<128x64xf32, #tpu.memory_space<hbm>>) target_semaphore(%run_scoped3A : memref<!tpu.dma_semaphore, #tpu.memory_space<semaphore_mem>>)
      %dma_wait3A = arith.constant 0 : i32
      %dma_wait3A_44 = tpu.memref_slice %arg5[%arg0, %add3A_38, %dma_wait3A] : memref<2x10240x64xf32, #tpu.memory_space<hbm>> -> memref<1x128x64xf32, #tpu.memory_space<hbm>>
      %dma_wait3A_45 = tpu.memref_squeeze %dma_wait3A_44 : memref<1x128x64xf32, #tpu.memory_space<hbm>> -> memref<128x64xf32, #tpu.memory_space<hbm>>
      %dma_wait3A_46 = arith.constant 0 : i32
      %dma_wait3A_47 = tpu.memref_slice %arg5[%arg0, %add3A_38, %dma_wait3A_46] : memref<2x10240x64xf32, #tpu.memory_space<hbm>> -> memref<1x128x64xf32, #tpu.memory_space<hbm>>
      %dma_wait3A_48 = tpu.memref_squeeze %dma_wait3A_47 : memref<1x128x64xf32, #tpu.memory_space<hbm>> -> memref<128x64xf32, #tpu.memory_space<hbm>>
      tpu.wait_dma2 semaphore(%run_scoped3A : memref<!tpu.dma_semaphore, #tpu.memory_space<semaphore_mem>>) src(%arg7 : memref<128x64xf32, #tpu.memory_space<vmem>>) dst(%dma_wait3A_48 : memref<128x64xf32, #tpu.memory_space<hbm>>)
      tpu.yield
    }) : () -> ()
    return
  }
}

#map = affine_map<(d0, d1) -> (0, 0, 0)>
#map1 = affine_map<(d0, d1) -> (0, 0)>
module attributes {stable_mosaic.version = 14 : i64} {
  func.func @_n2n_kernel_body(%arg0: i32, %arg1: i32, %arg2: memref<32x80x128xi32, #tpu.memory_space<hbm>>, %arg3: memref<32x80x128xi32, #tpu.memory_space<hbm>>, %arg4: memref<10240x64xf32, #tpu.memory_space<hbm>>, %arg5: memref<128x64xf32, #tpu.memory_space<hbm>>, %arg6: memref<2x10240x64xf32, #tpu.memory_space<hbm>>, %arg7: memref<8x128xi32, #tpu.memory_space<vmem>>, %arg8: memref<8x128xi32, #tpu.memory_space<vmem>>, %arg9: memref<128x64xf32, #tpu.memory_space<vmem>>, %arg10: memref<10240x64xf32, #tpu.memory_space<vmem_shared>>, %arg11: memref<!tpu.dma_semaphore, #tpu.memory_space<semaphore_mem>>) attributes {dimension_semantics = [#tpu.dimension_semantics<core_parallel>, #tpu.dimension_semantics<subcore_parallel>], iteration_bounds = array<i64: 2, 16>, scalar_prefetch = 0 : i64, scratch_operands = 5 : i64, tpu.core_type = #tpu.core_type<sc_vector_subcore>, window_params = [{transform_indices = #map}, {transform_indices = #map}, {transform_indices = #map1}, {transform_indices = #map1}, {transform_indices = #map}]} {
    %mul3A = arith.constant 2 : i32
    %mul3A_0 = arith.muli %arg1, %mul3A : i32
    %add3A = arith.addi %mul3A_0, %arg0 : i32
    %mul3A_1 = arith.constant 640 : i32
    %mul3A_2 = arith.muli %arg1, %mul3A_1 : i32
    "tpu.region"() ({
      %run_scoped3A = tpu.sem_alloc : memref<!tpu.dma_semaphore, #tpu.memory_space<semaphore_mem>>
      tpu.enqueue_dma source(%arg5 : memref<128x64xf32, #tpu.memory_space<hbm>>) target(%arg9 : memref<128x64xf32, #tpu.memory_space<vmem>>) target_semaphore(%run_scoped3A : memref<!tpu.dma_semaphore, #tpu.memory_space<semaphore_mem>>)
      tpu.wait_dma2 semaphore(%run_scoped3A : memref<!tpu.dma_semaphore, #tpu.memory_space<semaphore_mem>>) src(%arg5 : memref<128x64xf32, #tpu.memory_space<hbm>>) dst(%arg9 : memref<128x64xf32, #tpu.memory_space<vmem>>)
      tpu.yield
    }) : () -> ()
    %add3A_3 = arith.constant 0 : i32
    %add3A_4 = arith.addi %mul3A_2, %add3A_3 : i32
    "tpu.region"() ({
      %run_scoped3A = tpu.sem_alloc : memref<!tpu.dma_semaphore, #tpu.memory_space<semaphore_mem>>
      %dma_start3A = arith.constant 0 : i32
      %dma_start3A_39 = tpu.memref_slice %arg10[%add3A_4, %dma_start3A] : memref<10240x64xf32, #tpu.memory_space<vmem_shared>> -> memref<128x64xf32, #tpu.memory_space<vmem_shared>>
      %dma_start3A_40 = arith.constant 0 : i32
      %dma_start3A_41 = tpu.memref_slice %arg10[%add3A_4, %dma_start3A_40] : memref<10240x64xf32, #tpu.memory_space<vmem_shared>> -> memref<128x64xf32, #tpu.memory_space<vmem_shared>>
      tpu.enqueue_dma source(%arg9 : memref<128x64xf32, #tpu.memory_space<vmem>>) target(%dma_start3A_41 : memref<128x64xf32, #tpu.memory_space<vmem_shared>>) target_semaphore(%run_scoped3A : memref<!tpu.dma_semaphore, #tpu.memory_space<semaphore_mem>>)
      %dma_wait3A = arith.constant 0 : i32
      %dma_wait3A_42 = tpu.memref_slice %arg10[%add3A_4, %dma_wait3A] : memref<10240x64xf32, #tpu.memory_space<vmem_shared>> -> memref<128x64xf32, #tpu.memory_space<vmem_shared>>
      %dma_wait3A_43 = arith.constant 0 : i32
      %dma_wait3A_44 = tpu.memref_slice %arg10[%add3A_4, %dma_wait3A_43] : memref<10240x64xf32, #tpu.memory_space<vmem_shared>> -> memref<128x64xf32, #tpu.memory_space<vmem_shared>>
      tpu.wait_dma2 semaphore(%run_scoped3A : memref<!tpu.dma_semaphore, #tpu.memory_space<semaphore_mem>>) src(%arg9 : memref<128x64xf32, #tpu.memory_space<vmem>>) dst(%dma_wait3A_44 : memref<128x64xf32, #tpu.memory_space<vmem_shared>>)
      tpu.yield
    }) : () -> ()
    %add3A_5 = arith.constant 128 : i32
    %add3A_6 = arith.addi %mul3A_2, %add3A_5 : i32
    "tpu.region"() ({
      %run_scoped3A = tpu.sem_alloc : memref<!tpu.dma_semaphore, #tpu.memory_space<semaphore_mem>>
      %dma_start3A = arith.constant 0 : i32
      %dma_start3A_39 = tpu.memref_slice %arg10[%add3A_6, %dma_start3A] : memref<10240x64xf32, #tpu.memory_space<vmem_shared>> -> memref<128x64xf32, #tpu.memory_space<vmem_shared>>
      %dma_start3A_40 = arith.constant 0 : i32
      %dma_start3A_41 = tpu.memref_slice %arg10[%add3A_6, %dma_start3A_40] : memref<10240x64xf32, #tpu.memory_space<vmem_shared>> -> memref<128x64xf32, #tpu.memory_space<vmem_shared>>
      tpu.enqueue_dma source(%arg9 : memref<128x64xf32, #tpu.memory_space<vmem>>) target(%dma_start3A_41 : memref<128x64xf32, #tpu.memory_space<vmem_shared>>) target_semaphore(%run_scoped3A : memref<!tpu.dma_semaphore, #tpu.memory_space<semaphore_mem>>)
      %dma_wait3A = arith.constant 0 : i32
      %dma_wait3A_42 = tpu.memref_slice %arg10[%add3A_6, %dma_wait3A] : memref<10240x64xf32, #tpu.memory_space<vmem_shared>> -> memref<128x64xf32, #tpu.memory_space<vmem_shared>>
      %dma_wait3A_43 = arith.constant 0 : i32
      %dma_wait3A_44 = tpu.memref_slice %arg10[%add3A_6, %dma_wait3A_43] : memref<10240x64xf32, #tpu.memory_space<vmem_shared>> -> memref<128x64xf32, #tpu.memory_space<vmem_shared>>
      tpu.wait_dma2 semaphore(%run_scoped3A : memref<!tpu.dma_semaphore, #tpu.memory_space<semaphore_mem>>) src(%arg9 : memref<128x64xf32, #tpu.memory_space<vmem>>) dst(%dma_wait3A_44 : memref<128x64xf32, #tpu.memory_space<vmem_shared>>)
      tpu.yield
    }) : () -> ()
    %add3A_7 = arith.constant 256 : i32
    %add3A_8 = arith.addi %mul3A_2, %add3A_7 : i32
    "tpu.region"() ({
      %run_scoped3A = tpu.sem_alloc : memref<!tpu.dma_semaphore, #tpu.memory_space<semaphore_mem>>
      %dma_start3A = arith.constant 0 : i32
      %dma_start3A_39 = tpu.memref_slice %arg10[%add3A_8, %dma_start3A] : memref<10240x64xf32, #tpu.memory_space<vmem_shared>> -> memref<128x64xf32, #tpu.memory_space<vmem_shared>>
      %dma_start3A_40 = arith.constant 0 : i32
      %dma_start3A_41 = tpu.memref_slice %arg10[%add3A_8, %dma_start3A_40] : memref<10240x64xf32, #tpu.memory_space<vmem_shared>> -> memref<128x64xf32, #tpu.memory_space<vmem_shared>>
      tpu.enqueue_dma source(%arg9 : memref<128x64xf32, #tpu.memory_space<vmem>>) target(%dma_start3A_41 : memref<128x64xf32, #tpu.memory_space<vmem_shared>>) target_semaphore(%run_scoped3A : memref<!tpu.dma_semaphore, #tpu.memory_space<semaphore_mem>>)
      %dma_wait3A = arith.constant 0 : i32
      %dma_wait3A_42 = tpu.memref_slice %arg10[%add3A_8, %dma_wait3A] : memref<10240x64xf32, #tpu.memory_space<vmem_shared>> -> memref<128x64xf32, #tpu.memory_space<vmem_shared>>
      %dma_wait3A_43 = arith.constant 0 : i32
      %dma_wait3A_44 = tpu.memref_slice %arg10[%add3A_8, %dma_wait3A_43] : memref<10240x64xf32, #tpu.memory_space<vmem_shared>> -> memref<128x64xf32, #tpu.memory_space<vmem_shared>>
      tpu.wait_dma2 semaphore(%run_scoped3A : memref<!tpu.dma_semaphore, #tpu.memory_space<semaphore_mem>>) src(%arg9 : memref<128x64xf32, #tpu.memory_space<vmem>>) dst(%dma_wait3A_44 : memref<128x64xf32, #tpu.memory_space<vmem_shared>>)
      tpu.yield
    }) : () -> ()
    %add3A_9 = arith.constant 384 : i32
    %add3A_10 = arith.addi %mul3A_2, %add3A_9 : i32
    "tpu.region"() ({
      %run_scoped3A = tpu.sem_alloc : memref<!tpu.dma_semaphore, #tpu.memory_space<semaphore_mem>>
      %dma_start3A = arith.constant 0 : i32
      %dma_start3A_39 = tpu.memref_slice %arg10[%add3A_10, %dma_start3A] : memref<10240x64xf32, #tpu.memory_space<vmem_shared>> -> memref<128x64xf32, #tpu.memory_space<vmem_shared>>
      %dma_start3A_40 = arith.constant 0 : i32
      %dma_start3A_41 = tpu.memref_slice %arg10[%add3A_10, %dma_start3A_40] : memref<10240x64xf32, #tpu.memory_space<vmem_shared>> -> memref<128x64xf32, #tpu.memory_space<vmem_shared>>
      tpu.enqueue_dma source(%arg9 : memref<128x64xf32, #tpu.memory_space<vmem>>) target(%dma_start3A_41 : memref<128x64xf32, #tpu.memory_space<vmem_shared>>) target_semaphore(%run_scoped3A : memref<!tpu.dma_semaphore, #tpu.memory_space<semaphore_mem>>)
      %dma_wait3A = arith.constant 0 : i32
      %dma_wait3A_42 = tpu.memref_slice %arg10[%add3A_10, %dma_wait3A] : memref<10240x64xf32, #tpu.memory_space<vmem_shared>> -> memref<128x64xf32, #tpu.memory_space<vmem_shared>>
      %dma_wait3A_43 = arith.constant 0 : i32
      %dma_wait3A_44 = tpu.memref_slice %arg10[%add3A_10, %dma_wait3A_43] : memref<10240x64xf32, #tpu.memory_space<vmem_shared>> -> memref<128x64xf32, #tpu.memory_space<vmem_shared>>
      tpu.wait_dma2 semaphore(%run_scoped3A : memref<!tpu.dma_semaphore, #tpu.memory_space<semaphore_mem>>) src(%arg9 : memref<128x64xf32, #tpu.memory_space<vmem>>) dst(%dma_wait3A_44 : memref<128x64xf32, #tpu.memory_space<vmem_shared>>)
      tpu.yield
    }) : () -> ()
    %add3A_11 = arith.constant 512 : i32
    %add3A_12 = arith.addi %mul3A_2, %add3A_11 : i32
    "tpu.region"() ({
      %run_scoped3A = tpu.sem_alloc : memref<!tpu.dma_semaphore, #tpu.memory_space<semaphore_mem>>
      %dma_start3A = arith.constant 0 : i32
      %dma_start3A_39 = tpu.memref_slice %arg10[%add3A_12, %dma_start3A] : memref<10240x64xf32, #tpu.memory_space<vmem_shared>> -> memref<128x64xf32, #tpu.memory_space<vmem_shared>>
      %dma_start3A_40 = arith.constant 0 : i32
      %dma_start3A_41 = tpu.memref_slice %arg10[%add3A_12, %dma_start3A_40] : memref<10240x64xf32, #tpu.memory_space<vmem_shared>> -> memref<128x64xf32, #tpu.memory_space<vmem_shared>>
      tpu.enqueue_dma source(%arg9 : memref<128x64xf32, #tpu.memory_space<vmem>>) target(%dma_start3A_41 : memref<128x64xf32, #tpu.memory_space<vmem_shared>>) target_semaphore(%run_scoped3A : memref<!tpu.dma_semaphore, #tpu.memory_space<semaphore_mem>>)
      %dma_wait3A = arith.constant 0 : i32
      %dma_wait3A_42 = tpu.memref_slice %arg10[%add3A_12, %dma_wait3A] : memref<10240x64xf32, #tpu.memory_space<vmem_shared>> -> memref<128x64xf32, #tpu.memory_space<vmem_shared>>
      %dma_wait3A_43 = arith.constant 0 : i32
      %dma_wait3A_44 = tpu.memref_slice %arg10[%add3A_12, %dma_wait3A_43] : memref<10240x64xf32, #tpu.memory_space<vmem_shared>> -> memref<128x64xf32, #tpu.memory_space<vmem_shared>>
      tpu.wait_dma2 semaphore(%run_scoped3A : memref<!tpu.dma_semaphore, #tpu.memory_space<semaphore_mem>>) src(%arg9 : memref<128x64xf32, #tpu.memory_space<vmem>>) dst(%dma_wait3A_44 : memref<128x64xf32, #tpu.memory_space<vmem_shared>>)
      tpu.yield
    }) : () -> ()
    %barrier3A = arith.constant 0 : index
    tpu.barrier barrier_id(%barrier3A)
    %scan3A = arith.constant 0 : i32
    %scan3A_13 = arith.constant 0 : i32
    %scan3A_14 = arith.constant 10 : i32
    %scan3A_15 = arith.addi %scan3A_13, %scan3A_14 : i32
    %scan3A_16 = arith.constant 1 : i32
    scf.for %scan3A_39 = %scan3A_13 to %scan3A_15 step %scan3A_16  : i32 {
      %mul3A_40 = arith.constant 8 : i32
      %mul3A_41 = arith.muli %scan3A_39, %mul3A_40 : i32
      "tpu.region"() ({
        %run_scoped3A_161 = tpu.sem_alloc : memref<!tpu.dma_semaphore, #tpu.memory_space<semaphore_mem>>
        %dma_start3A_162 = arith.constant 0 : i32
        %dma_start3A_163 = tpu.memref_slice %arg2[%add3A, %mul3A_41, %dma_start3A_162] : memref<32x80x128xi32, #tpu.memory_space<hbm>> -> memref<1x8x128xi32, #tpu.memory_space<hbm>>
        %dma_start3A_164 = tpu.memref_squeeze %dma_start3A_163 : memref<1x8x128xi32, #tpu.memory_space<hbm>> -> memref<8x128xi32, #tpu.memory_space<hbm>>
        %dma_start3A_165 = arith.constant 0 : i32
        %dma_start3A_166 = tpu.memref_slice %arg2[%add3A, %mul3A_41, %dma_start3A_165] : memref<32x80x128xi32, #tpu.memory_space<hbm>> -> memref<1x8x128xi32, #tpu.memory_space<hbm>>
        %dma_start3A_167 = tpu.memref_squeeze %dma_start3A_166 : memref<1x8x128xi32, #tpu.memory_space<hbm>> -> memref<8x128xi32, #tpu.memory_space<hbm>>
        tpu.enqueue_dma source(%dma_start3A_167 : memref<8x128xi32, #tpu.memory_space<hbm>>) target(%arg7 : memref<8x128xi32, #tpu.memory_space<vmem>>) target_semaphore(%run_scoped3A_161 : memref<!tpu.dma_semaphore, #tpu.memory_space<semaphore_mem>>)
        %dma_wait3A_168 = arith.constant 0 : i32
        %dma_wait3A_169 = tpu.memref_slice %arg2[%add3A, %mul3A_41, %dma_wait3A_168] : memref<32x80x128xi32, #tpu.memory_space<hbm>> -> memref<1x8x128xi32, #tpu.memory_space<hbm>>
        %dma_wait3A_170 = tpu.memref_squeeze %dma_wait3A_169 : memref<1x8x128xi32, #tpu.memory_space<hbm>> -> memref<8x128xi32, #tpu.memory_space<hbm>>
        %dma_wait3A_171 = arith.constant 0 : i32
        %dma_wait3A_172 = tpu.memref_slice %arg2[%add3A, %mul3A_41, %dma_wait3A_171] : memref<32x80x128xi32, #tpu.memory_space<hbm>> -> memref<1x8x128xi32, #tpu.memory_space<hbm>>
        %dma_wait3A_173 = tpu.memref_squeeze %dma_wait3A_172 : memref<1x8x128xi32, #tpu.memory_space<hbm>> -> memref<8x128xi32, #tpu.memory_space<hbm>>
        tpu.wait_dma2 semaphore(%run_scoped3A_161 : memref<!tpu.dma_semaphore, #tpu.memory_space<semaphore_mem>>) src(%dma_wait3A_173 : memref<8x128xi32, #tpu.memory_space<hbm>>) dst(%arg7 : memref<8x128xi32, #tpu.memory_space<vmem>>)
        tpu.yield
      }) : () -> ()
      %mul3A_42 = arith.constant 8 : i32
      %mul3A_43 = arith.muli %scan3A_39, %mul3A_42 : i32
      "tpu.region"() ({
        %run_scoped3A_161 = tpu.sem_alloc : memref<!tpu.dma_semaphore, #tpu.memory_space<semaphore_mem>>
        %dma_start3A_162 = arith.constant 0 : i32
        %dma_start3A_163 = tpu.memref_slice %arg3[%add3A, %mul3A_43, %dma_start3A_162] : memref<32x80x128xi32, #tpu.memory_space<hbm>> -> memref<1x8x128xi32, #tpu.memory_space<hbm>>
        %dma_start3A_164 = tpu.memref_squeeze %dma_start3A_163 : memref<1x8x128xi32, #tpu.memory_space<hbm>> -> memref<8x128xi32, #tpu.memory_space<hbm>>
        %dma_start3A_165 = arith.constant 0 : i32
        %dma_start3A_166 = tpu.memref_slice %arg3[%add3A, %mul3A_43, %dma_start3A_165] : memref<32x80x128xi32, #tpu.memory_space<hbm>> -> memref<1x8x128xi32, #tpu.memory_space<hbm>>
        %dma_start3A_167 = tpu.memref_squeeze %dma_start3A_166 : memref<1x8x128xi32, #tpu.memory_space<hbm>> -> memref<8x128xi32, #tpu.memory_space<hbm>>
        tpu.enqueue_dma source(%dma_start3A_167 : memref<8x128xi32, #tpu.memory_space<hbm>>) target(%arg8 : memref<8x128xi32, #tpu.memory_space<vmem>>) target_semaphore(%run_scoped3A_161 : memref<!tpu.dma_semaphore, #tpu.memory_space<semaphore_mem>>)
        %dma_wait3A_168 = arith.constant 0 : i32
        %dma_wait3A_169 = tpu.memref_slice %arg3[%add3A, %mul3A_43, %dma_wait3A_168] : memref<32x80x128xi32, #tpu.memory_space<hbm>> -> memref<1x8x128xi32, #tpu.memory_space<hbm>>
        %dma_wait3A_170 = tpu.memref_squeeze %dma_wait3A_169 : memref<1x8x128xi32, #tpu.memory_space<hbm>> -> memref<8x128xi32, #tpu.memory_space<hbm>>
        %dma_wait3A_171 = arith.constant 0 : i32
        %dma_wait3A_172 = tpu.memref_slice %arg3[%add3A, %mul3A_43, %dma_wait3A_171] : memref<32x80x128xi32, #tpu.memory_space<hbm>> -> memref<1x8x128xi32, #tpu.memory_space<hbm>>
        %dma_wait3A_173 = tpu.memref_squeeze %dma_wait3A_172 : memref<1x8x128xi32, #tpu.memory_space<hbm>> -> memref<8x128xi32, #tpu.memory_space<hbm>>
        tpu.wait_dma2 semaphore(%run_scoped3A_161 : memref<!tpu.dma_semaphore, #tpu.memory_space<semaphore_mem>>) src(%dma_wait3A_173 : memref<8x128xi32, #tpu.memory_space<hbm>>) dst(%arg8 : memref<8x128xi32, #tpu.memory_space<vmem>>)
        tpu.yield
      }) : () -> ()
      %dma_start3A = arith.constant 0 : i32
      %dma_start3A_44 = arith.constant 0 : i32
      %dma_start3A_45 = tpu.memref_slice %arg7[%dma_start3A, %dma_start3A_44] : memref<8x128xi32, #tpu.memory_space<vmem>> -> memref<1x128xi32, #tpu.memory_space<vmem>>
      %dma_start3A_46 = tpu.memref_squeeze %dma_start3A_45 : memref<1x128xi32, #tpu.memory_space<vmem>> -> memref<128xi32, #tpu.memory_space<vmem>>
      %dma_start3A_47 = arith.constant 0 : i32
      %dma_start3A_48 = arith.constant 0 : i32
      %dma_start3A_49 = tpu.memref_slice %arg4[%dma_start3A_47, %dma_start3A_48] : memref<10240x64xf32, #tpu.memory_space<hbm>> -> memref<10240x64xf32, #tpu.memory_space<hbm>>
      tpu.enqueue_indirect_dma source(%dma_start3A_49 : memref<10240x64xf32, #tpu.memory_space<hbm>>) target(%arg9 : memref<128x64xf32, #tpu.memory_space<vmem>>) offsets(%dma_start3A_46 : memref<128xi32, #tpu.memory_space<vmem>>) semaphore(%arg11 : memref<!tpu.dma_semaphore, #tpu.memory_space<semaphore_mem>>)
      %dma_wait3A = arith.constant 0 : i32
      %dma_wait3A_50 = arith.constant 0 : i32
      %dma_wait3A_51 = tpu.memref_slice %arg7[%dma_wait3A, %dma_wait3A_50] : memref<8x128xi32, #tpu.memory_space<vmem>> -> memref<1x128xi32, #tpu.memory_space<vmem>>
      %dma_wait3A_52 = tpu.memref_squeeze %dma_wait3A_51 : memref<1x128xi32, #tpu.memory_space<vmem>> -> memref<128xi32, #tpu.memory_space<vmem>>
      %dma_wait3A_53 = arith.constant 0 : i32
      %dma_wait3A_54 = arith.constant 0 : i32
      %dma_wait3A_55 = tpu.memref_slice %arg4[%dma_wait3A_53, %dma_wait3A_54] : memref<10240x64xf32, #tpu.memory_space<hbm>> -> memref<10240x64xf32, #tpu.memory_space<hbm>>
      tpu.wait_indirect_dma semaphore(%arg11 : memref<!tpu.dma_semaphore, #tpu.memory_space<semaphore_mem>>) src(%dma_wait3A_55 : memref<10240x64xf32, #tpu.memory_space<hbm>>) dst(%arg9 : memref<128x64xf32, #tpu.memory_space<vmem>>)
      %run_scoped3A = arith.constant 0 : i32
      "tpu.region"() ({
        %run_scoped3A_161 = tpu.sem_alloc : memref<!tpu.dma_semaphore, #tpu.memory_space<semaphore_mem>>
        %dma_start3A_162 = arith.constant 0 : i32
        %dma_start3A_163 = tpu.memref_slice %arg8[%run_scoped3A, %dma_start3A_162] : memref<8x128xi32, #tpu.memory_space<vmem>> -> memref<1x128xi32, #tpu.memory_space<vmem>>
        %dma_start3A_164 = tpu.memref_squeeze %dma_start3A_163 : memref<1x128xi32, #tpu.memory_space<vmem>> -> memref<128xi32, #tpu.memory_space<vmem>>
        %dma_start3A_165 = arith.constant 0 : i32
        %dma_start3A_166 = arith.constant 0 : i32
        %dma_start3A_167 = tpu.memref_slice %arg10[%dma_start3A_165, %dma_start3A_166] : memref<10240x64xf32, #tpu.memory_space<vmem_shared>> -> memref<10240x64xf32, #tpu.memory_space<vmem_shared>>
        tpu.enqueue_indirect_dma source(%arg9 : memref<128x64xf32, #tpu.memory_space<vmem>>) target(%dma_start3A_167 : memref<10240x64xf32, #tpu.memory_space<vmem_shared>>) offsets(%dma_start3A_164 : memref<128xi32, #tpu.memory_space<vmem>>) semaphore(%run_scoped3A_161 : memref<!tpu.dma_semaphore, #tpu.memory_space<semaphore_mem>>) {add = true}
        %dma_wait3A_168 = arith.constant 0 : i32
        %dma_wait3A_169 = tpu.memref_slice %arg8[%run_scoped3A, %dma_wait3A_168] : memref<8x128xi32, #tpu.memory_space<vmem>> -> memref<1x128xi32, #tpu.memory_space<vmem>>
        %dma_wait3A_170 = tpu.memref_squeeze %dma_wait3A_169 : memref<1x128xi32, #tpu.memory_space<vmem>> -> memref<128xi32, #tpu.memory_space<vmem>>
        %dma_wait3A_171 = arith.constant 0 : i32
        %dma_wait3A_172 = arith.constant 0 : i32
        %dma_wait3A_173 = tpu.memref_slice %arg10[%dma_wait3A_171, %dma_wait3A_172] : memref<10240x64xf32, #tpu.memory_space<vmem_shared>> -> memref<10240x64xf32, #tpu.memory_space<vmem_shared>>
        tpu.wait_indirect_dma semaphore(%run_scoped3A_161 : memref<!tpu.dma_semaphore, #tpu.memory_space<semaphore_mem>>) src(%arg9 : memref<128x64xf32, #tpu.memory_space<vmem>>) dst(%dma_wait3A_173 : memref<10240x64xf32, #tpu.memory_space<vmem_shared>>)
        tpu.yield
      }) : () -> ()
      %dma_start3A_56 = arith.constant 1 : i32
      %dma_start3A_57 = arith.constant 0 : i32
      %dma_start3A_58 = tpu.memref_slice %arg7[%dma_start3A_56, %dma_start3A_57] : memref<8x128xi32, #tpu.memory_space<vmem>> -> memref<1x128xi32, #tpu.memory_space<vmem>>
      %dma_start3A_59 = tpu.memref_squeeze %dma_start3A_58 : memref<1x128xi32, #tpu.memory_space<vmem>> -> memref<128xi32, #tpu.memory_space<vmem>>
      %dma_start3A_60 = arith.constant 0 : i32
      %dma_start3A_61 = arith.constant 0 : i32
      %dma_start3A_62 = tpu.memref_slice %arg4[%dma_start3A_60, %dma_start3A_61] : memref<10240x64xf32, #tpu.memory_space<hbm>> -> memref<10240x64xf32, #tpu.memory_space<hbm>>
      tpu.enqueue_indirect_dma source(%dma_start3A_62 : memref<10240x64xf32, #tpu.memory_space<hbm>>) target(%arg9 : memref<128x64xf32, #tpu.memory_space<vmem>>) offsets(%dma_start3A_59 : memref<128xi32, #tpu.memory_space<vmem>>) semaphore(%arg11 : memref<!tpu.dma_semaphore, #tpu.memory_space<semaphore_mem>>)
      %dma_wait3A_63 = arith.constant 1 : i32
      %dma_wait3A_64 = arith.constant 0 : i32
      %dma_wait3A_65 = tpu.memref_slice %arg7[%dma_wait3A_63, %dma_wait3A_64] : memref<8x128xi32, #tpu.memory_space<vmem>> -> memref<1x128xi32, #tpu.memory_space<vmem>>
      %dma_wait3A_66 = tpu.memref_squeeze %dma_wait3A_65 : memref<1x128xi32, #tpu.memory_space<vmem>> -> memref<128xi32, #tpu.memory_space<vmem>>
      %dma_wait3A_67 = arith.constant 0 : i32
      %dma_wait3A_68 = arith.constant 0 : i32
      %dma_wait3A_69 = tpu.memref_slice %arg4[%dma_wait3A_67, %dma_wait3A_68] : memref<10240x64xf32, #tpu.memory_space<hbm>> -> memref<10240x64xf32, #tpu.memory_space<hbm>>
      tpu.wait_indirect_dma semaphore(%arg11 : memref<!tpu.dma_semaphore, #tpu.memory_space<semaphore_mem>>) src(%dma_wait3A_69 : memref<10240x64xf32, #tpu.memory_space<hbm>>) dst(%arg9 : memref<128x64xf32, #tpu.memory_space<vmem>>)
      %run_scoped3A_70 = arith.constant 1 : i32
      "tpu.region"() ({
        %run_scoped3A_161 = tpu.sem_alloc : memref<!tpu.dma_semaphore, #tpu.memory_space<semaphore_mem>>
        %dma_start3A_162 = arith.constant 0 : i32
        %dma_start3A_163 = tpu.memref_slice %arg8[%run_scoped3A_70, %dma_start3A_162] : memref<8x128xi32, #tpu.memory_space<vmem>> -> memref<1x128xi32, #tpu.memory_space<vmem>>
        %dma_start3A_164 = tpu.memref_squeeze %dma_start3A_163 : memref<1x128xi32, #tpu.memory_space<vmem>> -> memref<128xi32, #tpu.memory_space<vmem>>
        %dma_start3A_165 = arith.constant 0 : i32
        %dma_start3A_166 = arith.constant 0 : i32
        %dma_start3A_167 = tpu.memref_slice %arg10[%dma_start3A_165, %dma_start3A_166] : memref<10240x64xf32, #tpu.memory_space<vmem_shared>> -> memref<10240x64xf32, #tpu.memory_space<vmem_shared>>
        tpu.enqueue_indirect_dma source(%arg9 : memref<128x64xf32, #tpu.memory_space<vmem>>) target(%dma_start3A_167 : memref<10240x64xf32, #tpu.memory_space<vmem_shared>>) offsets(%dma_start3A_164 : memref<128xi32, #tpu.memory_space<vmem>>) semaphore(%run_scoped3A_161 : memref<!tpu.dma_semaphore, #tpu.memory_space<semaphore_mem>>) {add = true}
        %dma_wait3A_168 = arith.constant 0 : i32
        %dma_wait3A_169 = tpu.memref_slice %arg8[%run_scoped3A_70, %dma_wait3A_168] : memref<8x128xi32, #tpu.memory_space<vmem>> -> memref<1x128xi32, #tpu.memory_space<vmem>>
        %dma_wait3A_170 = tpu.memref_squeeze %dma_wait3A_169 : memref<1x128xi32, #tpu.memory_space<vmem>> -> memref<128xi32, #tpu.memory_space<vmem>>
        %dma_wait3A_171 = arith.constant 0 : i32
        %dma_wait3A_172 = arith.constant 0 : i32
        %dma_wait3A_173 = tpu.memref_slice %arg10[%dma_wait3A_171, %dma_wait3A_172] : memref<10240x64xf32, #tpu.memory_space<vmem_shared>> -> memref<10240x64xf32, #tpu.memory_space<vmem_shared>>
        tpu.wait_indirect_dma semaphore(%run_scoped3A_161 : memref<!tpu.dma_semaphore, #tpu.memory_space<semaphore_mem>>) src(%arg9 : memref<128x64xf32, #tpu.memory_space<vmem>>) dst(%dma_wait3A_173 : memref<10240x64xf32, #tpu.memory_space<vmem_shared>>)
        tpu.yield
      }) : () -> ()
      %dma_start3A_71 = arith.constant 2 : i32
      %dma_start3A_72 = arith.constant 0 : i32
      %dma_start3A_73 = tpu.memref_slice %arg7[%dma_start3A_71, %dma_start3A_72] : memref<8x128xi32, #tpu.memory_space<vmem>> -> memref<1x128xi32, #tpu.memory_space<vmem>>
      %dma_start3A_74 = tpu.memref_squeeze %dma_start3A_73 : memref<1x128xi32, #tpu.memory_space<vmem>> -> memref<128xi32, #tpu.memory_space<vmem>>
      %dma_start3A_75 = arith.constant 0 : i32
      %dma_start3A_76 = arith.constant 0 : i32
      %dma_start3A_77 = tpu.memref_slice %arg4[%dma_start3A_75, %dma_start3A_76] : memref<10240x64xf32, #tpu.memory_space<hbm>> -> memref<10240x64xf32, #tpu.memory_space<hbm>>
      tpu.enqueue_indirect_dma source(%dma_start3A_77 : memref<10240x64xf32, #tpu.memory_space<hbm>>) target(%arg9 : memref<128x64xf32, #tpu.memory_space<vmem>>) offsets(%dma_start3A_74 : memref<128xi32, #tpu.memory_space<vmem>>) semaphore(%arg11 : memref<!tpu.dma_semaphore, #tpu.memory_space<semaphore_mem>>)
      %dma_wait3A_78 = arith.constant 2 : i32
      %dma_wait3A_79 = arith.constant 0 : i32
      %dma_wait3A_80 = tpu.memref_slice %arg7[%dma_wait3A_78, %dma_wait3A_79] : memref<8x128xi32, #tpu.memory_space<vmem>> -> memref<1x128xi32, #tpu.memory_space<vmem>>
      %dma_wait3A_81 = tpu.memref_squeeze %dma_wait3A_80 : memref<1x128xi32, #tpu.memory_space<vmem>> -> memref<128xi32, #tpu.memory_space<vmem>>
      %dma_wait3A_82 = arith.constant 0 : i32
      %dma_wait3A_83 = arith.constant 0 : i32
      %dma_wait3A_84 = tpu.memref_slice %arg4[%dma_wait3A_82, %dma_wait3A_83] : memref<10240x64xf32, #tpu.memory_space<hbm>> -> memref<10240x64xf32, #tpu.memory_space<hbm>>
      tpu.wait_indirect_dma semaphore(%arg11 : memref<!tpu.dma_semaphore, #tpu.memory_space<semaphore_mem>>) src(%dma_wait3A_84 : memref<10240x64xf32, #tpu.memory_space<hbm>>) dst(%arg9 : memref<128x64xf32, #tpu.memory_space<vmem>>)
      %run_scoped3A_85 = arith.constant 2 : i32
      "tpu.region"() ({
        %run_scoped3A_161 = tpu.sem_alloc : memref<!tpu.dma_semaphore, #tpu.memory_space<semaphore_mem>>
        %dma_start3A_162 = arith.constant 0 : i32
        %dma_start3A_163 = tpu.memref_slice %arg8[%run_scoped3A_85, %dma_start3A_162] : memref<8x128xi32, #tpu.memory_space<vmem>> -> memref<1x128xi32, #tpu.memory_space<vmem>>
        %dma_start3A_164 = tpu.memref_squeeze %dma_start3A_163 : memref<1x128xi32, #tpu.memory_space<vmem>> -> memref<128xi32, #tpu.memory_space<vmem>>
        %dma_start3A_165 = arith.constant 0 : i32
        %dma_start3A_166 = arith.constant 0 : i32
        %dma_start3A_167 = tpu.memref_slice %arg10[%dma_start3A_165, %dma_start3A_166] : memref<10240x64xf32, #tpu.memory_space<vmem_shared>> -> memref<10240x64xf32, #tpu.memory_space<vmem_shared>>
        tpu.enqueue_indirect_dma source(%arg9 : memref<128x64xf32, #tpu.memory_space<vmem>>) target(%dma_start3A_167 : memref<10240x64xf32, #tpu.memory_space<vmem_shared>>) offsets(%dma_start3A_164 : memref<128xi32, #tpu.memory_space<vmem>>) semaphore(%run_scoped3A_161 : memref<!tpu.dma_semaphore, #tpu.memory_space<semaphore_mem>>) {add = true}
        %dma_wait3A_168 = arith.constant 0 : i32
        %dma_wait3A_169 = tpu.memref_slice %arg8[%run_scoped3A_85, %dma_wait3A_168] : memref<8x128xi32, #tpu.memory_space<vmem>> -> memref<1x128xi32, #tpu.memory_space<vmem>>
        %dma_wait3A_170 = tpu.memref_squeeze %dma_wait3A_169 : memref<1x128xi32, #tpu.memory_space<vmem>> -> memref<128xi32, #tpu.memory_space<vmem>>
        %dma_wait3A_171 = arith.constant 0 : i32
        %dma_wait3A_172 = arith.constant 0 : i32
        %dma_wait3A_173 = tpu.memref_slice %arg10[%dma_wait3A_171, %dma_wait3A_172] : memref<10240x64xf32, #tpu.memory_space<vmem_shared>> -> memref<10240x64xf32, #tpu.memory_space<vmem_shared>>
        tpu.wait_indirect_dma semaphore(%run_scoped3A_161 : memref<!tpu.dma_semaphore, #tpu.memory_space<semaphore_mem>>) src(%arg9 : memref<128x64xf32, #tpu.memory_space<vmem>>) dst(%dma_wait3A_173 : memref<10240x64xf32, #tpu.memory_space<vmem_shared>>)
        tpu.yield
      }) : () -> ()
      %dma_start3A_86 = arith.constant 3 : i32
      %dma_start3A_87 = arith.constant 0 : i32
      %dma_start3A_88 = tpu.memref_slice %arg7[%dma_start3A_86, %dma_start3A_87] : memref<8x128xi32, #tpu.memory_space<vmem>> -> memref<1x128xi32, #tpu.memory_space<vmem>>
      %dma_start3A_89 = tpu.memref_squeeze %dma_start3A_88 : memref<1x128xi32, #tpu.memory_space<vmem>> -> memref<128xi32, #tpu.memory_space<vmem>>
      %dma_start3A_90 = arith.constant 0 : i32
      %dma_start3A_91 = arith.constant 0 : i32
      %dma_start3A_92 = tpu.memref_slice %arg4[%dma_start3A_90, %dma_start3A_91] : memref<10240x64xf32, #tpu.memory_space<hbm>> -> memref<10240x64xf32, #tpu.memory_space<hbm>>
      tpu.enqueue_indirect_dma source(%dma_start3A_92 : memref<10240x64xf32, #tpu.memory_space<hbm>>) target(%arg9 : memref<128x64xf32, #tpu.memory_space<vmem>>) offsets(%dma_start3A_89 : memref<128xi32, #tpu.memory_space<vmem>>) semaphore(%arg11 : memref<!tpu.dma_semaphore, #tpu.memory_space<semaphore_mem>>)
      %dma_wait3A_93 = arith.constant 3 : i32
      %dma_wait3A_94 = arith.constant 0 : i32
      %dma_wait3A_95 = tpu.memref_slice %arg7[%dma_wait3A_93, %dma_wait3A_94] : memref<8x128xi32, #tpu.memory_space<vmem>> -> memref<1x128xi32, #tpu.memory_space<vmem>>
      %dma_wait3A_96 = tpu.memref_squeeze %dma_wait3A_95 : memref<1x128xi32, #tpu.memory_space<vmem>> -> memref<128xi32, #tpu.memory_space<vmem>>
      %dma_wait3A_97 = arith.constant 0 : i32
      %dma_wait3A_98 = arith.constant 0 : i32
      %dma_wait3A_99 = tpu.memref_slice %arg4[%dma_wait3A_97, %dma_wait3A_98] : memref<10240x64xf32, #tpu.memory_space<hbm>> -> memref<10240x64xf32, #tpu.memory_space<hbm>>
      tpu.wait_indirect_dma semaphore(%arg11 : memref<!tpu.dma_semaphore, #tpu.memory_space<semaphore_mem>>) src(%dma_wait3A_99 : memref<10240x64xf32, #tpu.memory_space<hbm>>) dst(%arg9 : memref<128x64xf32, #tpu.memory_space<vmem>>)
      %run_scoped3A_100 = arith.constant 3 : i32
      "tpu.region"() ({
        %run_scoped3A_161 = tpu.sem_alloc : memref<!tpu.dma_semaphore, #tpu.memory_space<semaphore_mem>>
        %dma_start3A_162 = arith.constant 0 : i32
        %dma_start3A_163 = tpu.memref_slice %arg8[%run_scoped3A_100, %dma_start3A_162] : memref<8x128xi32, #tpu.memory_space<vmem>> -> memref<1x128xi32, #tpu.memory_space<vmem>>
        %dma_start3A_164 = tpu.memref_squeeze %dma_start3A_163 : memref<1x128xi32, #tpu.memory_space<vmem>> -> memref<128xi32, #tpu.memory_space<vmem>>
        %dma_start3A_165 = arith.constant 0 : i32
        %dma_start3A_166 = arith.constant 0 : i32
        %dma_start3A_167 = tpu.memref_slice %arg10[%dma_start3A_165, %dma_start3A_166] : memref<10240x64xf32, #tpu.memory_space<vmem_shared>> -> memref<10240x64xf32, #tpu.memory_space<vmem_shared>>
        tpu.enqueue_indirect_dma source(%arg9 : memref<128x64xf32, #tpu.memory_space<vmem>>) target(%dma_start3A_167 : memref<10240x64xf32, #tpu.memory_space<vmem_shared>>) offsets(%dma_start3A_164 : memref<128xi32, #tpu.memory_space<vmem>>) semaphore(%run_scoped3A_161 : memref<!tpu.dma_semaphore, #tpu.memory_space<semaphore_mem>>) {add = true}
        %dma_wait3A_168 = arith.constant 0 : i32
        %dma_wait3A_169 = tpu.memref_slice %arg8[%run_scoped3A_100, %dma_wait3A_168] : memref<8x128xi32, #tpu.memory_space<vmem>> -> memref<1x128xi32, #tpu.memory_space<vmem>>
        %dma_wait3A_170 = tpu.memref_squeeze %dma_wait3A_169 : memref<1x128xi32, #tpu.memory_space<vmem>> -> memref<128xi32, #tpu.memory_space<vmem>>
        %dma_wait3A_171 = arith.constant 0 : i32
        %dma_wait3A_172 = arith.constant 0 : i32
        %dma_wait3A_173 = tpu.memref_slice %arg10[%dma_wait3A_171, %dma_wait3A_172] : memref<10240x64xf32, #tpu.memory_space<vmem_shared>> -> memref<10240x64xf32, #tpu.memory_space<vmem_shared>>
        tpu.wait_indirect_dma semaphore(%run_scoped3A_161 : memref<!tpu.dma_semaphore, #tpu.memory_space<semaphore_mem>>) src(%arg9 : memref<128x64xf32, #tpu.memory_space<vmem>>) dst(%dma_wait3A_173 : memref<10240x64xf32, #tpu.memory_space<vmem_shared>>)
        tpu.yield
      }) : () -> ()
      %dma_start3A_101 = arith.constant 4 : i32
      %dma_start3A_102 = arith.constant 0 : i32
      %dma_start3A_103 = tpu.memref_slice %arg7[%dma_start3A_101, %dma_start3A_102] : memref<8x128xi32, #tpu.memory_space<vmem>> -> memref<1x128xi32, #tpu.memory_space<vmem>>
      %dma_start3A_104 = tpu.memref_squeeze %dma_start3A_103 : memref<1x128xi32, #tpu.memory_space<vmem>> -> memref<128xi32, #tpu.memory_space<vmem>>
      %dma_start3A_105 = arith.constant 0 : i32
      %dma_start3A_106 = arith.constant 0 : i32
      %dma_start3A_107 = tpu.memref_slice %arg4[%dma_start3A_105, %dma_start3A_106] : memref<10240x64xf32, #tpu.memory_space<hbm>> -> memref<10240x64xf32, #tpu.memory_space<hbm>>
      tpu.enqueue_indirect_dma source(%dma_start3A_107 : memref<10240x64xf32, #tpu.memory_space<hbm>>) target(%arg9 : memref<128x64xf32, #tpu.memory_space<vmem>>) offsets(%dma_start3A_104 : memref<128xi32, #tpu.memory_space<vmem>>) semaphore(%arg11 : memref<!tpu.dma_semaphore, #tpu.memory_space<semaphore_mem>>)
      %dma_wait3A_108 = arith.constant 4 : i32
      %dma_wait3A_109 = arith.constant 0 : i32
      %dma_wait3A_110 = tpu.memref_slice %arg7[%dma_wait3A_108, %dma_wait3A_109] : memref<8x128xi32, #tpu.memory_space<vmem>> -> memref<1x128xi32, #tpu.memory_space<vmem>>
      %dma_wait3A_111 = tpu.memref_squeeze %dma_wait3A_110 : memref<1x128xi32, #tpu.memory_space<vmem>> -> memref<128xi32, #tpu.memory_space<vmem>>
      %dma_wait3A_112 = arith.constant 0 : i32
      %dma_wait3A_113 = arith.constant 0 : i32
      %dma_wait3A_114 = tpu.memref_slice %arg4[%dma_wait3A_112, %dma_wait3A_113] : memref<10240x64xf32, #tpu.memory_space<hbm>> -> memref<10240x64xf32, #tpu.memory_space<hbm>>
      tpu.wait_indirect_dma semaphore(%arg11 : memref<!tpu.dma_semaphore, #tpu.memory_space<semaphore_mem>>) src(%dma_wait3A_114 : memref<10240x64xf32, #tpu.memory_space<hbm>>) dst(%arg9 : memref<128x64xf32, #tpu.memory_space<vmem>>)
      %run_scoped3A_115 = arith.constant 4 : i32
      "tpu.region"() ({
        %run_scoped3A_161 = tpu.sem_alloc : memref<!tpu.dma_semaphore, #tpu.memory_space<semaphore_mem>>
        %dma_start3A_162 = arith.constant 0 : i32
        %dma_start3A_163 = tpu.memref_slice %arg8[%run_scoped3A_115, %dma_start3A_162] : memref<8x128xi32, #tpu.memory_space<vmem>> -> memref<1x128xi32, #tpu.memory_space<vmem>>
        %dma_start3A_164 = tpu.memref_squeeze %dma_start3A_163 : memref<1x128xi32, #tpu.memory_space<vmem>> -> memref<128xi32, #tpu.memory_space<vmem>>
        %dma_start3A_165 = arith.constant 0 : i32
        %dma_start3A_166 = arith.constant 0 : i32
        %dma_start3A_167 = tpu.memref_slice %arg10[%dma_start3A_165, %dma_start3A_166] : memref<10240x64xf32, #tpu.memory_space<vmem_shared>> -> memref<10240x64xf32, #tpu.memory_space<vmem_shared>>
        tpu.enqueue_indirect_dma source(%arg9 : memref<128x64xf32, #tpu.memory_space<vmem>>) target(%dma_start3A_167 : memref<10240x64xf32, #tpu.memory_space<vmem_shared>>) offsets(%dma_start3A_164 : memref<128xi32, #tpu.memory_space<vmem>>) semaphore(%run_scoped3A_161 : memref<!tpu.dma_semaphore, #tpu.memory_space<semaphore_mem>>) {add = true}
        %dma_wait3A_168 = arith.constant 0 : i32
        %dma_wait3A_169 = tpu.memref_slice %arg8[%run_scoped3A_115, %dma_wait3A_168] : memref<8x128xi32, #tpu.memory_space<vmem>> -> memref<1x128xi32, #tpu.memory_space<vmem>>
        %dma_wait3A_170 = tpu.memref_squeeze %dma_wait3A_169 : memref<1x128xi32, #tpu.memory_space<vmem>> -> memref<128xi32, #tpu.memory_space<vmem>>
        %dma_wait3A_171 = arith.constant 0 : i32
        %dma_wait3A_172 = arith.constant 0 : i32
        %dma_wait3A_173 = tpu.memref_slice %arg10[%dma_wait3A_171, %dma_wait3A_172] : memref<10240x64xf32, #tpu.memory_space<vmem_shared>> -> memref<10240x64xf32, #tpu.memory_space<vmem_shared>>
        tpu.wait_indirect_dma semaphore(%run_scoped3A_161 : memref<!tpu.dma_semaphore, #tpu.memory_space<semaphore_mem>>) src(%arg9 : memref<128x64xf32, #tpu.memory_space<vmem>>) dst(%dma_wait3A_173 : memref<10240x64xf32, #tpu.memory_space<vmem_shared>>)
        tpu.yield
      }) : () -> ()
      %dma_start3A_116 = arith.constant 5 : i32
      %dma_start3A_117 = arith.constant 0 : i32
      %dma_start3A_118 = tpu.memref_slice %arg7[%dma_start3A_116, %dma_start3A_117] : memref<8x128xi32, #tpu.memory_space<vmem>> -> memref<1x128xi32, #tpu.memory_space<vmem>>
      %dma_start3A_119 = tpu.memref_squeeze %dma_start3A_118 : memref<1x128xi32, #tpu.memory_space<vmem>> -> memref<128xi32, #tpu.memory_space<vmem>>
      %dma_start3A_120 = arith.constant 0 : i32
      %dma_start3A_121 = arith.constant 0 : i32
      %dma_start3A_122 = tpu.memref_slice %arg4[%dma_start3A_120, %dma_start3A_121] : memref<10240x64xf32, #tpu.memory_space<hbm>> -> memref<10240x64xf32, #tpu.memory_space<hbm>>
      tpu.enqueue_indirect_dma source(%dma_start3A_122 : memref<10240x64xf32, #tpu.memory_space<hbm>>) target(%arg9 : memref<128x64xf32, #tpu.memory_space<vmem>>) offsets(%dma_start3A_119 : memref<128xi32, #tpu.memory_space<vmem>>) semaphore(%arg11 : memref<!tpu.dma_semaphore, #tpu.memory_space<semaphore_mem>>)
      %dma_wait3A_123 = arith.constant 5 : i32
      %dma_wait3A_124 = arith.constant 0 : i32
      %dma_wait3A_125 = tpu.memref_slice %arg7[%dma_wait3A_123, %dma_wait3A_124] : memref<8x128xi32, #tpu.memory_space<vmem>> -> memref<1x128xi32, #tpu.memory_space<vmem>>
      %dma_wait3A_126 = tpu.memref_squeeze %dma_wait3A_125 : memref<1x128xi32, #tpu.memory_space<vmem>> -> memref<128xi32, #tpu.memory_space<vmem>>
      %dma_wait3A_127 = arith.constant 0 : i32
      %dma_wait3A_128 = arith.constant 0 : i32
      %dma_wait3A_129 = tpu.memref_slice %arg4[%dma_wait3A_127, %dma_wait3A_128] : memref<10240x64xf32, #tpu.memory_space<hbm>> -> memref<10240x64xf32, #tpu.memory_space<hbm>>
      tpu.wait_indirect_dma semaphore(%arg11 : memref<!tpu.dma_semaphore, #tpu.memory_space<semaphore_mem>>) src(%dma_wait3A_129 : memref<10240x64xf32, #tpu.memory_space<hbm>>) dst(%arg9 : memref<128x64xf32, #tpu.memory_space<vmem>>)
      %run_scoped3A_130 = arith.constant 5 : i32
      "tpu.region"() ({
        %run_scoped3A_161 = tpu.sem_alloc : memref<!tpu.dma_semaphore, #tpu.memory_space<semaphore_mem>>
        %dma_start3A_162 = arith.constant 0 : i32
        %dma_start3A_163 = tpu.memref_slice %arg8[%run_scoped3A_130, %dma_start3A_162] : memref<8x128xi32, #tpu.memory_space<vmem>> -> memref<1x128xi32, #tpu.memory_space<vmem>>
        %dma_start3A_164 = tpu.memref_squeeze %dma_start3A_163 : memref<1x128xi32, #tpu.memory_space<vmem>> -> memref<128xi32, #tpu.memory_space<vmem>>
        %dma_start3A_165 = arith.constant 0 : i32
        %dma_start3A_166 = arith.constant 0 : i32
        %dma_start3A_167 = tpu.memref_slice %arg10[%dma_start3A_165, %dma_start3A_166] : memref<10240x64xf32, #tpu.memory_space<vmem_shared>> -> memref<10240x64xf32, #tpu.memory_space<vmem_shared>>
        tpu.enqueue_indirect_dma source(%arg9 : memref<128x64xf32, #tpu.memory_space<vmem>>) target(%dma_start3A_167 : memref<10240x64xf32, #tpu.memory_space<vmem_shared>>) offsets(%dma_start3A_164 : memref<128xi32, #tpu.memory_space<vmem>>) semaphore(%run_scoped3A_161 : memref<!tpu.dma_semaphore, #tpu.memory_space<semaphore_mem>>) {add = true}
        %dma_wait3A_168 = arith.constant 0 : i32
        %dma_wait3A_169 = tpu.memref_slice %arg8[%run_scoped3A_130, %dma_wait3A_168] : memref<8x128xi32, #tpu.memory_space<vmem>> -> memref<1x128xi32, #tpu.memory_space<vmem>>
        %dma_wait3A_170 = tpu.memref_squeeze %dma_wait3A_169 : memref<1x128xi32, #tpu.memory_space<vmem>> -> memref<128xi32, #tpu.memory_space<vmem>>
        %dma_wait3A_171 = arith.constant 0 : i32
        %dma_wait3A_172 = arith.constant 0 : i32
        %dma_wait3A_173 = tpu.memref_slice %arg10[%dma_wait3A_171, %dma_wait3A_172] : memref<10240x64xf32, #tpu.memory_space<vmem_shared>> -> memref<10240x64xf32, #tpu.memory_space<vmem_shared>>
        tpu.wait_indirect_dma semaphore(%run_scoped3A_161 : memref<!tpu.dma_semaphore, #tpu.memory_space<semaphore_mem>>) src(%arg9 : memref<128x64xf32, #tpu.memory_space<vmem>>) dst(%dma_wait3A_173 : memref<10240x64xf32, #tpu.memory_space<vmem_shared>>)
        tpu.yield
      }) : () -> ()
      %dma_start3A_131 = arith.constant 6 : i32
      %dma_start3A_132 = arith.constant 0 : i32
      %dma_start3A_133 = tpu.memref_slice %arg7[%dma_start3A_131, %dma_start3A_132] : memref<8x128xi32, #tpu.memory_space<vmem>> -> memref<1x128xi32, #tpu.memory_space<vmem>>
      %dma_start3A_134 = tpu.memref_squeeze %dma_start3A_133 : memref<1x128xi32, #tpu.memory_space<vmem>> -> memref<128xi32, #tpu.memory_space<vmem>>
      %dma_start3A_135 = arith.constant 0 : i32
      %dma_start3A_136 = arith.constant 0 : i32
      %dma_start3A_137 = tpu.memref_slice %arg4[%dma_start3A_135, %dma_start3A_136] : memref<10240x64xf32, #tpu.memory_space<hbm>> -> memref<10240x64xf32, #tpu.memory_space<hbm>>
      tpu.enqueue_indirect_dma source(%dma_start3A_137 : memref<10240x64xf32, #tpu.memory_space<hbm>>) target(%arg9 : memref<128x64xf32, #tpu.memory_space<vmem>>) offsets(%dma_start3A_134 : memref<128xi32, #tpu.memory_space<vmem>>) semaphore(%arg11 : memref<!tpu.dma_semaphore, #tpu.memory_space<semaphore_mem>>)
      %dma_wait3A_138 = arith.constant 6 : i32
      %dma_wait3A_139 = arith.constant 0 : i32
      %dma_wait3A_140 = tpu.memref_slice %arg7[%dma_wait3A_138, %dma_wait3A_139] : memref<8x128xi32, #tpu.memory_space<vmem>> -> memref<1x128xi32, #tpu.memory_space<vmem>>
      %dma_wait3A_141 = tpu.memref_squeeze %dma_wait3A_140 : memref<1x128xi32, #tpu.memory_space<vmem>> -> memref<128xi32, #tpu.memory_space<vmem>>
      %dma_wait3A_142 = arith.constant 0 : i32
      %dma_wait3A_143 = arith.constant 0 : i32
      %dma_wait3A_144 = tpu.memref_slice %arg4[%dma_wait3A_142, %dma_wait3A_143] : memref<10240x64xf32, #tpu.memory_space<hbm>> -> memref<10240x64xf32, #tpu.memory_space<hbm>>
      tpu.wait_indirect_dma semaphore(%arg11 : memref<!tpu.dma_semaphore, #tpu.memory_space<semaphore_mem>>) src(%dma_wait3A_144 : memref<10240x64xf32, #tpu.memory_space<hbm>>) dst(%arg9 : memref<128x64xf32, #tpu.memory_space<vmem>>)
      %run_scoped3A_145 = arith.constant 6 : i32
      "tpu.region"() ({
        %run_scoped3A_161 = tpu.sem_alloc : memref<!tpu.dma_semaphore, #tpu.memory_space<semaphore_mem>>
        %dma_start3A_162 = arith.constant 0 : i32
        %dma_start3A_163 = tpu.memref_slice %arg8[%run_scoped3A_145, %dma_start3A_162] : memref<8x128xi32, #tpu.memory_space<vmem>> -> memref<1x128xi32, #tpu.memory_space<vmem>>
        %dma_start3A_164 = tpu.memref_squeeze %dma_start3A_163 : memref<1x128xi32, #tpu.memory_space<vmem>> -> memref<128xi32, #tpu.memory_space<vmem>>
        %dma_start3A_165 = arith.constant 0 : i32
        %dma_start3A_166 = arith.constant 0 : i32
        %dma_start3A_167 = tpu.memref_slice %arg10[%dma_start3A_165, %dma_start3A_166] : memref<10240x64xf32, #tpu.memory_space<vmem_shared>> -> memref<10240x64xf32, #tpu.memory_space<vmem_shared>>
        tpu.enqueue_indirect_dma source(%arg9 : memref<128x64xf32, #tpu.memory_space<vmem>>) target(%dma_start3A_167 : memref<10240x64xf32, #tpu.memory_space<vmem_shared>>) offsets(%dma_start3A_164 : memref<128xi32, #tpu.memory_space<vmem>>) semaphore(%run_scoped3A_161 : memref<!tpu.dma_semaphore, #tpu.memory_space<semaphore_mem>>) {add = true}
        %dma_wait3A_168 = arith.constant 0 : i32
        %dma_wait3A_169 = tpu.memref_slice %arg8[%run_scoped3A_145, %dma_wait3A_168] : memref<8x128xi32, #tpu.memory_space<vmem>> -> memref<1x128xi32, #tpu.memory_space<vmem>>
        %dma_wait3A_170 = tpu.memref_squeeze %dma_wait3A_169 : memref<1x128xi32, #tpu.memory_space<vmem>> -> memref<128xi32, #tpu.memory_space<vmem>>
        %dma_wait3A_171 = arith.constant 0 : i32
        %dma_wait3A_172 = arith.constant 0 : i32
        %dma_wait3A_173 = tpu.memref_slice %arg10[%dma_wait3A_171, %dma_wait3A_172] : memref<10240x64xf32, #tpu.memory_space<vmem_shared>> -> memref<10240x64xf32, #tpu.memory_space<vmem_shared>>
        tpu.wait_indirect_dma semaphore(%run_scoped3A_161 : memref<!tpu.dma_semaphore, #tpu.memory_space<semaphore_mem>>) src(%arg9 : memref<128x64xf32, #tpu.memory_space<vmem>>) dst(%dma_wait3A_173 : memref<10240x64xf32, #tpu.memory_space<vmem_shared>>)
        tpu.yield
      }) : () -> ()
      %dma_start3A_146 = arith.constant 7 : i32
      %dma_start3A_147 = arith.constant 0 : i32
      %dma_start3A_148 = tpu.memref_slice %arg7[%dma_start3A_146, %dma_start3A_147] : memref<8x128xi32, #tpu.memory_space<vmem>> -> memref<1x128xi32, #tpu.memory_space<vmem>>
      %dma_start3A_149 = tpu.memref_squeeze %dma_start3A_148 : memref<1x128xi32, #tpu.memory_space<vmem>> -> memref<128xi32, #tpu.memory_space<vmem>>
      %dma_start3A_150 = arith.constant 0 : i32
      %dma_start3A_151 = arith.constant 0 : i32
      %dma_start3A_152 = tpu.memref_slice %arg4[%dma_start3A_150, %dma_start3A_151] : memref<10240x64xf32, #tpu.memory_space<hbm>> -> memref<10240x64xf32, #tpu.memory_space<hbm>>
      tpu.enqueue_indirect_dma source(%dma_start3A_152 : memref<10240x64xf32, #tpu.memory_space<hbm>>) target(%arg9 : memref<128x64xf32, #tpu.memory_space<vmem>>) offsets(%dma_start3A_149 : memref<128xi32, #tpu.memory_space<vmem>>) semaphore(%arg11 : memref<!tpu.dma_semaphore, #tpu.memory_space<semaphore_mem>>)
      %dma_wait3A_153 = arith.constant 7 : i32
      %dma_wait3A_154 = arith.constant 0 : i32
      %dma_wait3A_155 = tpu.memref_slice %arg7[%dma_wait3A_153, %dma_wait3A_154] : memref<8x128xi32, #tpu.memory_space<vmem>> -> memref<1x128xi32, #tpu.memory_space<vmem>>
      %dma_wait3A_156 = tpu.memref_squeeze %dma_wait3A_155 : memref<1x128xi32, #tpu.memory_space<vmem>> -> memref<128xi32, #tpu.memory_space<vmem>>
      %dma_wait3A_157 = arith.constant 0 : i32
      %dma_wait3A_158 = arith.constant 0 : i32
      %dma_wait3A_159 = tpu.memref_slice %arg4[%dma_wait3A_157, %dma_wait3A_158] : memref<10240x64xf32, #tpu.memory_space<hbm>> -> memref<10240x64xf32, #tpu.memory_space<hbm>>
      tpu.wait_indirect_dma semaphore(%arg11 : memref<!tpu.dma_semaphore, #tpu.memory_space<semaphore_mem>>) src(%dma_wait3A_159 : memref<10240x64xf32, #tpu.memory_space<hbm>>) dst(%arg9 : memref<128x64xf32, #tpu.memory_space<vmem>>)
      %run_scoped3A_160 = arith.constant 7 : i32
      "tpu.region"() ({
        %run_scoped3A_161 = tpu.sem_alloc : memref<!tpu.dma_semaphore, #tpu.memory_space<semaphore_mem>>
        %dma_start3A_162 = arith.constant 0 : i32
        %dma_start3A_163 = tpu.memref_slice %arg8[%run_scoped3A_160, %dma_start3A_162] : memref<8x128xi32, #tpu.memory_space<vmem>> -> memref<1x128xi32, #tpu.memory_space<vmem>>
        %dma_start3A_164 = tpu.memref_squeeze %dma_start3A_163 : memref<1x128xi32, #tpu.memory_space<vmem>> -> memref<128xi32, #tpu.memory_space<vmem>>
        %dma_start3A_165 = arith.constant 0 : i32
        %dma_start3A_166 = arith.constant 0 : i32
        %dma_start3A_167 = tpu.memref_slice %arg10[%dma_start3A_165, %dma_start3A_166] : memref<10240x64xf32, #tpu.memory_space<vmem_shared>> -> memref<10240x64xf32, #tpu.memory_space<vmem_shared>>
        tpu.enqueue_indirect_dma source(%arg9 : memref<128x64xf32, #tpu.memory_space<vmem>>) target(%dma_start3A_167 : memref<10240x64xf32, #tpu.memory_space<vmem_shared>>) offsets(%dma_start3A_164 : memref<128xi32, #tpu.memory_space<vmem>>) semaphore(%run_scoped3A_161 : memref<!tpu.dma_semaphore, #tpu.memory_space<semaphore_mem>>) {add = true}
        %dma_wait3A_168 = arith.constant 0 : i32
        %dma_wait3A_169 = tpu.memref_slice %arg8[%run_scoped3A_160, %dma_wait3A_168] : memref<8x128xi32, #tpu.memory_space<vmem>> -> memref<1x128xi32, #tpu.memory_space<vmem>>
        %dma_wait3A_170 = tpu.memref_squeeze %dma_wait3A_169 : memref<1x128xi32, #tpu.memory_space<vmem>> -> memref<128xi32, #tpu.memory_space<vmem>>
        %dma_wait3A_171 = arith.constant 0 : i32
        %dma_wait3A_172 = arith.constant 0 : i32
        %dma_wait3A_173 = tpu.memref_slice %arg10[%dma_wait3A_171, %dma_wait3A_172] : memref<10240x64xf32, #tpu.memory_space<vmem_shared>> -> memref<10240x64xf32, #tpu.memory_space<vmem_shared>>
        tpu.wait_indirect_dma semaphore(%run_scoped3A_161 : memref<!tpu.dma_semaphore, #tpu.memory_space<semaphore_mem>>) src(%arg9 : memref<128x64xf32, #tpu.memory_space<vmem>>) dst(%dma_wait3A_173 : memref<10240x64xf32, #tpu.memory_space<vmem_shared>>)
        tpu.yield
      }) : () -> ()
    }
    %scan3A_17 = arith.constant 10 : i32
    %barrier3A_18 = arith.constant 0 : index
    tpu.barrier barrier_id(%barrier3A_18)
    %add3A_19 = arith.constant 0 : i32
    %add3A_20 = arith.addi %mul3A_2, %add3A_19 : i32
    "tpu.region"() ({
      %run_scoped3A = tpu.sem_alloc : memref<!tpu.dma_semaphore, #tpu.memory_space<semaphore_mem>>
      %dma_start3A = arith.constant 0 : i32
      %dma_start3A_39 = tpu.memref_slice %arg10[%add3A_20, %dma_start3A] : memref<10240x64xf32, #tpu.memory_space<vmem_shared>> -> memref<128x64xf32, #tpu.memory_space<vmem_shared>>
      %dma_start3A_40 = arith.constant 0 : i32
      %dma_start3A_41 = tpu.memref_slice %arg10[%add3A_20, %dma_start3A_40] : memref<10240x64xf32, #tpu.memory_space<vmem_shared>> -> memref<128x64xf32, #tpu.memory_space<vmem_shared>>
      tpu.enqueue_dma source(%dma_start3A_41 : memref<128x64xf32, #tpu.memory_space<vmem_shared>>) target(%arg9 : memref<128x64xf32, #tpu.memory_space<vmem>>) target_semaphore(%run_scoped3A : memref<!tpu.dma_semaphore, #tpu.memory_space<semaphore_mem>>)
      %dma_wait3A = arith.constant 0 : i32
      %dma_wait3A_42 = tpu.memref_slice %arg10[%add3A_20, %dma_wait3A] : memref<10240x64xf32, #tpu.memory_space<vmem_shared>> -> memref<128x64xf32, #tpu.memory_space<vmem_shared>>
      %dma_wait3A_43 = arith.constant 0 : i32
      %dma_wait3A_44 = tpu.memref_slice %arg10[%add3A_20, %dma_wait3A_43] : memref<10240x64xf32, #tpu.memory_space<vmem_shared>> -> memref<128x64xf32, #tpu.memory_space<vmem_shared>>
      tpu.wait_dma2 semaphore(%run_scoped3A : memref<!tpu.dma_semaphore, #tpu.memory_space<semaphore_mem>>) src(%dma_wait3A_44 : memref<128x64xf32, #tpu.memory_space<vmem_shared>>) dst(%arg9 : memref<128x64xf32, #tpu.memory_space<vmem>>)
      tpu.yield
    }) : () -> ()
    %add3A_21 = arith.constant 0 : i32
    %add3A_22 = arith.addi %mul3A_2, %add3A_21 : i32
    "tpu.region"() ({
      %run_scoped3A = tpu.sem_alloc : memref<!tpu.dma_semaphore, #tpu.memory_space<semaphore_mem>>
      %dma_start3A = arith.constant 0 : i32
      %dma_start3A_39 = tpu.memref_slice %arg6[%arg0, %add3A_22, %dma_start3A] : memref<2x10240x64xf32, #tpu.memory_space<hbm>> -> memref<1x128x64xf32, #tpu.memory_space<hbm>>
      %dma_start3A_40 = tpu.memref_squeeze %dma_start3A_39 : memref<1x128x64xf32, #tpu.memory_space<hbm>> -> memref<128x64xf32, #tpu.memory_space<hbm>>
      %dma_start3A_41 = arith.constant 0 : i32
      %dma_start3A_42 = tpu.memref_slice %arg6[%arg0, %add3A_22, %dma_start3A_41] : memref<2x10240x64xf32, #tpu.memory_space<hbm>> -> memref<1x128x64xf32, #tpu.memory_space<hbm>>
      %dma_start3A_43 = tpu.memref_squeeze %dma_start3A_42 : memref<1x128x64xf32, #tpu.memory_space<hbm>> -> memref<128x64xf32, #tpu.memory_space<hbm>>
      tpu.enqueue_dma source(%arg9 : memref<128x64xf32, #tpu.memory_space<vmem>>) target(%dma_start3A_43 : memref<128x64xf32, #tpu.memory_space<hbm>>) target_semaphore(%run_scoped3A : memref<!tpu.dma_semaphore, #tpu.memory_space<semaphore_mem>>)
      %dma_wait3A = arith.constant 0 : i32
      %dma_wait3A_44 = tpu.memref_slice %arg6[%arg0, %add3A_22, %dma_wait3A] : memref<2x10240x64xf32, #tpu.memory_space<hbm>> -> memref<1x128x64xf32, #tpu.memory_space<hbm>>
      %dma_wait3A_45 = tpu.memref_squeeze %dma_wait3A_44 : memref<1x128x64xf32, #tpu.memory_space<hbm>> -> memref<128x64xf32, #tpu.memory_space<hbm>>
      %dma_wait3A_46 = arith.constant 0 : i32
      %dma_wait3A_47 = tpu.memref_slice %arg6[%arg0, %add3A_22, %dma_wait3A_46] : memref<2x10240x64xf32, #tpu.memory_space<hbm>> -> memref<1x128x64xf32, #tpu.memory_space<hbm>>
      %dma_wait3A_48 = tpu.memref_squeeze %dma_wait3A_47 : memref<1x128x64xf32, #tpu.memory_space<hbm>> -> memref<128x64xf32, #tpu.memory_space<hbm>>
      tpu.wait_dma2 semaphore(%run_scoped3A : memref<!tpu.dma_semaphore, #tpu.memory_space<semaphore_mem>>) src(%arg9 : memref<128x64xf32, #tpu.memory_space<vmem>>) dst(%dma_wait3A_48 : memref<128x64xf32, #tpu.memory_space<hbm>>)
      tpu.yield
    }) : () -> ()
    %add3A_23 = arith.constant 128 : i32
    %add3A_24 = arith.addi %mul3A_2, %add3A_23 : i32
    "tpu.region"() ({
      %run_scoped3A = tpu.sem_alloc : memref<!tpu.dma_semaphore, #tpu.memory_space<semaphore_mem>>
      %dma_start3A = arith.constant 0 : i32
      %dma_start3A_39 = tpu.memref_slice %arg10[%add3A_24, %dma_start3A] : memref<10240x64xf32, #tpu.memory_space<vmem_shared>> -> memref<128x64xf32, #tpu.memory_space<vmem_shared>>
      %dma_start3A_40 = arith.constant 0 : i32
      %dma_start3A_41 = tpu.memref_slice %arg10[%add3A_24, %dma_start3A_40] : memref<10240x64xf32, #tpu.memory_space<vmem_shared>> -> memref<128x64xf32, #tpu.memory_space<vmem_shared>>
      tpu.enqueue_dma source(%dma_start3A_41 : memref<128x64xf32, #tpu.memory_space<vmem_shared>>) target(%arg9 : memref<128x64xf32, #tpu.memory_space<vmem>>) target_semaphore(%run_scoped3A : memref<!tpu.dma_semaphore, #tpu.memory_space<semaphore_mem>>)
      %dma_wait3A = arith.constant 0 : i32
      %dma_wait3A_42 = tpu.memref_slice %arg10[%add3A_24, %dma_wait3A] : memref<10240x64xf32, #tpu.memory_space<vmem_shared>> -> memref<128x64xf32, #tpu.memory_space<vmem_shared>>
      %dma_wait3A_43 = arith.constant 0 : i32
      %dma_wait3A_44 = tpu.memref_slice %arg10[%add3A_24, %dma_wait3A_43] : memref<10240x64xf32, #tpu.memory_space<vmem_shared>> -> memref<128x64xf32, #tpu.memory_space<vmem_shared>>
      tpu.wait_dma2 semaphore(%run_scoped3A : memref<!tpu.dma_semaphore, #tpu.memory_space<semaphore_mem>>) src(%dma_wait3A_44 : memref<128x64xf32, #tpu.memory_space<vmem_shared>>) dst(%arg9 : memref<128x64xf32, #tpu.memory_space<vmem>>)
      tpu.yield
    }) : () -> ()
    %add3A_25 = arith.constant 128 : i32
    %add3A_26 = arith.addi %mul3A_2, %add3A_25 : i32
    "tpu.region"() ({
      %run_scoped3A = tpu.sem_alloc : memref<!tpu.dma_semaphore, #tpu.memory_space<semaphore_mem>>
      %dma_start3A = arith.constant 0 : i32
      %dma_start3A_39 = tpu.memref_slice %arg6[%arg0, %add3A_26, %dma_start3A] : memref<2x10240x64xf32, #tpu.memory_space<hbm>> -> memref<1x128x64xf32, #tpu.memory_space<hbm>>
      %dma_start3A_40 = tpu.memref_squeeze %dma_start3A_39 : memref<1x128x64xf32, #tpu.memory_space<hbm>> -> memref<128x64xf32, #tpu.memory_space<hbm>>
      %dma_start3A_41 = arith.constant 0 : i32
      %dma_start3A_42 = tpu.memref_slice %arg6[%arg0, %add3A_26, %dma_start3A_41] : memref<2x10240x64xf32, #tpu.memory_space<hbm>> -> memref<1x128x64xf32, #tpu.memory_space<hbm>>
      %dma_start3A_43 = tpu.memref_squeeze %dma_start3A_42 : memref<1x128x64xf32, #tpu.memory_space<hbm>> -> memref<128x64xf32, #tpu.memory_space<hbm>>
      tpu.enqueue_dma source(%arg9 : memref<128x64xf32, #tpu.memory_space<vmem>>) target(%dma_start3A_43 : memref<128x64xf32, #tpu.memory_space<hbm>>) target_semaphore(%run_scoped3A : memref<!tpu.dma_semaphore, #tpu.memory_space<semaphore_mem>>)
      %dma_wait3A = arith.constant 0 : i32
      %dma_wait3A_44 = tpu.memref_slice %arg6[%arg0, %add3A_26, %dma_wait3A] : memref<2x10240x64xf32, #tpu.memory_space<hbm>> -> memref<1x128x64xf32, #tpu.memory_space<hbm>>
      %dma_wait3A_45 = tpu.memref_squeeze %dma_wait3A_44 : memref<1x128x64xf32, #tpu.memory_space<hbm>> -> memref<128x64xf32, #tpu.memory_space<hbm>>
      %dma_wait3A_46 = arith.constant 0 : i32
      %dma_wait3A_47 = tpu.memref_slice %arg6[%arg0, %add3A_26, %dma_wait3A_46] : memref<2x10240x64xf32, #tpu.memory_space<hbm>> -> memref<1x128x64xf32, #tpu.memory_space<hbm>>
      %dma_wait3A_48 = tpu.memref_squeeze %dma_wait3A_47 : memref<1x128x64xf32, #tpu.memory_space<hbm>> -> memref<128x64xf32, #tpu.memory_space<hbm>>
      tpu.wait_dma2 semaphore(%run_scoped3A : memref<!tpu.dma_semaphore, #tpu.memory_space<semaphore_mem>>) src(%arg9 : memref<128x64xf32, #tpu.memory_space<vmem>>) dst(%dma_wait3A_48 : memref<128x64xf32, #tpu.memory_space<hbm>>)
      tpu.yield
    }) : () -> ()
    %add3A_27 = arith.constant 256 : i32
    %add3A_28 = arith.addi %mul3A_2, %add3A_27 : i32
    "tpu.region"() ({
      %run_scoped3A = tpu.sem_alloc : memref<!tpu.dma_semaphore, #tpu.memory_space<semaphore_mem>>
      %dma_start3A = arith.constant 0 : i32
      %dma_start3A_39 = tpu.memref_slice %arg10[%add3A_28, %dma_start3A] : memref<10240x64xf32, #tpu.memory_space<vmem_shared>> -> memref<128x64xf32, #tpu.memory_space<vmem_shared>>
      %dma_start3A_40 = arith.constant 0 : i32
      %dma_start3A_41 = tpu.memref_slice %arg10[%add3A_28, %dma_start3A_40] : memref<10240x64xf32, #tpu.memory_space<vmem_shared>> -> memref<128x64xf32, #tpu.memory_space<vmem_shared>>
      tpu.enqueue_dma source(%dma_start3A_41 : memref<128x64xf32, #tpu.memory_space<vmem_shared>>) target(%arg9 : memref<128x64xf32, #tpu.memory_space<vmem>>) target_semaphore(%run_scoped3A : memref<!tpu.dma_semaphore, #tpu.memory_space<semaphore_mem>>)
      %dma_wait3A = arith.constant 0 : i32
      %dma_wait3A_42 = tpu.memref_slice %arg10[%add3A_28, %dma_wait3A] : memref<10240x64xf32, #tpu.memory_space<vmem_shared>> -> memref<128x64xf32, #tpu.memory_space<vmem_shared>>
      %dma_wait3A_43 = arith.constant 0 : i32
      %dma_wait3A_44 = tpu.memref_slice %arg10[%add3A_28, %dma_wait3A_43] : memref<10240x64xf32, #tpu.memory_space<vmem_shared>> -> memref<128x64xf32, #tpu.memory_space<vmem_shared>>
      tpu.wait_dma2 semaphore(%run_scoped3A : memref<!tpu.dma_semaphore, #tpu.memory_space<semaphore_mem>>) src(%dma_wait3A_44 : memref<128x64xf32, #tpu.memory_space<vmem_shared>>) dst(%arg9 : memref<128x64xf32, #tpu.memory_space<vmem>>)
      tpu.yield
    }) : () -> ()
    %add3A_29 = arith.constant 256 : i32
    %add3A_30 = arith.addi %mul3A_2, %add3A_29 : i32
    "tpu.region"() ({
      %run_scoped3A = tpu.sem_alloc : memref<!tpu.dma_semaphore, #tpu.memory_space<semaphore_mem>>
      %dma_start3A = arith.constant 0 : i32
      %dma_start3A_39 = tpu.memref_slice %arg6[%arg0, %add3A_30, %dma_start3A] : memref<2x10240x64xf32, #tpu.memory_space<hbm>> -> memref<1x128x64xf32, #tpu.memory_space<hbm>>
      %dma_start3A_40 = tpu.memref_squeeze %dma_start3A_39 : memref<1x128x64xf32, #tpu.memory_space<hbm>> -> memref<128x64xf32, #tpu.memory_space<hbm>>
      %dma_start3A_41 = arith.constant 0 : i32
      %dma_start3A_42 = tpu.memref_slice %arg6[%arg0, %add3A_30, %dma_start3A_41] : memref<2x10240x64xf32, #tpu.memory_space<hbm>> -> memref<1x128x64xf32, #tpu.memory_space<hbm>>
      %dma_start3A_43 = tpu.memref_squeeze %dma_start3A_42 : memref<1x128x64xf32, #tpu.memory_space<hbm>> -> memref<128x64xf32, #tpu.memory_space<hbm>>
      tpu.enqueue_dma source(%arg9 : memref<128x64xf32, #tpu.memory_space<vmem>>) target(%dma_start3A_43 : memref<128x64xf32, #tpu.memory_space<hbm>>) target_semaphore(%run_scoped3A : memref<!tpu.dma_semaphore, #tpu.memory_space<semaphore_mem>>)
      %dma_wait3A = arith.constant 0 : i32
      %dma_wait3A_44 = tpu.memref_slice %arg6[%arg0, %add3A_30, %dma_wait3A] : memref<2x10240x64xf32, #tpu.memory_space<hbm>> -> memref<1x128x64xf32, #tpu.memory_space<hbm>>
      %dma_wait3A_45 = tpu.memref_squeeze %dma_wait3A_44 : memref<1x128x64xf32, #tpu.memory_space<hbm>> -> memref<128x64xf32, #tpu.memory_space<hbm>>
      %dma_wait3A_46 = arith.constant 0 : i32
      %dma_wait3A_47 = tpu.memref_slice %arg6[%arg0, %add3A_30, %dma_wait3A_46] : memref<2x10240x64xf32, #tpu.memory_space<hbm>> -> memref<1x128x64xf32, #tpu.memory_space<hbm>>
      %dma_wait3A_48 = tpu.memref_squeeze %dma_wait3A_47 : memref<1x128x64xf32, #tpu.memory_space<hbm>> -> memref<128x64xf32, #tpu.memory_space<hbm>>
      tpu.wait_dma2 semaphore(%run_scoped3A : memref<!tpu.dma_semaphore, #tpu.memory_space<semaphore_mem>>) src(%arg9 : memref<128x64xf32, #tpu.memory_space<vmem>>) dst(%dma_wait3A_48 : memref<128x64xf32, #tpu.memory_space<hbm>>)
      tpu.yield
    }) : () -> ()
    %add3A_31 = arith.constant 384 : i32
    %add3A_32 = arith.addi %mul3A_2, %add3A_31 : i32
    "tpu.region"() ({
      %run_scoped3A = tpu.sem_alloc : memref<!tpu.dma_semaphore, #tpu.memory_space<semaphore_mem>>
      %dma_start3A = arith.constant 0 : i32
      %dma_start3A_39 = tpu.memref_slice %arg10[%add3A_32, %dma_start3A] : memref<10240x64xf32, #tpu.memory_space<vmem_shared>> -> memref<128x64xf32, #tpu.memory_space<vmem_shared>>
      %dma_start3A_40 = arith.constant 0 : i32
      %dma_start3A_41 = tpu.memref_slice %arg10[%add3A_32, %dma_start3A_40] : memref<10240x64xf32, #tpu.memory_space<vmem_shared>> -> memref<128x64xf32, #tpu.memory_space<vmem_shared>>
      tpu.enqueue_dma source(%dma_start3A_41 : memref<128x64xf32, #tpu.memory_space<vmem_shared>>) target(%arg9 : memref<128x64xf32, #tpu.memory_space<vmem>>) target_semaphore(%run_scoped3A : memref<!tpu.dma_semaphore, #tpu.memory_space<semaphore_mem>>)
      %dma_wait3A = arith.constant 0 : i32
      %dma_wait3A_42 = tpu.memref_slice %arg10[%add3A_32, %dma_wait3A] : memref<10240x64xf32, #tpu.memory_space<vmem_shared>> -> memref<128x64xf32, #tpu.memory_space<vmem_shared>>
      %dma_wait3A_43 = arith.constant 0 : i32
      %dma_wait3A_44 = tpu.memref_slice %arg10[%add3A_32, %dma_wait3A_43] : memref<10240x64xf32, #tpu.memory_space<vmem_shared>> -> memref<128x64xf32, #tpu.memory_space<vmem_shared>>
      tpu.wait_dma2 semaphore(%run_scoped3A : memref<!tpu.dma_semaphore, #tpu.memory_space<semaphore_mem>>) src(%dma_wait3A_44 : memref<128x64xf32, #tpu.memory_space<vmem_shared>>) dst(%arg9 : memref<128x64xf32, #tpu.memory_space<vmem>>)
      tpu.yield
    }) : () -> ()
    %add3A_33 = arith.constant 384 : i32
    %add3A_34 = arith.addi %mul3A_2, %add3A_33 : i32
    "tpu.region"() ({
      %run_scoped3A = tpu.sem_alloc : memref<!tpu.dma_semaphore, #tpu.memory_space<semaphore_mem>>
      %dma_start3A = arith.constant 0 : i32
      %dma_start3A_39 = tpu.memref_slice %arg6[%arg0, %add3A_34, %dma_start3A] : memref<2x10240x64xf32, #tpu.memory_space<hbm>> -> memref<1x128x64xf32, #tpu.memory_space<hbm>>
      %dma_start3A_40 = tpu.memref_squeeze %dma_start3A_39 : memref<1x128x64xf32, #tpu.memory_space<hbm>> -> memref<128x64xf32, #tpu.memory_space<hbm>>
      %dma_start3A_41 = arith.constant 0 : i32
      %dma_start3A_42 = tpu.memref_slice %arg6[%arg0, %add3A_34, %dma_start3A_41] : memref<2x10240x64xf32, #tpu.memory_space<hbm>> -> memref<1x128x64xf32, #tpu.memory_space<hbm>>
      %dma_start3A_43 = tpu.memref_squeeze %dma_start3A_42 : memref<1x128x64xf32, #tpu.memory_space<hbm>> -> memref<128x64xf32, #tpu.memory_space<hbm>>
      tpu.enqueue_dma source(%arg9 : memref<128x64xf32, #tpu.memory_space<vmem>>) target(%dma_start3A_43 : memref<128x64xf32, #tpu.memory_space<hbm>>) target_semaphore(%run_scoped3A : memref<!tpu.dma_semaphore, #tpu.memory_space<semaphore_mem>>)
      %dma_wait3A = arith.constant 0 : i32
      %dma_wait3A_44 = tpu.memref_slice %arg6[%arg0, %add3A_34, %dma_wait3A] : memref<2x10240x64xf32, #tpu.memory_space<hbm>> -> memref<1x128x64xf32, #tpu.memory_space<hbm>>
      %dma_wait3A_45 = tpu.memref_squeeze %dma_wait3A_44 : memref<1x128x64xf32, #tpu.memory_space<hbm>> -> memref<128x64xf32, #tpu.memory_space<hbm>>
      %dma_wait3A_46 = arith.constant 0 : i32
      %dma_wait3A_47 = tpu.memref_slice %arg6[%arg0, %add3A_34, %dma_wait3A_46] : memref<2x10240x64xf32, #tpu.memory_space<hbm>> -> memref<1x128x64xf32, #tpu.memory_space<hbm>>
      %dma_wait3A_48 = tpu.memref_squeeze %dma_wait3A_47 : memref<1x128x64xf32, #tpu.memory_space<hbm>> -> memref<128x64xf32, #tpu.memory_space<hbm>>
      tpu.wait_dma2 semaphore(%run_scoped3A : memref<!tpu.dma_semaphore, #tpu.memory_space<semaphore_mem>>) src(%arg9 : memref<128x64xf32, #tpu.memory_space<vmem>>) dst(%dma_wait3A_48 : memref<128x64xf32, #tpu.memory_space<hbm>>)
      tpu.yield
    }) : () -> ()
    %add3A_35 = arith.constant 512 : i32
    %add3A_36 = arith.addi %mul3A_2, %add3A_35 : i32
    "tpu.region"() ({
      %run_scoped3A = tpu.sem_alloc : memref<!tpu.dma_semaphore, #tpu.memory_space<semaphore_mem>>
      %dma_start3A = arith.constant 0 : i32
      %dma_start3A_39 = tpu.memref_slice %arg10[%add3A_36, %dma_start3A] : memref<10240x64xf32, #tpu.memory_space<vmem_shared>> -> memref<128x64xf32, #tpu.memory_space<vmem_shared>>
      %dma_start3A_40 = arith.constant 0 : i32
      %dma_start3A_41 = tpu.memref_slice %arg10[%add3A_36, %dma_start3A_40] : memref<10240x64xf32, #tpu.memory_space<vmem_shared>> -> memref<128x64xf32, #tpu.memory_space<vmem_shared>>
      tpu.enqueue_dma source(%dma_start3A_41 : memref<128x64xf32, #tpu.memory_space<vmem_shared>>) target(%arg9 : memref<128x64xf32, #tpu.memory_space<vmem>>) target_semaphore(%run_scoped3A : memref<!tpu.dma_semaphore, #tpu.memory_space<semaphore_mem>>)
      %dma_wait3A = arith.constant 0 : i32
      %dma_wait3A_42 = tpu.memref_slice %arg10[%add3A_36, %dma_wait3A] : memref<10240x64xf32, #tpu.memory_space<vmem_shared>> -> memref<128x64xf32, #tpu.memory_space<vmem_shared>>
      %dma_wait3A_43 = arith.constant 0 : i32
      %dma_wait3A_44 = tpu.memref_slice %arg10[%add3A_36, %dma_wait3A_43] : memref<10240x64xf32, #tpu.memory_space<vmem_shared>> -> memref<128x64xf32, #tpu.memory_space<vmem_shared>>
      tpu.wait_dma2 semaphore(%run_scoped3A : memref<!tpu.dma_semaphore, #tpu.memory_space<semaphore_mem>>) src(%dma_wait3A_44 : memref<128x64xf32, #tpu.memory_space<vmem_shared>>) dst(%arg9 : memref<128x64xf32, #tpu.memory_space<vmem>>)
      tpu.yield
    }) : () -> ()
    %add3A_37 = arith.constant 512 : i32
    %add3A_38 = arith.addi %mul3A_2, %add3A_37 : i32
    "tpu.region"() ({
      %run_scoped3A = tpu.sem_alloc : memref<!tpu.dma_semaphore, #tpu.memory_space<semaphore_mem>>
      %dma_start3A = arith.constant 0 : i32
      %dma_start3A_39 = tpu.memref_slice %arg6[%arg0, %add3A_38, %dma_start3A] : memref<2x10240x64xf32, #tpu.memory_space<hbm>> -> memref<1x128x64xf32, #tpu.memory_space<hbm>>
      %dma_start3A_40 = tpu.memref_squeeze %dma_start3A_39 : memref<1x128x64xf32, #tpu.memory_space<hbm>> -> memref<128x64xf32, #tpu.memory_space<hbm>>
      %dma_start3A_41 = arith.constant 0 : i32
      %dma_start3A_42 = tpu.memref_slice %arg6[%arg0, %add3A_38, %dma_start3A_41] : memref<2x10240x64xf32, #tpu.memory_space<hbm>> -> memref<1x128x64xf32, #tpu.memory_space<hbm>>
      %dma_start3A_43 = tpu.memref_squeeze %dma_start3A_42 : memref<1x128x64xf32, #tpu.memory_space<hbm>> -> memref<128x64xf32, #tpu.memory_space<hbm>>
      tpu.enqueue_dma source(%arg9 : memref<128x64xf32, #tpu.memory_space<vmem>>) target(%dma_start3A_43 : memref<128x64xf32, #tpu.memory_space<hbm>>) target_semaphore(%run_scoped3A : memref<!tpu.dma_semaphore, #tpu.memory_space<semaphore_mem>>)
      %dma_wait3A = arith.constant 0 : i32
      %dma_wait3A_44 = tpu.memref_slice %arg6[%arg0, %add3A_38, %dma_wait3A] : memref<2x10240x64xf32, #tpu.memory_space<hbm>> -> memref<1x128x64xf32, #tpu.memory_space<hbm>>
      %dma_wait3A_45 = tpu.memref_squeeze %dma_wait3A_44 : memref<1x128x64xf32, #tpu.memory_space<hbm>> -> memref<128x64xf32, #tpu.memory_space<hbm>>
      %dma_wait3A_46 = arith.constant 0 : i32
      %dma_wait3A_47 = tpu.memref_slice %arg6[%arg0, %add3A_38, %dma_wait3A_46] : memref<2x10240x64xf32, #tpu.memory_space<hbm>> -> memref<1x128x64xf32, #tpu.memory_space<hbm>>
      %dma_wait3A_48 = tpu.memref_squeeze %dma_wait3A_47 : memref<1x128x64xf32, #tpu.memory_space<hbm>> -> memref<128x64xf32, #tpu.memory_space<hbm>>
      tpu.wait_dma2 semaphore(%run_scoped3A : memref<!tpu.dma_semaphore, #tpu.memory_space<semaphore_mem>>) src(%arg9 : memref<128x64xf32, #tpu.memory_space<vmem>>) dst(%dma_wait3A_48 : memref<128x64xf32, #tpu.memory_space<hbm>>)
      tpu.yield
    }) : () -> ()
    return
  }
}

#map = affine_map<(d0, d1) -> (0, 0, 0)>
#map1 = affine_map<(d0, d1) -> (0, 0)>
module attributes {stable_mosaic.version = 14 : i64} {
  func.func @_n2n_kernel_body(%arg0: i32, %arg1: i32, %arg2: memref<32x80x128xi32, #tpu.memory_space<hbm>>, %arg3: memref<32x80x128xi32, #tpu.memory_space<hbm>>, %arg4: memref<10240x64xf32, #tpu.memory_space<hbm>>, %arg5: memref<128x64xf32, #tpu.memory_space<hbm>>, %arg6: memref<2x10240x64xf32, #tpu.memory_space<hbm>>, %arg7: memref<8x128xi32, #tpu.memory_space<vmem>>, %arg8: memref<8x128xi32, #tpu.memory_space<vmem>>, %arg9: memref<128x64xf32, #tpu.memory_space<vmem>>, %arg10: memref<10240x64xf32, #tpu.memory_space<vmem_shared>>, %arg11: memref<!tpu.dma_semaphore, #tpu.memory_space<semaphore_mem>>) attributes {dimension_semantics = [#tpu.dimension_semantics<core_parallel>, #tpu.dimension_semantics<subcore_parallel>], iteration_bounds = array<i64: 2, 16>, scalar_prefetch = 0 : i64, scratch_operands = 5 : i64, tpu.core_type = #tpu.core_type<sc_vector_subcore>, window_params = [{transform_indices = #map}, {transform_indices = #map}, {transform_indices = #map1}, {transform_indices = #map1}, {transform_indices = #map}]} {
    %mul3A = arith.constant 2 : i32
    %mul3A_0 = arith.muli %arg1, %mul3A : i32
    %add3A = arith.addi %mul3A_0, %arg0 : i32
    %mul3A_1 = arith.constant 640 : i32
    %mul3A_2 = arith.muli %arg1, %mul3A_1 : i32
    "tpu.region"() ({
      %run_scoped3A = tpu.sem_alloc : memref<!tpu.dma_semaphore, #tpu.memory_space<semaphore_mem>>
      tpu.enqueue_dma source(%arg5 : memref<128x64xf32, #tpu.memory_space<hbm>>) target(%arg9 : memref<128x64xf32, #tpu.memory_space<vmem>>) target_semaphore(%run_scoped3A : memref<!tpu.dma_semaphore, #tpu.memory_space<semaphore_mem>>)
      tpu.wait_dma2 semaphore(%run_scoped3A : memref<!tpu.dma_semaphore, #tpu.memory_space<semaphore_mem>>) src(%arg5 : memref<128x64xf32, #tpu.memory_space<hbm>>) dst(%arg9 : memref<128x64xf32, #tpu.memory_space<vmem>>)
      tpu.yield
    }) : () -> ()
    %add3A_3 = arith.constant 0 : i32
    %add3A_4 = arith.addi %mul3A_2, %add3A_3 : i32
    "tpu.region"() ({
      %run_scoped3A = tpu.sem_alloc : memref<!tpu.dma_semaphore, #tpu.memory_space<semaphore_mem>>
      %dma_start3A = arith.constant 0 : i32
      %dma_start3A_39 = tpu.memref_slice %arg10[%add3A_4, %dma_start3A] : memref<10240x64xf32, #tpu.memory_space<vmem_shared>> -> memref<128x64xf32, #tpu.memory_space<vmem_shared>>
      %dma_start3A_40 = arith.constant 0 : i32
      %dma_start3A_41 = tpu.memref_slice %arg10[%add3A_4, %dma_start3A_40] : memref<10240x64xf32, #tpu.memory_space<vmem_shared>> -> memref<128x64xf32, #tpu.memory_space<vmem_shared>>
      tpu.enqueue_dma source(%arg9 : memref<128x64xf32, #tpu.memory_space<vmem>>) target(%dma_start3A_41 : memref<128x64xf32, #tpu.memory_space<vmem_shared>>) target_semaphore(%run_scoped3A : memref<!tpu.dma_semaphore, #tpu.memory_space<semaphore_mem>>)
      %dma_wait3A = arith.constant 0 : i32
      %dma_wait3A_42 = tpu.memref_slice %arg10[%add3A_4, %dma_wait3A] : memref<10240x64xf32, #tpu.memory_space<vmem_shared>> -> memref<128x64xf32, #tpu.memory_space<vmem_shared>>
      %dma_wait3A_43 = arith.constant 0 : i32
      %dma_wait3A_44 = tpu.memref_slice %arg10[%add3A_4, %dma_wait3A_43] : memref<10240x64xf32, #tpu.memory_space<vmem_shared>> -> memref<128x64xf32, #tpu.memory_space<vmem_shared>>
      tpu.wait_dma2 semaphore(%run_scoped3A : memref<!tpu.dma_semaphore, #tpu.memory_space<semaphore_mem>>) src(%arg9 : memref<128x64xf32, #tpu.memory_space<vmem>>) dst(%dma_wait3A_44 : memref<128x64xf32, #tpu.memory_space<vmem_shared>>)
      tpu.yield
    }) : () -> ()
    %add3A_5 = arith.constant 128 : i32
    %add3A_6 = arith.addi %mul3A_2, %add3A_5 : i32
    "tpu.region"() ({
      %run_scoped3A = tpu.sem_alloc : memref<!tpu.dma_semaphore, #tpu.memory_space<semaphore_mem>>
      %dma_start3A = arith.constant 0 : i32
      %dma_start3A_39 = tpu.memref_slice %arg10[%add3A_6, %dma_start3A] : memref<10240x64xf32, #tpu.memory_space<vmem_shared>> -> memref<128x64xf32, #tpu.memory_space<vmem_shared>>
      %dma_start3A_40 = arith.constant 0 : i32
      %dma_start3A_41 = tpu.memref_slice %arg10[%add3A_6, %dma_start3A_40] : memref<10240x64xf32, #tpu.memory_space<vmem_shared>> -> memref<128x64xf32, #tpu.memory_space<vmem_shared>>
      tpu.enqueue_dma source(%arg9 : memref<128x64xf32, #tpu.memory_space<vmem>>) target(%dma_start3A_41 : memref<128x64xf32, #tpu.memory_space<vmem_shared>>) target_semaphore(%run_scoped3A : memref<!tpu.dma_semaphore, #tpu.memory_space<semaphore_mem>>)
      %dma_wait3A = arith.constant 0 : i32
      %dma_wait3A_42 = tpu.memref_slice %arg10[%add3A_6, %dma_wait3A] : memref<10240x64xf32, #tpu.memory_space<vmem_shared>> -> memref<128x64xf32, #tpu.memory_space<vmem_shared>>
      %dma_wait3A_43 = arith.constant 0 : i32
      %dma_wait3A_44 = tpu.memref_slice %arg10[%add3A_6, %dma_wait3A_43] : memref<10240x64xf32, #tpu.memory_space<vmem_shared>> -> memref<128x64xf32, #tpu.memory_space<vmem_shared>>
      tpu.wait_dma2 semaphore(%run_scoped3A : memref<!tpu.dma_semaphore, #tpu.memory_space<semaphore_mem>>) src(%arg9 : memref<128x64xf32, #tpu.memory_space<vmem>>) dst(%dma_wait3A_44 : memref<128x64xf32, #tpu.memory_space<vmem_shared>>)
      tpu.yield
    }) : () -> ()
    %add3A_7 = arith.constant 256 : i32
    %add3A_8 = arith.addi %mul3A_2, %add3A_7 : i32
    "tpu.region"() ({
      %run_scoped3A = tpu.sem_alloc : memref<!tpu.dma_semaphore, #tpu.memory_space<semaphore_mem>>
      %dma_start3A = arith.constant 0 : i32
      %dma_start3A_39 = tpu.memref_slice %arg10[%add3A_8, %dma_start3A] : memref<10240x64xf32, #tpu.memory_space<vmem_shared>> -> memref<128x64xf32, #tpu.memory_space<vmem_shared>>
      %dma_start3A_40 = arith.constant 0 : i32
      %dma_start3A_41 = tpu.memref_slice %arg10[%add3A_8, %dma_start3A_40] : memref<10240x64xf32, #tpu.memory_space<vmem_shared>> -> memref<128x64xf32, #tpu.memory_space<vmem_shared>>
      tpu.enqueue_dma source(%arg9 : memref<128x64xf32, #tpu.memory_space<vmem>>) target(%dma_start3A_41 : memref<128x64xf32, #tpu.memory_space<vmem_shared>>) target_semaphore(%run_scoped3A : memref<!tpu.dma_semaphore, #tpu.memory_space<semaphore_mem>>)
      %dma_wait3A = arith.constant 0 : i32
      %dma_wait3A_42 = tpu.memref_slice %arg10[%add3A_8, %dma_wait3A] : memref<10240x64xf32, #tpu.memory_space<vmem_shared>> -> memref<128x64xf32, #tpu.memory_space<vmem_shared>>
      %dma_wait3A_43 = arith.constant 0 : i32
      %dma_wait3A_44 = tpu.memref_slice %arg10[%add3A_8, %dma_wait3A_43] : memref<10240x64xf32, #tpu.memory_space<vmem_shared>> -> memref<128x64xf32, #tpu.memory_space<vmem_shared>>
      tpu.wait_dma2 semaphore(%run_scoped3A : memref<!tpu.dma_semaphore, #tpu.memory_space<semaphore_mem>>) src(%arg9 : memref<128x64xf32, #tpu.memory_space<vmem>>) dst(%dma_wait3A_44 : memref<128x64xf32, #tpu.memory_space<vmem_shared>>)
      tpu.yield
    }) : () -> ()
    %add3A_9 = arith.constant 384 : i32
    %add3A_10 = arith.addi %mul3A_2, %add3A_9 : i32
    "tpu.region"() ({
      %run_scoped3A = tpu.sem_alloc : memref<!tpu.dma_semaphore, #tpu.memory_space<semaphore_mem>>
      %dma_start3A = arith.constant 0 : i32
      %dma_start3A_39 = tpu.memref_slice %arg10[%add3A_10, %dma_start3A] : memref<10240x64xf32, #tpu.memory_space<vmem_shared>> -> memref<128x64xf32, #tpu.memory_space<vmem_shared>>
      %dma_start3A_40 = arith.constant 0 : i32
      %dma_start3A_41 = tpu.memref_slice %arg10[%add3A_10, %dma_start3A_40] : memref<10240x64xf32, #tpu.memory_space<vmem_shared>> -> memref<128x64xf32, #tpu.memory_space<vmem_shared>>
      tpu.enqueue_dma source(%arg9 : memref<128x64xf32, #tpu.memory_space<vmem>>) target(%dma_start3A_41 : memref<128x64xf32, #tpu.memory_space<vmem_shared>>) target_semaphore(%run_scoped3A : memref<!tpu.dma_semaphore, #tpu.memory_space<semaphore_mem>>)
      %dma_wait3A = arith.constant 0 : i32
      %dma_wait3A_42 = tpu.memref_slice %arg10[%add3A_10, %dma_wait3A] : memref<10240x64xf32, #tpu.memory_space<vmem_shared>> -> memref<128x64xf32, #tpu.memory_space<vmem_shared>>
      %dma_wait3A_43 = arith.constant 0 : i32
      %dma_wait3A_44 = tpu.memref_slice %arg10[%add3A_10, %dma_wait3A_43] : memref<10240x64xf32, #tpu.memory_space<vmem_shared>> -> memref<128x64xf32, #tpu.memory_space<vmem_shared>>
      tpu.wait_dma2 semaphore(%run_scoped3A : memref<!tpu.dma_semaphore, #tpu.memory_space<semaphore_mem>>) src(%arg9 : memref<128x64xf32, #tpu.memory_space<vmem>>) dst(%dma_wait3A_44 : memref<128x64xf32, #tpu.memory_space<vmem_shared>>)
      tpu.yield
    }) : () -> ()
    %add3A_11 = arith.constant 512 : i32
    %add3A_12 = arith.addi %mul3A_2, %add3A_11 : i32
    "tpu.region"() ({
      %run_scoped3A = tpu.sem_alloc : memref<!tpu.dma_semaphore, #tpu.memory_space<semaphore_mem>>
      %dma_start3A = arith.constant 0 : i32
      %dma_start3A_39 = tpu.memref_slice %arg10[%add3A_12, %dma_start3A] : memref<10240x64xf32, #tpu.memory_space<vmem_shared>> -> memref<128x64xf32, #tpu.memory_space<vmem_shared>>
      %dma_start3A_40 = arith.constant 0 : i32
      %dma_start3A_41 = tpu.memref_slice %arg10[%add3A_12, %dma_start3A_40] : memref<10240x64xf32, #tpu.memory_space<vmem_shared>> -> memref<128x64xf32, #tpu.memory_space<vmem_shared>>
      tpu.enqueue_dma source(%arg9 : memref<128x64xf32, #tpu.memory_space<vmem>>) target(%dma_start3A_41 : memref<128x64xf32, #tpu.memory_space<vmem_shared>>) target_semaphore(%run_scoped3A : memref<!tpu.dma_semaphore, #tpu.memory_space<semaphore_mem>>)
      %dma_wait3A = arith.constant 0 : i32
      %dma_wait3A_42 = tpu.memref_slice %arg10[%add3A_12, %dma_wait3A] : memref<10240x64xf32, #tpu.memory_space<vmem_shared>> -> memref<128x64xf32, #tpu.memory_space<vmem_shared>>
      %dma_wait3A_43 = arith.constant 0 : i32
      %dma_wait3A_44 = tpu.memref_slice %arg10[%add3A_12, %dma_wait3A_43] : memref<10240x64xf32, #tpu.memory_space<vmem_shared>> -> memref<128x64xf32, #tpu.memory_space<vmem_shared>>
      tpu.wait_dma2 semaphore(%run_scoped3A : memref<!tpu.dma_semaphore, #tpu.memory_space<semaphore_mem>>) src(%arg9 : memref<128x64xf32, #tpu.memory_space<vmem>>) dst(%dma_wait3A_44 : memref<128x64xf32, #tpu.memory_space<vmem_shared>>)
      tpu.yield
    }) : () -> ()
    %barrier3A = arith.constant 0 : index
    tpu.barrier barrier_id(%barrier3A)
    %scan3A = arith.constant 0 : i32
    %scan3A_13 = arith.constant 0 : i32
    %scan3A_14 = arith.constant 10 : i32
    %scan3A_15 = arith.addi %scan3A_13, %scan3A_14 : i32
    %scan3A_16 = arith.constant 1 : i32
    scf.for %scan3A_39 = %scan3A_13 to %scan3A_15 step %scan3A_16  : i32 {
      %mul3A_40 = arith.constant 8 : i32
      %mul3A_41 = arith.muli %scan3A_39, %mul3A_40 : i32
      "tpu.region"() ({
        %run_scoped3A_161 = tpu.sem_alloc : memref<!tpu.dma_semaphore, #tpu.memory_space<semaphore_mem>>
        %dma_start3A_162 = arith.constant 0 : i32
        %dma_start3A_163 = tpu.memref_slice %arg2[%add3A, %mul3A_41, %dma_start3A_162] : memref<32x80x128xi32, #tpu.memory_space<hbm>> -> memref<1x8x128xi32, #tpu.memory_space<hbm>>
        %dma_start3A_164 = tpu.memref_squeeze %dma_start3A_163 : memref<1x8x128xi32, #tpu.memory_space<hbm>> -> memref<8x128xi32, #tpu.memory_space<hbm>>
        %dma_start3A_165 = arith.constant 0 : i32
        %dma_start3A_166 = tpu.memref_slice %arg2[%add3A, %mul3A_41, %dma_start3A_165] : memref<32x80x128xi32, #tpu.memory_space<hbm>> -> memref<1x8x128xi32, #tpu.memory_space<hbm>>
        %dma_start3A_167 = tpu.memref_squeeze %dma_start3A_166 : memref<1x8x128xi32, #tpu.memory_space<hbm>> -> memref<8x128xi32, #tpu.memory_space<hbm>>
        tpu.enqueue_dma source(%dma_start3A_167 : memref<8x128xi32, #tpu.memory_space<hbm>>) target(%arg7 : memref<8x128xi32, #tpu.memory_space<vmem>>) target_semaphore(%run_scoped3A_161 : memref<!tpu.dma_semaphore, #tpu.memory_space<semaphore_mem>>)
        %dma_wait3A_168 = arith.constant 0 : i32
        %dma_wait3A_169 = tpu.memref_slice %arg2[%add3A, %mul3A_41, %dma_wait3A_168] : memref<32x80x128xi32, #tpu.memory_space<hbm>> -> memref<1x8x128xi32, #tpu.memory_space<hbm>>
        %dma_wait3A_170 = tpu.memref_squeeze %dma_wait3A_169 : memref<1x8x128xi32, #tpu.memory_space<hbm>> -> memref<8x128xi32, #tpu.memory_space<hbm>>
        %dma_wait3A_171 = arith.constant 0 : i32
        %dma_wait3A_172 = tpu.memref_slice %arg2[%add3A, %mul3A_41, %dma_wait3A_171] : memref<32x80x128xi32, #tpu.memory_space<hbm>> -> memref<1x8x128xi32, #tpu.memory_space<hbm>>
        %dma_wait3A_173 = tpu.memref_squeeze %dma_wait3A_172 : memref<1x8x128xi32, #tpu.memory_space<hbm>> -> memref<8x128xi32, #tpu.memory_space<hbm>>
        tpu.wait_dma2 semaphore(%run_scoped3A_161 : memref<!tpu.dma_semaphore, #tpu.memory_space<semaphore_mem>>) src(%dma_wait3A_173 : memref<8x128xi32, #tpu.memory_space<hbm>>) dst(%arg7 : memref<8x128xi32, #tpu.memory_space<vmem>>)
        tpu.yield
      }) : () -> ()
      %mul3A_42 = arith.constant 8 : i32
      %mul3A_43 = arith.muli %scan3A_39, %mul3A_42 : i32
      "tpu.region"() ({
        %run_scoped3A_161 = tpu.sem_alloc : memref<!tpu.dma_semaphore, #tpu.memory_space<semaphore_mem>>
        %dma_start3A_162 = arith.constant 0 : i32
        %dma_start3A_163 = tpu.memref_slice %arg3[%add3A, %mul3A_43, %dma_start3A_162] : memref<32x80x128xi32, #tpu.memory_space<hbm>> -> memref<1x8x128xi32, #tpu.memory_space<hbm>>
        %dma_start3A_164 = tpu.memref_squeeze %dma_start3A_163 : memref<1x8x128xi32, #tpu.memory_space<hbm>> -> memref<8x128xi32, #tpu.memory_space<hbm>>
        %dma_start3A_165 = arith.constant 0 : i32
        %dma_start3A_166 = tpu.memref_slice %arg3[%add3A, %mul3A_43, %dma_start3A_165] : memref<32x80x128xi32, #tpu.memory_space<hbm>> -> memref<1x8x128xi32, #tpu.memory_space<hbm>>
        %dma_start3A_167 = tpu.memref_squeeze %dma_start3A_166 : memref<1x8x128xi32, #tpu.memory_space<hbm>> -> memref<8x128xi32, #tpu.memory_space<hbm>>
        tpu.enqueue_dma source(%dma_start3A_167 : memref<8x128xi32, #tpu.memory_space<hbm>>) target(%arg8 : memref<8x128xi32, #tpu.memory_space<vmem>>) target_semaphore(%run_scoped3A_161 : memref<!tpu.dma_semaphore, #tpu.memory_space<semaphore_mem>>)
        %dma_wait3A_168 = arith.constant 0 : i32
        %dma_wait3A_169 = tpu.memref_slice %arg3[%add3A, %mul3A_43, %dma_wait3A_168] : memref<32x80x128xi32, #tpu.memory_space<hbm>> -> memref<1x8x128xi32, #tpu.memory_space<hbm>>
        %dma_wait3A_170 = tpu.memref_squeeze %dma_wait3A_169 : memref<1x8x128xi32, #tpu.memory_space<hbm>> -> memref<8x128xi32, #tpu.memory_space<hbm>>
        %dma_wait3A_171 = arith.constant 0 : i32
        %dma_wait3A_172 = tpu.memref_slice %arg3[%add3A, %mul3A_43, %dma_wait3A_171] : memref<32x80x128xi32, #tpu.memory_space<hbm>> -> memref<1x8x128xi32, #tpu.memory_space<hbm>>
        %dma_wait3A_173 = tpu.memref_squeeze %dma_wait3A_172 : memref<1x8x128xi32, #tpu.memory_space<hbm>> -> memref<8x128xi32, #tpu.memory_space<hbm>>
        tpu.wait_dma2 semaphore(%run_scoped3A_161 : memref<!tpu.dma_semaphore, #tpu.memory_space<semaphore_mem>>) src(%dma_wait3A_173 : memref<8x128xi32, #tpu.memory_space<hbm>>) dst(%arg8 : memref<8x128xi32, #tpu.memory_space<vmem>>)
        tpu.yield
      }) : () -> ()
      %dma_start3A = arith.constant 0 : i32
      %dma_start3A_44 = arith.constant 0 : i32
      %dma_start3A_45 = tpu.memref_slice %arg7[%dma_start3A, %dma_start3A_44] : memref<8x128xi32, #tpu.memory_space<vmem>> -> memref<1x128xi32, #tpu.memory_space<vmem>>
      %dma_start3A_46 = tpu.memref_squeeze %dma_start3A_45 : memref<1x128xi32, #tpu.memory_space<vmem>> -> memref<128xi32, #tpu.memory_space<vmem>>
      %dma_start3A_47 = arith.constant 0 : i32
      %dma_start3A_48 = arith.constant 0 : i32
      %dma_start3A_49 = tpu.memref_slice %arg4[%dma_start3A_47, %dma_start3A_48] : memref<10240x64xf32, #tpu.memory_space<hbm>> -> memref<10240x64xf32, #tpu.memory_space<hbm>>
      tpu.enqueue_indirect_dma source(%dma_start3A_49 : memref<10240x64xf32, #tpu.memory_space<hbm>>) target(%arg9 : memref<128x64xf32, #tpu.memory_space<vmem>>) offsets(%dma_start3A_46 : memref<128xi32, #tpu.memory_space<vmem>>) semaphore(%arg11 : memref<!tpu.dma_semaphore, #tpu.memory_space<semaphore_mem>>)
      %dma_wait3A = arith.constant 0 : i32
      %dma_wait3A_50 = arith.constant 0 : i32
      %dma_wait3A_51 = tpu.memref_slice %arg7[%dma_wait3A, %dma_wait3A_50] : memref<8x128xi32, #tpu.memory_space<vmem>> -> memref<1x128xi32, #tpu.memory_space<vmem>>
      %dma_wait3A_52 = tpu.memref_squeeze %dma_wait3A_51 : memref<1x128xi32, #tpu.memory_space<vmem>> -> memref<128xi32, #tpu.memory_space<vmem>>
      %dma_wait3A_53 = arith.constant 0 : i32
      %dma_wait3A_54 = arith.constant 0 : i32
      %dma_wait3A_55 = tpu.memref_slice %arg4[%dma_wait3A_53, %dma_wait3A_54] : memref<10240x64xf32, #tpu.memory_space<hbm>> -> memref<10240x64xf32, #tpu.memory_space<hbm>>
      tpu.wait_indirect_dma semaphore(%arg11 : memref<!tpu.dma_semaphore, #tpu.memory_space<semaphore_mem>>) src(%dma_wait3A_55 : memref<10240x64xf32, #tpu.memory_space<hbm>>) dst(%arg9 : memref<128x64xf32, #tpu.memory_space<vmem>>)
      %run_scoped3A = arith.constant 0 : i32
      "tpu.region"() ({
        %run_scoped3A_161 = tpu.sem_alloc : memref<!tpu.dma_semaphore, #tpu.memory_space<semaphore_mem>>
        %dma_start3A_162 = arith.constant 0 : i32
        %dma_start3A_163 = tpu.memref_slice %arg8[%run_scoped3A, %dma_start3A_162] : memref<8x128xi32, #tpu.memory_space<vmem>> -> memref<1x128xi32, #tpu.memory_space<vmem>>
        %dma_start3A_164 = tpu.memref_squeeze %dma_start3A_163 : memref<1x128xi32, #tpu.memory_space<vmem>> -> memref<128xi32, #tpu.memory_space<vmem>>
        %dma_start3A_165 = arith.constant 0 : i32
        %dma_start3A_166 = arith.constant 0 : i32
        %dma_start3A_167 = tpu.memref_slice %arg10[%dma_start3A_165, %dma_start3A_166] : memref<10240x64xf32, #tpu.memory_space<vmem_shared>> -> memref<10240x64xf32, #tpu.memory_space<vmem_shared>>
        tpu.enqueue_indirect_dma source(%arg9 : memref<128x64xf32, #tpu.memory_space<vmem>>) target(%dma_start3A_167 : memref<10240x64xf32, #tpu.memory_space<vmem_shared>>) offsets(%dma_start3A_164 : memref<128xi32, #tpu.memory_space<vmem>>) semaphore(%run_scoped3A_161 : memref<!tpu.dma_semaphore, #tpu.memory_space<semaphore_mem>>) {add = true}
        %dma_wait3A_168 = arith.constant 0 : i32
        %dma_wait3A_169 = tpu.memref_slice %arg8[%run_scoped3A, %dma_wait3A_168] : memref<8x128xi32, #tpu.memory_space<vmem>> -> memref<1x128xi32, #tpu.memory_space<vmem>>
        %dma_wait3A_170 = tpu.memref_squeeze %dma_wait3A_169 : memref<1x128xi32, #tpu.memory_space<vmem>> -> memref<128xi32, #tpu.memory_space<vmem>>
        %dma_wait3A_171 = arith.constant 0 : i32
        %dma_wait3A_172 = arith.constant 0 : i32
        %dma_wait3A_173 = tpu.memref_slice %arg10[%dma_wait3A_171, %dma_wait3A_172] : memref<10240x64xf32, #tpu.memory_space<vmem_shared>> -> memref<10240x64xf32, #tpu.memory_space<vmem_shared>>
        tpu.wait_indirect_dma semaphore(%run_scoped3A_161 : memref<!tpu.dma_semaphore, #tpu.memory_space<semaphore_mem>>) src(%arg9 : memref<128x64xf32, #tpu.memory_space<vmem>>) dst(%dma_wait3A_173 : memref<10240x64xf32, #tpu.memory_space<vmem_shared>>)
        tpu.yield
      }) : () -> ()
      %dma_start3A_56 = arith.constant 1 : i32
      %dma_start3A_57 = arith.constant 0 : i32
      %dma_start3A_58 = tpu.memref_slice %arg7[%dma_start3A_56, %dma_start3A_57] : memref<8x128xi32, #tpu.memory_space<vmem>> -> memref<1x128xi32, #tpu.memory_space<vmem>>
      %dma_start3A_59 = tpu.memref_squeeze %dma_start3A_58 : memref<1x128xi32, #tpu.memory_space<vmem>> -> memref<128xi32, #tpu.memory_space<vmem>>
      %dma_start3A_60 = arith.constant 0 : i32
      %dma_start3A_61 = arith.constant 0 : i32
      %dma_start3A_62 = tpu.memref_slice %arg4[%dma_start3A_60, %dma_start3A_61] : memref<10240x64xf32, #tpu.memory_space<hbm>> -> memref<10240x64xf32, #tpu.memory_space<hbm>>
      tpu.enqueue_indirect_dma source(%dma_start3A_62 : memref<10240x64xf32, #tpu.memory_space<hbm>>) target(%arg9 : memref<128x64xf32, #tpu.memory_space<vmem>>) offsets(%dma_start3A_59 : memref<128xi32, #tpu.memory_space<vmem>>) semaphore(%arg11 : memref<!tpu.dma_semaphore, #tpu.memory_space<semaphore_mem>>)
      %dma_wait3A_63 = arith.constant 1 : i32
      %dma_wait3A_64 = arith.constant 0 : i32
      %dma_wait3A_65 = tpu.memref_slice %arg7[%dma_wait3A_63, %dma_wait3A_64] : memref<8x128xi32, #tpu.memory_space<vmem>> -> memref<1x128xi32, #tpu.memory_space<vmem>>
      %dma_wait3A_66 = tpu.memref_squeeze %dma_wait3A_65 : memref<1x128xi32, #tpu.memory_space<vmem>> -> memref<128xi32, #tpu.memory_space<vmem>>
      %dma_wait3A_67 = arith.constant 0 : i32
      %dma_wait3A_68 = arith.constant 0 : i32
      %dma_wait3A_69 = tpu.memref_slice %arg4[%dma_wait3A_67, %dma_wait3A_68] : memref<10240x64xf32, #tpu.memory_space<hbm>> -> memref<10240x64xf32, #tpu.memory_space<hbm>>
      tpu.wait_indirect_dma semaphore(%arg11 : memref<!tpu.dma_semaphore, #tpu.memory_space<semaphore_mem>>) src(%dma_wait3A_69 : memref<10240x64xf32, #tpu.memory_space<hbm>>) dst(%arg9 : memref<128x64xf32, #tpu.memory_space<vmem>>)
      %run_scoped3A_70 = arith.constant 1 : i32
      "tpu.region"() ({
        %run_scoped3A_161 = tpu.sem_alloc : memref<!tpu.dma_semaphore, #tpu.memory_space<semaphore_mem>>
        %dma_start3A_162 = arith.constant 0 : i32
        %dma_start3A_163 = tpu.memref_slice %arg8[%run_scoped3A_70, %dma_start3A_162] : memref<8x128xi32, #tpu.memory_space<vmem>> -> memref<1x128xi32, #tpu.memory_space<vmem>>
        %dma_start3A_164 = tpu.memref_squeeze %dma_start3A_163 : memref<1x128xi32, #tpu.memory_space<vmem>> -> memref<128xi32, #tpu.memory_space<vmem>>
        %dma_start3A_165 = arith.constant 0 : i32
        %dma_start3A_166 = arith.constant 0 : i32
        %dma_start3A_167 = tpu.memref_slice %arg10[%dma_start3A_165, %dma_start3A_166] : memref<10240x64xf32, #tpu.memory_space<vmem_shared>> -> memref<10240x64xf32, #tpu.memory_space<vmem_shared>>
        tpu.enqueue_indirect_dma source(%arg9 : memref<128x64xf32, #tpu.memory_space<vmem>>) target(%dma_start3A_167 : memref<10240x64xf32, #tpu.memory_space<vmem_shared>>) offsets(%dma_start3A_164 : memref<128xi32, #tpu.memory_space<vmem>>) semaphore(%run_scoped3A_161 : memref<!tpu.dma_semaphore, #tpu.memory_space<semaphore_mem>>) {add = true}
        %dma_wait3A_168 = arith.constant 0 : i32
        %dma_wait3A_169 = tpu.memref_slice %arg8[%run_scoped3A_70, %dma_wait3A_168] : memref<8x128xi32, #tpu.memory_space<vmem>> -> memref<1x128xi32, #tpu.memory_space<vmem>>
        %dma_wait3A_170 = tpu.memref_squeeze %dma_wait3A_169 : memref<1x128xi32, #tpu.memory_space<vmem>> -> memref<128xi32, #tpu.memory_space<vmem>>
        %dma_wait3A_171 = arith.constant 0 : i32
        %dma_wait3A_172 = arith.constant 0 : i32
        %dma_wait3A_173 = tpu.memref_slice %arg10[%dma_wait3A_171, %dma_wait3A_172] : memref<10240x64xf32, #tpu.memory_space<vmem_shared>> -> memref<10240x64xf32, #tpu.memory_space<vmem_shared>>
        tpu.wait_indirect_dma semaphore(%run_scoped3A_161 : memref<!tpu.dma_semaphore, #tpu.memory_space<semaphore_mem>>) src(%arg9 : memref<128x64xf32, #tpu.memory_space<vmem>>) dst(%dma_wait3A_173 : memref<10240x64xf32, #tpu.memory_space<vmem_shared>>)
        tpu.yield
      }) : () -> ()
      %dma_start3A_71 = arith.constant 2 : i32
      %dma_start3A_72 = arith.constant 0 : i32
      %dma_start3A_73 = tpu.memref_slice %arg7[%dma_start3A_71, %dma_start3A_72] : memref<8x128xi32, #tpu.memory_space<vmem>> -> memref<1x128xi32, #tpu.memory_space<vmem>>
      %dma_start3A_74 = tpu.memref_squeeze %dma_start3A_73 : memref<1x128xi32, #tpu.memory_space<vmem>> -> memref<128xi32, #tpu.memory_space<vmem>>
      %dma_start3A_75 = arith.constant 0 : i32
      %dma_start3A_76 = arith.constant 0 : i32
      %dma_start3A_77 = tpu.memref_slice %arg4[%dma_start3A_75, %dma_start3A_76] : memref<10240x64xf32, #tpu.memory_space<hbm>> -> memref<10240x64xf32, #tpu.memory_space<hbm>>
      tpu.enqueue_indirect_dma source(%dma_start3A_77 : memref<10240x64xf32, #tpu.memory_space<hbm>>) target(%arg9 : memref<128x64xf32, #tpu.memory_space<vmem>>) offsets(%dma_start3A_74 : memref<128xi32, #tpu.memory_space<vmem>>) semaphore(%arg11 : memref<!tpu.dma_semaphore, #tpu.memory_space<semaphore_mem>>)
      %dma_wait3A_78 = arith.constant 2 : i32
      %dma_wait3A_79 = arith.constant 0 : i32
      %dma_wait3A_80 = tpu.memref_slice %arg7[%dma_wait3A_78, %dma_wait3A_79] : memref<8x128xi32, #tpu.memory_space<vmem>> -> memref<1x128xi32, #tpu.memory_space<vmem>>
      %dma_wait3A_81 = tpu.memref_squeeze %dma_wait3A_80 : memref<1x128xi32, #tpu.memory_space<vmem>> -> memref<128xi32, #tpu.memory_space<vmem>>
      %dma_wait3A_82 = arith.constant 0 : i32
      %dma_wait3A_83 = arith.constant 0 : i32
      %dma_wait3A_84 = tpu.memref_slice %arg4[%dma_wait3A_82, %dma_wait3A_83] : memref<10240x64xf32, #tpu.memory_space<hbm>> -> memref<10240x64xf32, #tpu.memory_space<hbm>>
      tpu.wait_indirect_dma semaphore(%arg11 : memref<!tpu.dma_semaphore, #tpu.memory_space<semaphore_mem>>) src(%dma_wait3A_84 : memref<10240x64xf32, #tpu.memory_space<hbm>>) dst(%arg9 : memref<128x64xf32, #tpu.memory_space<vmem>>)
      %run_scoped3A_85 = arith.constant 2 : i32
      "tpu.region"() ({
        %run_scoped3A_161 = tpu.sem_alloc : memref<!tpu.dma_semaphore, #tpu.memory_space<semaphore_mem>>
        %dma_start3A_162 = arith.constant 0 : i32
        %dma_start3A_163 = tpu.memref_slice %arg8[%run_scoped3A_85, %dma_start3A_162] : memref<8x128xi32, #tpu.memory_space<vmem>> -> memref<1x128xi32, #tpu.memory_space<vmem>>
        %dma_start3A_164 = tpu.memref_squeeze %dma_start3A_163 : memref<1x128xi32, #tpu.memory_space<vmem>> -> memref<128xi32, #tpu.memory_space<vmem>>
        %dma_start3A_165 = arith.constant 0 : i32
        %dma_start3A_166 = arith.constant 0 : i32
        %dma_start3A_167 = tpu.memref_slice %arg10[%dma_start3A_165, %dma_start3A_166] : memref<10240x64xf32, #tpu.memory_space<vmem_shared>> -> memref<10240x64xf32, #tpu.memory_space<vmem_shared>>
        tpu.enqueue_indirect_dma source(%arg9 : memref<128x64xf32, #tpu.memory_space<vmem>>) target(%dma_start3A_167 : memref<10240x64xf32, #tpu.memory_space<vmem_shared>>) offsets(%dma_start3A_164 : memref<128xi32, #tpu.memory_space<vmem>>) semaphore(%run_scoped3A_161 : memref<!tpu.dma_semaphore, #tpu.memory_space<semaphore_mem>>) {add = true}
        %dma_wait3A_168 = arith.constant 0 : i32
        %dma_wait3A_169 = tpu.memref_slice %arg8[%run_scoped3A_85, %dma_wait3A_168] : memref<8x128xi32, #tpu.memory_space<vmem>> -> memref<1x128xi32, #tpu.memory_space<vmem>>
        %dma_wait3A_170 = tpu.memref_squeeze %dma_wait3A_169 : memref<1x128xi32, #tpu.memory_space<vmem>> -> memref<128xi32, #tpu.memory_space<vmem>>
        %dma_wait3A_171 = arith.constant 0 : i32
        %dma_wait3A_172 = arith.constant 0 : i32
        %dma_wait3A_173 = tpu.memref_slice %arg10[%dma_wait3A_171, %dma_wait3A_172] : memref<10240x64xf32, #tpu.memory_space<vmem_shared>> -> memref<10240x64xf32, #tpu.memory_space<vmem_shared>>
        tpu.wait_indirect_dma semaphore(%run_scoped3A_161 : memref<!tpu.dma_semaphore, #tpu.memory_space<semaphore_mem>>) src(%arg9 : memref<128x64xf32, #tpu.memory_space<vmem>>) dst(%dma_wait3A_173 : memref<10240x64xf32, #tpu.memory_space<vmem_shared>>)
        tpu.yield
      }) : () -> ()
      %dma_start3A_86 = arith.constant 3 : i32
      %dma_start3A_87 = arith.constant 0 : i32
      %dma_start3A_88 = tpu.memref_slice %arg7[%dma_start3A_86, %dma_start3A_87] : memref<8x128xi32, #tpu.memory_space<vmem>> -> memref<1x128xi32, #tpu.memory_space<vmem>>
      %dma_start3A_89 = tpu.memref_squeeze %dma_start3A_88 : memref<1x128xi32, #tpu.memory_space<vmem>> -> memref<128xi32, #tpu.memory_space<vmem>>
      %dma_start3A_90 = arith.constant 0 : i32
      %dma_start3A_91 = arith.constant 0 : i32
      %dma_start3A_92 = tpu.memref_slice %arg4[%dma_start3A_90, %dma_start3A_91] : memref<10240x64xf32, #tpu.memory_space<hbm>> -> memref<10240x64xf32, #tpu.memory_space<hbm>>
      tpu.enqueue_indirect_dma source(%dma_start3A_92 : memref<10240x64xf32, #tpu.memory_space<hbm>>) target(%arg9 : memref<128x64xf32, #tpu.memory_space<vmem>>) offsets(%dma_start3A_89 : memref<128xi32, #tpu.memory_space<vmem>>) semaphore(%arg11 : memref<!tpu.dma_semaphore, #tpu.memory_space<semaphore_mem>>)
      %dma_wait3A_93 = arith.constant 3 : i32
      %dma_wait3A_94 = arith.constant 0 : i32
      %dma_wait3A_95 = tpu.memref_slice %arg7[%dma_wait3A_93, %dma_wait3A_94] : memref<8x128xi32, #tpu.memory_space<vmem>> -> memref<1x128xi32, #tpu.memory_space<vmem>>
      %dma_wait3A_96 = tpu.memref_squeeze %dma_wait3A_95 : memref<1x128xi32, #tpu.memory_space<vmem>> -> memref<128xi32, #tpu.memory_space<vmem>>
      %dma_wait3A_97 = arith.constant 0 : i32
      %dma_wait3A_98 = arith.constant 0 : i32
      %dma_wait3A_99 = tpu.memref_slice %arg4[%dma_wait3A_97, %dma_wait3A_98] : memref<10240x64xf32, #tpu.memory_space<hbm>> -> memref<10240x64xf32, #tpu.memory_space<hbm>>
      tpu.wait_indirect_dma semaphore(%arg11 : memref<!tpu.dma_semaphore, #tpu.memory_space<semaphore_mem>>) src(%dma_wait3A_99 : memref<10240x64xf32, #tpu.memory_space<hbm>>) dst(%arg9 : memref<128x64xf32, #tpu.memory_space<vmem>>)
      %run_scoped3A_100 = arith.constant 3 : i32
      "tpu.region"() ({
        %run_scoped3A_161 = tpu.sem_alloc : memref<!tpu.dma_semaphore, #tpu.memory_space<semaphore_mem>>
        %dma_start3A_162 = arith.constant 0 : i32
        %dma_start3A_163 = tpu.memref_slice %arg8[%run_scoped3A_100, %dma_start3A_162] : memref<8x128xi32, #tpu.memory_space<vmem>> -> memref<1x128xi32, #tpu.memory_space<vmem>>
        %dma_start3A_164 = tpu.memref_squeeze %dma_start3A_163 : memref<1x128xi32, #tpu.memory_space<vmem>> -> memref<128xi32, #tpu.memory_space<vmem>>
        %dma_start3A_165 = arith.constant 0 : i32
        %dma_start3A_166 = arith.constant 0 : i32
        %dma_start3A_167 = tpu.memref_slice %arg10[%dma_start3A_165, %dma_start3A_166] : memref<10240x64xf32, #tpu.memory_space<vmem_shared>> -> memref<10240x64xf32, #tpu.memory_space<vmem_shared>>
        tpu.enqueue_indirect_dma source(%arg9 : memref<128x64xf32, #tpu.memory_space<vmem>>) target(%dma_start3A_167 : memref<10240x64xf32, #tpu.memory_space<vmem_shared>>) offsets(%dma_start3A_164 : memref<128xi32, #tpu.memory_space<vmem>>) semaphore(%run_scoped3A_161 : memref<!tpu.dma_semaphore, #tpu.memory_space<semaphore_mem>>) {add = true}
        %dma_wait3A_168 = arith.constant 0 : i32
        %dma_wait3A_169 = tpu.memref_slice %arg8[%run_scoped3A_100, %dma_wait3A_168] : memref<8x128xi32, #tpu.memory_space<vmem>> -> memref<1x128xi32, #tpu.memory_space<vmem>>
        %dma_wait3A_170 = tpu.memref_squeeze %dma_wait3A_169 : memref<1x128xi32, #tpu.memory_space<vmem>> -> memref<128xi32, #tpu.memory_space<vmem>>
        %dma_wait3A_171 = arith.constant 0 : i32
        %dma_wait3A_172 = arith.constant 0 : i32
        %dma_wait3A_173 = tpu.memref_slice %arg10[%dma_wait3A_171, %dma_wait3A_172] : memref<10240x64xf32, #tpu.memory_space<vmem_shared>> -> memref<10240x64xf32, #tpu.memory_space<vmem_shared>>
        tpu.wait_indirect_dma semaphore(%run_scoped3A_161 : memref<!tpu.dma_semaphore, #tpu.memory_space<semaphore_mem>>) src(%arg9 : memref<128x64xf32, #tpu.memory_space<vmem>>) dst(%dma_wait3A_173 : memref<10240x64xf32, #tpu.memory_space<vmem_shared>>)
        tpu.yield
      }) : () -> ()
      %dma_start3A_101 = arith.constant 4 : i32
      %dma_start3A_102 = arith.constant 0 : i32
      %dma_start3A_103 = tpu.memref_slice %arg7[%dma_start3A_101, %dma_start3A_102] : memref<8x128xi32, #tpu.memory_space<vmem>> -> memref<1x128xi32, #tpu.memory_space<vmem>>
      %dma_start3A_104 = tpu.memref_squeeze %dma_start3A_103 : memref<1x128xi32, #tpu.memory_space<vmem>> -> memref<128xi32, #tpu.memory_space<vmem>>
      %dma_start3A_105 = arith.constant 0 : i32
      %dma_start3A_106 = arith.constant 0 : i32
      %dma_start3A_107 = tpu.memref_slice %arg4[%dma_start3A_105, %dma_start3A_106] : memref<10240x64xf32, #tpu.memory_space<hbm>> -> memref<10240x64xf32, #tpu.memory_space<hbm>>
      tpu.enqueue_indirect_dma source(%dma_start3A_107 : memref<10240x64xf32, #tpu.memory_space<hbm>>) target(%arg9 : memref<128x64xf32, #tpu.memory_space<vmem>>) offsets(%dma_start3A_104 : memref<128xi32, #tpu.memory_space<vmem>>) semaphore(%arg11 : memref<!tpu.dma_semaphore, #tpu.memory_space<semaphore_mem>>)
      %dma_wait3A_108 = arith.constant 4 : i32
      %dma_wait3A_109 = arith.constant 0 : i32
      %dma_wait3A_110 = tpu.memref_slice %arg7[%dma_wait3A_108, %dma_wait3A_109] : memref<8x128xi32, #tpu.memory_space<vmem>> -> memref<1x128xi32, #tpu.memory_space<vmem>>
      %dma_wait3A_111 = tpu.memref_squeeze %dma_wait3A_110 : memref<1x128xi32, #tpu.memory_space<vmem>> -> memref<128xi32, #tpu.memory_space<vmem>>
      %dma_wait3A_112 = arith.constant 0 : i32
      %dma_wait3A_113 = arith.constant 0 : i32
      %dma_wait3A_114 = tpu.memref_slice %arg4[%dma_wait3A_112, %dma_wait3A_113] : memref<10240x64xf32, #tpu.memory_space<hbm>> -> memref<10240x64xf32, #tpu.memory_space<hbm>>
      tpu.wait_indirect_dma semaphore(%arg11 : memref<!tpu.dma_semaphore, #tpu.memory_space<semaphore_mem>>) src(%dma_wait3A_114 : memref<10240x64xf32, #tpu.memory_space<hbm>>) dst(%arg9 : memref<128x64xf32, #tpu.memory_space<vmem>>)
      %run_scoped3A_115 = arith.constant 4 : i32
      "tpu.region"() ({
        %run_scoped3A_161 = tpu.sem_alloc : memref<!tpu.dma_semaphore, #tpu.memory_space<semaphore_mem>>
        %dma_start3A_162 = arith.constant 0 : i32
        %dma_start3A_163 = tpu.memref_slice %arg8[%run_scoped3A_115, %dma_start3A_162] : memref<8x128xi32, #tpu.memory_space<vmem>> -> memref<1x128xi32, #tpu.memory_space<vmem>>
        %dma_start3A_164 = tpu.memref_squeeze %dma_start3A_163 : memref<1x128xi32, #tpu.memory_space<vmem>> -> memref<128xi32, #tpu.memory_space<vmem>>
        %dma_start3A_165 = arith.constant 0 : i32
        %dma_start3A_166 = arith.constant 0 : i32
        %dma_start3A_167 = tpu.memref_slice %arg10[%dma_start3A_165, %dma_start3A_166] : memref<10240x64xf32, #tpu.memory_space<vmem_shared>> -> memref<10240x64xf32, #tpu.memory_space<vmem_shared>>
        tpu.enqueue_indirect_dma source(%arg9 : memref<128x64xf32, #tpu.memory_space<vmem>>) target(%dma_start3A_167 : memref<10240x64xf32, #tpu.memory_space<vmem_shared>>) offsets(%dma_start3A_164 : memref<128xi32, #tpu.memory_space<vmem>>) semaphore(%run_scoped3A_161 : memref<!tpu.dma_semaphore, #tpu.memory_space<semaphore_mem>>) {add = true}
        %dma_wait3A_168 = arith.constant 0 : i32
        %dma_wait3A_169 = tpu.memref_slice %arg8[%run_scoped3A_115, %dma_wait3A_168] : memref<8x128xi32, #tpu.memory_space<vmem>> -> memref<1x128xi32, #tpu.memory_space<vmem>>
        %dma_wait3A_170 = tpu.memref_squeeze %dma_wait3A_169 : memref<1x128xi32, #tpu.memory_space<vmem>> -> memref<128xi32, #tpu.memory_space<vmem>>
        %dma_wait3A_171 = arith.constant 0 : i32
        %dma_wait3A_172 = arith.constant 0 : i32
        %dma_wait3A_173 = tpu.memref_slice %arg10[%dma_wait3A_171, %dma_wait3A_172] : memref<10240x64xf32, #tpu.memory_space<vmem_shared>> -> memref<10240x64xf32, #tpu.memory_space<vmem_shared>>
        tpu.wait_indirect_dma semaphore(%run_scoped3A_161 : memref<!tpu.dma_semaphore, #tpu.memory_space<semaphore_mem>>) src(%arg9 : memref<128x64xf32, #tpu.memory_space<vmem>>) dst(%dma_wait3A_173 : memref<10240x64xf32, #tpu.memory_space<vmem_shared>>)
        tpu.yield
      }) : () -> ()
      %dma_start3A_116 = arith.constant 5 : i32
      %dma_start3A_117 = arith.constant 0 : i32
      %dma_start3A_118 = tpu.memref_slice %arg7[%dma_start3A_116, %dma_start3A_117] : memref<8x128xi32, #tpu.memory_space<vmem>> -> memref<1x128xi32, #tpu.memory_space<vmem>>
      %dma_start3A_119 = tpu.memref_squeeze %dma_start3A_118 : memref<1x128xi32, #tpu.memory_space<vmem>> -> memref<128xi32, #tpu.memory_space<vmem>>
      %dma_start3A_120 = arith.constant 0 : i32
      %dma_start3A_121 = arith.constant 0 : i32
      %dma_start3A_122 = tpu.memref_slice %arg4[%dma_start3A_120, %dma_start3A_121] : memref<10240x64xf32, #tpu.memory_space<hbm>> -> memref<10240x64xf32, #tpu.memory_space<hbm>>
      tpu.enqueue_indirect_dma source(%dma_start3A_122 : memref<10240x64xf32, #tpu.memory_space<hbm>>) target(%arg9 : memref<128x64xf32, #tpu.memory_space<vmem>>) offsets(%dma_start3A_119 : memref<128xi32, #tpu.memory_space<vmem>>) semaphore(%arg11 : memref<!tpu.dma_semaphore, #tpu.memory_space<semaphore_mem>>)
      %dma_wait3A_123 = arith.constant 5 : i32
      %dma_wait3A_124 = arith.constant 0 : i32
      %dma_wait3A_125 = tpu.memref_slice %arg7[%dma_wait3A_123, %dma_wait3A_124] : memref<8x128xi32, #tpu.memory_space<vmem>> -> memref<1x128xi32, #tpu.memory_space<vmem>>
      %dma_wait3A_126 = tpu.memref_squeeze %dma_wait3A_125 : memref<1x128xi32, #tpu.memory_space<vmem>> -> memref<128xi32, #tpu.memory_space<vmem>>
      %dma_wait3A_127 = arith.constant 0 : i32
      %dma_wait3A_128 = arith.constant 0 : i32
      %dma_wait3A_129 = tpu.memref_slice %arg4[%dma_wait3A_127, %dma_wait3A_128] : memref<10240x64xf32, #tpu.memory_space<hbm>> -> memref<10240x64xf32, #tpu.memory_space<hbm>>
      tpu.wait_indirect_dma semaphore(%arg11 : memref<!tpu.dma_semaphore, #tpu.memory_space<semaphore_mem>>) src(%dma_wait3A_129 : memref<10240x64xf32, #tpu.memory_space<hbm>>) dst(%arg9 : memref<128x64xf32, #tpu.memory_space<vmem>>)
      %run_scoped3A_130 = arith.constant 5 : i32
      "tpu.region"() ({
        %run_scoped3A_161 = tpu.sem_alloc : memref<!tpu.dma_semaphore, #tpu.memory_space<semaphore_mem>>
        %dma_start3A_162 = arith.constant 0 : i32
        %dma_start3A_163 = tpu.memref_slice %arg8[%run_scoped3A_130, %dma_start3A_162] : memref<8x128xi32, #tpu.memory_space<vmem>> -> memref<1x128xi32, #tpu.memory_space<vmem>>
        %dma_start3A_164 = tpu.memref_squeeze %dma_start3A_163 : memref<1x128xi32, #tpu.memory_space<vmem>> -> memref<128xi32, #tpu.memory_space<vmem>>
        %dma_start3A_165 = arith.constant 0 : i32
        %dma_start3A_166 = arith.constant 0 : i32
        %dma_start3A_167 = tpu.memref_slice %arg10[%dma_start3A_165, %dma_start3A_166] : memref<10240x64xf32, #tpu.memory_space<vmem_shared>> -> memref<10240x64xf32, #tpu.memory_space<vmem_shared>>
        tpu.enqueue_indirect_dma source(%arg9 : memref<128x64xf32, #tpu.memory_space<vmem>>) target(%dma_start3A_167 : memref<10240x64xf32, #tpu.memory_space<vmem_shared>>) offsets(%dma_start3A_164 : memref<128xi32, #tpu.memory_space<vmem>>) semaphore(%run_scoped3A_161 : memref<!tpu.dma_semaphore, #tpu.memory_space<semaphore_mem>>) {add = true}
        %dma_wait3A_168 = arith.constant 0 : i32
        %dma_wait3A_169 = tpu.memref_slice %arg8[%run_scoped3A_130, %dma_wait3A_168] : memref<8x128xi32, #tpu.memory_space<vmem>> -> memref<1x128xi32, #tpu.memory_space<vmem>>
        %dma_wait3A_170 = tpu.memref_squeeze %dma_wait3A_169 : memref<1x128xi32, #tpu.memory_space<vmem>> -> memref<128xi32, #tpu.memory_space<vmem>>
        %dma_wait3A_171 = arith.constant 0 : i32
        %dma_wait3A_172 = arith.constant 0 : i32
        %dma_wait3A_173 = tpu.memref_slice %arg10[%dma_wait3A_171, %dma_wait3A_172] : memref<10240x64xf32, #tpu.memory_space<vmem_shared>> -> memref<10240x64xf32, #tpu.memory_space<vmem_shared>>
        tpu.wait_indirect_dma semaphore(%run_scoped3A_161 : memref<!tpu.dma_semaphore, #tpu.memory_space<semaphore_mem>>) src(%arg9 : memref<128x64xf32, #tpu.memory_space<vmem>>) dst(%dma_wait3A_173 : memref<10240x64xf32, #tpu.memory_space<vmem_shared>>)
        tpu.yield
      }) : () -> ()
      %dma_start3A_131 = arith.constant 6 : i32
      %dma_start3A_132 = arith.constant 0 : i32
      %dma_start3A_133 = tpu.memref_slice %arg7[%dma_start3A_131, %dma_start3A_132] : memref<8x128xi32, #tpu.memory_space<vmem>> -> memref<1x128xi32, #tpu.memory_space<vmem>>
      %dma_start3A_134 = tpu.memref_squeeze %dma_start3A_133 : memref<1x128xi32, #tpu.memory_space<vmem>> -> memref<128xi32, #tpu.memory_space<vmem>>
      %dma_start3A_135 = arith.constant 0 : i32
      %dma_start3A_136 = arith.constant 0 : i32
      %dma_start3A_137 = tpu.memref_slice %arg4[%dma_start3A_135, %dma_start3A_136] : memref<10240x64xf32, #tpu.memory_space<hbm>> -> memref<10240x64xf32, #tpu.memory_space<hbm>>
      tpu.enqueue_indirect_dma source(%dma_start3A_137 : memref<10240x64xf32, #tpu.memory_space<hbm>>) target(%arg9 : memref<128x64xf32, #tpu.memory_space<vmem>>) offsets(%dma_start3A_134 : memref<128xi32, #tpu.memory_space<vmem>>) semaphore(%arg11 : memref<!tpu.dma_semaphore, #tpu.memory_space<semaphore_mem>>)
      %dma_wait3A_138 = arith.constant 6 : i32
      %dma_wait3A_139 = arith.constant 0 : i32
      %dma_wait3A_140 = tpu.memref_slice %arg7[%dma_wait3A_138, %dma_wait3A_139] : memref<8x128xi32, #tpu.memory_space<vmem>> -> memref<1x128xi32, #tpu.memory_space<vmem>>
      %dma_wait3A_141 = tpu.memref_squeeze %dma_wait3A_140 : memref<1x128xi32, #tpu.memory_space<vmem>> -> memref<128xi32, #tpu.memory_space<vmem>>
      %dma_wait3A_142 = arith.constant 0 : i32
      %dma_wait3A_143 = arith.constant 0 : i32
      %dma_wait3A_144 = tpu.memref_slice %arg4[%dma_wait3A_142, %dma_wait3A_143] : memref<10240x64xf32, #tpu.memory_space<hbm>> -> memref<10240x64xf32, #tpu.memory_space<hbm>>
      tpu.wait_indirect_dma semaphore(%arg11 : memref<!tpu.dma_semaphore, #tpu.memory_space<semaphore_mem>>) src(%dma_wait3A_144 : memref<10240x64xf32, #tpu.memory_space<hbm>>) dst(%arg9 : memref<128x64xf32, #tpu.memory_space<vmem>>)
      %run_scoped3A_145 = arith.constant 6 : i32
      "tpu.region"() ({
        %run_scoped3A_161 = tpu.sem_alloc : memref<!tpu.dma_semaphore, #tpu.memory_space<semaphore_mem>>
        %dma_start3A_162 = arith.constant 0 : i32
        %dma_start3A_163 = tpu.memref_slice %arg8[%run_scoped3A_145, %dma_start3A_162] : memref<8x128xi32, #tpu.memory_space<vmem>> -> memref<1x128xi32, #tpu.memory_space<vmem>>
        %dma_start3A_164 = tpu.memref_squeeze %dma_start3A_163 : memref<1x128xi32, #tpu.memory_space<vmem>> -> memref<128xi32, #tpu.memory_space<vmem>>
        %dma_start3A_165 = arith.constant 0 : i32
        %dma_start3A_166 = arith.constant 0 : i32
        %dma_start3A_167 = tpu.memref_slice %arg10[%dma_start3A_165, %dma_start3A_166] : memref<10240x64xf32, #tpu.memory_space<vmem_shared>> -> memref<10240x64xf32, #tpu.memory_space<vmem_shared>>
        tpu.enqueue_indirect_dma source(%arg9 : memref<128x64xf32, #tpu.memory_space<vmem>>) target(%dma_start3A_167 : memref<10240x64xf32, #tpu.memory_space<vmem_shared>>) offsets(%dma_start3A_164 : memref<128xi32, #tpu.memory_space<vmem>>) semaphore(%run_scoped3A_161 : memref<!tpu.dma_semaphore, #tpu.memory_space<semaphore_mem>>) {add = true}
        %dma_wait3A_168 = arith.constant 0 : i32
        %dma_wait3A_169 = tpu.memref_slice %arg8[%run_scoped3A_145, %dma_wait3A_168] : memref<8x128xi32, #tpu.memory_space<vmem>> -> memref<1x128xi32, #tpu.memory_space<vmem>>
        %dma_wait3A_170 = tpu.memref_squeeze %dma_wait3A_169 : memref<1x128xi32, #tpu.memory_space<vmem>> -> memref<128xi32, #tpu.memory_space<vmem>>
        %dma_wait3A_171 = arith.constant 0 : i32
        %dma_wait3A_172 = arith.constant 0 : i32
        %dma_wait3A_173 = tpu.memref_slice %arg10[%dma_wait3A_171, %dma_wait3A_172] : memref<10240x64xf32, #tpu.memory_space<vmem_shared>> -> memref<10240x64xf32, #tpu.memory_space<vmem_shared>>
        tpu.wait_indirect_dma semaphore(%run_scoped3A_161 : memref<!tpu.dma_semaphore, #tpu.memory_space<semaphore_mem>>) src(%arg9 : memref<128x64xf32, #tpu.memory_space<vmem>>) dst(%dma_wait3A_173 : memref<10240x64xf32, #tpu.memory_space<vmem_shared>>)
        tpu.yield
      }) : () -> ()
      %dma_start3A_146 = arith.constant 7 : i32
      %dma_start3A_147 = arith.constant 0 : i32
      %dma_start3A_148 = tpu.memref_slice %arg7[%dma_start3A_146, %dma_start3A_147] : memref<8x128xi32, #tpu.memory_space<vmem>> -> memref<1x128xi32, #tpu.memory_space<vmem>>
      %dma_start3A_149 = tpu.memref_squeeze %dma_start3A_148 : memref<1x128xi32, #tpu.memory_space<vmem>> -> memref<128xi32, #tpu.memory_space<vmem>>
      %dma_start3A_150 = arith.constant 0 : i32
      %dma_start3A_151 = arith.constant 0 : i32
      %dma_start3A_152 = tpu.memref_slice %arg4[%dma_start3A_150, %dma_start3A_151] : memref<10240x64xf32, #tpu.memory_space<hbm>> -> memref<10240x64xf32, #tpu.memory_space<hbm>>
      tpu.enqueue_indirect_dma source(%dma_start3A_152 : memref<10240x64xf32, #tpu.memory_space<hbm>>) target(%arg9 : memref<128x64xf32, #tpu.memory_space<vmem>>) offsets(%dma_start3A_149 : memref<128xi32, #tpu.memory_space<vmem>>) semaphore(%arg11 : memref<!tpu.dma_semaphore, #tpu.memory_space<semaphore_mem>>)
      %dma_wait3A_153 = arith.constant 7 : i32
      %dma_wait3A_154 = arith.constant 0 : i32
      %dma_wait3A_155 = tpu.memref_slice %arg7[%dma_wait3A_153, %dma_wait3A_154] : memref<8x128xi32, #tpu.memory_space<vmem>> -> memref<1x128xi32, #tpu.memory_space<vmem>>
      %dma_wait3A_156 = tpu.memref_squeeze %dma_wait3A_155 : memref<1x128xi32, #tpu.memory_space<vmem>> -> memref<128xi32, #tpu.memory_space<vmem>>
      %dma_wait3A_157 = arith.constant 0 : i32
      %dma_wait3A_158 = arith.constant 0 : i32
      %dma_wait3A_159 = tpu.memref_slice %arg4[%dma_wait3A_157, %dma_wait3A_158] : memref<10240x64xf32, #tpu.memory_space<hbm>> -> memref<10240x64xf32, #tpu.memory_space<hbm>>
      tpu.wait_indirect_dma semaphore(%arg11 : memref<!tpu.dma_semaphore, #tpu.memory_space<semaphore_mem>>) src(%dma_wait3A_159 : memref<10240x64xf32, #tpu.memory_space<hbm>>) dst(%arg9 : memref<128x64xf32, #tpu.memory_space<vmem>>)
      %run_scoped3A_160 = arith.constant 7 : i32
      "tpu.region"() ({
        %run_scoped3A_161 = tpu.sem_alloc : memref<!tpu.dma_semaphore, #tpu.memory_space<semaphore_mem>>
        %dma_start3A_162 = arith.constant 0 : i32
        %dma_start3A_163 = tpu.memref_slice %arg8[%run_scoped3A_160, %dma_start3A_162] : memref<8x128xi32, #tpu.memory_space<vmem>> -> memref<1x128xi32, #tpu.memory_space<vmem>>
        %dma_start3A_164 = tpu.memref_squeeze %dma_start3A_163 : memref<1x128xi32, #tpu.memory_space<vmem>> -> memref<128xi32, #tpu.memory_space<vmem>>
        %dma_start3A_165 = arith.constant 0 : i32
        %dma_start3A_166 = arith.constant 0 : i32
        %dma_start3A_167 = tpu.memref_slice %arg10[%dma_start3A_165, %dma_start3A_166] : memref<10240x64xf32, #tpu.memory_space<vmem_shared>> -> memref<10240x64xf32, #tpu.memory_space<vmem_shared>>
        tpu.enqueue_indirect_dma source(%arg9 : memref<128x64xf32, #tpu.memory_space<vmem>>) target(%dma_start3A_167 : memref<10240x64xf32, #tpu.memory_space<vmem_shared>>) offsets(%dma_start3A_164 : memref<128xi32, #tpu.memory_space<vmem>>) semaphore(%run_scoped3A_161 : memref<!tpu.dma_semaphore, #tpu.memory_space<semaphore_mem>>) {add = true}
        %dma_wait3A_168 = arith.constant 0 : i32
        %dma_wait3A_169 = tpu.memref_slice %arg8[%run_scoped3A_160, %dma_wait3A_168] : memref<8x128xi32, #tpu.memory_space<vmem>> -> memref<1x128xi32, #tpu.memory_space<vmem>>
        %dma_wait3A_170 = tpu.memref_squeeze %dma_wait3A_169 : memref<1x128xi32, #tpu.memory_space<vmem>> -> memref<128xi32, #tpu.memory_space<vmem>>
        %dma_wait3A_171 = arith.constant 0 : i32
        %dma_wait3A_172 = arith.constant 0 : i32
        %dma_wait3A_173 = tpu.memref_slice %arg10[%dma_wait3A_171, %dma_wait3A_172] : memref<10240x64xf32, #tpu.memory_space<vmem_shared>> -> memref<10240x64xf32, #tpu.memory_space<vmem_shared>>
        tpu.wait_indirect_dma semaphore(%run_scoped3A_161 : memref<!tpu.dma_semaphore, #tpu.memory_space<semaphore_mem>>) src(%arg9 : memref<128x64xf32, #tpu.memory_space<vmem>>) dst(%dma_wait3A_173 : memref<10240x64xf32, #tpu.memory_space<vmem_shared>>)
        tpu.yield
      }) : () -> ()
    }
    %scan3A_17 = arith.constant 10 : i32
    %barrier3A_18 = arith.constant 0 : index
    tpu.barrier barrier_id(%barrier3A_18)
    %add3A_19 = arith.constant 0 : i32
    %add3A_20 = arith.addi %mul3A_2, %add3A_19 : i32
    "tpu.region"() ({
      %run_scoped3A = tpu.sem_alloc : memref<!tpu.dma_semaphore, #tpu.memory_space<semaphore_mem>>
      %dma_start3A = arith.constant 0 : i32
      %dma_start3A_39 = tpu.memref_slice %arg10[%add3A_20, %dma_start3A] : memref<10240x64xf32, #tpu.memory_space<vmem_shared>> -> memref<128x64xf32, #tpu.memory_space<vmem_shared>>
      %dma_start3A_40 = arith.constant 0 : i32
      %dma_start3A_41 = tpu.memref_slice %arg10[%add3A_20, %dma_start3A_40] : memref<10240x64xf32, #tpu.memory_space<vmem_shared>> -> memref<128x64xf32, #tpu.memory_space<vmem_shared>>
      tpu.enqueue_dma source(%dma_start3A_41 : memref<128x64xf32, #tpu.memory_space<vmem_shared>>) target(%arg9 : memref<128x64xf32, #tpu.memory_space<vmem>>) target_semaphore(%run_scoped3A : memref<!tpu.dma_semaphore, #tpu.memory_space<semaphore_mem>>)
      %dma_wait3A = arith.constant 0 : i32
      %dma_wait3A_42 = tpu.memref_slice %arg10[%add3A_20, %dma_wait3A] : memref<10240x64xf32, #tpu.memory_space<vmem_shared>> -> memref<128x64xf32, #tpu.memory_space<vmem_shared>>
      %dma_wait3A_43 = arith.constant 0 : i32
      %dma_wait3A_44 = tpu.memref_slice %arg10[%add3A_20, %dma_wait3A_43] : memref<10240x64xf32, #tpu.memory_space<vmem_shared>> -> memref<128x64xf32, #tpu.memory_space<vmem_shared>>
      tpu.wait_dma2 semaphore(%run_scoped3A : memref<!tpu.dma_semaphore, #tpu.memory_space<semaphore_mem>>) src(%dma_wait3A_44 : memref<128x64xf32, #tpu.memory_space<vmem_shared>>) dst(%arg9 : memref<128x64xf32, #tpu.memory_space<vmem>>)
      tpu.yield
    }) : () -> ()
    %add3A_21 = arith.constant 0 : i32
    %add3A_22 = arith.addi %mul3A_2, %add3A_21 : i32
    "tpu.region"() ({
      %run_scoped3A = tpu.sem_alloc : memref<!tpu.dma_semaphore, #tpu.memory_space<semaphore_mem>>
      %dma_start3A = arith.constant 0 : i32
      %dma_start3A_39 = tpu.memref_slice %arg6[%arg0, %add3A_22, %dma_start3A] : memref<2x10240x64xf32, #tpu.memory_space<hbm>> -> memref<1x128x64xf32, #tpu.memory_space<hbm>>
      %dma_start3A_40 = tpu.memref_squeeze %dma_start3A_39 : memref<1x128x64xf32, #tpu.memory_space<hbm>> -> memref<128x64xf32, #tpu.memory_space<hbm>>
      %dma_start3A_41 = arith.constant 0 : i32
      %dma_start3A_42 = tpu.memref_slice %arg6[%arg0, %add3A_22, %dma_start3A_41] : memref<2x10240x64xf32, #tpu.memory_space<hbm>> -> memref<1x128x64xf32, #tpu.memory_space<hbm>>
      %dma_start3A_43 = tpu.memref_squeeze %dma_start3A_42 : memref<1x128x64xf32, #tpu.memory_space<hbm>> -> memref<128x64xf32, #tpu.memory_space<hbm>>
      tpu.enqueue_dma source(%arg9 : memref<128x64xf32, #tpu.memory_space<vmem>>) target(%dma_start3A_43 : memref<128x64xf32, #tpu.memory_space<hbm>>) target_semaphore(%run_scoped3A : memref<!tpu.dma_semaphore, #tpu.memory_space<semaphore_mem>>)
      %dma_wait3A = arith.constant 0 : i32
      %dma_wait3A_44 = tpu.memref_slice %arg6[%arg0, %add3A_22, %dma_wait3A] : memref<2x10240x64xf32, #tpu.memory_space<hbm>> -> memref<1x128x64xf32, #tpu.memory_space<hbm>>
      %dma_wait3A_45 = tpu.memref_squeeze %dma_wait3A_44 : memref<1x128x64xf32, #tpu.memory_space<hbm>> -> memref<128x64xf32, #tpu.memory_space<hbm>>
      %dma_wait3A_46 = arith.constant 0 : i32
      %dma_wait3A_47 = tpu.memref_slice %arg6[%arg0, %add3A_22, %dma_wait3A_46] : memref<2x10240x64xf32, #tpu.memory_space<hbm>> -> memref<1x128x64xf32, #tpu.memory_space<hbm>>
      %dma_wait3A_48 = tpu.memref_squeeze %dma_wait3A_47 : memref<1x128x64xf32, #tpu.memory_space<hbm>> -> memref<128x64xf32, #tpu.memory_space<hbm>>
      tpu.wait_dma2 semaphore(%run_scoped3A : memref<!tpu.dma_semaphore, #tpu.memory_space<semaphore_mem>>) src(%arg9 : memref<128x64xf32, #tpu.memory_space<vmem>>) dst(%dma_wait3A_48 : memref<128x64xf32, #tpu.memory_space<hbm>>)
      tpu.yield
    }) : () -> ()
    %add3A_23 = arith.constant 128 : i32
    %add3A_24 = arith.addi %mul3A_2, %add3A_23 : i32
    "tpu.region"() ({
      %run_scoped3A = tpu.sem_alloc : memref<!tpu.dma_semaphore, #tpu.memory_space<semaphore_mem>>
      %dma_start3A = arith.constant 0 : i32
      %dma_start3A_39 = tpu.memref_slice %arg10[%add3A_24, %dma_start3A] : memref<10240x64xf32, #tpu.memory_space<vmem_shared>> -> memref<128x64xf32, #tpu.memory_space<vmem_shared>>
      %dma_start3A_40 = arith.constant 0 : i32
      %dma_start3A_41 = tpu.memref_slice %arg10[%add3A_24, %dma_start3A_40] : memref<10240x64xf32, #tpu.memory_space<vmem_shared>> -> memref<128x64xf32, #tpu.memory_space<vmem_shared>>
      tpu.enqueue_dma source(%dma_start3A_41 : memref<128x64xf32, #tpu.memory_space<vmem_shared>>) target(%arg9 : memref<128x64xf32, #tpu.memory_space<vmem>>) target_semaphore(%run_scoped3A : memref<!tpu.dma_semaphore, #tpu.memory_space<semaphore_mem>>)
      %dma_wait3A = arith.constant 0 : i32
      %dma_wait3A_42 = tpu.memref_slice %arg10[%add3A_24, %dma_wait3A] : memref<10240x64xf32, #tpu.memory_space<vmem_shared>> -> memref<128x64xf32, #tpu.memory_space<vmem_shared>>
      %dma_wait3A_43 = arith.constant 0 : i32
      %dma_wait3A_44 = tpu.memref_slice %arg10[%add3A_24, %dma_wait3A_43] : memref<10240x64xf32, #tpu.memory_space<vmem_shared>> -> memref<128x64xf32, #tpu.memory_space<vmem_shared>>
      tpu.wait_dma2 semaphore(%run_scoped3A : memref<!tpu.dma_semaphore, #tpu.memory_space<semaphore_mem>>) src(%dma_wait3A_44 : memref<128x64xf32, #tpu.memory_space<vmem_shared>>) dst(%arg9 : memref<128x64xf32, #tpu.memory_space<vmem>>)
      tpu.yield
    }) : () -> ()
    %add3A_25 = arith.constant 128 : i32
    %add3A_26 = arith.addi %mul3A_2, %add3A_25 : i32
    "tpu.region"() ({
      %run_scoped3A = tpu.sem_alloc : memref<!tpu.dma_semaphore, #tpu.memory_space<semaphore_mem>>
      %dma_start3A = arith.constant 0 : i32
      %dma_start3A_39 = tpu.memref_slice %arg6[%arg0, %add3A_26, %dma_start3A] : memref<2x10240x64xf32, #tpu.memory_space<hbm>> -> memref<1x128x64xf32, #tpu.memory_space<hbm>>
      %dma_start3A_40 = tpu.memref_squeeze %dma_start3A_39 : memref<1x128x64xf32, #tpu.memory_space<hbm>> -> memref<128x64xf32, #tpu.memory_space<hbm>>
      %dma_start3A_41 = arith.constant 0 : i32
      %dma_start3A_42 = tpu.memref_slice %arg6[%arg0, %add3A_26, %dma_start3A_41] : memref<2x10240x64xf32, #tpu.memory_space<hbm>> -> memref<1x128x64xf32, #tpu.memory_space<hbm>>
      %dma_start3A_43 = tpu.memref_squeeze %dma_start3A_42 : memref<1x128x64xf32, #tpu.memory_space<hbm>> -> memref<128x64xf32, #tpu.memory_space<hbm>>
      tpu.enqueue_dma source(%arg9 : memref<128x64xf32, #tpu.memory_space<vmem>>) target(%dma_start3A_43 : memref<128x64xf32, #tpu.memory_space<hbm>>) target_semaphore(%run_scoped3A : memref<!tpu.dma_semaphore, #tpu.memory_space<semaphore_mem>>)
      %dma_wait3A = arith.constant 0 : i32
      %dma_wait3A_44 = tpu.memref_slice %arg6[%arg0, %add3A_26, %dma_wait3A] : memref<2x10240x64xf32, #tpu.memory_space<hbm>> -> memref<1x128x64xf32, #tpu.memory_space<hbm>>
      %dma_wait3A_45 = tpu.memref_squeeze %dma_wait3A_44 : memref<1x128x64xf32, #tpu.memory_space<hbm>> -> memref<128x64xf32, #tpu.memory_space<hbm>>
      %dma_wait3A_46 = arith.constant 0 : i32
      %dma_wait3A_47 = tpu.memref_slice %arg6[%arg0, %add3A_26, %dma_wait3A_46] : memref<2x10240x64xf32, #tpu.memory_space<hbm>> -> memref<1x128x64xf32, #tpu.memory_space<hbm>>
      %dma_wait3A_48 = tpu.memref_squeeze %dma_wait3A_47 : memref<1x128x64xf32, #tpu.memory_space<hbm>> -> memref<128x64xf32, #tpu.memory_space<hbm>>
      tpu.wait_dma2 semaphore(%run_scoped3A : memref<!tpu.dma_semaphore, #tpu.memory_space<semaphore_mem>>) src(%arg9 : memref<128x64xf32, #tpu.memory_space<vmem>>) dst(%dma_wait3A_48 : memref<128x64xf32, #tpu.memory_space<hbm>>)
      tpu.yield
    }) : () -> ()
    %add3A_27 = arith.constant 256 : i32
    %add3A_28 = arith.addi %mul3A_2, %add3A_27 : i32
    "tpu.region"() ({
      %run_scoped3A = tpu.sem_alloc : memref<!tpu.dma_semaphore, #tpu.memory_space<semaphore_mem>>
      %dma_start3A = arith.constant 0 : i32
      %dma_start3A_39 = tpu.memref_slice %arg10[%add3A_28, %dma_start3A] : memref<10240x64xf32, #tpu.memory_space<vmem_shared>> -> memref<128x64xf32, #tpu.memory_space<vmem_shared>>
      %dma_start3A_40 = arith.constant 0 : i32
      %dma_start3A_41 = tpu.memref_slice %arg10[%add3A_28, %dma_start3A_40] : memref<10240x64xf32, #tpu.memory_space<vmem_shared>> -> memref<128x64xf32, #tpu.memory_space<vmem_shared>>
      tpu.enqueue_dma source(%dma_start3A_41 : memref<128x64xf32, #tpu.memory_space<vmem_shared>>) target(%arg9 : memref<128x64xf32, #tpu.memory_space<vmem>>) target_semaphore(%run_scoped3A : memref<!tpu.dma_semaphore, #tpu.memory_space<semaphore_mem>>)
      %dma_wait3A = arith.constant 0 : i32
      %dma_wait3A_42 = tpu.memref_slice %arg10[%add3A_28, %dma_wait3A] : memref<10240x64xf32, #tpu.memory_space<vmem_shared>> -> memref<128x64xf32, #tpu.memory_space<vmem_shared>>
      %dma_wait3A_43 = arith.constant 0 : i32
      %dma_wait3A_44 = tpu.memref_slice %arg10[%add3A_28, %dma_wait3A_43] : memref<10240x64xf32, #tpu.memory_space<vmem_shared>> -> memref<128x64xf32, #tpu.memory_space<vmem_shared>>
      tpu.wait_dma2 semaphore(%run_scoped3A : memref<!tpu.dma_semaphore, #tpu.memory_space<semaphore_mem>>) src(%dma_wait3A_44 : memref<128x64xf32, #tpu.memory_space<vmem_shared>>) dst(%arg9 : memref<128x64xf32, #tpu.memory_space<vmem>>)
      tpu.yield
    }) : () -> ()
    %add3A_29 = arith.constant 256 : i32
    %add3A_30 = arith.addi %mul3A_2, %add3A_29 : i32
    "tpu.region"() ({
      %run_scoped3A = tpu.sem_alloc : memref<!tpu.dma_semaphore, #tpu.memory_space<semaphore_mem>>
      %dma_start3A = arith.constant 0 : i32
      %dma_start3A_39 = tpu.memref_slice %arg6[%arg0, %add3A_30, %dma_start3A] : memref<2x10240x64xf32, #tpu.memory_space<hbm>> -> memref<1x128x64xf32, #tpu.memory_space<hbm>>
      %dma_start3A_40 = tpu.memref_squeeze %dma_start3A_39 : memref<1x128x64xf32, #tpu.memory_space<hbm>> -> memref<128x64xf32, #tpu.memory_space<hbm>>
      %dma_start3A_41 = arith.constant 0 : i32
      %dma_start3A_42 = tpu.memref_slice %arg6[%arg0, %add3A_30, %dma_start3A_41] : memref<2x10240x64xf32, #tpu.memory_space<hbm>> -> memref<1x128x64xf32, #tpu.memory_space<hbm>>
      %dma_start3A_43 = tpu.memref_squeeze %dma_start3A_42 : memref<1x128x64xf32, #tpu.memory_space<hbm>> -> memref<128x64xf32, #tpu.memory_space<hbm>>
      tpu.enqueue_dma source(%arg9 : memref<128x64xf32, #tpu.memory_space<vmem>>) target(%dma_start3A_43 : memref<128x64xf32, #tpu.memory_space<hbm>>) target_semaphore(%run_scoped3A : memref<!tpu.dma_semaphore, #tpu.memory_space<semaphore_mem>>)
      %dma_wait3A = arith.constant 0 : i32
      %dma_wait3A_44 = tpu.memref_slice %arg6[%arg0, %add3A_30, %dma_wait3A] : memref<2x10240x64xf32, #tpu.memory_space<hbm>> -> memref<1x128x64xf32, #tpu.memory_space<hbm>>
      %dma_wait3A_45 = tpu.memref_squeeze %dma_wait3A_44 : memref<1x128x64xf32, #tpu.memory_space<hbm>> -> memref<128x64xf32, #tpu.memory_space<hbm>>
      %dma_wait3A_46 = arith.constant 0 : i32
      %dma_wait3A_47 = tpu.memref_slice %arg6[%arg0, %add3A_30, %dma_wait3A_46] : memref<2x10240x64xf32, #tpu.memory_space<hbm>> -> memref<1x128x64xf32, #tpu.memory_space<hbm>>
      %dma_wait3A_48 = tpu.memref_squeeze %dma_wait3A_47 : memref<1x128x64xf32, #tpu.memory_space<hbm>> -> memref<128x64xf32, #tpu.memory_space<hbm>>
      tpu.wait_dma2 semaphore(%run_scoped3A : memref<!tpu.dma_semaphore, #tpu.memory_space<semaphore_mem>>) src(%arg9 : memref<128x64xf32, #tpu.memory_space<vmem>>) dst(%dma_wait3A_48 : memref<128x64xf32, #tpu.memory_space<hbm>>)
      tpu.yield
    }) : () -> ()
    %add3A_31 = arith.constant 384 : i32
    %add3A_32 = arith.addi %mul3A_2, %add3A_31 : i32
    "tpu.region"() ({
      %run_scoped3A = tpu.sem_alloc : memref<!tpu.dma_semaphore, #tpu.memory_space<semaphore_mem>>
      %dma_start3A = arith.constant 0 : i32
      %dma_start3A_39 = tpu.memref_slice %arg10[%add3A_32, %dma_start3A] : memref<10240x64xf32, #tpu.memory_space<vmem_shared>> -> memref<128x64xf32, #tpu.memory_space<vmem_shared>>
      %dma_start3A_40 = arith.constant 0 : i32
      %dma_start3A_41 = tpu.memref_slice %arg10[%add3A_32, %dma_start3A_40] : memref<10240x64xf32, #tpu.memory_space<vmem_shared>> -> memref<128x64xf32, #tpu.memory_space<vmem_shared>>
      tpu.enqueue_dma source(%dma_start3A_41 : memref<128x64xf32, #tpu.memory_space<vmem_shared>>) target(%arg9 : memref<128x64xf32, #tpu.memory_space<vmem>>) target_semaphore(%run_scoped3A : memref<!tpu.dma_semaphore, #tpu.memory_space<semaphore_mem>>)
      %dma_wait3A = arith.constant 0 : i32
      %dma_wait3A_42 = tpu.memref_slice %arg10[%add3A_32, %dma_wait3A] : memref<10240x64xf32, #tpu.memory_space<vmem_shared>> -> memref<128x64xf32, #tpu.memory_space<vmem_shared>>
      %dma_wait3A_43 = arith.constant 0 : i32
      %dma_wait3A_44 = tpu.memref_slice %arg10[%add3A_32, %dma_wait3A_43] : memref<10240x64xf32, #tpu.memory_space<vmem_shared>> -> memref<128x64xf32, #tpu.memory_space<vmem_shared>>
      tpu.wait_dma2 semaphore(%run_scoped3A : memref<!tpu.dma_semaphore, #tpu.memory_space<semaphore_mem>>) src(%dma_wait3A_44 : memref<128x64xf32, #tpu.memory_space<vmem_shared>>) dst(%arg9 : memref<128x64xf32, #tpu.memory_space<vmem>>)
      tpu.yield
    }) : () -> ()
    %add3A_33 = arith.constant 384 : i32
    %add3A_34 = arith.addi %mul3A_2, %add3A_33 : i32
    "tpu.region"() ({
      %run_scoped3A = tpu.sem_alloc : memref<!tpu.dma_semaphore, #tpu.memory_space<semaphore_mem>>
      %dma_start3A = arith.constant 0 : i32
      %dma_start3A_39 = tpu.memref_slice %arg6[%arg0, %add3A_34, %dma_start3A] : memref<2x10240x64xf32, #tpu.memory_space<hbm>> -> memref<1x128x64xf32, #tpu.memory_space<hbm>>
      %dma_start3A_40 = tpu.memref_squeeze %dma_start3A_39 : memref<1x128x64xf32, #tpu.memory_space<hbm>> -> memref<128x64xf32, #tpu.memory_space<hbm>>
      %dma_start3A_41 = arith.constant 0 : i32
      %dma_start3A_42 = tpu.memref_slice %arg6[%arg0, %add3A_34, %dma_start3A_41] : memref<2x10240x64xf32, #tpu.memory_space<hbm>> -> memref<1x128x64xf32, #tpu.memory_space<hbm>>
      %dma_start3A_43 = tpu.memref_squeeze %dma_start3A_42 : memref<1x128x64xf32, #tpu.memory_space<hbm>> -> memref<128x64xf32, #tpu.memory_space<hbm>>
      tpu.enqueue_dma source(%arg9 : memref<128x64xf32, #tpu.memory_space<vmem>>) target(%dma_start3A_43 : memref<128x64xf32, #tpu.memory_space<hbm>>) target_semaphore(%run_scoped3A : memref<!tpu.dma_semaphore, #tpu.memory_space<semaphore_mem>>)
      %dma_wait3A = arith.constant 0 : i32
      %dma_wait3A_44 = tpu.memref_slice %arg6[%arg0, %add3A_34, %dma_wait3A] : memref<2x10240x64xf32, #tpu.memory_space<hbm>> -> memref<1x128x64xf32, #tpu.memory_space<hbm>>
      %dma_wait3A_45 = tpu.memref_squeeze %dma_wait3A_44 : memref<1x128x64xf32, #tpu.memory_space<hbm>> -> memref<128x64xf32, #tpu.memory_space<hbm>>
      %dma_wait3A_46 = arith.constant 0 : i32
      %dma_wait3A_47 = tpu.memref_slice %arg6[%arg0, %add3A_34, %dma_wait3A_46] : memref<2x10240x64xf32, #tpu.memory_space<hbm>> -> memref<1x128x64xf32, #tpu.memory_space<hbm>>
      %dma_wait3A_48 = tpu.memref_squeeze %dma_wait3A_47 : memref<1x128x64xf32, #tpu.memory_space<hbm>> -> memref<128x64xf32, #tpu.memory_space<hbm>>
      tpu.wait_dma2 semaphore(%run_scoped3A : memref<!tpu.dma_semaphore, #tpu.memory_space<semaphore_mem>>) src(%arg9 : memref<128x64xf32, #tpu.memory_space<vmem>>) dst(%dma_wait3A_48 : memref<128x64xf32, #tpu.memory_space<hbm>>)
      tpu.yield
    }) : () -> ()
    %add3A_35 = arith.constant 512 : i32
    %add3A_36 = arith.addi %mul3A_2, %add3A_35 : i32
    "tpu.region"() ({
      %run_scoped3A = tpu.sem_alloc : memref<!tpu.dma_semaphore, #tpu.memory_space<semaphore_mem>>
      %dma_start3A = arith.constant 0 : i32
      %dma_start3A_39 = tpu.memref_slice %arg10[%add3A_36, %dma_start3A] : memref<10240x64xf32, #tpu.memory_space<vmem_shared>> -> memref<128x64xf32, #tpu.memory_space<vmem_shared>>
      %dma_start3A_40 = arith.constant 0 : i32
      %dma_start3A_41 = tpu.memref_slice %arg10[%add3A_36, %dma_start3A_40] : memref<10240x64xf32, #tpu.memory_space<vmem_shared>> -> memref<128x64xf32, #tpu.memory_space<vmem_shared>>
      tpu.enqueue_dma source(%dma_start3A_41 : memref<128x64xf32, #tpu.memory_space<vmem_shared>>) target(%arg9 : memref<128x64xf32, #tpu.memory_space<vmem>>) target_semaphore(%run_scoped3A : memref<!tpu.dma_semaphore, #tpu.memory_space<semaphore_mem>>)
      %dma_wait3A = arith.constant 0 : i32
      %dma_wait3A_42 = tpu.memref_slice %arg10[%add3A_36, %dma_wait3A] : memref<10240x64xf32, #tpu.memory_space<vmem_shared>> -> memref<128x64xf32, #tpu.memory_space<vmem_shared>>
      %dma_wait3A_43 = arith.constant 0 : i32
      %dma_wait3A_44 = tpu.memref_slice %arg10[%add3A_36, %dma_wait3A_43] : memref<10240x64xf32, #tpu.memory_space<vmem_shared>> -> memref<128x64xf32, #tpu.memory_space<vmem_shared>>
      tpu.wait_dma2 semaphore(%run_scoped3A : memref<!tpu.dma_semaphore, #tpu.memory_space<semaphore_mem>>) src(%dma_wait3A_44 : memref<128x64xf32, #tpu.memory_space<vmem_shared>>) dst(%arg9 : memref<128x64xf32, #tpu.memory_space<vmem>>)
      tpu.yield
    }) : () -> ()
    %add3A_37 = arith.constant 512 : i32
    %add3A_38 = arith.addi %mul3A_2, %add3A_37 : i32
    "tpu.region"() ({
      %run_scoped3A = tpu.sem_alloc : memref<!tpu.dma_semaphore, #tpu.memory_space<semaphore_mem>>
      %dma_start3A = arith.constant 0 : i32
      %dma_start3A_39 = tpu.memref_slice %arg6[%arg0, %add3A_38, %dma_start3A] : memref<2x10240x64xf32, #tpu.memory_space<hbm>> -> memref<1x128x64xf32, #tpu.memory_space<hbm>>
      %dma_start3A_40 = tpu.memref_squeeze %dma_start3A_39 : memref<1x128x64xf32, #tpu.memory_space<hbm>> -> memref<128x64xf32, #tpu.memory_space<hbm>>
      %dma_start3A_41 = arith.constant 0 : i32
      %dma_start3A_42 = tpu.memref_slice %arg6[%arg0, %add3A_38, %dma_start3A_41] : memref<2x10240x64xf32, #tpu.memory_space<hbm>> -> memref<1x128x64xf32, #tpu.memory_space<hbm>>
      %dma_start3A_43 = tpu.memref_squeeze %dma_start3A_42 : memref<1x128x64xf32, #tpu.memory_space<hbm>> -> memref<128x64xf32, #tpu.memory_space<hbm>>
      tpu.enqueue_dma source(%arg9 : memref<128x64xf32, #tpu.memory_space<vmem>>) target(%dma_start3A_43 : memref<128x64xf32, #tpu.memory_space<hbm>>) target_semaphore(%run_scoped3A : memref<!tpu.dma_semaphore, #tpu.memory_space<semaphore_mem>>)
      %dma_wait3A = arith.constant 0 : i32
      %dma_wait3A_44 = tpu.memref_slice %arg6[%arg0, %add3A_38, %dma_wait3A] : memref<2x10240x64xf32, #tpu.memory_space<hbm>> -> memref<1x128x64xf32, #tpu.memory_space<hbm>>
      %dma_wait3A_45 = tpu.memref_squeeze %dma_wait3A_44 : memref<1x128x64xf32, #tpu.memory_space<hbm>> -> memref<128x64xf32, #tpu.memory_space<hbm>>
      %dma_wait3A_46 = arith.constant 0 : i32
      %dma_wait3A_47 = tpu.memref_slice %arg6[%arg0, %add3A_38, %dma_wait3A_46] : memref<2x10240x64xf32, #tpu.memory_space<hbm>> -> memref<1x128x64xf32, #tpu.memory_space<hbm>>
      %dma_wait3A_48 = tpu.memref_squeeze %dma_wait3A_47 : memref<1x128x64xf32, #tpu.memory_space<hbm>> -> memref<128x64xf32, #tpu.memory_space<hbm>>
      tpu.wait_dma2 semaphore(%run_scoped3A : memref<!tpu.dma_semaphore, #tpu.memory_space<semaphore_mem>>) src(%arg9 : memref<128x64xf32, #tpu.memory_space<vmem>>) dst(%dma_wait3A_48 : memref<128x64xf32, #tpu.memory_space<hbm>>)
      tpu.yield
    }) : () -> ()
    return
  }
}

module attributes {stable_mosaic.version = 14 : i64} {
  func.func @_elin_body(%arg0: i32, %arg1: memref<2048x16xf32, #tpu.memory_space<vmem>>, %arg2: memref<16x64xf32, #tpu.memory_space<vmem>>, %arg3: memref<1x64xf32, #tpu.memory_space<vmem>>, %arg4: memref<2048x64xf32, #tpu.memory_space<vmem>>) attributes {dimension_semantics = [#tpu.dimension_semantics<arbitrary>], iteration_bounds = array<i64: 160>, scalar_prefetch = 0 : i64, scratch_operands = 0 : i64, tpu.core_type = #tpu.core_type<tc>, window_params = [{transform_indices = @transform_0, window_bounds = array<i64: 2048, 16>}, {pipeline_mode = #tpu.pipeline_mode<synchronous>, transform_indices = @transform_1, window_bounds = array<i64: 16, 64>}, {pipeline_mode = #tpu.pipeline_mode<synchronous>, transform_indices = @transform_2, window_bounds = array<i64: 1, 64>}, {transform_indices = @transform_3, window_bounds = array<i64: 2048, 64>}]} {
    %get3A = arith.constant 0 : index
    %get3A_0 = arith.constant 0 : index
    %get3A_1 = vector.load %arg1[%get3A, %get3A_0] : memref<2048x16xf32, #tpu.memory_space<vmem>>, vector<2048x16xf32>
    %get3A_2 = arith.constant 0 : index
    %get3A_3 = arith.constant 0 : index
    %get3A_4 = vector.load %arg2[%get3A_2, %get3A_3] : memref<16x64xf32, #tpu.memory_space<vmem>>, vector<16x64xf32>
    %dot_general3A = arith.constant dense<0.000000e+00> : vector<2048x64xf32>
    %dot_general3A_5 = tpu.matmul %get3A_1, %get3A_4, %dot_general3A {dimension_numbers = #tpu.dot_dimension_numbers<[1], [0], [0], [1], [0, 0, 1, 1], [], []>, transpose_lhs_hint = false} : vector<2048x16xf32>, vector<16x64xf32>, vector<2048x64xf32> -> vector<2048x64xf32>
    %get3A_6 = arith.constant 0 : index
    %get3A_7 = arith.constant 0 : index
    %get3A_8 = vector.load %arg3[%get3A_6, %get3A_7] : memref<1x64xf32, #tpu.memory_space<vmem>>, vector<1x64xf32>
    %add3A = vector.broadcast %get3A_8 : vector<1x64xf32> to vector<2048x64xf32>
    %add3A_9 = arith.addf %dot_general3A_5, %add3A : vector<2048x64xf32>
    %swap3A = arith.constant 0 : index
    %swap3A_10 = arith.constant 0 : index
    %swap3A_11 = vector.load %arg4[%swap3A, %swap3A_10] : memref<2048x64xf32, #tpu.memory_space<vmem>>, vector<2048x64xf32>
    tpu.vector_store %arg4[%swap3A, %swap3A_10], %add3A_9 {strides = array<i32>} : memref<2048x64xf32, #tpu.memory_space<vmem>>, vector<2048x64xf32>,
    return
  }
  func.func @transform_0(%arg0: i32) -> (i32, i32) {
    %c0_i32 = arith.constant 0 : i32
    %c0_i32_0 = arith.constant 0 : i32
    return %arg0, %c0_i32 : i32, i32
  }
  func.func @transform_1(%arg0: i32) -> (i32, i32) {
    %c0_i32 = arith.constant 0 : i32
    %c0_i32_0 = arith.constant 0 : i32
    %c0_i32_1 = arith.constant 0 : i32
    return %c0_i32, %c0_i32_0 : i32, i32
  }
  func.func @transform_2(%arg0: i32) -> (i32, i32) {
    %c0_i32 = arith.constant 0 : i32
    %c0_i32_0 = arith.constant 0 : i32
    %c0_i32_1 = arith.constant 0 : i32
    return %c0_i32, %c0_i32_0 : i32, i32
  }
  func.func @transform_3(%arg0: i32) -> (i32, i32) {
    %c0_i32 = arith.constant 0 : i32
    %c0_i32_0 = arith.constant 0 : i32
    return %arg0, %c0_i32 : i32, i32
  }
}

module attributes {stable_mosaic.version = 14 : i64} {
  func.func @_premix_body(%arg0: i32, %arg1: memref<512x128xf32, #tpu.memory_space<vmem>>, %arg2: memref<512x64xf32, #tpu.memory_space<vmem>>, %arg3: memref<512x64xf32, #tpu.memory_space<vmem>>, %arg4: memref<128x64xf32, #tpu.memory_space<vmem>>, %arg5: memref<1x64xf32, #tpu.memory_space<vmem>>, %arg6: memref<512x64xf32, #tpu.memory_space<vmem>>, %arg7: memref<512x64xf32, #tpu.memory_space<vmem>>) attributes {dimension_semantics = [#tpu.dimension_semantics<arbitrary>], iteration_bounds = array<i64: 20>, scalar_prefetch = 0 : i64, scratch_operands = 0 : i64, tpu.core_type = #tpu.core_type<tc>, window_params = [{transform_indices = @transform_0, window_bounds = array<i64: 512, 128>}, {transform_indices = @transform_1, window_bounds = array<i64: 512, 64>}, {transform_indices = @transform_2, window_bounds = array<i64: 512, 64>}, {pipeline_mode = #tpu.pipeline_mode<synchronous>, transform_indices = @transform_3, window_bounds = array<i64: 128, 64>}, {pipeline_mode = #tpu.pipeline_mode<synchronous>, transform_indices = @transform_4, window_bounds = array<i64: 1, 64>}, {transform_indices = @transform_5, window_bounds = array<i64: 512, 64>}, {transform_indices = @transform_6, window_bounds = array<i64: 512, 64>}]} {
    %get3A = arith.constant 0 : index
    %get3A_0 = arith.constant 0 : index
    %get3A_1 = vector.load %arg1[%get3A, %get3A_0] : memref<512x128xf32, #tpu.memory_space<vmem>>, vector<512x128xf32>
    %get3A_2 = arith.constant 0 : index
    %get3A_3 = arith.constant 0 : index
    %get3A_4 = vector.load %arg4[%get3A_2, %get3A_3] : memref<128x64xf32, #tpu.memory_space<vmem>>, vector<128x64xf32>
    %dot_general3A = arith.constant dense<0.000000e+00> : vector<512x64xf32>
    %dot_general3A_5 = tpu.matmul %get3A_1, %get3A_4, %dot_general3A {dimension_numbers = #tpu.dot_dimension_numbers<[1], [0], [0], [1], [0, 0, 1, 1], [], []>, transpose_lhs_hint = false} : vector<512x128xf32>, vector<128x64xf32>, vector<512x64xf32> -> vector<512x64xf32>
    %get3A_6 = arith.constant 0 : index
    %get3A_7 = arith.constant 0 : index
    %get3A_8 = vector.load %arg5[%get3A_6, %get3A_7] : memref<1x64xf32, #tpu.memory_space<vmem>>, vector<1x64xf32>
    %add3A = vector.broadcast %get3A_8 : vector<1x64xf32> to vector<512x64xf32>
    %add3A_9 = arith.addf %dot_general3A_5, %add3A : vector<512x64xf32>
    %get3A_10 = arith.constant 0 : index
    %get3A_11 = arith.constant 0 : index
    %get3A_12 = vector.load %arg2[%get3A_10, %get3A_11] : memref<512x64xf32, #tpu.memory_space<vmem>>, vector<512x64xf32>
    %add3A_13 = arith.addf %add3A_9, %get3A_12 : vector<512x64xf32>
    %get3A_14 = arith.constant 0 : index
    %get3A_15 = arith.constant 0 : index
    %get3A_16 = vector.load %arg3[%get3A_14, %get3A_15] : memref<512x64xf32, #tpu.memory_space<vmem>>, vector<512x64xf32>
    %add3A_17 = arith.addf %add3A_13, %get3A_16 : vector<512x64xf32>
    %swap3A = arith.constant 0 : index
    %swap3A_18 = arith.constant 0 : index
    %swap3A_19 = vector.load %arg6[%swap3A, %swap3A_18] : memref<512x64xf32, #tpu.memory_space<vmem>>, vector<512x64xf32>
    tpu.vector_store %arg6[%swap3A, %swap3A_18], %add3A_17 {strides = array<i32>} : memref<512x64xf32, #tpu.memory_space<vmem>>, vector<512x64xf32>,
    %max3A = arith.constant 0.000000e+00 : f32
    %max3A_20 = vector.broadcast %max3A : f32 to vector<512x64xf32>
    %max3A_21 = arith.maximumf %add3A_17, %max3A_20 : vector<512x64xf32>
    %swap3A_22 = arith.constant 0 : index
    %swap3A_23 = arith.constant 0 : index
    %swap3A_24 = vector.load %arg7[%swap3A_22, %swap3A_23] : memref<512x64xf32, #tpu.memory_space<vmem>>, vector<512x64xf32>
    tpu.vector_store %arg7[%swap3A_22, %swap3A_23], %max3A_21 {strides = array<i32>} : memref<512x64xf32, #tpu.memory_space<vmem>>, vector<512x64xf32>,
    return
  }
  func.func @transform_0(%arg0: i32) -> (i32, i32) {
    %c0_i32 = arith.constant 0 : i32
    %c0_i32_0 = arith.constant 0 : i32
    return %arg0, %c0_i32 : i32, i32
  }
  func.func @transform_1(%arg0: i32) -> (i32, i32) {
    %c0_i32 = arith.constant 0 : i32
    %c0_i32_0 = arith.constant 0 : i32
    return %arg0, %c0_i32 : i32, i32
  }
  func.func @transform_2(%arg0: i32) -> (i32, i32) {
    %c0_i32 = arith.constant 0 : i32
    %c0_i32_0 = arith.constant 0 : i32
    return %arg0, %c0_i32 : i32, i32
  }
  func.func @transform_3(%arg0: i32) -> (i32, i32) {
    %c0_i32 = arith.constant 0 : i32
    %c0_i32_0 = arith.constant 0 : i32
    %c0_i32_1 = arith.constant 0 : i32
    return %c0_i32, %c0_i32_0 : i32, i32
  }
  func.func @transform_4(%arg0: i32) -> (i32, i32) {
    %c0_i32 = arith.constant 0 : i32
    %c0_i32_0 = arith.constant 0 : i32
    %c0_i32_1 = arith.constant 0 : i32
    return %c0_i32, %c0_i32_0 : i32, i32
  }
  func.func @transform_5(%arg0: i32) -> (i32, i32) {
    %c0_i32 = arith.constant 0 : i32
    %c0_i32_0 = arith.constant 0 : i32
    return %arg0, %c0_i32 : i32, i32
  }
  func.func @transform_6(%arg0: i32) -> (i32, i32) {
    %c0_i32 = arith.constant 0 : i32
    %c0_i32_0 = arith.constant 0 : i32
    return %arg0, %c0_i32 : i32, i32
  }
}

module attributes {stable_mosaic.version = 14 : i64} {
  func.func @_conv_body(%arg0: i32, %arg1: memref<512x64xf32, #tpu.memory_space<vmem>>, %arg2: memref<512x64xf32, #tpu.memory_space<vmem>>, %arg3: memref<64x64xf32, #tpu.memory_space<vmem>>, %arg4: memref<1x64xf32, #tpu.memory_space<vmem>>, %arg5: memref<512x64xf32, #tpu.memory_space<vmem>>, %arg6: memref<512x64xf32, #tpu.memory_space<vmem>>) attributes {dimension_semantics = [#tpu.dimension_semantics<arbitrary>], iteration_bounds = array<i64: 20>, scalar_prefetch = 0 : i64, scratch_operands = 0 : i64, tpu.core_type = #tpu.core_type<tc>, window_params = [{transform_indices = @transform_0, window_bounds = array<i64: 512, 64>}, {transform_indices = @transform_1, window_bounds = array<i64: 512, 64>}, {pipeline_mode = #tpu.pipeline_mode<synchronous>, transform_indices = @transform_2, window_bounds = array<i64: 64, 64>}, {pipeline_mode = #tpu.pipeline_mode<synchronous>, transform_indices = @transform_3, window_bounds = array<i64: 1, 64>}, {transform_indices = @transform_4, window_bounds = array<i64: 512, 64>}, {transform_indices = @transform_5, window_bounds = array<i64: 512, 64>}]} {
    %get3A = arith.constant 0 : index
    %get3A_0 = arith.constant 0 : index
    %get3A_1 = vector.load %arg1[%get3A, %get3A_0] : memref<512x64xf32, #tpu.memory_space<vmem>>, vector<512x64xf32>
    %get3A_2 = arith.constant 0 : index
    %get3A_3 = arith.constant 0 : index
    %get3A_4 = vector.load %arg2[%get3A_2, %get3A_3] : memref<512x64xf32, #tpu.memory_space<vmem>>, vector<512x64xf32>
    %add3A = arith.addf %get3A_1, %get3A_4 : vector<512x64xf32>
    %get3A_5 = arith.constant 0 : index
    %get3A_6 = arith.constant 0 : index
    %get3A_7 = vector.load %arg3[%get3A_5, %get3A_6] : memref<64x64xf32, #tpu.memory_space<vmem>>, vector<64x64xf32>
    %dot_general3A = arith.constant dense<0.000000e+00> : vector<512x64xf32>
    %dot_general3A_8 = tpu.matmul %add3A, %get3A_7, %dot_general3A {dimension_numbers = #tpu.dot_dimension_numbers<[1], [0], [0], [1], [0, 0, 1, 1], [], []>, transpose_lhs_hint = false} : vector<512x64xf32>, vector<64x64xf32>, vector<512x64xf32> -> vector<512x64xf32>
    %get3A_9 = arith.constant 0 : index
    %get3A_10 = arith.constant 0 : index
    %get3A_11 = vector.load %arg4[%get3A_9, %get3A_10] : memref<1x64xf32, #tpu.memory_space<vmem>>, vector<1x64xf32>
    %add3A_12 = vector.broadcast %get3A_11 : vector<1x64xf32> to vector<512x64xf32>
    %add3A_13 = arith.addf %dot_general3A_8, %add3A_12 : vector<512x64xf32>
    %get3A_14 = arith.constant 0 : index
    %get3A_15 = arith.constant 0 : index
    %get3A_16 = vector.load %arg5[%get3A_14, %get3A_15] : memref<512x64xf32, #tpu.memory_space<vmem>>, vector<512x64xf32>
    %add3A_17 = arith.addf %add3A_13, %get3A_16 : vector<512x64xf32>
    %max3A = arith.constant 0.000000e+00 : f32
    %max3A_18 = vector.broadcast %max3A : f32 to vector<512x64xf32>
    %max3A_19 = arith.maximumf %add3A_17, %max3A_18 : vector<512x64xf32>
    %swap3A = arith.constant 0 : index
    %swap3A_20 = arith.constant 0 : index
    %swap3A_21 = vector.load %arg6[%swap3A, %swap3A_20] : memref<512x64xf32, #tpu.memory_space<vmem>>, vector<512x64xf32>
    tpu.vector_store %arg6[%swap3A, %swap3A_20], %max3A_19 {strides = array<i32>} : memref<512x64xf32, #tpu.memory_space<vmem>>, vector<512x64xf32>,
    return
  }
  func.func @transform_0(%arg0: i32) -> (i32, i32) {
    %c0_i32 = arith.constant 0 : i32
    %c0_i32_0 = arith.constant 0 : i32
    return %arg0, %c0_i32 : i32, i32
  }
  func.func @transform_1(%arg0: i32) -> (i32, i32) {
    %c0_i32 = arith.constant 0 : i32
    %c0_i32_0 = arith.constant 0 : i32
    return %arg0, %c0_i32 : i32, i32
  }
  func.func @transform_2(%arg0: i32) -> (i32, i32) {
    %c0_i32 = arith.constant 0 : i32
    %c0_i32_0 = arith.constant 0 : i32
    %c0_i32_1 = arith.constant 0 : i32
    return %c0_i32, %c0_i32_0 : i32, i32
  }
  func.func @transform_3(%arg0: i32) -> (i32, i32) {
    %c0_i32 = arith.constant 0 : i32
    %c0_i32_0 = arith.constant 0 : i32
    %c0_i32_1 = arith.constant 0 : i32
    return %c0_i32, %c0_i32_0 : i32, i32
  }
  func.func @transform_4(%arg0: i32) -> (i32, i32) {
    %c0_i32 = arith.constant 0 : i32
    %c0_i32_0 = arith.constant 0 : i32
    return %arg0, %c0_i32 : i32, i32
  }
  func.func @transform_5(%arg0: i32) -> (i32, i32) {
    %c0_i32 = arith.constant 0 : i32
    %c0_i32_0 = arith.constant 0 : i32
    return %arg0, %c0_i32 : i32, i32
  }
}

module attributes {stable_mosaic.version = 14 : i64} {
  func.func @_head_body(%arg0: i32, %arg1: memref<512x64xf32, #tpu.memory_space<vmem>>, %arg2: memref<64x1024xf32, #tpu.memory_space<vmem>>, %arg3: memref<1x1024xf32, #tpu.memory_space<vmem>>, %arg4: memref<64x512xf32, #tpu.memory_space<vmem>>, %arg5: memref<1024x100xf32, #tpu.memory_space<vmem>>, %arg6: memref<1x100xf32, #tpu.memory_space<vmem>>, %arg7: memref<100x1xf32, #tpu.memory_space<vmem>>, %arg8: memref<1x1xf32, #tpu.memory_space<vmem>>, %arg9: memref<64x1xf32, #tpu.memory_space<vmem>>, %arg10: memref<64x1xf32, #tpu.memory_space<vmem>>, %arg11: memref<1x1xf32, #tpu.memory_space<vmem>>, %arg12: memref<1x1xf32, #tpu.memory_space<vmem>>, %arg13: memref<64x1024xf32, #tpu.memory_space<vmem>>) attributes {dimension_semantics = [#tpu.dimension_semantics<arbitrary>], iteration_bounds = array<i64: 20>, scalar_prefetch = 0 : i64, scratch_operands = 1 : i64, tpu.core_type = #tpu.core_type<tc>, window_params = [{transform_indices = @transform_0, window_bounds = array<i64: 512, 64>}, {pipeline_mode = #tpu.pipeline_mode<synchronous>, transform_indices = @transform_1, window_bounds = array<i64: 64, 1024>}, {pipeline_mode = #tpu.pipeline_mode<synchronous>, transform_indices = @transform_2, window_bounds = array<i64: 1, 1024>}, {transform_indices = @transform_3, window_bounds = array<i64: 64, 512>}, {pipeline_mode = #tpu.pipeline_mode<synchronous>, transform_indices = @transform_4, window_bounds = array<i64: 1024, 100>}, {pipeline_mode = #tpu.pipeline_mode<synchronous>, transform_indices = @transform_5, window_bounds = array<i64: 1, 100>}, {pipeline_mode = #tpu.pipeline_mode<synchronous>, transform_indices = @transform_6, window_bounds = array<i64: 100, 1>}, {pipeline_mode = #tpu.pipeline_mode<synchronous>, transform_indices = @transform_7, window_bounds = array<i64: 1, 1>}, {pipeline_mode = #tpu.pipeline_mode<synchronous>, transform_indices = @transform_8, window_bounds = array<i64: 64, 1>}, {pipeline_mode = #tpu.pipeline_mode<synchronous>, transform_indices = @transform_9, window_bounds = array<i64: 64, 1>}, {pipeline_mode = #tpu.pipeline_mode<synchronous>, transform_indices = @transform_10, window_bounds = array<i64: 1, 1>}, {pipeline_mode = #tpu.pipeline_mode<synchronous>, transform_indices = @transform_11, window_bounds = array<i64: 1, 1>}]} {
    %eq3A = arith.constant 0 : i32
    %eq3A_0 = arith.cmpi eq, %arg0, %eq3A : i32
    %convert_element_type3A = arith.extui %eq3A_0 : i1 to i32
    %cond3A = arith.constant 0 : i32
    %cond3A_1 = arith.cmpi ne, %convert_element_type3A, %cond3A : i32
    scf.if %cond3A_1 {
      %broadcast_in_dim3A = arith.constant 0.000000e+00 : f32
      %broadcast_in_dim3A_30 = vector.broadcast %broadcast_in_dim3A : f32 to vector<64x1024xf32>
      %swap3A_31 = arith.constant 0 : index
      %swap3A_32 = arith.constant 0 : index
      %swap3A_33 = vector.load %arg13[%swap3A_31, %swap3A_32] : memref<64x1024xf32, #tpu.memory_space<vmem>>, vector<64x1024xf32>
      tpu.vector_store %arg13[%swap3A_31, %swap3A_32], %broadcast_in_dim3A_30 {strides = array<i32>} : memref<64x1024xf32, #tpu.memory_space<vmem>>, vector<64x1024xf32>,
    } else {
    }
    %get3A = arith.constant 0 : index
    %get3A_2 = arith.constant 0 : index
    %get3A_3 = vector.load %arg1[%get3A, %get3A_2] : memref<512x64xf32, #tpu.memory_space<vmem>>, vector<512x64xf32>
    %get3A_4 = arith.constant 0 : index
    %get3A_5 = arith.constant 0 : index
    %get3A_6 = vector.load %arg2[%get3A_4, %get3A_5] : memref<64x1024xf32, #tpu.memory_space<vmem>>, vector<64x1024xf32>
    %dot_general3A = arith.constant dense<0.000000e+00> : vector<512x1024xf32>
    %dot_general3A_7 = tpu.matmul %get3A_3, %get3A_6, %dot_general3A {dimension_numbers = #tpu.dot_dimension_numbers<[1], [0], [0], [1], [0, 0, 1, 1], [], []>, transpose_lhs_hint = false} : vector<512x64xf32>, vector<64x1024xf32>, vector<512x1024xf32> -> vector<512x1024xf32>
    %get3A_8 = arith.constant 0 : index
    %get3A_9 = arith.constant 0 : index
    %get3A_10 = vector.load %arg3[%get3A_8, %get3A_9] : memref<1x1024xf32, #tpu.memory_space<vmem>>, vector<1x1024xf32>
    %add3A = vector.broadcast %get3A_10 : vector<1x1024xf32> to vector<512x1024xf32>
    %add3A_11 = arith.addf %dot_general3A_7, %add3A : vector<512x1024xf32>
    %max3A = arith.constant 0.000000e+00 : f32
    %max3A_12 = vector.broadcast %max3A : f32 to vector<512x1024xf32>
    %max3A_13 = arith.maximumf %add3A_11, %max3A_12 : vector<512x1024xf32>
    %get3A_14 = arith.constant 0 : index
    %get3A_15 = arith.constant 0 : index
    %get3A_16 = vector.load %arg13[%get3A_14, %get3A_15] : memref<64x1024xf32, #tpu.memory_space<vmem>>, vector<64x1024xf32>
    %get3A_17 = arith.constant 0 : index
    %get3A_18 = arith.constant 0 : index
    %get3A_19 = vector.load %arg4[%get3A_17, %get3A_18] : memref<64x512xf32, #tpu.memory_space<vmem>>, vector<64x512xf32>
    %dot_general3A_20 = arith.constant dense<0.000000e+00> : vector<64x1024xf32>
    %dot_general3A_21 = tpu.matmul %get3A_19, %max3A_13, %dot_general3A_20 {dimension_numbers = #tpu.dot_dimension_numbers<[1], [0], [0], [1], [0, 0, 1, 1], [], []>, precision = #tpu.contract_precision<fp32>, transpose_lhs_hint = false} : vector<64x512xf32>, vector<512x1024xf32>, vector<64x1024xf32> -> vector<64x1024xf32>
    %add3A_22 = arith.addf %get3A_16, %dot_general3A_21 : vector<64x1024xf32>
    %swap3A = arith.constant 0 : index
    %swap3A_23 = arith.constant 0 : index
    %swap3A_24 = vector.load %arg13[%swap3A, %swap3A_23] : memref<64x1024xf32, #tpu.memory_space<vmem>>, vector<64x1024xf32>
    tpu.vector_store %arg13[%swap3A, %swap3A_23], %add3A_22 {strides = array<i32>} : memref<64x1024xf32, #tpu.memory_space<vmem>>, vector<64x1024xf32>,
    %eq3A_25 = arith.constant 19 : i32
    %eq3A_26 = arith.cmpi eq, %arg0, %eq3A_25 : i32
    %convert_element_type3A_27 = arith.extui %eq3A_26 : i1 to i32
    %cond3A_28 = arith.constant 0 : i32
    %cond3A_29 = arith.cmpi ne, %convert_element_type3A_27, %cond3A_28 : i32
    scf.if %cond3A_29 {
      %get3A_30 = arith.constant 0 : index
      %get3A_31 = arith.constant 0 : index
      %get3A_32 = vector.load %arg13[%get3A_30, %get3A_31] : memref<64x1024xf32, #tpu.memory_space<vmem>>, vector<64x1024xf32>
      %max3A_33 = arith.constant 0.000000e+00 : f32
      %max3A_34 = vector.broadcast %max3A_33 : f32 to vector<64x1024xf32>
      %max3A_35 = arith.maximumf %get3A_32, %max3A_34 : vector<64x1024xf32>
      %get3A_36 = arith.constant 0 : index
      %get3A_37 = arith.constant 0 : index
      %get3A_38 = vector.load %arg5[%get3A_36, %get3A_37] : memref<1024x100xf32, #tpu.memory_space<vmem>>, vector<1024x100xf32>
      %dot_general3A_39 = arith.constant dense<0.000000e+00> : vector<64x100xf32>
      %dot_general3A_40 = tpu.matmul %max3A_35, %get3A_38, %dot_general3A_39 {dimension_numbers = #tpu.dot_dimension_numbers<[1], [0], [0], [1], [0, 0, 1, 1], [], []>, transpose_lhs_hint = false} : vector<64x1024xf32>, vector<1024x100xf32>, vector<64x100xf32> -> vector<64x100xf32>
      %get3A_41 = arith.constant 0 : index
      %get3A_42 = arith.constant 0 : index
      %get3A_43 = vector.load %arg6[%get3A_41, %get3A_42] : memref<1x100xf32, #tpu.memory_space<vmem>>, vector<1x100xf32>
      %add3A_44 = vector.broadcast %get3A_43 : vector<1x100xf32> to vector<64x100xf32>
      %add3A_45 = arith.addf %dot_general3A_40, %add3A_44 : vector<64x100xf32>
      %max3A_46 = arith.constant 0.000000e+00 : f32
      %max3A_47 = vector.broadcast %max3A_46 : f32 to vector<64x100xf32>
      %max3A_48 = arith.maximumf %add3A_45, %max3A_47 : vector<64x100xf32>
      %get3A_49 = arith.constant 0 : index
      %get3A_50 = arith.constant 0 : index
      %get3A_51 = vector.load %arg7[%get3A_49, %get3A_50] : memref<100x1xf32, #tpu.memory_space<vmem>>, vector<100x1xf32>
      %dot_general3A_52 = arith.constant dense<0.000000e+00> : vector<64x1xf32>
      %dot_general3A_53 = tpu.matmul %max3A_48, %get3A_51, %dot_general3A_52 {dimension_numbers = #tpu.dot_dimension_numbers<[1], [0], [0], [1], [0, 0, 1, 1], [], []>, transpose_lhs_hint = false} : vector<64x100xf32>, vector<100x1xf32>, vector<64x1xf32> -> vector<64x1xf32>
      %get3A_54 = arith.constant 0 : index
      %get3A_55 = arith.constant 0 : index
      %get3A_56 = vector.load %arg8[%get3A_54, %get3A_55] : memref<1x1xf32, #tpu.memory_space<vmem>>, vector<1x1xf32>
      %add3A_57 = vector.broadcast %get3A_56 : vector<1x1xf32> to vector<64x1xf32>
      %add3A_58 = arith.addf %dot_general3A_53, %add3A_57 : vector<64x1xf32>
      %swap3A_59 = arith.constant 0 : index
      %swap3A_60 = arith.constant 0 : index
      %swap3A_61 = vector.load %arg10[%swap3A_59, %swap3A_60] : memref<64x1xf32, #tpu.memory_space<vmem>>, vector<64x1xf32>
      tpu.vector_store %arg10[%swap3A_59, %swap3A_60], %add3A_58 {strides = array<i32>} : memref<64x1xf32, #tpu.memory_space<vmem>>, vector<64x1xf32>,
      %get3A_62 = arith.constant 0 : index
      %get3A_63 = arith.constant 0 : index
      %get3A_64 = vector.load %arg9[%get3A_62, %get3A_63] : memref<64x1xf32, #tpu.memory_space<vmem>>, vector<64x1xf32>
      %sub3A = arith.subf %add3A_58, %get3A_64 : vector<64x1xf32>
      %mul3A = arith.mulf %sub3A, %sub3A : vector<64x1xf32>
      %reduce_sum3A = arith.constant dense<0.000000e+00> : vector<1xf32>
      %reduce_sum3A_65 = vector.multi_reduction <add>, %mul3A, %reduce_sum3A [0] : vector<64x1xf32> to vector<1xf32>
      %broadcast_in_dim3A = vector.shape_cast %reduce_sum3A_65 : vector<1xf32> to vector<1x1xf32>
      %mul3A_66 = arith.constant 1.562500e-02 : f32
      %mul3A_67 = vector.broadcast %mul3A_66 : f32 to vector<1x1xf32>
      %mul3A_68 = arith.mulf %broadcast_in_dim3A, %mul3A_67 : vector<1x1xf32>
      %swap3A_69 = arith.constant 0 : index
      %swap3A_70 = arith.constant 0 : index
      %swap3A_71 = vector.load %arg12[%swap3A_69, %swap3A_70] : memref<1x1xf32, #tpu.memory_space<vmem>>, vector<1x1xf32>
      tpu.vector_store %arg12[%swap3A_69, %swap3A_70], %mul3A_68 {strides = array<i32>} : memref<1x1xf32, #tpu.memory_space<vmem>>, vector<1x1xf32>,
      %abs3A = math.absf %sub3A : vector<64x1xf32>
      %reduce_sum3A_72 = arith.constant dense<0.000000e+00> : vector<1xf32>
      %reduce_sum3A_73 = vector.multi_reduction <add>, %abs3A, %reduce_sum3A_72 [0] : vector<64x1xf32> to vector<1xf32>
      %broadcast_in_dim3A_74 = vector.shape_cast %reduce_sum3A_73 : vector<1xf32> to vector<1x1xf32>
      %mul3A_75 = arith.constant 1.562500e-02 : f32
      %mul3A_76 = vector.broadcast %mul3A_75 : f32 to vector<1x1xf32>
      %mul3A_77 = arith.mulf %broadcast_in_dim3A_74, %mul3A_76 : vector<1x1xf32>
      %swap3A_78 = arith.constant 0 : index
      %swap3A_79 = arith.constant 0 : index
      %swap3A_80 = vector.load %arg11[%swap3A_78, %swap3A_79] : memref<1x1xf32, #tpu.memory_space<vmem>>, vector<1x1xf32>
      tpu.vector_store %arg11[%swap3A_78, %swap3A_79], %mul3A_77 {strides = array<i32>} : memref<1x1xf32, #tpu.memory_space<vmem>>, vector<1x1xf32>,
    } else {
    }
    return
  }
  func.func @transform_0(%arg0: i32) -> (i32, i32) {
    %c0_i32 = arith.constant 0 : i32
    %c0_i32_0 = arith.constant 0 : i32
    return %arg0, %c0_i32 : i32, i32
  }
  func.func @transform_1(%arg0: i32) -> (i32, i32) {
    %c0_i32 = arith.constant 0 : i32
    %c0_i32_0 = arith.constant 0 : i32
    %c0_i32_1 = arith.constant 0 : i32
    return %c0_i32, %c0_i32_0 : i32, i32
  }
  func.func @transform_2(%arg0: i32) -> (i32, i32) {
    %c0_i32 = arith.constant 0 : i32
    %c0_i32_0 = arith.constant 0 : i32
    %c0_i32_1 = arith.constant 0 : i32
    return %c0_i32, %c0_i32_0 : i32, i32
  }
  func.func @transform_3(%arg0: i32) -> (i32, i32) {
    %c0_i32 = arith.constant 0 : i32
    %c0_i32_0 = arith.constant 0 : i32
    return %c0_i32, %arg0 : i32, i32
  }
  func.func @transform_4(%arg0: i32) -> (i32, i32) {
    %c0_i32 = arith.constant 0 : i32
    %c0_i32_0 = arith.constant 0 : i32
    %c0_i32_1 = arith.constant 0 : i32
    return %c0_i32, %c0_i32_0 : i32, i32
  }
  func.func @transform_5(%arg0: i32) -> (i32, i32) {
    %c0_i32 = arith.constant 0 : i32
    %c0_i32_0 = arith.constant 0 : i32
    %c0_i32_1 = arith.constant 0 : i32
    return %c0_i32, %c0_i32_0 : i32, i32
  }
  func.func @transform_6(%arg0: i32) -> (i32, i32) {
    %c0_i32 = arith.constant 0 : i32
    %c0_i32_0 = arith.constant 0 : i32
    %c0_i32_1 = arith.constant 0 : i32
    return %c0_i32, %c0_i32_0 : i32, i32
  }
  func.func @transform_7(%arg0: i32) -> (i32, i32) {
    %c0_i32 = arith.constant 0 : i32
    %c0_i32_0 = arith.constant 0 : i32
    %c0_i32_1 = arith.constant 0 : i32
    return %c0_i32, %c0_i32_0 : i32, i32
  }
  func.func @transform_8(%arg0: i32) -> (i32, i32) {
    %c0_i32 = arith.constant 0 : i32
    %c0_i32_0 = arith.constant 0 : i32
    %c0_i32_1 = arith.constant 0 : i32
    return %c0_i32, %c0_i32_0 : i32, i32
  }
  func.func @transform_9(%arg0: i32) -> (i32, i32) {
    %c0_i32 = arith.constant 0 : i32
    %c0_i32_0 = arith.constant 0 : i32
    %c0_i32_1 = arith.constant 0 : i32
    return %c0_i32, %c0_i32_0 : i32, i32
  }
  func.func @transform_10(%arg0: i32) -> (i32, i32) {
    %c0_i32 = arith.constant 0 : i32
    %c0_i32_0 = arith.constant 0 : i32
    %c0_i32_1 = arith.constant 0 : i32
    return %c0_i32, %c0_i32_0 : i32, i32
  }
  func.func @transform_11(%arg0: i32) -> (i32, i32) {
    %c0_i32 = arith.constant 0 : i32
    %c0_i32_0 = arith.constant 0 : i32
    %c0_i32_1 = arith.constant 0 : i32
    return %c0_i32, %c0_i32_0 : i32, i32
  }
}

</mosaic_0001>

<sc_bundles>
// kernel: kernel.12.cloned.1.call-start
scs
__scs_entry_jumppad:
0x0: {  	(pc) =	sbr.rel $0x88, $3  }
0x1: {  	(tag) =	ssettag $0x0;
	lr =	simm.s32 $0x1  }
0x2: {  	[smem:$0x3F90] =	sst lr;
	_ =	strace $0xD0000000  }
0x3: {  	_ = 	snop  }
0x4: {  	_ = 	snop  }
0x5: {  	_ = 	snop  }
0x6: {  	_ = 	snop  }
0x7: {  	_ = 	snop  }
__scs_overlays_trampoline_lowered:
0x8: {  	[smem:$0x3F9F] =	sst s0  }
0x9: {  	[smem:$0x3FA0] =	sst s1  }
0xa: {  	[smem:$0x3FA1] =	sst s2  }
0xb: {  	[smem:$0x3FA2] =	sst s3  }
0xc: {  	[smem:$0x3FA3] =	sst s4  }
0xd: {  	[smem:$0x3FA4] =	sst s5  }
0xe: {  	[smem:$0x3FA5] =	sst s6  }
0xf: {  	[smem:$0x3FA6] =	sst s7  }
0x10: {  	[smem:$0x3FA7] =	sst s8  }
0x11: {  	[smem:$0x3FA8] =	sst s9;
	s0 =	simm.s32 @!p0 $0x0  }
0x12: {  	s1 =	sld [smem:$0x3F8E];
	s0 =	simm.s32 @p0 $0x1  }
0x13: {  	[smem:$0x3FA9] =	sst s0;
	s0 =	simm.s32 @!p1 $0x0  }
0x14: {  	s2 =	sld [smem:$0x3F8D];
	s0 =	simm.s32 @p1 $0x1  }
0x15: {  	[smem:$0x3FAA] =	sst s0;
	s0 =	simm.s32 @!p2 $0x0  }
0x16: {  	s3 =	sld [smem:$0x3FDB];
	s0 =	simm.s32 @p2 $0x1  }
0x17: {  	s4 =	simm.s32 $0x1BF5;
	[smem:$0x3FAC] =	sst s0  }
0x18: {  	s0 =	sld [smem:$0x3F8F];
	_ =	swait.ge [sflag:s4], $0x0  }
0x19: {  	s7 =	sld [smem:$0x3F90]  }
0x1a: {  	s8 =	sadd.s32 $0xFFFFE003, lr  }
0x1b: {  	s9 =	sadd.s32 $0xFFFFFEF7, lr;
	s5 =	simm.s32 $0xFFFFFFFF;
	p2 =	slt.u32 s8, $0xFFFFF086  }
0x1c: {  	p1 =	slt.u32 s9, $0xF7A;
	s5 =	simm.s32 @!p2 $0x0  }
0x1d: {  	s5 =	simm.s32 @p1 $0x1;
	p0 =	seq.s32 s7, s2  }
0x1e: {  	s7 =	smul.u32 @!p0 $0xF7A, s2;
	p2 =	seq.s32 @!p0 s5, $0x0  }
0x1f: {  	s9 =	smul.u32 $0xF7A, s1;
	s8 =	simm.s32 @!p0 $0x1BF5;
	p2 =	por !p2, p0  }
0x20: {  	[sflag:s8] =	ssyncset.s32 @!p0 $0xFFFFF086;
	s6 =	sadd.s32 @!p0 s3, s7;
	s7 =	simm.s32 @!p0 $0x108  }
0x21: {  	s3 =	sadd.s32 s3, s9;
	s6 =	sadd.s32 @!p0 $0x88, s6;
	s7 =	simm.s32 @p2 $0x1082  }
0x22: {  	[simem:s7], [sflag:s8] =	dma.local @!p0 [hbm:s6], $0xF7A  }
0x23: {  	s9 =	sor.u32 $0xD0000000, s2;
	s6 =	simm.s32 $0x108;
	_ =	swait.ge @!p0 [sflag:s8], $0x0  }
0x24: {  	s3 =	sadd.s32 $0x88, s3;
	s6 =	simm.s32 @!p1 $0x1082;
	[sflag:s4] =	ssyncset.s32 $0xFFFFF086  }
0x25: {  	[simem:s6], [sflag:s4] =	dma.local [hbm:s3], $0xF7A  }
0x26: {  	[smem:$0x3F90] =	sst s1;
	(tag) =	ssettag s2;
	_ =	strace s9  }
0x27: {  	s1 =	sld [smem:$0x3FA0]  }
0x28: {  	s2 =	sld [smem:$0x3FA1]  }
0x29: {  	s4 =	sld [smem:$0x3FA3]  }
0x2a: {  	p0 =	seq.s32 s5, $0x0;
	s5 =	sld [smem:$0x3FA4]  }
0x2b: {  	s6 =	sld [smem:$0x3FA5]  }
0x2c: {  	s7 =	sld [smem:$0x3FA6]  }
0x2d: {  	s3 =	simm.s32 $0x108;
	s8 =	sld [smem:$0x3FA7]  }
0x2e: {  	s3 =	simm.s32 @!p0 $0x1082;
	s9 =	sld [smem:$0x3FA8]  }
0x2f: {  	lr =	sadd.s32 s0, s3;
	s0 =	sld [smem:$0x3F9F]  }
0x30: {  	s3 =	sld [smem:$0x3FA2]  }
0x31: {  	[smem:$0x3FAB] =	sst s10  }
0x32: {  	s10 =	sld [smem:$0x3FA9];
	_ =	sdelay $0x3  }
0x33: {  	p0 =	seq.s32 s10, $0x1;
	s10 =	sld [smem:$0x3FAB];
	_ =	sdelay $0x3  }
0x34: {  	[smem:$0x3FAB] =	sst s10  }
0x35: {  	s10 =	sld [smem:$0x3FAA];
	_ =	sdelay $0x3  }
0x36: {  	p1 =	seq.s32 s10, $0x1;
	s10 =	sld [smem:$0x3FAB];
	_ =	sdelay $0x3  }
0x37: {  	[smem:$0x3FAB] =	sst s10  }
0x38: {  	s10 =	sld [smem:$0x3FAC]  }
0x39: {  	_ = 	snop;
	(pc) =	sbr.ind lr, $3  }
0x3a: {  	_ = 	snop  }
0x3b: {  	_ = 	snop  }
0x3c: {  	p2 =	seq.s32 s10, $0x1;
	s10 =	sld [smem:$0x3FAB]  }
0x3d: {  	_ =	shalt  }
0x3e: {  	_ =	shalt  }
0x3f: {  	_ =	shalt  }
0x40: {  	_ =	shalt  }
0x41: {  	_ =	shalt  }
0x42: {  	_ =	shalt  }
0x43: {  	_ =	shalt  }
0x44: {  	_ =	shalt  }
0x45: {  	_ =	shalt  }
0x46: {  	_ =	shalt  }
0x47: {  	_ =	shalt  }
0x48: {  	_ =	shalt  }
0x49: {  	_ =	shalt  }
0x4a: {  	_ =	shalt  }
0x4b: {  	_ =	shalt  }
0x4c: {  	_ =	shalt  }
0x4d: {  	_ =	shalt  }
0x4e: {  	_ =	shalt  }
0x4f: {  	_ =	shalt  }
0x50: {  	_ =	shalt  }
0x51: {  	_ =	shalt  }
0x52: {  	_ =	shalt  }
0x53: {  	_ =	shalt  }
0x54: {  	_ =	shalt  }
0x55: {  	_ =	shalt  }
0x56: {  	_ =	shalt  }
0x57: {  	_ =	shalt  }
0x58: {  	_ =	shalt  }
0x59: {  	_ =	shalt  }
0x5a: {  	_ =	shalt  }
0x5b: {  	_ =	shalt  }
0x5c: {  	_ =	shalt  }
0x5d: {  	_ =	shalt  }
0x5e: {  	_ =	shalt  }
0x5f: {  	_ =	shalt  }
0x60: {  	_ =	shalt  }
0x61: {  	_ =	shalt  }
0x62: {  	_ =	shalt  }
0x63: {  	_ =	shalt  }
0x64: {  	_ =	shalt  }
0x65: {  	_ =	shalt  }
0x66: {  	_ =	shalt  }
0x67: {  	_ =	shalt  }
0x68: {  	_ =	shalt  }
0x69: {  	_ =	shalt  }
0x6a: {  	_ =	shalt  }
0x6b: {  	_ =	shalt  }
0x6c: {  	_ =	shalt  }
0x6d: {  	_ =	shalt  }
0x6e: {  	_ =	shalt  }
0x6f: {  	_ =	shalt  }
0x70: {  	_ =	shalt  }
0x71: {  	_ =	shalt  }
0x72: {  	_ =	shalt  }
0x73: {  	_ =	shalt  }
0x74: {  	_ =	shalt  }
0x75: {  	_ =	shalt  }
0x76: {  	_ =	shalt  }
0x77: {  	_ =	shalt  }
0x78: {  	_ =	shalt  }
0x79: {  	_ =	shalt  }
0x7a: {  	_ =	shalt  }
0x7b: {  	_ =	shalt  }
0x7c: {  	_ =	shalt  }
0x7d: {  	_ =	shalt  }
0x7e: {  	_ =	shalt  }
0x7f: {  	_ =	shalt  }
0x80: {  	_ =	shalt  }
0x81: {  	_ =	shalt  }
0x82: {  	_ =	shalt  }
0x83: {  	_ =	shalt  }
0x84: {  	_ =	shalt  }
0x85: {  	_ =	shalt  }
0x86: {  	_ =	shalt  }
0x87: {  	_ =	shalt  }
.Lfunc_end0:
.L_simem_size_0:
called_computation_lowered:
.L_overlay_start_0:
0x88: {  	s2 =	sld [smem:$0x3FD9]  }
0x89: {  	s3 =	sld [smem:$0x3FFE];
	_ =	sdelay $0x1  }
0x8a: {  	s1 =	srdreg.scid  }
0x8b: {  	s0 =	sand.u32 $0x1, s1  }
0x8c: {  	s16 =	sshll.u32 s0, $0xA;
	s2 =	sadd.s32 s3, s2  }
0x8d: {  	s2 =	sadd.s32 s2, s16  }
0x8e: {  	[smem:$0x3FB7] =	sst s2  }
0x8f: {  	_ = 	snop  }
0x90: {  	(tm) =	ssettm $0x1  }
0x91: {  	s17 =	sld [smem:$0x3FFB];
	_ =	sdelay $0x3  }
0x92: {  	_ =	strace s17  }
0x93: {  	s2 =	sld [smem:$0x3FFC];
	_ =	sdelay $0x3  }
0x94: {  	_ =	strace s2  }
0x95: {  	s2 =	sld [smem:$0x3FFD];
	_ =	sdelay $0x3  }
0x96: {  	_ =	strace s2  }
0x97: {  	_ =	strace $0x8FFFFFFF  }
0x98: {  	s18 =	sld [smem:$0x3FDB];
	_ =	sdelay $0x1  }
0x99: {  	s19 =	simm.s32 $_scs_section_size  }
0x9a: {  	s4 =	simm.s32 $_size__tile_overlayer_lowered;
	s5 =	simm.s32 $_tile_overlayer_lowered  }
0x9b: {  	s22 =	simm.s32 $0x1BFF;
	s21 =	sshll.u32 s5, $0x1;
	s2 =	sadd.s32 s19, s18  }
0x9c: {  	s6 =	simm.s32 $0x0;
	s20 =	sshll.u32 s4, $0x1;
	s4 =	sadd.s32 s21, s2  }
0x9d: {  	[timem:s6], [sflag:s22] =	dma.local [hbm:s4], s20  }
0x9e: {  	_ =	swait.ge [sflag:s22], s20  }
0x9f: {  	s3 =	ssub.s32 $0x0, s20;
	[sflag:s22] =	ssyncset.done $0x0  }
0xa0: {  	[sflag:s22] =	ssyncadd.s32 s3;
	_ =	sdelay $0x1  }
0xa1: {  	s23 =	simm.s32 $0x1B8B  }
0xa2: {  	_ =	swait.ge [sflag:s23], $0x1  }
0xa3: {  	[sflag:s23] =	ssyncset.done $0x0  }
0xa4: {  	s25 =	simm.s32 $0x1B8E;
	s24 =	sld [smem:$0x3FFE];
	[sflag:s23] =	ssyncadd.s32 $0xFFFFFFFF  }
0xa5: {  	s26 =	simm.s32 $execute0_lowered;
	[smem:$0x3FD2] =	sst s25  }
0xa6: {  	s4 =	sshll.u32 s26, $0x1;
	_ =	strace $0x80000046;
	[dreg:$0x1] =	wrdreg $0xFFFFFFFF  }
0xa7: {  	s28 =	simm.s32 $_size_execute0_lowered;
	s2 =	sadd.s32 s2, s4;
	[dreg:$0x0] =	wrdreg $0x0  }
0xa8: {  	s4 =	sshll.u32 s28, $0x1;
	[dreg:$0x2] =	wrdreg s2  }
0xa9: {  	[dreg:$0x3] =	wrdreg s4  }
0xaa: {  	[dreg:$0x4] =	wrdreg $0xC0  }
0xab: {  	_ =	task [dreg:s6], $0x5FFFF  }
0xac: {  	[dreg:$0x1] =	wrdreg $0xFFFFFFFF  }
0xad: {  	[dreg:$0x0] =	wrdreg $0x60  }
0xae: {  	[dreg:$0x2] =	wrdreg s24  }
0xaf: {  	[dreg:$0x3] =	wrdreg $0x24000  }
0xb0: {  	[dreg:$0x4] =	wrdreg $0x9  }
0xb1: {  	_ =	task.clear_ibuf [dreg:s6], $0x5FFFF;
	_ =	strace $0x90000046  }
0xb2: {  	s29 =	simm.s32 $0x9;
	_ =	strace $0x80000048  }
0xb3: {  	_ =	swait.ge [sflag:s29], $0x1  }
0xb4: {  	[sflag:s29] =	ssyncadd.s32 $0xFFFFFFFF  }
0xb5: {  	_ =	strace $0x90000048  }
0xb6: {  	_ =	sfence  }
0xb7: {  	s30 =	sld [smem:$0x0];
	_ =	sdelay $0x2  }
0xb8: {  	s31 =	sshll.u32 s1, $0xD;
	s1 =	sshrl.u32 s1, $0x2  }
0xb9: {  	s3 =	sand.u32 $0x4000, s31;
	s1 =	sadd.s32 s1, s30  }
0xba: {  	s0 =	sor.u32 s3, s0;
	s1 =	sshll.u32 s1, $0x11  }
0xbb: {  	s0 =	sor.u32 s1, s0  }
0xbc: {  	s0 =	sadd.s32 $0x8F2B, s0  }
0xbd: {  	[sflag:s0] =	ssyncadd.remote.s32 $0x1  }
0xbe: {  	_ =	sfence.sel $0xFFFF  }
0xbf: {  	[dreg:$0x0] =	wrdreg $0xFFFFFFFF;
	(pc) =	sbr.abs _section_cstart, $3  }
0xc0: {  	[dreg:$0x1] =	wrdreg $0xFFFFFFFF  }
0xc1: {  	_ =	task.clear_ibuf [dreg:s6], $0x2FFFF;
	_ =	strace $0x9FFFFFFF  }
0xc2: {  	(tm) =	ssettm $0x7FFFFFFF  }
0xc3: {  	_ =	shalt  }
tec
execute0_lowered:
.L_overlay_start_1:
0x0: {  	(tag) =	ssettag $0x1  }
0x1: {  	s1 =	srdreg.scid;
	s0 =	stileid.u32  }
0x2: {  	s5 =	rddreg [dreg:$0x0];
	s4 =	smul.u32 $0x5000, s0  }
0x3: {  	s2 =	rddreg [dreg:$0x1];
	s3 =	simm.s32 $0x0;
	s23 =	smul.u32 $0x28000, s0  }
0x4: {  	s22 =	simm.s32 $0x180;
	s12 =	sand.u32 $0x1, s1;
	s9 =	smul.u32 $0xA000, s0  }
0x5: {  	[smem:$0x7FF] =	sst s3;
	s14 =	sadd.s32 $0x298800, s5;
	s6 =	smul.u32 $0x2800, s12  }
0x6: {  	s28 =	simm.s32 $0x0;
	_ =	strace $0x80000047;
	s13 =	smul.u32 $0xA0000, s12  }
0x7: {  	s7 =	ssub.s32 $0x2, s12;
	s30 =	smul.u32 $0x14000, s12;
	s17 =	sadd.s32 s23, s5  }
0x8: {  	s24 =	sshrl.u32 s7, $0x1;
	s10 =	sadd.s32 $0x2000, s9;
	s11 =	sadd.s32 $0x4000, s9  }
0x9: {  	s18 =	sadd.s32 $0x6000, s9;
	s19 =	sadd.s32 $0x8000, s9;
	s23 =	simm.s32 $0x200  }
0xa: {  	s4 =	sadd.s32 s6, s4;
	s15 =	ssub.s32 s7, s24;
	s6 =	sadd.s32 s10, s2  }
0xb: {  	s7 =	sadd.s32 s11, s2;
	s8 =	sadd.s32 s18, s2;
	s20 =	sadd.s32 s9, s13  }
0xc: {  	s21 =	sadd.s32 s13, s10;
	s26 =	sadd.s32 s13, s11;
	s18 =	sadd.s32 s13, s18  }
0xd: {  	s17 =	sadd.s32 s30, s17;
	s24 =	simm.s32 $0x280;
	s4 =	sshrl.u32 s4, $0x3  }
0xe: {  	s20 =	sshrl.u32 s20, $0x3;
	s25 =	sshrl.u32 s21, $0x3;
	s29 =	sshrl.u32 s26, $0x3  }
0xf: {  	s18 =	sshrl.u32 s18, $0x3;
	s15 =	smax.u32 s15, $0x1;
	s17 =	sadd.s32 $0x18400, s17  }
0x10: {  	s21 =	simm.s32 $0x100;
	s26 =	simm.s32 $0x380;
	s16 =	sadd.s32 s4, s5  }
0x11: {  	s4 =	sadd.s32 $0x298400, s5;
	s5 =	sadd.s32 s9, s2;
	s9 =	sadd.s32 s19, s2  }
0x12: {  	s10 =	sadd.s32 s14, s20;
	s11 =	sadd.s32 s14, s25;
	s19 =	sadd.s32 s13, s19  }
0x13: {  	s12 =	sadd.s32 s14, s29;
	s13 =	sadd.s32 s14, s18;
	s18 =	simm.s32 $0x400  }
0x14: {  	s20 =	simm.s32 $0x80;
	s25 =	simm.s32 $0x300;
	s31 =	sshrl.u32 s19, $0x3  }
0x15: {  	s16 =	sadd.s32 $0xE000, s16;
	s19 =	simm.s32 $0x1;
	s14 =	sadd.s32 s14, s31  }
.LBB2_1:
0x16: {  	[tilespmem:s18], [sflag:$0x1] =	stream.linear.gather [hbm4b:s4+s3], $0x2000, $0x38;
	[tilespmem:$0xC400] =	vst v63  }
0x17: {  	_ =	swait.ge [sflag:s19], $0x2000  }
0x18: {  	[sflag:s19] =	ssyncset.done $0x0  }
0x19: {  	[sflag:s19] =	ssyncadd.s32 $0xFFFFE000  }
0x1a: {  	[spmem:s5] =	stream.linear.scatter [tilespmem:s18], [sflag:$0x1], $0x2000, $0x38;
	[tilespmem:$0xC400] =	vst v63  }
0x1b: {  	_ =	swait.ge [sflag:s19], $0x2000  }
0x1c: {  	[sflag:s19] =	ssyncset.done $0x0  }
0x1d: {  	[sflag:s19] =	ssyncadd.s32 $0xFFFFE000  }
0x1e: {  	[spmem:s6] =	stream.linear.scatter [tilespmem:s18], [sflag:$0x1], $0x2000, $0x38;
	[tilespmem:$0xC400] =	vst v63  }
0x1f: {  	_ =	swait.ge [sflag:s19], $0x2000  }
0x20: {  	[sflag:s19] =	ssyncset.done $0x0  }
0x21: {  	[sflag:s19] =	ssyncadd.s32 $0xFFFFE000  }
0x22: {  	[spmem:s7] =	stream.linear.scatter [tilespmem:s18], [sflag:$0x1], $0x2000, $0x38;
	[tilespmem:$0xC400] =	vst v63  }
0x23: {  	_ =	swait.ge [sflag:s19], $0x2000  }
0x24: {  	[sflag:s19] =	ssyncset.done $0x0  }
0x25: {  	[sflag:s19] =	ssyncadd.s32 $0xFFFFE000  }
0x26: {  	[spmem:s8] =	stream.linear.scatter [tilespmem:s18], [sflag:$0x1], $0x2000, $0x38;
	[tilespmem:$0xC400] =	vst v63  }
0x27: {  	_ =	swait.ge [sflag:s19], $0x2000  }
0x28: {  	[sflag:s19] =	ssyncset.done $0x0  }
0x29: {  	[sflag:s19] =	ssyncadd.s32 $0xFFFFE000  }
0x2a: {  	[spmem:s9] =	stream.linear.scatter [tilespmem:s18], [sflag:$0x1], $0x2000, $0x38;
	[tilespmem:$0xC400] =	vst v63  }
0x2b: {  	_ =	swait.ge [sflag:s19], $0x2000  }
0x2c: {  	[sflag:s19] =	ssyncset.done $0x0  }
0x2d: {  	[sflag:s19] =	ssyncadd.s32 $0xFFFFE000  }
0x2e: {  	[bflag:$0x0] =	sbarrier.arrive $0xFFFF  }
0x2f: {  	[tilespmem:s3], [sflag:$0x1] =	stream.linear.gather [hbm4b:s16+s3], $0x400, $0x38;
	[tilespmem:$0xC400] =	vst v63  }
0x30: {  	_ =	swait.ge [sflag:s19], $0x400  }
0x31: {  	[sflag:s19] =	ssyncset.done $0x0  }
0x32: {  	s29 =	sadd.s32 $0x0, s17;
	[sflag:s19] =	ssyncadd.s32 $0xFFFFFC00  }
0x33: {  	[tilespmem:s18], [sflag:$0x1] =	stream.linear.gather [hbm4b:s29+s3], $0x2000, $0x38;
	[tilespmem:$0xC400] =	vst v63  }
0x34: {  	_ =	swait.ge [sflag:s19], $0x2000  }
0x35: {  	[sflag:s19] =	ssyncset.done $0x0  }
0x36: {  	[sflag:s19] =	ssyncadd.s32 $0xFFFFE000  }
0x37: {  	[spmem:s2] =	stream.indirect.scatter.add.f32 [tilespmem:s18], [sflag:$0x1], $0x40, s3, s20, $0xb8;
	[tilespmem:$0xC400] =	vst v63  }
0x38: {  	_ =	swait.ge [sflag:s19], $0x2000  }
0x39: {  	[sflag:s19] =	ssyncset.done $0x0  }
0x3a: {  	s30 =	sadd.s32 $0x400, s29;
	[sflag:s19] =	ssyncadd.s32 $0xFFFFE000  }
0x3b: {  	[tilespmem:s18], [sflag:$0x1] =	stream.linear.gather [hbm4b:s30+s3], $0x2000, $0x38;
	[tilespmem:$0xC400] =	vst v63  }
0x3c: {  	_ =	swait.ge [sflag:s19], $0x2000  }
0x3d: {  	[sflag:s19] =	ssyncset.done $0x0  }
0x3e: {  	[sflag:s19] =	ssyncadd.s32 $0xFFFFE000  }
0x3f: {  	[spmem:s2] =	stream.indirect.scatter.add.f32 [tilespmem:s18], [sflag:$0x1], $0x40, s20, s20, $0xb8;
	[tilespmem:$0xC400] =	vst v63  }
0x40: {  	_ =	swait.ge [sflag:s19], $0x2000  }
0x41: {  	[sflag:s19] =	ssyncset.done $0x0  }
0x42: {  	s30 =	sadd.s32 $0x800, s29;
	[sflag:s19] =	ssyncadd.s32 $0xFFFFE000  }
0x43: {  	[tilespmem:s18], [sflag:$0x1] =	stream.linear.gather [hbm4b:s30+s3], $0x2000, $0x38;
	[tilespmem:$0xC400] =	vst v63  }
0x44: {  	_ =	swait.ge [sflag:s19], $0x2000  }
0x45: {  	[sflag:s19] =	ssyncset.done $0x0  }
0x46: {  	[sflag:s19] =	ssyncadd.s32 $0xFFFFE000  }
0x47: {  	[spmem:s2] =	stream.indirect.scatter.add.f32 [tilespmem:s18], [sflag:$0x1], $0x40, s21, s20, $0xb8;
	[tilespmem:$0xC400] =	vst v63  }
0x48: {  	_ =	swait.ge [sflag:s19], $0x2000  }
0x49: {  	[sflag:s19] =	ssyncset.done $0x0  }
0x4a: {  	s30 =	sadd.s32 $0xC00, s29;
	[sflag:s19] =	ssyncadd.s32 $0xFFFFE000  }
0x4b: {  	[tilespmem:s18], [sflag:$0x1] =	stream.linear.gather [hbm4b:s30+s3], $0x2000, $0x38;
	[tilespmem:$0xC400] =	vst v63  }
0x4c: {  	_ =	swait.ge [sflag:s19], $0x2000  }
0x4d: {  	[sflag:s19] =	ssyncset.done $0x0  }
0x4e: {  	[sflag:s19] =	ssyncadd.s32 $0xFFFFE000  }
0x4f: {  	[spmem:s2] =	stream.indirect.scatter.add.f32 [tilespmem:s18], [sflag:$0x1], $0x40, s22, s20, $0xb8;
	[tilespmem:$0xC400] =	vst v63  }
0x50: {  	_ =	swait.ge [sflag:s19], $0x2000  }
0x51: {  	[sflag:s19] =	ssyncset.done $0x0  }
0x52: {  	s30 =	sadd.s32 $0x1000, s29;
	[sflag:s19] =	ssyncadd.s32 $0xFFFFE000  }
0x53: {  	[tilespmem:s18], [sflag:$0x1] =	stream.linear.gather [hbm4b:s30+s3], $0x2000, $0x38;
	[tilespmem:$0xC400] =	vst v63  }
0x54: {  	_ =	swait.ge [sflag:s19], $0x2000  }
0x55: {  	[sflag:s19] =	ssyncset.done $0x0  }
0x56: {  	[sflag:s19] =	ssyncadd.s32 $0xFFFFE000  }
0x57: {  	[spmem:s2] =	stream.indirect.scatter.add.f32 [tilespmem:s18], [sflag:$0x1], $0x40, s23, s20, $0xb8;
	[tilespmem:$0xC400] =	vst v63  }
0x58: {  	_ =	swait.ge [sflag:s19], $0x2000  }
0x59: {  	[sflag:s19] =	ssyncset.done $0x0  }
0x5a: {  	s30 =	sadd.s32 $0x1400, s29;
	[sflag:s19] =	ssyncadd.s32 $0xFFFFE000  }
0x5b: {  	[tilespmem:s18], [sflag:$0x1] =	stream.linear.gather [hbm4b:s30+s3], $0x2000, $0x38;
	[tilespmem:$0xC400] =	vst v63  }
0x5c: {  	_ =	swait.ge [sflag:s19], $0x2000  }
0x5d: {  	[sflag:s19] =	ssyncset.done $0x0  }
0x5e: {  	[sflag:s19] =	ssyncadd.s32 $0xFFFFE000  }
0x5f: {  	[spmem:s2] =	stream.indirect.scatter.add.f32 [tilespmem:s18], [sflag:$0x1], $0x40, s24, s20, $0xb8;
	[tilespmem:$0xC400] =	vst v63  }
0x60: {  	_ =	swait.ge [sflag:s19], $0x2000  }
0x61: {  	[sflag:s19] =	ssyncset.done $0x0  }
0x62: {  	s30 =	sadd.s32 $0x1800, s29;
	[sflag:s19] =	ssyncadd.s32 $0xFFFFE000  }
0x63: {  	[tilespmem:s18], [sflag:$0x1] =	stream.linear.gather [hbm4b:s30+s3], $0x2000, $0x38;
	[tilespmem:$0xC400] =	vst v63  }
0x64: {  	_ =	swait.ge [sflag:s19], $0x2000  }
0x65: {  	[sflag:s19] =	ssyncset.done $0x0  }
0x66: {  	[sflag:s19] =	ssyncadd.s32 $0xFFFFE000  }
0x67: {  	[spmem:s2] =	stream.indirect.scatter.add.f32 [tilespmem:s18], [sflag:$0x1], $0x40, s25, s20, $0xb8;
	[tilespmem:$0xC400] =	vst v63  }
0x68: {  	_ =	swait.ge [sflag:s19], $0x2000  }
0x69: {  	[sflag:s19] =	ssyncset.done $0x0  }
0x6a: {  	s29 =	sadd.s32 $0x1C00, s29;
	[sflag:s19] =	ssyncadd.s32 $0xFFFFE000  }
0x6b: {  	[tilespmem:s18], [sflag:$0x1] =	stream.linear.gather [hbm4b:s29+s3], $0x2000, $0x38;
	[tilespmem:$0xC400] =	vst v63  }
0x6c: {  	_ =	swait.ge [sflag:s19], $0x2000  }
0x6d: {  	[sflag:s19] =	ssyncset.done $0x0  }
0x6e: {  	[sflag:s19] =	ssyncadd.s32 $0xFFFFE000  }
0x6f: {  	[spmem:s2] =	stream.indirect.scatter.add.f32 [tilespmem:s18], [sflag:$0x1], $0x40, s26, s20, $0xb8;
	[tilespmem:$0xC400] =	vst v63  }
0x70: {  	_ =	swait.ge [sflag:s19], $0x2000  }
0x71: {  	s30 =	smov.u32 s16;
	s29 =	simm.s32 $0x2000;
	[sflag:s19] =	ssyncset.done $0x0  }
.LBB2_2:
0x72: {  	p0 =	sne.s32 s29, $0x12000;
	[sflag:s19] =	ssyncadd.s32 $0xFFFFE000;
	s30 =	sadd.s32 $0x80, s30  }
0x73: {  	[tilespmem:s3], [sflag:$0x1] =	stream.linear.gather [hbm4b:s30+s3], $0x400, $0x38;
	[tilespmem:$0xC400] =	vst v63  }
0x74: {  	s31 =	smov.u32 s29;
	s29 =	sadd.s32 $0x2000, s29;
	_ =	swait.ge [sflag:s19], $0x400  }
0x75: {  	[sflag:s19] =	ssyncset.done $0x0  }
0x76: {  	s31 =	sadd.s32 s31, s17;
	[sflag:s19] =	ssyncadd.s32 $0xFFFFFC00  }
0x77: {  	[tilespmem:s18], [sflag:$0x1] =	stream.linear.gather [hbm4b:s31+s3], $0x2000, $0x38;
	[tilespmem:$0xC400] =	vst v63  }
0x78: {  	_ =	swait.ge [sflag:s19], $0x2000  }
0x79: {  	[sflag:s19] =	ssyncset.done $0x0  }
0x7a: {  	[sflag:s19] =	ssyncadd.s32 $0xFFFFE000  }
0x7b: {  	[spmem:s2] =	stream.indirect.scatter.add.f32 [tilespmem:s18], [sflag:$0x1], $0x40, s3, s20, $0xb8;
	[tilespmem:$0xC400] =	vst v63  }
0x7c: {  	_ =	swait.ge [sflag:s19], $0x2000  }
0x7d: {  	[sflag:s19] =	ssyncset.done $0x0  }
0x7e: {  	s1 =	sadd.s32 $0x400, s31;
	[sflag:s19] =	ssyncadd.s32 $0xFFFFE000  }
0x7f: {  	[tilespmem:s18], [sflag:$0x1] =	stream.linear.gather [hbm4b:s1+s3], $0x2000, $0x38;
	[tilespmem:$0xC400] =	vst v63  }
0x80: {  	_ =	swait.ge [sflag:s19], $0x2000  }
0x81: {  	[sflag:s19] =	ssyncset.done $0x0  }
0x82: {  	[sflag:s19] =	ssyncadd.s32 $0xFFFFE000  }
0x83: {  	[spmem:s2] =	stream.indirect.scatter.add.f32 [tilespmem:s18], [sflag:$0x1], $0x40, s20, s20, $0xb8;
	[tilespmem:$0xC400] =	vst v63  }
0x84: {  	_ =	swait.ge [sflag:s19], $0x2000  }
0x85: {  	[sflag:s19] =	ssyncset.done $0x0  }
0x86: {  	s1 =	sadd.s32 $0x800, s31;
	[sflag:s19] =	ssyncadd.s32 $0xFFFFE000  }
0x87: {  	[tilespmem:s18], [sflag:$0x1] =	stream.linear.gather [hbm4b:s1+s3], $0x2000, $0x38;
	[tilespmem:$0xC400] =	vst v63  }
0x88: {  	_ =	swait.ge [sflag:s19], $0x2000  }
0x89: {  	[sflag:s19] =	ssyncset.done $0x0  }
0x8a: {  	[sflag:s19] =	ssyncadd.s32 $0xFFFFE000  }
0x8b: {  	[spmem:s2] =	stream.indirect.scatter.add.f32 [tilespmem:s18], [sflag:$0x1], $0x40, s21, s20, $0xb8;
	[tilespmem:$0xC400] =	vst v63  }
0x8c: {  	_ =	swait.ge [sflag:s19], $0x2000  }
0x8d: {  	[sflag:s19] =	ssyncset.done $0x0  }
0x8e: {  	s1 =	sadd.s32 $0xC00, s31;
	[sflag:s19] =	ssyncadd.s32 $0xFFFFE000  }
0x8f: {  	[tilespmem:s18], [sflag:$0x1] =	stream.linear.gather [hbm4b:s1+s3], $0x2000, $0x38;
	[tilespmem:$0xC400] =	vst v63  }
0x90: {  	_ =	swait.ge [sflag:s19], $0x2000  }
0x91: {  	[sflag:s19] =	ssyncset.done $0x0  }
0x92: {  	[sflag:s19] =	ssyncadd.s32 $0xFFFFE000  }
0x93: {  	[spmem:s2] =	stream.indirect.scatter.add.f32 [tilespmem:s18], [sflag:$0x1], $0x40, s22, s20, $0xb8;
	[tilespmem:$0xC400] =	vst v63  }
0x94: {  	_ =	swait.ge [sflag:s19], $0x2000  }
0x95: {  	[sflag:s19] =	ssyncset.done $0x0  }
0x96: {  	s1 =	sadd.s32 $0x1000, s31;
	[sflag:s19] =	ssyncadd.s32 $0xFFFFE000  }
0x97: {  	[tilespmem:s18], [sflag:$0x1] =	stream.linear.gather [hbm4b:s1+s3], $0x2000, $0x38;
	[tilespmem:$0xC400] =	vst v63  }
0x98: {  	_ =	swait.ge [sflag:s19], $0x2000  }
0x99: {  	[sflag:s19] =	ssyncset.done $0x0  }
0x9a: {  	[sflag:s19] =	ssyncadd.s32 $0xFFFFE000  }
0x9b: {  	[spmem:s2] =	stream.indirect.scatter.add.f32 [tilespmem:s18], [sflag:$0x1], $0x40, s23, s20, $0xb8;
	[tilespmem:$0xC400] =	vst v63  }
0x9c: {  	_ =	swait.ge [sflag:s19], $0x2000  }
0x9d: {  	[sflag:s19] =	ssyncset.done $0x0  }
0x9e: {  	s1 =	sadd.s32 $0x1400, s31;
	[sflag:s19] =	ssyncadd.s32 $0xFFFFE000  }
0x9f: {  	[tilespmem:s18], [sflag:$0x1] =	stream.linear.gather [hbm4b:s1+s3], $0x2000, $0x38;
	[tilespmem:$0xC400] =	vst v63  }
0xa0: {  	_ =	swait.ge [sflag:s19], $0x2000  }
0xa1: {  	[sflag:s19] =	ssyncset.done $0x0  }
0xa2: {  	[sflag:s19] =	ssyncadd.s32 $0xFFFFE000  }
0xa3: {  	[spmem:s2] =	stream.indirect.scatter.add.f32 [tilespmem:s18], [sflag:$0x1], $0x40, s24, s20, $0xb8;
	[tilespmem:$0xC400] =	vst v63  }
0xa4: {  	_ =	swait.ge [sflag:s19], $0x2000  }
0xa5: {  	[sflag:s19] =	ssyncset.done $0x0  }
0xa6: {  	s1 =	sadd.s32 $0x1800, s31;
	[sflag:s19] =	ssyncadd.s32 $0xFFFFE000  }
0xa7: {  	[tilespmem:s18], [sflag:$0x1] =	stream.linear.gather [hbm4b:s1+s3], $0x2000, $0x38;
	[tilespmem:$0xC400] =	vst v63  }
0xa8: {  	_ =	swait.ge [sflag:s19], $0x2000  }
0xa9: {  	[sflag:s19] =	ssyncset.done $0x0  }
0xaa: {  	[sflag:s19] =	ssyncadd.s32 $0xFFFFE000  }
0xab: {  	[spmem:s2] =	stream.indirect.scatter.add.f32 [tilespmem:s18], [sflag:$0x1], $0x40, s25, s20, $0xb8;
	[tilespmem:$0xC400] =	vst v63  }
0xac: {  	_ =	swait.ge [sflag:s19], $0x2000  }
0xad: {  	[sflag:s19] =	ssyncset.done $0x0  }
0xae: {  	s1 =	sadd.s32 $0x1C00, s31;
	[sflag:s19] =	ssyncadd.s32 $0xFFFFE000  }
0xaf: {  	[tilespmem:s18], [sflag:$0x1] =	stream.linear.gather [hbm4b:s1+s3], $0x2000, $0x38;
	[tilespmem:$0xC400] =	vst v63  }
0xb0: {  	_ =	swait.ge [sflag:s19], $0x2000  }
.Ltmp0:
0xb1: {  	[sflag:s19] =	ssyncset.done $0x0;
	(pc) =	sbr.rel @p0 .LBB2_2-.Ltmp0, $4  }
0xb2: {  	[sflag:s19] =	ssyncadd.s32 $0xFFFFE000  }
0xb3: {  	[spmem:s2] =	stream.indirect.scatter.add.f32 [tilespmem:s18], [sflag:$0x1], $0x40, s26, s20, $0xb8;
	[tilespmem:$0xC400] =	vst v63  }
0xb4: {  	_ =	swait.ge [sflag:s19], $0x2000  }
0xb5: {  	[sflag:s19] =	ssyncset.done $0x0  }
0xb6: {  	[sflag:s19] =	ssyncadd.s32 $0xFFFFE000  }
0xb7: {  	[bflag:$0x0] =	sbarrier.arrive $0xFFFF  }
0xb8: {  	[tilespmem:s18], [sflag:$0x1] =	stream.linear.gather [spmem:s5], $0x2000, $0x38;
	[tilespmem:$0xC400] =	vst v63  }
0xb9: {  	_ =	swait.ge [sflag:s19], $0x2000  }
0xba: {  	[sflag:s19] =	ssyncset.done $0x0  }
0xbb: {  	[sflag:s19] =	ssyncadd.s32 $0xFFFFE000  }
0xbc: {  	[hbm4b:s10+s3] =	stream.linear.scatter [tilespmem:s18], [sflag:$0x1], $0x2000, $0x38;
	[tilespmem:$0xC400] =	vst v63  }
0xbd: {  	_ =	swait.ge [sflag:s19], $0x2000  }
0xbe: {  	[sflag:s19] =	ssyncset.done $0x0  }
0xbf: {  	[sflag:s19] =	ssyncadd.s32 $0xFFFFE000  }
0xc0: {  	[tilespmem:s18], [sflag:$0x1] =	stream.linear.gather [spmem:s6], $0x2000, $0x38;
	[tilespmem:$0xC400] =	vst v63  }
0xc1: {  	_ =	swait.ge [sflag:s19], $0x2000  }
0xc2: {  	[sflag:s19] =	ssyncset.done $0x0  }
0xc3: {  	[sflag:s19] =	ssyncadd.s32 $0xFFFFE000  }
0xc4: {  	[hbm4b:s11+s3] =	stream.linear.scatter [tilespmem:s18], [sflag:$0x1], $0x2000, $0x38;
	[tilespmem:$0xC400] =	vst v63  }
0xc5: {  	_ =	swait.ge [sflag:s19], $0x2000  }
0xc6: {  	[sflag:s19] =	ssyncset.done $0x0  }
0xc7: {  	[sflag:s19] =	ssyncadd.s32 $0xFFFFE000  }
0xc8: {  	[tilespmem:s18], [sflag:$0x1] =	stream.linear.gather [spmem:s7], $0x2000, $0x38;
	[tilespmem:$0xC400] =	vst v63  }
0xc9: {  	_ =	swait.ge [sflag:s19], $0x2000  }
0xca: {  	[sflag:s19] =	ssyncset.done $0x0  }
0xcb: {  	[sflag:s19] =	ssyncadd.s32 $0xFFFFE000  }
0xcc: {  	[hbm4b:s12+s3] =	stream.linear.scatter [tilespmem:s18], [sflag:$0x1], $0x2000, $0x38;
	[tilespmem:$0xC400] =	vst v63  }
0xcd: {  	_ =	swait.ge [sflag:s19], $0x2000  }
0xce: {  	[sflag:s19] =	ssyncset.done $0x0  }
0xcf: {  	[sflag:s19] =	ssyncadd.s32 $0xFFFFE000  }
0xd0: {  	[tilespmem:s18], [sflag:$0x1] =	stream.linear.gather [spmem:s8], $0x2000, $0x38;
	[tilespmem:$0xC400] =	vst v63  }
0xd1: {  	_ =	swait.ge [sflag:s19], $0x2000  }
0xd2: {  	[sflag:s19] =	ssyncset.done $0x0  }
0xd3: {  	[sflag:s19] =	ssyncadd.s32 $0xFFFFE000  }
0xd4: {  	[hbm4b:s13+s3] =	stream.linear.scatter [tilespmem:s18], [sflag:$0x1], $0x2000, $0x38;
	[tilespmem:$0xC400] =	vst v63  }
0xd5: {  	_ =	swait.ge [sflag:s19], $0x2000  }
0xd6: {  	[sflag:s19] =	ssyncset.done $0x0  }
0xd7: {  	[sflag:s19] =	ssyncadd.s32 $0xFFFFE000  }
0xd8: {  	[tilespmem:s18], [sflag:$0x1] =	stream.linear.gather [spmem:s9], $0x2000, $0x38;
	[tilespmem:$0xC400] =	vst v63  }
0xd9: {  	s28 =	sadd.s32 $0x1, s28;
	_ =	swait.ge [sflag:s19], $0x2000  }
0xda: {  	p0 =	sne.s32 s28, s15;
	[sflag:s19] =	ssyncset.done $0x0  }
.Ltmp1:
0xdb: {  	[sflag:s19] =	ssyncadd.s32 $0xFFFFE000;
	(pc) =	sbr.rel @p0 .LBB2_1-.Ltmp1, $4  }
0xdc: {  	[hbm4b:s14+s3] =	stream.linear.scatter [tilespmem:s18], [sflag:$0x1], $0x2000, $0x38;
	[tilespmem:$0xC400] =	vst v63  }
0xdd: {  	_ =	swait.ge [sflag:s19], $0x2000  }
0xde: {  	[sflag:s19] =	ssyncset.done $0x0  }
0xdf: {  	[sflag:s19] =	ssyncadd.s32 $0xFFFFE000  }
0xe0: {  	_ =	sfence.sel $0x180000  }
0xe1: {  	[bflag:$0x0] =	sbarrier.arrive $0xFFFF  }
0xe2: {  	_ =	strace $0x90000047  }
0xe3: {  	[bflag:$0x2] =	sbarrier.arrive $0xFFFF  }
0xe4: {  	p0 =	sne.s32 s0, $0x0;
	s0 =	rddreg [dreg:$0x2]  }
0xe5: {  	s0 =	sadd.s32 @!p0 $0x100000, s0  }
0xe6: {  	[sflag:s0] =	ssyncadd.tile.s32 @!p0 $0x1;
	_ =	shalt  }
.Lfunc_end2:
_tile_overlayer_lowered:
.L_overlay_start_2:
0xe7: {  	(tag) =	ssettag $0x2  }
0xe8: {  	s0 =	rddreg [dreg:$0x0];
	s2 =	stileid.u32  }
0xe9: {  	s1 =	rddreg [dreg:$0x1];
	p0 =	sne.s32 s2, $0x0  }
0xea: {  	s3 =	rddreg [dreg:$0x2];
	[bflag:$0x3] =	sbarrier.arrive $0xFFFF;
	s2 =	simm.s32 @!p0 $0x1C01  }
0xeb: {  	[timem:s3], [sflag:s2] =	dma.local @!p0 [hbm:s0], s1  }
0xec: {  	s0 =	simm.s32 @!p0 $0x1  }
0xed: {  	_ =	swait.ge @!p0 [sflag:s0], s1  }
0xee: {  	s1 =	ssub.s32 @!p0 $0x0, s1;
	[sflag:s0] =	ssyncset.done @!p0 $0x0  }
0xef: {  	[sflag:s0] =	ssyncadd.s32 @!p0 s1  }
0xf0: {  	[bflag:$0x3] =	sbarrier.arrive $0xFFFF  }
0xf1: {  	_ =	shalt  }

// kernel: kernel.15.cloned.1.call-start
scs
__scs_entry_jumppad:
0x0: {  	(pc) =	sbr.rel $0x88, $3  }
0x1: {  	(tag) =	ssettag $0x0;
	lr =	simm.s32 $0x1  }
0x2: {  	[smem:$0x3F90] =	sst lr;
	_ =	strace $0xD0000000  }
0x3: {  	_ = 	snop  }
0x4: {  	_ = 	snop  }
0x5: {  	_ = 	snop  }
0x6: {  	_ = 	snop  }
0x7: {  	_ = 	snop  }
__scs_overlays_trampoline_lowered:
0x8: {  	[smem:$0x3F9F] =	sst s0  }
0x9: {  	[smem:$0x3FA0] =	sst s1  }
0xa: {  	[smem:$0x3FA1] =	sst s2  }
0xb: {  	[smem:$0x3FA2] =	sst s3  }
0xc: {  	[smem:$0x3FA3] =	sst s4  }
0xd: {  	[smem:$0x3FA4] =	sst s5  }
0xe: {  	[smem:$0x3FA5] =	sst s6  }
0xf: {  	[smem:$0x3FA6] =	sst s7  }
0x10: {  	[smem:$0x3FA7] =	sst s8  }
0x11: {  	[smem:$0x3FA8] =	sst s9;
	s0 =	simm.s32 @!p0 $0x0  }
0x12: {  	s1 =	sld [smem:$0x3F8E];
	s0 =	simm.s32 @p0 $0x1  }
0x13: {  	[smem:$0x3FA9] =	sst s0;
	s0 =	simm.s32 @!p1 $0x0  }
0x14: {  	s2 =	sld [smem:$0x3F8D];
	s0 =	simm.s32 @p1 $0x1  }
0x15: {  	[smem:$0x3FAA] =	sst s0;
	s0 =	simm.s32 @!p2 $0x0  }
0x16: {  	s3 =	sld [smem:$0x3FDB];
	s0 =	simm.s32 @p2 $0x1  }
0x17: {  	s4 =	simm.s32 $0x1BF5;
	[smem:$0x3FAC] =	sst s0  }
0x18: {  	s0 =	sld [smem:$0x3F8F];
	_ =	swait.ge [sflag:s4], $0x0  }
0x19: {  	s7 =	sld [smem:$0x3F90]  }
0x1a: {  	s8 =	sadd.s32 $0xFFFFE003, lr  }
0x1b: {  	s9 =	sadd.s32 $0xFFFFFEF7, lr;
	s5 =	simm.s32 $0xFFFFFFFF;
	p2 =	slt.u32 s8, $0xFFFFF086  }
0x1c: {  	p1 =	slt.u32 s9, $0xF7A;
	s5 =	simm.s32 @!p2 $0x0  }
0x1d: {  	s5 =	simm.s32 @p1 $0x1;
	p0 =	seq.s32 s7, s2  }
0x1e: {  	s7 =	smul.u32 @!p0 $0xF7A, s2;
	p2 =	seq.s32 @!p0 s5, $0x0  }
0x1f: {  	s9 =	smul.u32 $0xF7A, s1;
	s8 =	simm.s32 @!p0 $0x1BF5;
	p2 =	por !p2, p0  }
0x20: {  	[sflag:s8] =	ssyncset.s32 @!p0 $0xFFFFF086;
	s6 =	sadd.s32 @!p0 s3, s7;
	s7 =	simm.s32 @!p0 $0x108  }
0x21: {  	s3 =	sadd.s32 s3, s9;
	s6 =	sadd.s32 @!p0 $0x88, s6;
	s7 =	simm.s32 @p2 $0x1082  }
0x22: {  	[simem:s7], [sflag:s8] =	dma.local @!p0 [hbm:s6], $0xF7A  }
0x23: {  	s9 =	sor.u32 $0xD0000000, s2;
	s6 =	simm.s32 $0x108;
	_ =	swait.ge @!p0 [sflag:s8], $0x0  }
0x24: {  	s3 =	sadd.s32 $0x88, s3;
	s6 =	simm.s32 @!p1 $0x1082;
	[sflag:s4] =	ssyncset.s32 $0xFFFFF086  }
0x25: {  	[simem:s6], [sflag:s4] =	dma.local [hbm:s3], $0xF7A  }
0x26: {  	[smem:$0x3F90] =	sst s1;
	(tag) =	ssettag s2;
	_ =	strace s9  }
0x27: {  	s1 =	sld [smem:$0x3FA0]  }
0x28: {  	s2 =	sld [smem:$0x3FA1]  }
0x29: {  	s4 =	sld [smem:$0x3FA3]  }
0x2a: {  	p0 =	seq.s32 s5, $0x0;
	s5 =	sld [smem:$0x3FA4]  }
0x2b: {  	s6 =	sld [smem:$0x3FA5]  }
0x2c: {  	s7 =	sld [smem:$0x3FA6]  }
0x2d: {  	s3 =	simm.s32 $0x108;
	s8 =	sld [smem:$0x3FA7]  }
0x2e: {  	s3 =	simm.s32 @!p0 $0x1082;
	s9 =	sld [smem:$0x3FA8]  }
0x2f: {  	lr =	sadd.s32 s0, s3;
	s0 =	sld [smem:$0x3F9F]  }
0x30: {  	s3 =	sld [smem:$0x3FA2]  }
0x31: {  	[smem:$0x3FAB] =	sst s10  }
0x32: {  	s10 =	sld [smem:$0x3FA9];
	_ =	sdelay $0x3  }
0x33: {  	p0 =	seq.s32 s10, $0x1;
	s10 =	sld [smem:$0x3FAB];
	_ =	sdelay $0x3  }
0x34: {  	[smem:$0x3FAB] =	sst s10  }
0x35: {  	s10 =	sld [smem:$0x3FAA];
	_ =	sdelay $0x3  }
0x36: {  	p1 =	seq.s32 s10, $0x1;
	s10 =	sld [smem:$0x3FAB];
	_ =	sdelay $0x3  }
0x37: {  	[smem:$0x3FAB] =	sst s10  }
0x38: {  	s10 =	sld [smem:$0x3FAC]  }
0x39: {  	_ = 	snop;
	(pc) =	sbr.ind lr, $3  }
0x3a: {  	_ = 	snop  }
0x3b: {  	_ = 	snop  }
0x3c: {  	p2 =	seq.s32 s10, $0x1;
	s10 =	sld [smem:$0x3FAB]  }
0x3d: {  	_ =	shalt  }
0x3e: {  	_ =	shalt  }
0x3f: {  	_ =	shalt  }
0x40: {  	_ =	shalt  }
0x41: {  	_ =	shalt  }
0x42: {  	_ =	shalt  }
0x43: {  	_ =	shalt  }
0x44: {  	_ =	shalt  }
0x45: {  	_ =	shalt  }
0x46: {  	_ =	shalt  }
0x47: {  	_ =	shalt  }
0x48: {  	_ =	shalt  }
0x49: {  	_ =	shalt  }
0x4a: {  	_ =	shalt  }
0x4b: {  	_ =	shalt  }
0x4c: {  	_ =	shalt  }
0x4d: {  	_ =	shalt  }
0x4e: {  	_ =	shalt  }
0x4f: {  	_ =	shalt  }
0x50: {  	_ =	shalt  }
0x51: {  	_ =	shalt  }
0x52: {  	_ =	shalt  }
0x53: {  	_ =	shalt  }
0x54: {  	_ =	shalt  }
0x55: {  	_ =	shalt  }
0x56: {  	_ =	shalt  }
0x57: {  	_ =	shalt  }
0x58: {  	_ =	shalt  }
0x59: {  	_ =	shalt  }
0x5a: {  	_ =	shalt  }
0x5b: {  	_ =	shalt  }
0x5c: {  	_ =	shalt  }
0x5d: {  	_ =	shalt  }
0x5e: {  	_ =	shalt  }
0x5f: {  	_ =	shalt  }
0x60: {  	_ =	shalt  }
0x61: {  	_ =	shalt  }
0x62: {  	_ =	shalt  }
0x63: {  	_ =	shalt  }
0x64: {  	_ =	shalt  }
0x65: {  	_ =	shalt  }
0x66: {  	_ =	shalt  }
0x67: {  	_ =	shalt  }
0x68: {  	_ =	shalt  }
0x69: {  	_ =	shalt  }
0x6a: {  	_ =	shalt  }
0x6b: {  	_ =	shalt  }
0x6c: {  	_ =	shalt  }
0x6d: {  	_ =	shalt  }
0x6e: {  	_ =	shalt  }
0x6f: {  	_ =	shalt  }
0x70: {  	_ =	shalt  }
0x71: {  	_ =	shalt  }
0x72: {  	_ =	shalt  }
0x73: {  	_ =	shalt  }
0x74: {  	_ =	shalt  }
0x75: {  	_ =	shalt  }
0x76: {  	_ =	shalt  }
0x77: {  	_ =	shalt  }
0x78: {  	_ =	shalt  }
0x79: {  	_ =	shalt  }
0x7a: {  	_ =	shalt  }
0x7b: {  	_ =	shalt  }
0x7c: {  	_ =	shalt  }
0x7d: {  	_ =	shalt  }
0x7e: {  	_ =	shalt  }
0x7f: {  	_ =	shalt  }
0x80: {  	_ =	shalt  }
0x81: {  	_ =	shalt  }
0x82: {  	_ =	shalt  }
0x83: {  	_ =	shalt  }
0x84: {  	_ =	shalt  }
0x85: {  	_ =	shalt  }
0x86: {  	_ =	shalt  }
0x87: {  	_ =	shalt  }
.Lfunc_end0:
.L_simem_size_0:
called_computation.1_lowered:
.L_overlay_start_0:
0x88: {  	s2 =	sld [smem:$0x3FD9]  }
0x89: {  	s3 =	sld [smem:$0x3FFE];
	_ =	sdelay $0x1  }
0x8a: {  	s1 =	srdreg.scid  }
0x8b: {  	s0 =	sand.u32 $0x1, s1  }
0x8c: {  	s16 =	sshll.u32 s0, $0xA;
	s2 =	sadd.s32 s3, s2  }
0x8d: {  	s2 =	sadd.s32 s2, s16  }
0x8e: {  	[smem:$0x3FB7] =	sst s2  }
0x8f: {  	_ = 	snop  }
0x90: {  	(tm) =	ssettm $0x1  }
0x91: {  	s17 =	sld [smem:$0x3FFB];
	_ =	sdelay $0x3  }
0x92: {  	_ =	strace s17  }
0x93: {  	s2 =	sld [smem:$0x3FFC];
	_ =	sdelay $0x3  }
0x94: {  	_ =	strace s2  }
0x95: {  	s2 =	sld [smem:$0x3FFD];
	_ =	sdelay $0x3  }
0x96: {  	_ =	strace s2  }
0x97: {  	_ =	strace $0x8FFFFFFF  }
0x98: {  	s18 =	sld [smem:$0x3FDB];
	_ =	sdelay $0x1  }
0x99: {  	s19 =	simm.s32 $_scs_section_size  }
0x9a: {  	s4 =	simm.s32 $_size__tile_overlayer_lowered;
	s5 =	simm.s32 $_tile_overlayer_lowered  }
0x9b: {  	s22 =	simm.s32 $0x1BFF;
	s21 =	sshll.u32 s5, $0x1;
	s2 =	sadd.s32 s19, s18  }
0x9c: {  	s6 =	simm.s32 $0x0;
	s20 =	sshll.u32 s4, $0x1;
	s4 =	sadd.s32 s21, s2  }
0x9d: {  	[timem:s6], [sflag:s22] =	dma.local [hbm:s4], s20  }
0x9e: {  	_ =	swait.ge [sflag:s22], s20  }
0x9f: {  	s3 =	ssub.s32 $0x0, s20;
	[sflag:s22] =	ssyncset.done $0x0  }
0xa0: {  	[sflag:s22] =	ssyncadd.s32 s3;
	_ =	sdelay $0x1  }
0xa1: {  	s23 =	simm.s32 $0x1B8B  }
0xa2: {  	_ =	swait.ge [sflag:s23], $0x1  }
0xa3: {  	[sflag:s23] =	ssyncset.done $0x0  }
0xa4: {  	s25 =	simm.s32 $0x1B8E;
	s24 =	sld [smem:$0x3FFE];
	[sflag:s23] =	ssyncadd.s32 $0xFFFFFFFF  }
0xa5: {  	s26 =	simm.s32 $execute0_lowered;
	[smem:$0x3FD2] =	sst s25  }
0xa6: {  	s4 =	sshll.u32 s26, $0x1;
	_ =	strace $0x80000049;
	[dreg:$0x1] =	wrdreg $0xFFFFFFFF  }
0xa7: {  	s28 =	simm.s32 $_size_execute0_lowered;
	s2 =	sadd.s32 s2, s4;
	[dreg:$0x0] =	wrdreg $0x0  }
0xa8: {  	s4 =	sshll.u32 s28, $0x1;
	[dreg:$0x2] =	wrdreg s2  }
0xa9: {  	[dreg:$0x3] =	wrdreg s4  }
0xaa: {  	[dreg:$0x4] =	wrdreg $0xC0  }
0xab: {  	_ =	task [dreg:s6], $0x5FFFF  }
0xac: {  	[dreg:$0x1] =	wrdreg $0xFFFFFFFF  }
0xad: {  	[dreg:$0x0] =	wrdreg $0x60  }
0xae: {  	[dreg:$0x2] =	wrdreg s24  }
0xaf: {  	[dreg:$0x3] =	wrdreg $0x28000  }
0xb0: {  	[dreg:$0x4] =	wrdreg $0x9  }
0xb1: {  	_ =	task.clear_ibuf [dreg:s6], $0x5FFFF;
	_ =	strace $0x90000049  }
0xb2: {  	s29 =	simm.s32 $0x9;
	_ =	strace $0x8000004B  }
0xb3: {  	_ =	swait.ge [sflag:s29], $0x1  }
0xb4: {  	[sflag:s29] =	ssyncadd.s32 $0xFFFFFFFF  }
0xb5: {  	_ =	strace $0x9000004B  }
0xb6: {  	_ =	sfence  }
0xb7: {  	s30 =	sld [smem:$0x0];
	_ =	sdelay $0x2  }
0xb8: {  	s31 =	sshll.u32 s1, $0xD;
	s1 =	sshrl.u32 s1, $0x2  }
0xb9: {  	s3 =	sand.u32 $0x4000, s31;
	s1 =	sadd.s32 s1, s30  }
0xba: {  	s0 =	sor.u32 s3, s0;
	s1 =	sshll.u32 s1, $0x11  }
0xbb: {  	s0 =	sor.u32 s1, s0  }
0xbc: {  	s0 =	sadd.s32 $0x8F2B, s0  }
0xbd: {  	[sflag:s0] =	ssyncadd.remote.s32 $0x1  }
0xbe: {  	_ =	sfence.sel $0xFFFF  }
0xbf: {  	[dreg:$0x0] =	wrdreg $0xFFFFFFFF;
	(pc) =	sbr.abs _section_cstart, $3  }
0xc0: {  	[dreg:$0x1] =	wrdreg $0xFFFFFFFF  }
0xc1: {  	_ =	task.clear_ibuf [dreg:s6], $0x2FFFF;
	_ =	strace $0x9FFFFFFF  }
0xc2: {  	(tm) =	ssettm $0x7FFFFFFF  }
0xc3: {  	_ =	shalt  }
tec
execute0_lowered:
.L_overlay_start_1:
0x0: {  	(tag) =	ssettag $0x1  }
0x1: {  	s0 =	srdreg.scid  }
0x2: {  	s7 =	stileid.u32;
	s5 =	rddreg [dreg:$0x0]  }
0x3: {  	s2 =	rddreg [dreg:$0x1];
	s3 =	simm.s32 $0x0;
	s28 =	simm.s32 $0x180  }
0x4: {  	s29 =	simm.s32 $0x580;
	s30 =	simm.s32 $0x200;
	s1 =	smul.u32 $0x5000, s7  }
0x5: {  	s31 =	simm.s32 $0x600;
	s0 =	sand.u32 $0x1, s0;
	s10 =	smul.u32 $0xA000, s7  }
0x6: {  	[smem:$0x7FF] =	sst s3;
	s18 =	sadd.s32 $0x298400, s5;
	s4 =	smul.u32 $0x2800, s0  }
0x7: {  	_ =	strace $0x8000004A;
	s6 =	ssub.s32 $0x2, s0;
	[dreg:$0x3] =	wrdreg s18  }
0x8: {  	s0 =	smul.u32 $0xA0000, s0;
	s19 =	sshrl.u32 s6, $0x1;
	s7 =	sadd.s32 s10, s2  }
0x9: {  	s11 =	sadd.s32 $0x2000, s10;
	s12 =	sadd.s32 $0x4000, s10;
	s13 =	sadd.s32 $0x6000, s10  }
0xa: {  	s14 =	sadd.s32 $0x8000, s10;
	s1 =	sadd.s32 s4, s1;
	s4 =	sadd.s32 $0x18000, s5  }
0xb: {  	s6 =	ssub.s32 s6, s19;
	s8 =	sadd.s32 s11, s2;
	s16 =	sadd.s32 s12, s2  }
0xc: {  	s9 =	sadd.s32 s13, s2;
	s15 =	sadd.s32 s10, s0;
	s11 =	sadd.s32 s0, s11  }
0xd: {  	s10 =	sadd.s32 s14, s2;
	s21 =	sadd.s32 s0, s12;
	s22 =	sadd.s32 s0, s13  }
0xe: {  	s0 =	sadd.s32 s0, s14;
	s19 =	simm.s32 $0x800;
	s12 =	simm.s32 $0x380  }
0xf: {  	s13 =	simm.s32 $0x780;
	s14 =	simm.s32 $0x0;
	s1 =	sshrl.u32 s1, $0x3  }
0x10: {  	s15 =	sshrl.u32 s15, $0x3;
	s11 =	sshrl.u32 s11, $0x3;
	s24 =	sshrl.u32 s22, $0x3  }
0x11: {  	s0 =	sshrl.u32 s0, $0x3;
	s26 =	smax.u32 s6, $0x1;
	[dreg:$0x4] =	wrdreg s16  }
0x12: {  	s22 =	simm.s32 $0x80;
	[dreg:$0x6] =	wrdreg s10;
	s1 =	sadd.s32 s1, s5  }
0x13: {  	s5 =	sadd.s32 $0x2C000, s5;
	[dreg:$0xc] =	wrdreg s26;
	s26 =	simm.s32 $0x500  }
0x14: {  	s15 =	sadd.s32 s5, s15;
	s20 =	sadd.s32 s5, s11;
	s11 =	sshrl.u32 s21, $0x3  }
0x15: {  	s25 =	sadd.s32 s5, s24;
	s0 =	sadd.s32 s5, s0;
	s17 =	sadd.s32 $0xE000, s1  }
0x16: {  	s18 =	sadd.s32 $0x4000, s1;
	s21 =	simm.s32 $0x400;
	[dreg:$0x7] =	wrdreg s15  }
0x17: {  	s24 =	simm.s32 $0x480;
	s1 =	simm.s32 $0x280;
	[dreg:$0x8] =	wrdreg s20  }
0x18: {  	s15 =	smov.u32 s9;
	s23 =	sadd.s32 s5, s11;
	[dreg:$0xa] =	wrdreg s25  }
0x19: {  	[dreg:$0xb] =	wrdreg s0;
	s20 =	simm.s32 $0x2;
	s25 =	simm.s32 $0x100  }
0x1a: {  	s0 =	simm.s32 $0x680;
	s5 =	simm.s32 $0x300;
	[dreg:$0x9] =	wrdreg s23  }
0x1b: {  	s11 =	simm.s32 $0x700;
	s23 =	simm.s32 $0x1;
	[dreg:$0x5] =	wrdreg s15  }
.LBB2_1:
0x1c: {  	s6 =	rddreg [dreg:$0x3]  }
0x1d: {  	[tilespmem:s19], [sflag:$0x2] =	stream.linear.gather [hbm4b:s6+s3], $0x2000, $0x38;
	[tilespmem:$0xC800] =	vst v63  }
0x1e: {  	_ =	swait.ge [sflag:s20], $0x2000  }
0x1f: {  	[sflag:s20] =	ssyncset.done $0x0  }
0x20: {  	[sflag:s20] =	ssyncadd.s32 $0xFFFFE000  }
0x21: {  	[spmem:s7] =	stream.linear.scatter [tilespmem:s19], [sflag:$0x2], $0x2000, $0x38;
	[tilespmem:$0xC800] =	vst v63  }
0x22: {  	_ =	swait.ge [sflag:s20], $0x2000  }
0x23: {  	[sflag:s20] =	ssyncset.done $0x0  }
0x24: {  	[sflag:s20] =	ssyncadd.s32 $0xFFFFE000  }
0x25: {  	[spmem:s8] =	stream.linear.scatter [tilespmem:s19], [sflag:$0x2], $0x2000, $0x38;
	[tilespmem:$0xC800] =	vst v63  }
0x26: {  	_ =	swait.ge [sflag:s20], $0x2000  }
0x27: {  	[sflag:s20] =	ssyncset.done $0x0  }
0x28: {  	[sflag:s20] =	ssyncadd.s32 $0xFFFFE000  }
0x29: {  	[spmem:s16] =	stream.linear.scatter [tilespmem:s19], [sflag:$0x2], $0x2000, $0x38;
	[tilespmem:$0xC800] =	vst v63  }
0x2a: {  	_ =	swait.ge [sflag:s20], $0x2000  }
0x2b: {  	[sflag:s20] =	ssyncset.done $0x0  }
0x2c: {  	[sflag:s20] =	ssyncadd.s32 $0xFFFFE000  }
0x2d: {  	[spmem:s15] =	stream.linear.scatter [tilespmem:s19], [sflag:$0x2], $0x2000, $0x38;
	[tilespmem:$0xC800] =	vst v63  }
0x2e: {  	_ =	swait.ge [sflag:s20], $0x2000  }
0x2f: {  	[sflag:s20] =	ssyncset.done $0x0  }
0x30: {  	s9 =	smov.u32 s7;
	s7 =	smov.u32 s10;
	[sflag:s20] =	ssyncadd.s32 $0xFFFFE000  }
0x31: {  	[spmem:s7] =	stream.linear.scatter [tilespmem:s19], [sflag:$0x2], $0x2000, $0x38;
	[tilespmem:$0xC800] =	vst v63  }
0x32: {  	_ =	swait.ge [sflag:s20], $0x2000  }
0x33: {  	[sflag:s20] =	ssyncset.done $0x0  }
0x34: {  	[sflag:s20] =	ssyncadd.s32 $0xFFFFE000  }
0x35: {  	s15 =	sadd.s32 $0x0, s18;
	[bflag:$0x0] =	sbarrier.arrive $0xFFFF  }
0x36: {  	[tilespmem:s3], [sflag:$0x2] =	stream.linear.gather [hbm4b:s15+s3], $0x400, $0x38;
	[tilespmem:$0xC800] =	vst v63  }
0x37: {  	_ =	swait.ge [sflag:s20], $0x400  }
0x38: {  	[sflag:s20] =	ssyncset.done $0x0  }
0x39: {  	s16 =	sadd.s32 $0x0, s17;
	[sflag:s20] =	ssyncadd.s32 $0xFFFFFC00  }
0x3a: {  	[tilespmem:s21], [sflag:$0x2] =	stream.linear.gather [hbm4b:s16+s3], $0x400, $0x38;
	[tilespmem:$0xC800] =	vst v63  }
0x3b: {  	_ =	swait.ge [sflag:s20], $0x400  }
0x3c: {  	[sflag:s20] =	ssyncset.done $0x0  }
0x3d: {  	[sflag:s20] =	ssyncadd.s32 $0xFFFFFC00  }
0x3e: {  	[tilespmem:s19], [sflag:$0x1] =	stream.indirect.gather [hbm4b:s4+s22], $0x40, s3, s22, $0xb8;
	[tilespmem:$0xC800] =	vst v63  }
0x3f: {  	_ =	swait.ge [sflag:s23], $0x2000  }
0x40: {  	[sflag:s23] =	ssyncset.done $0x0  }
0x41: {  	[sflag:s23] =	ssyncadd.s32 $0xFFFFE000  }
0x42: {  	[spmem:s2] =	stream.indirect.scatter.add.f32 [tilespmem:s19], [sflag:$0x2], $0x40, s21, s22, $0xb8;
	[tilespmem:$0xC800] =	vst v63  }
0x43: {  	_ =	swait.ge [sflag:s20], $0x2000  }
0x44: {  	[sflag:s20] =	ssyncset.done $0x0  }
0x45: {  	[sflag:s20] =	ssyncadd.s32 $0xFFFFE000  }
0x46: {  	[tilespmem:s19], [sflag:$0x1] =	stream.indirect.gather [hbm4b:s4+s22], $0x40, s22, s22, $0xb8;
	[tilespmem:$0xC800] =	vst v63  }
0x47: {  	_ =	swait.ge [sflag:s23], $0x2000  }
0x48: {  	[sflag:s23] =	ssyncset.done $0x0  }
0x49: {  	[sflag:s23] =	ssyncadd.s32 $0xFFFFE000  }
0x4a: {  	[spmem:s2] =	stream.indirect.scatter.add.f32 [tilespmem:s19], [sflag:$0x2], $0x40, s24, s22, $0xb8;
	[tilespmem:$0xC800] =	vst v63  }
0x4b: {  	_ =	swait.ge [sflag:s20], $0x2000  }
0x4c: {  	[sflag:s20] =	ssyncset.done $0x0  }
0x4d: {  	[sflag:s20] =	ssyncadd.s32 $0xFFFFE000  }
0x4e: {  	[tilespmem:s19], [sflag:$0x1] =	stream.indirect.gather [hbm4b:s4+s22], $0x40, s25, s22, $0xb8;
	[tilespmem:$0xC800] =	vst v63  }
0x4f: {  	_ =	swait.ge [sflag:s23], $0x2000  }
0x50: {  	[sflag:s23] =	ssyncset.done $0x0  }
0x51: {  	[sflag:s23] =	ssyncadd.s32 $0xFFFFE000  }
0x52: {  	[spmem:s2] =	stream.indirect.scatter.add.f32 [tilespmem:s19], [sflag:$0x2], $0x40, s26, s22, $0xb8;
	[tilespmem:$0xC800] =	vst v63  }
0x53: {  	_ =	swait.ge [sflag:s20], $0x2000  }
0x54: {  	[sflag:s20] =	ssyncset.done $0x0  }
0x55: {  	[sflag:s20] =	ssyncadd.s32 $0xFFFFE000  }
0x56: {  	[tilespmem:s19], [sflag:$0x1] =	stream.indirect.gather [hbm4b:s4+s22], $0x40, s28, s22, $0xb8;
	[tilespmem:$0xC800] =	vst v63  }
0x57: {  	_ =	swait.ge [sflag:s23], $0x2000  }
0x58: {  	[sflag:s23] =	ssyncset.done $0x0  }
0x59: {  	[sflag:s23] =	ssyncadd.s32 $0xFFFFE000  }
0x5a: {  	[spmem:s2] =	stream.indirect.scatter.add.f32 [tilespmem:s19], [sflag:$0x2], $0x40, s29, s22, $0xb8;
	[tilespmem:$0xC800] =	vst v63  }
0x5b: {  	_ =	swait.ge [sflag:s20], $0x2000  }
0x5c: {  	[sflag:s20] =	ssyncset.done $0x0  }
0x5d: {  	[sflag:s20] =	ssyncadd.s32 $0xFFFFE000  }
0x5e: {  	[tilespmem:s19], [sflag:$0x1] =	stream.indirect.gather [hbm4b:s4+s22], $0x40, s30, s22, $0xb8;
	[tilespmem:$0xC800] =	vst v63  }
0x5f: {  	_ =	swait.ge [sflag:s23], $0x2000  }
0x60: {  	[sflag:s23] =	ssyncset.done $0x0  }
0x61: {  	[sflag:s23] =	ssyncadd.s32 $0xFFFFE000  }
0x62: {  	[spmem:s2] =	stream.indirect.scatter.add.f32 [tilespmem:s19], [sflag:$0x2], $0x40, s31, s22, $0xb8;
	[tilespmem:$0xC800] =	vst v63  }
0x63: {  	_ =	swait.ge [sflag:s20], $0x2000  }
0x64: {  	[sflag:s20] =	ssyncset.done $0x0  }
0x65: {  	[sflag:s20] =	ssyncadd.s32 $0xFFFFE000  }
0x66: {  	[tilespmem:s19], [sflag:$0x1] =	stream.indirect.gather [hbm4b:s4+s22], $0x40, s1, s22, $0xb8;
	[tilespmem:$0xC800] =	vst v63  }
0x67: {  	_ =	swait.ge [sflag:s23], $0x2000  }
0x68: {  	[sflag:s23] =	ssyncset.done $0x0  }
0x69: {  	[sflag:s23] =	ssyncadd.s32 $0xFFFFE000  }
0x6a: {  	[spmem:s2] =	stream.indirect.scatter.add.f32 [tilespmem:s19], [sflag:$0x2], $0x40, s0, s22, $0xb8;
	[tilespmem:$0xC800] =	vst v63  }
0x6b: {  	_ =	swait.ge [sflag:s20], $0x2000  }
0x6c: {  	[sflag:s20] =	ssyncset.done $0x0  }
0x6d: {  	[sflag:s20] =	ssyncadd.s32 $0xFFFFE000  }
0x6e: {  	[tilespmem:s19], [sflag:$0x1] =	stream.indirect.gather [hbm4b:s4+s22], $0x40, s5, s22, $0xb8;
	[tilespmem:$0xC800] =	vst v63  }
0x6f: {  	_ =	swait.ge [sflag:s23], $0x2000  }
0x70: {  	[sflag:s23] =	ssyncset.done $0x0  }
0x71: {  	[sflag:s23] =	ssyncadd.s32 $0xFFFFE000  }
0x72: {  	[spmem:s2] =	stream.indirect.scatter.add.f32 [tilespmem:s19], [sflag:$0x2], $0x40, s11, s22, $0xb8;
	[tilespmem:$0xC800] =	vst v63  }
0x73: {  	_ =	swait.ge [sflag:s20], $0x2000  }
0x74: {  	[sflag:s20] =	ssyncset.done $0x0  }
0x75: {  	[sflag:s20] =	ssyncadd.s32 $0xFFFFE000  }
0x76: {  	[tilespmem:s19], [sflag:$0x1] =	stream.indirect.gather [hbm4b:s4+s22], $0x40, s12, s22, $0xb8;
	[tilespmem:$0xC800] =	vst v63  }
0x77: {  	_ =	swait.ge [sflag:s23], $0x2000  }
0x78: {  	[sflag:s23] =	ssyncset.done $0x0  }
0x79: {  	[sflag:s23] =	ssyncadd.s32 $0xFFFFE000  }
0x7a: {  	[spmem:s2] =	stream.indirect.scatter.add.f32 [tilespmem:s19], [sflag:$0x2], $0x40, s13, s22, $0xb8;
	[tilespmem:$0xC800] =	vst v63  }
0x7b: {  	s10 =	smov.u32 s8;
	_ =	swait.ge [sflag:s20], $0x2000  }
0x7c: {  	s15 =	simm.s32 $0x80;
	s16 =	simm.s32 $0x100;
	[sflag:s20] =	ssyncset.done $0x0  }
.LBB2_2:
0x7d: {  	s7 =	sadd.s32 s15, s18  }
0x7e: {  	[sflag:s20] =	ssyncadd.s32 $0xFFFFE000;
	s8 =	smov.u32 s16;
	s6 =	sadd.s32 $0x80, s16  }
0x7f: {  	[tilespmem:s3], [sflag:$0x2] =	stream.linear.gather [hbm4b:s7+s3], $0x400, $0x38;
	[tilespmem:$0xC800] =	vst v63  }
0x80: {  	p0 =	sne.s32 s16, $0x480;
	_ =	swait.ge [sflag:s20], $0x400  }
0x81: {  	[sflag:s20] =	ssyncset.done $0x0  }
0x82: {  	s7 =	sadd.s32 s15, s17;
	s15 =	smov.u32 s8;
	[sflag:s20] =	ssyncadd.s32 $0xFFFFFC00  }
0x83: {  	[tilespmem:s21], [sflag:$0x2] =	stream.linear.gather [hbm4b:s7+s3], $0x400, $0x38;
	[tilespmem:$0xC800] =	vst v63  }
0x84: {  	_ =	swait.ge [sflag:s20], $0x400  }
0x85: {  	[sflag:s20] =	ssyncset.done $0x0  }
0x86: {  	[sflag:s20] =	ssyncadd.s32 $0xFFFFFC00  }
0x87: {  	[tilespmem:s19], [sflag:$0x1] =	stream.indirect.gather [hbm4b:s4+s22], $0x40, s3, s22, $0xb8;
	[tilespmem:$0xC800] =	vst v63  }
0x88: {  	_ =	swait.ge [sflag:s23], $0x2000  }
0x89: {  	[sflag:s23] =	ssyncset.done $0x0  }
0x8a: {  	[sflag:s23] =	ssyncadd.s32 $0xFFFFE000  }
0x8b: {  	[spmem:s2] =	stream.indirect.scatter.add.f32 [tilespmem:s19], [sflag:$0x2], $0x40, s21, s22, $0xb8;
	[tilespmem:$0xC800] =	vst v63  }
0x8c: {  	_ =	swait.ge [sflag:s20], $0x2000  }
0x8d: {  	[sflag:s20] =	ssyncset.done $0x0  }
0x8e: {  	[sflag:s20] =	ssyncadd.s32 $0xFFFFE000  }
0x8f: {  	[tilespmem:s19], [sflag:$0x1] =	stream.indirect.gather [hbm4b:s4+s22], $0x40, s22, s22, $0xb8;
	[tilespmem:$0xC800] =	vst v63  }
0x90: {  	_ =	swait.ge [sflag:s23], $0x2000  }
0x91: {  	[sflag:s23] =	ssyncset.done $0x0  }
0x92: {  	[sflag:s23] =	ssyncadd.s32 $0xFFFFE000  }
0x93: {  	[spmem:s2] =	stream.indirect.scatter.add.f32 [tilespmem:s19], [sflag:$0x2], $0x40, s24, s22, $0xb8;
	[tilespmem:$0xC800] =	vst v63  }
0x94: {  	_ =	swait.ge [sflag:s20], $0x2000  }
0x95: {  	[sflag:s20] =	ssyncset.done $0x0  }
0x96: {  	[sflag:s20] =	ssyncadd.s32 $0xFFFFE000  }
0x97: {  	[tilespmem:s19], [sflag:$0x1] =	stream.indirect.gather [hbm4b:s4+s22], $0x40, s25, s22, $0xb8;
	[tilespmem:$0xC800] =	vst v63  }
0x98: {  	_ =	swait.ge [sflag:s23], $0x2000  }
0x99: {  	[sflag:s23] =	ssyncset.done $0x0  }
0x9a: {  	[sflag:s23] =	ssyncadd.s32 $0xFFFFE000  }
0x9b: {  	[spmem:s2] =	stream.indirect.scatter.add.f32 [tilespmem:s19], [sflag:$0x2], $0x40, s26, s22, $0xb8;
	[tilespmem:$0xC800] =	vst v63  }
0x9c: {  	_ =	swait.ge [sflag:s20], $0x2000  }
0x9d: {  	[sflag:s20] =	ssyncset.done $0x0  }
0x9e: {  	[sflag:s20] =	ssyncadd.s32 $0xFFFFE000  }
0x9f: {  	[tilespmem:s19], [sflag:$0x1] =	stream.indirect.gather [hbm4b:s4+s22], $0x40, s28, s22, $0xb8;
	[tilespmem:$0xC800] =	vst v63  }
0xa0: {  	_ =	swait.ge [sflag:s23], $0x2000  }
0xa1: {  	[sflag:s23] =	ssyncset.done $0x0  }
0xa2: {  	[sflag:s23] =	ssyncadd.s32 $0xFFFFE000  }
0xa3: {  	[spmem:s2] =	stream.indirect.scatter.add.f32 [tilespmem:s19], [sflag:$0x2], $0x40, s29, s22, $0xb8;
	[tilespmem:$0xC800] =	vst v63  }
0xa4: {  	_ =	swait.ge [sflag:s20], $0x2000  }
0xa5: {  	[sflag:s20] =	ssyncset.done $0x0  }
0xa6: {  	[sflag:s20] =	ssyncadd.s32 $0xFFFFE000  }
0xa7: {  	[tilespmem:s19], [sflag:$0x1] =	stream.indirect.gather [hbm4b:s4+s22], $0x40, s30, s22, $0xb8;
	[tilespmem:$0xC800] =	vst v63  }
0xa8: {  	_ =	swait.ge [sflag:s23], $0x2000  }
0xa9: {  	[sflag:s23] =	ssyncset.done $0x0  }
0xaa: {  	[sflag:s23] =	ssyncadd.s32 $0xFFFFE000  }
0xab: {  	[spmem:s2] =	stream.indirect.scatter.add.f32 [tilespmem:s19], [sflag:$0x2], $0x40, s31, s22, $0xb8;
	[tilespmem:$0xC800] =	vst v63  }
0xac: {  	_ =	swait.ge [sflag:s20], $0x2000  }
0xad: {  	[sflag:s20] =	ssyncset.done $0x0  }
0xae: {  	[sflag:s20] =	ssyncadd.s32 $0xFFFFE000  }
0xaf: {  	[tilespmem:s19], [sflag:$0x1] =	stream.indirect.gather [hbm4b:s4+s22], $0x40, s1, s22, $0xb8;
	[tilespmem:$0xC800] =	vst v63  }
0xb0: {  	_ =	swait.ge [sflag:s23], $0x2000  }
0xb1: {  	[sflag:s23] =	ssyncset.done $0x0  }
0xb2: {  	[sflag:s23] =	ssyncadd.s32 $0xFFFFE000  }
0xb3: {  	[spmem:s2] =	stream.indirect.scatter.add.f32 [tilespmem:s19], [sflag:$0x2], $0x40, s0, s22, $0xb8;
	[tilespmem:$0xC800] =	vst v63  }
0xb4: {  	_ =	swait.ge [sflag:s20], $0x2000  }
0xb5: {  	[sflag:s20] =	ssyncset.done $0x0  }
0xb6: {  	[sflag:s20] =	ssyncadd.s32 $0xFFFFE000  }
0xb7: {  	[tilespmem:s19], [sflag:$0x1] =	stream.indirect.gather [hbm4b:s4+s22], $0x40, s5, s22, $0xb8;
	[tilespmem:$0xC800] =	vst v63  }
0xb8: {  	_ =	swait.ge [sflag:s23], $0x2000  }
0xb9: {  	[sflag:s23] =	ssyncset.done $0x0  }
0xba: {  	[sflag:s23] =	ssyncadd.s32 $0xFFFFE000  }
0xbb: {  	[spmem:s2] =	stream.indirect.scatter.add.f32 [tilespmem:s19], [sflag:$0x2], $0x40, s11, s22, $0xb8;
	[tilespmem:$0xC800] =	vst v63  }
0xbc: {  	_ =	swait.ge [sflag:s20], $0x2000  }
0xbd: {  	[sflag:s20] =	ssyncset.done $0x0  }
0xbe: {  	[sflag:s20] =	ssyncadd.s32 $0xFFFFE000  }
0xbf: {  	[tilespmem:s19], [sflag:$0x1] =	stream.indirect.gather [hbm4b:s4+s22], $0x40, s12, s22, $0xb8;
	[tilespmem:$0xC800] =	vst v63  }
0xc0: {  	_ =	swait.ge [sflag:s23], $0x2000  }
.Ltmp0:
0xc1: {  	[sflag:s23] =	ssyncset.done $0x0;
	(pc) =	sbr.rel @p0 .LBB2_2-.Ltmp0, $4  }
0xc2: {  	[sflag:s23] =	ssyncadd.s32 $0xFFFFE000  }
0xc3: {  	[spmem:s2] =	stream.indirect.scatter.add.f32 [tilespmem:s19], [sflag:$0x2], $0x40, s13, s22, $0xb8;
	[tilespmem:$0xC800] =	vst v63  }
0xc4: {  	_ =	swait.ge [sflag:s20], $0x2000  }
0xc5: {  	s16 =	smov.u32 s6;
	[sflag:s20] =	ssyncset.done $0x0  }
0xc6: {  	s6 =	sadd.s32 s15, s18;
	[sflag:s20] =	ssyncadd.s32 $0xFFFFE000  }
0xc7: {  	[tilespmem:s3], [sflag:$0x2] =	stream.linear.gather [hbm4b:s6+s3], $0x400, $0x38;
	[tilespmem:$0xC800] =	vst v63  }
0xc8: {  	_ =	swait.ge [sflag:s20], $0x400  }
0xc9: {  	[sflag:s20] =	ssyncset.done $0x0  }
0xca: {  	s8 =	sadd.s32 s15, s17;
	[sflag:s20] =	ssyncadd.s32 $0xFFFFFC00  }
0xcb: {  	[tilespmem:s21], [sflag:$0x2] =	stream.linear.gather [hbm4b:s8+s3], $0x400, $0x38;
	[tilespmem:$0xC800] =	vst v63  }
0xcc: {  	_ =	swait.ge [sflag:s20], $0x400  }
0xcd: {  	[sflag:s20] =	ssyncset.done $0x0  }
0xce: {  	[sflag:s20] =	ssyncadd.s32 $0xFFFFFC00  }
0xcf: {  	[tilespmem:s19], [sflag:$0x1] =	stream.indirect.gather [hbm4b:s4+s22], $0x40, s3, s22, $0xb8;
	[tilespmem:$0xC800] =	vst v63  }
0xd0: {  	_ =	swait.ge [sflag:s23], $0x2000  }
0xd1: {  	[sflag:s23] =	ssyncset.done $0x0  }
0xd2: {  	[sflag:s23] =	ssyncadd.s32 $0xFFFFE000  }
0xd3: {  	[spmem:s2] =	stream.indirect.scatter.add.f32 [tilespmem:s19], [sflag:$0x2], $0x40, s21, s22, $0xb8;
	[tilespmem:$0xC800] =	vst v63  }
0xd4: {  	_ =	swait.ge [sflag:s20], $0x2000  }
0xd5: {  	[sflag:s20] =	ssyncset.done $0x0  }
0xd6: {  	[sflag:s20] =	ssyncadd.s32 $0xFFFFE000  }
0xd7: {  	[tilespmem:s19], [sflag:$0x1] =	stream.indirect.gather [hbm4b:s4+s22], $0x40, s22, s22, $0xb8;
	[tilespmem:$0xC800] =	vst v63  }
0xd8: {  	_ =	swait.ge [sflag:s23], $0x2000  }
0xd9: {  	[sflag:s23] =	ssyncset.done $0x0  }
0xda: {  	[sflag:s23] =	ssyncadd.s32 $0xFFFFE000  }
0xdb: {  	[spmem:s2] =	stream.indirect.scatter.add.f32 [tilespmem:s19], [sflag:$0x2], $0x40, s24, s22, $0xb8;
	[tilespmem:$0xC800] =	vst v63  }
0xdc: {  	_ =	swait.ge [sflag:s20], $0x2000  }
0xdd: {  	[sflag:s20] =	ssyncset.done $0x0  }
0xde: {  	[sflag:s20] =	ssyncadd.s32 $0xFFFFE000  }
0xdf: {  	[tilespmem:s19], [sflag:$0x1] =	stream.indirect.gather [hbm4b:s4+s22], $0x40, s25, s22, $0xb8;
	[tilespmem:$0xC800] =	vst v63  }
0xe0: {  	_ =	swait.ge [sflag:s23], $0x2000  }
0xe1: {  	[sflag:s23] =	ssyncset.done $0x0  }
0xe2: {  	[sflag:s23] =	ssyncadd.s32 $0xFFFFE000  }
0xe3: {  	[spmem:s2] =	stream.indirect.scatter.add.f32 [tilespmem:s19], [sflag:$0x2], $0x40, s26, s22, $0xb8;
	[tilespmem:$0xC800] =	vst v63  }
0xe4: {  	_ =	swait.ge [sflag:s20], $0x2000  }
0xe5: {  	[sflag:s20] =	ssyncset.done $0x0  }
0xe6: {  	[sflag:s20] =	ssyncadd.s32 $0xFFFFE000  }
0xe7: {  	[tilespmem:s19], [sflag:$0x1] =	stream.indirect.gather [hbm4b:s4+s22], $0x40, s28, s22, $0xb8;
	[tilespmem:$0xC800] =	vst v63  }
0xe8: {  	_ =	swait.ge [sflag:s23], $0x2000  }
0xe9: {  	[sflag:s23] =	ssyncset.done $0x0  }
0xea: {  	[sflag:s23] =	ssyncadd.s32 $0xFFFFE000  }
0xeb: {  	[spmem:s2] =	stream.indirect.scatter.add.f32 [tilespmem:s19], [sflag:$0x2], $0x40, s29, s22, $0xb8;
	[tilespmem:$0xC800] =	vst v63  }
0xec: {  	_ =	swait.ge [sflag:s20], $0x2000  }
0xed: {  	[sflag:s20] =	ssyncset.done $0x0  }
0xee: {  	[sflag:s20] =	ssyncadd.s32 $0xFFFFE000  }
0xef: {  	[tilespmem:s19], [sflag:$0x1] =	stream.indirect.gather [hbm4b:s4+s22], $0x40, s30, s22, $0xb8;
	[tilespmem:$0xC800] =	vst v63  }
0xf0: {  	_ =	swait.ge [sflag:s23], $0x2000  }
0xf1: {  	[sflag:s23] =	ssyncset.done $0x0  }
0xf2: {  	[sflag:s23] =	ssyncadd.s32 $0xFFFFE000  }
0xf3: {  	[spmem:s2] =	stream.indirect.scatter.add.f32 [tilespmem:s19], [sflag:$0x2], $0x40, s31, s22, $0xb8;
	[tilespmem:$0xC800] =	vst v63  }
0xf4: {  	_ =	swait.ge [sflag:s20], $0x2000  }
0xf5: {  	[sflag:s20] =	ssyncset.done $0x0  }
0xf6: {  	[sflag:s20] =	ssyncadd.s32 $0xFFFFE000  }
0xf7: {  	[tilespmem:s19], [sflag:$0x1] =	stream.indirect.gather [hbm4b:s4+s22], $0x40, s1, s22, $0xb8;
	[tilespmem:$0xC800] =	vst v63  }
0xf8: {  	_ =	swait.ge [sflag:s23], $0x2000  }
0xf9: {  	[sflag:s23] =	ssyncset.done $0x0  }
0xfa: {  	[sflag:s23] =	ssyncadd.s32 $0xFFFFE000  }
0xfb: {  	[spmem:s2] =	stream.indirect.scatter.add.f32 [tilespmem:s19], [sflag:$0x2], $0x40, s0, s22, $0xb8;
	[tilespmem:$0xC800] =	vst v63  }
0xfc: {  	_ =	swait.ge [sflag:s20], $0x2000  }
0xfd: {  	[sflag:s20] =	ssyncset.done $0x0  }
0xfe: {  	[sflag:s20] =	ssyncadd.s32 $0xFFFFE000  }
0xff: {  	[tilespmem:s19], [sflag:$0x1] =	stream.indirect.gather [hbm4b:s4+s22], $0x40, s5, s22, $0xb8;
	[tilespmem:$0xC800] =	vst v63  }
0x100: {  	_ =	swait.ge [sflag:s23], $0x2000  }
0x101: {  	[sflag:s23] =	ssyncset.done $0x0  }
0x102: {  	[sflag:s23] =	ssyncadd.s32 $0xFFFFE000  }
0x103: {  	[spmem:s2] =	stream.indirect.scatter.add.f32 [tilespmem:s19], [sflag:$0x2], $0x40, s11, s22, $0xb8;
	[tilespmem:$0xC800] =	vst v63  }
0x104: {  	_ =	swait.ge [sflag:s20], $0x2000  }
0x105: {  	[sflag:s20] =	ssyncset.done $0x0  }
0x106: {  	[sflag:s20] =	ssyncadd.s32 $0xFFFFE000  }
0x107: {  	[tilespmem:s19], [sflag:$0x1] =	stream.indirect.gather [hbm4b:s4+s22], $0x40, s12, s22, $0xb8;
	[tilespmem:$0xC800] =	vst v63  }
0x108: {  	_ =	swait.ge [sflag:s23], $0x2000  }
0x109: {  	[sflag:s23] =	ssyncset.done $0x0  }
0x10a: {  	[sflag:s23] =	ssyncadd.s32 $0xFFFFE000  }
0x10b: {  	[spmem:s2] =	stream.indirect.scatter.add.f32 [tilespmem:s19], [sflag:$0x2], $0x40, s13, s22, $0xb8;
	[tilespmem:$0xC800] =	vst v63  }
0x10c: {  	_ =	swait.ge [sflag:s20], $0x2000  }
0x10d: {  	[sflag:s20] =	ssyncset.done $0x0  }
0x10e: {  	[sflag:s20] =	ssyncadd.s32 $0xFFFFE000  }
0x10f: {  	[bflag:$0x0] =	sbarrier.arrive $0xFFFF  }
0x110: {  	[tilespmem:s19], [sflag:$0x2] =	stream.linear.gather [spmem:s9], $0x2000, $0x38;
	[tilespmem:$0xC800] =	vst v63  }
0x111: {  	_ =	swait.ge [sflag:s20], $0x2000  }
0x112: {  	[sflag:s20] =	ssyncset.done $0x0  }
0x113: {  	s15 =	rddreg [dreg:$0x7];
	[sflag:s20] =	ssyncadd.s32 $0xFFFFE000  }
0x114: {  	[hbm4b:s15+s3] =	stream.linear.scatter [tilespmem:s19], [sflag:$0x2], $0x2000, $0x38;
	[tilespmem:$0xC800] =	vst v63  }
0x115: {  	_ =	swait.ge [sflag:s20], $0x2000  }
0x116: {  	[sflag:s20] =	ssyncset.done $0x0  }
0x117: {  	[sflag:s20] =	ssyncadd.s32 $0xFFFFE000  }
0x118: {  	[tilespmem:s19], [sflag:$0x2] =	stream.linear.gather [spmem:s10], $0x2000, $0x38;
	[tilespmem:$0xC800] =	vst v63  }
0x119: {  	_ =	swait.ge [sflag:s20], $0x2000  }
0x11a: {  	[sflag:s20] =	ssyncset.done $0x0  }
0x11b: {  	s16 =	rddreg [dreg:$0x8];
	[sflag:s20] =	ssyncadd.s32 $0xFFFFE000  }
0x11c: {  	[hbm4b:s16+s3] =	stream.linear.scatter [tilespmem:s19], [sflag:$0x2], $0x2000, $0x38;
	[tilespmem:$0xC800] =	vst v63  }
0x11d: {  	_ =	swait.ge [sflag:s20], $0x2000  }
0x11e: {  	[sflag:s20] =	ssyncset.done $0x0  }
0x11f: {  	s16 =	rddreg [dreg:$0x4];
	[sflag:s20] =	ssyncadd.s32 $0xFFFFE000  }
0x120: {  	[tilespmem:s19], [sflag:$0x2] =	stream.linear.gather [spmem:s16], $0x2000, $0x38;
	[tilespmem:$0xC800] =	vst v63  }
0x121: {  	_ =	swait.ge [sflag:s20], $0x2000  }
0x122: {  	[sflag:s20] =	ssyncset.done $0x0  }
0x123: {  	s7 =	smov.u32 s9;
	s9 =	rddreg [dreg:$0x9];
	[sflag:s20] =	ssyncadd.s32 $0xFFFFE000  }
0x124: {  	[hbm4b:s9+s3] =	stream.linear.scatter [tilespmem:s19], [sflag:$0x2], $0x2000, $0x38;
	[tilespmem:$0xC800] =	vst v63  }
0x125: {  	_ =	swait.ge [sflag:s20], $0x2000  }
0x126: {  	[sflag:s20] =	ssyncset.done $0x0  }
0x127: {  	s15 =	rddreg [dreg:$0x5];
	[sflag:s20] =	ssyncadd.s32 $0xFFFFE000  }
0x128: {  	[tilespmem:s19], [sflag:$0x2] =	stream.linear.gather [spmem:s15], $0x2000, $0x38;
	[tilespmem:$0xC800] =	vst v63  }
0x129: {  	_ =	swait.ge [sflag:s20], $0x2000  }
0x12a: {  	[sflag:s20] =	ssyncset.done $0x0  }
0x12b: {  	s8 =	smov.u32 s10;
	s10 =	rddreg [dreg:$0xa];
	[sflag:s20] =	ssyncadd.s32 $0xFFFFE000  }
0x12c: {  	[hbm4b:s10+s3] =	stream.linear.scatter [tilespmem:s19], [sflag:$0x2], $0x2000, $0x38;
	[tilespmem:$0xC800] =	vst v63  }
0x12d: {  	_ =	swait.ge [sflag:s20], $0x2000  }
0x12e: {  	[sflag:s20] =	ssyncset.done $0x0  }
0x12f: {  	s10 =	rddreg [dreg:$0x6];
	[sflag:s20] =	ssyncadd.s32 $0xFFFFE000  }
0x130: {  	[tilespmem:s19], [sflag:$0x2] =	stream.linear.gather [spmem:s10], $0x2000, $0x38;
	[tilespmem:$0xC800] =	vst v63  }
0x131: {  	_ =	swait.ge [sflag:s20], $0x2000  }
0x132: {  	[sflag:s20] =	ssyncset.done $0x0  }
0x133: {  	s9 =	rddreg [dreg:$0xb];
	[sflag:s20] =	ssyncadd.s32 $0xFFFFE000  }
0x134: {  	[hbm4b:s9+s3] =	stream.linear.scatter [tilespmem:s19], [sflag:$0x2], $0x2000, $0x38;
	[tilespmem:$0xC800] =	vst v63  }
0x135: {  	_ =	swait.ge [sflag:s20], $0x2000  }
0x136: {  	s14 =	sadd.s32 $0x1, s14;
	s9 =	rddreg [dreg:$0xc]  }
0x137: {  	p0 =	sne.s32 s14, s9  }
.Ltmp1:
0x138: {  	_ = 	snop;
	(pc) =	sbr.rel @p0 .LBB2_1-.Ltmp1, $3  }
0x139: {  	_ =	sdelay $0x1  }
0x13a: {  	[sflag:s20] =	ssyncset.done $0x0  }
0x13b: {  	[sflag:s20] =	ssyncadd.s32 $0xFFFFE000  }
0x13c: {  	_ =	sfence.sel $0x180000  }
0x13d: {  	[bflag:$0x0] =	sbarrier.arrive $0xFFFF  }
0x13e: {  	_ =	strace $0x9000004A  }
0x13f: {  	s0 =	stileid.u32;
	[bflag:$0x2] =	sbarrier.arrive $0xFFFF  }
0x140: {  	p0 =	sne.s32 s0, $0x0;
	s0 =	rddreg [dreg:$0x2]  }
0x141: {  	s0 =	sadd.s32 @!p0 $0x100000, s0  }
0x142: {  	[sflag:s0] =	ssyncadd.tile.s32 @!p0 $0x1;
	_ =	shalt  }
.Lfunc_end2:
_tile_overlayer_lowered:
.L_overlay_start_2:
0x143: {  	(tag) =	ssettag $0x2  }
0x144: {  	s0 =	rddreg [dreg:$0x0];
	s2 =	stileid.u32  }
0x145: {  	s1 =	rddreg [dreg:$0x1];
	p0 =	sne.s32 s2, $0x0  }
0x146: {  	s3 =	rddreg [dreg:$0x2];
	[bflag:$0x3] =	sbarrier.arrive $0xFFFF;
	s2 =	simm.s32 @!p0 $0x1C02  }
0x147: {  	[timem:s3], [sflag:s2] =	dma.local @!p0 [hbm:s0], s1  }
0x148: {  	s0 =	simm.s32 @!p0 $0x2  }
0x149: {  	_ =	swait.ge @!p0 [sflag:s0], s1  }
0x14a: {  	s1 =	ssub.s32 @!p0 $0x0, s1;
	[sflag:s0] =	ssyncset.done @!p0 $0x0  }
0x14b: {  	[sflag:s0] =	ssyncadd.s32 @!p0 s1  }
0x14c: {  	[bflag:$0x3] =	sbarrier.arrive $0xFFFF  }
0x14d: {  	_ =	shalt  }

// kernel: kernel.18.cloned.1.call-start
scs
__scs_entry_jumppad:
0x0: {  	(pc) =	sbr.rel $0x88, $3  }
0x1: {  	(tag) =	ssettag $0x0;
	lr =	simm.s32 $0x1  }
0x2: {  	[smem:$0x3F90] =	sst lr;
	_ =	strace $0xD0000000  }
0x3: {  	_ = 	snop  }
0x4: {  	_ = 	snop  }
0x5: {  	_ = 	snop  }
0x6: {  	_ = 	snop  }
0x7: {  	_ = 	snop  }
__scs_overlays_trampoline_lowered:
0x8: {  	[smem:$0x3F9F] =	sst s0  }
0x9: {  	[smem:$0x3FA0] =	sst s1  }
0xa: {  	[smem:$0x3FA1] =	sst s2  }
0xb: {  	[smem:$0x3FA2] =	sst s3  }
0xc: {  	[smem:$0x3FA3] =	sst s4  }
0xd: {  	[smem:$0x3FA4] =	sst s5  }
0xe: {  	[smem:$0x3FA5] =	sst s6  }
0xf: {  	[smem:$0x3FA6] =	sst s7  }
0x10: {  	[smem:$0x3FA7] =	sst s8  }
0x11: {  	[smem:$0x3FA8] =	sst s9;
	s0 =	simm.s32 @!p0 $0x0  }
0x12: {  	s1 =	sld [smem:$0x3F8E];
	s0 =	simm.s32 @p0 $0x1  }
0x13: {  	[smem:$0x3FA9] =	sst s0;
	s0 =	simm.s32 @!p1 $0x0  }
0x14: {  	s2 =	sld [smem:$0x3F8D];
	s0 =	simm.s32 @p1 $0x1  }
0x15: {  	[smem:$0x3FAA] =	sst s0;
	s0 =	simm.s32 @!p2 $0x0  }
0x16: {  	s3 =	sld [smem:$0x3FDB];
	s0 =	simm.s32 @p2 $0x1  }
0x17: {  	s4 =	simm.s32 $0x1BF5;
	[smem:$0x3FAC] =	sst s0  }
0x18: {  	s0 =	sld [smem:$0x3F8F];
	_ =	swait.ge [sflag:s4], $0x0  }
0x19: {  	s7 =	sld [smem:$0x3F90]  }
0x1a: {  	s8 =	sadd.s32 $0xFFFFE003, lr  }
0x1b: {  	s9 =	sadd.s32 $0xFFFFFEF7, lr;
	s5 =	simm.s32 $0xFFFFFFFF;
	p2 =	slt.u32 s8, $0xFFFFF086  }
0x1c: {  	p1 =	slt.u32 s9, $0xF7A;
	s5 =	simm.s32 @!p2 $0x0  }
0x1d: {  	s5 =	simm.s32 @p1 $0x1;
	p0 =	seq.s32 s7, s2  }
0x1e: {  	s7 =	smul.u32 @!p0 $0xF7A, s2;
	p2 =	seq.s32 @!p0 s5, $0x0  }
0x1f: {  	s9 =	smul.u32 $0xF7A, s1;
	s8 =	simm.s32 @!p0 $0x1BF5;
	p2 =	por !p2, p0  }
0x20: {  	[sflag:s8] =	ssyncset.s32 @!p0 $0xFFFFF086;
	s6 =	sadd.s32 @!p0 s3, s7;
	s7 =	simm.s32 @!p0 $0x108  }
0x21: {  	s3 =	sadd.s32 s3, s9;
	s6 =	sadd.s32 @!p0 $0x88, s6;
	s7 =	simm.s32 @p2 $0x1082  }
0x22: {  	[simem:s7], [sflag:s8] =	dma.local @!p0 [hbm:s6], $0xF7A  }
0x23: {  	s9 =	sor.u32 $0xD0000000, s2;
	s6 =	simm.s32 $0x108;
	_ =	swait.ge @!p0 [sflag:s8], $0x0  }
0x24: {  	s3 =	sadd.s32 $0x88, s3;
	s6 =	simm.s32 @!p1 $0x1082;
	[sflag:s4] =	ssyncset.s32 $0xFFFFF086  }
0x25: {  	[simem:s6], [sflag:s4] =	dma.local [hbm:s3], $0xF7A  }
0x26: {  	[smem:$0x3F90] =	sst s1;
	(tag) =	ssettag s2;
	_ =	strace s9  }
0x27: {  	s1 =	sld [smem:$0x3FA0]  }
0x28: {  	s2 =	sld [smem:$0x3FA1]  }
0x29: {  	s4 =	sld [smem:$0x3FA3]  }
0x2a: {  	p0 =	seq.s32 s5, $0x0;
	s5 =	sld [smem:$0x3FA4]  }
0x2b: {  	s6 =	sld [smem:$0x3FA5]  }
0x2c: {  	s7 =	sld [smem:$0x3FA6]  }
0x2d: {  	s3 =	simm.s32 $0x108;
	s8 =	sld [smem:$0x3FA7]  }
0x2e: {  	s3 =	simm.s32 @!p0 $0x1082;
	s9 =	sld [smem:$0x3FA8]  }
0x2f: {  	lr =	sadd.s32 s0, s3;
	s0 =	sld [smem:$0x3F9F]  }
0x30: {  	s3 =	sld [smem:$0x3FA2]  }
0x31: {  	[smem:$0x3FAB] =	sst s10  }
0x32: {  	s10 =	sld [smem:$0x3FA9];
	_ =	sdelay $0x3  }
0x33: {  	p0 =	seq.s32 s10, $0x1;
	s10 =	sld [smem:$0x3FAB];
	_ =	sdelay $0x3  }
0x34: {  	[smem:$0x3FAB] =	sst s10  }
0x35: {  	s10 =	sld [smem:$0x3FAA];
	_ =	sdelay $0x3  }
0x36: {  	p1 =	seq.s32 s10, $0x1;
	s10 =	sld [smem:$0x3FAB];
	_ =	sdelay $0x3  }
0x37: {  	[smem:$0x3FAB] =	sst s10  }
0x38: {  	s10 =	sld [smem:$0x3FAC]  }
0x39: {  	_ = 	snop;
	(pc) =	sbr.ind lr, $3  }
0x3a: {  	_ = 	snop  }
0x3b: {  	_ = 	snop  }
0x3c: {  	p2 =	seq.s32 s10, $0x1;
	s10 =	sld [smem:$0x3FAB]  }
0x3d: {  	_ =	shalt  }
0x3e: {  	_ =	shalt  }
0x3f: {  	_ =	shalt  }
0x40: {  	_ =	shalt  }
0x41: {  	_ =	shalt  }
0x42: {  	_ =	shalt  }
0x43: {  	_ =	shalt  }
0x44: {  	_ =	shalt  }
0x45: {  	_ =	shalt  }
0x46: {  	_ =	shalt  }
0x47: {  	_ =	shalt  }
0x48: {  	_ =	shalt  }
0x49: {  	_ =	shalt  }
0x4a: {  	_ =	shalt  }
0x4b: {  	_ =	shalt  }
0x4c: {  	_ =	shalt  }
0x4d: {  	_ =	shalt  }
0x4e: {  	_ =	shalt  }
0x4f: {  	_ =	shalt  }
0x50: {  	_ =	shalt  }
0x51: {  	_ =	shalt  }
0x52: {  	_ =	shalt  }
0x53: {  	_ =	shalt  }
0x54: {  	_ =	shalt  }
0x55: {  	_ =	shalt  }
0x56: {  	_ =	shalt  }
0x57: {  	_ =	shalt  }
0x58: {  	_ =	shalt  }
0x59: {  	_ =	shalt  }
0x5a: {  	_ =	shalt  }
0x5b: {  	_ =	shalt  }
0x5c: {  	_ =	shalt  }
0x5d: {  	_ =	shalt  }
0x5e: {  	_ =	shalt  }
0x5f: {  	_ =	shalt  }
0x60: {  	_ =	shalt  }
0x61: {  	_ =	shalt  }
0x62: {  	_ =	shalt  }
0x63: {  	_ =	shalt  }
0x64: {  	_ =	shalt  }
0x65: {  	_ =	shalt  }
0x66: {  	_ =	shalt  }
0x67: {  	_ =	shalt  }
0x68: {  	_ =	shalt  }
0x69: {  	_ =	shalt  }
0x6a: {  	_ =	shalt  }
0x6b: {  	_ =	shalt  }
0x6c: {  	_ =	shalt  }
0x6d: {  	_ =	shalt  }
0x6e: {  	_ =	shalt  }
0x6f: {  	_ =	shalt  }
0x70: {  	_ =	shalt  }
0x71: {  	_ =	shalt  }
0x72: {  	_ =	shalt  }
0x73: {  	_ =	shalt  }
0x74: {  	_ =	shalt  }
0x75: {  	_ =	shalt  }
0x76: {  	_ =	shalt  }
0x77: {  	_ =	shalt  }
0x78: {  	_ =	shalt  }
0x79: {  	_ =	shalt  }
0x7a: {  	_ =	shalt  }
0x7b: {  	_ =	shalt  }
0x7c: {  	_ =	shalt  }
0x7d: {  	_ =	shalt  }
0x7e: {  	_ =	shalt  }
0x7f: {  	_ =	shalt  }
0x80: {  	_ =	shalt  }
0x81: {  	_ =	shalt  }
0x82: {  	_ =	shalt  }
0x83: {  	_ =	shalt  }
0x84: {  	_ =	shalt  }
0x85: {  	_ =	shalt  }
0x86: {  	_ =	shalt  }
0x87: {  	_ =	shalt  }
.Lfunc_end0:
.L_simem_size_0:
called_computation.2_lowered:
.L_overlay_start_0:
0x88: {  	s2 =	sld [smem:$0x3FD9]  }
0x89: {  	s3 =	sld [smem:$0x3FFE];
	_ =	sdelay $0x1  }
0x8a: {  	s1 =	srdreg.scid  }
0x8b: {  	s0 =	sand.u32 $0x1, s1  }
0x8c: {  	s16 =	sshll.u32 s0, $0xA;
	s2 =	sadd.s32 s3, s2  }
0x8d: {  	s2 =	sadd.s32 s2, s16  }
0x8e: {  	[smem:$0x3FB7] =	sst s2  }
0x8f: {  	_ = 	snop  }
0x90: {  	(tm) =	ssettm $0x1  }
0x91: {  	s17 =	sld [smem:$0x3FFB];
	_ =	sdelay $0x3  }
0x92: {  	_ =	strace s17  }
0x93: {  	s2 =	sld [smem:$0x3FFC];
	_ =	sdelay $0x3  }
0x94: {  	_ =	strace s2  }
0x95: {  	s2 =	sld [smem:$0x3FFD];
	_ =	sdelay $0x3  }
0x96: {  	_ =	strace s2  }
0x97: {  	_ =	strace $0x8FFFFFFF  }
0x98: {  	s18 =	sld [smem:$0x3FDB];
	_ =	sdelay $0x1  }
0x99: {  	s19 =	simm.s32 $_scs_section_size  }
0x9a: {  	s4 =	simm.s32 $_size__tile_overlayer_lowered;
	s5 =	simm.s32 $_tile_overlayer_lowered  }
0x9b: {  	s22 =	simm.s32 $0x1BFF;
	s21 =	sshll.u32 s5, $0x1;
	s2 =	sadd.s32 s19, s18  }
0x9c: {  	s6 =	simm.s32 $0x0;
	s20 =	sshll.u32 s4, $0x1;
	s4 =	sadd.s32 s21, s2  }
0x9d: {  	[timem:s6], [sflag:s22] =	dma.local [hbm:s4], s20  }
0x9e: {  	_ =	swait.ge [sflag:s22], s20  }
0x9f: {  	s3 =	ssub.s32 $0x0, s20;
	[sflag:s22] =	ssyncset.done $0x0  }
0xa0: {  	[sflag:s22] =	ssyncadd.s32 s3;
	_ =	sdelay $0x1  }
0xa1: {  	s23 =	simm.s32 $0x1B8B  }
0xa2: {  	_ =	swait.ge [sflag:s23], $0x1  }
0xa3: {  	[sflag:s23] =	ssyncset.done $0x0  }
0xa4: {  	s25 =	simm.s32 $0x1B8E;
	s24 =	sld [smem:$0x3FFE];
	[sflag:s23] =	ssyncadd.s32 $0xFFFFFFFF  }
0xa5: {  	s26 =	simm.s32 $execute0_lowered;
	[smem:$0x3FD2] =	sst s25  }
0xa6: {  	s4 =	sshll.u32 s26, $0x1;
	_ =	strace $0x8000004C;
	[dreg:$0x1] =	wrdreg $0xFFFFFFFF  }
0xa7: {  	s28 =	simm.s32 $_size_execute0_lowered;
	s2 =	sadd.s32 s2, s4;
	[dreg:$0x0] =	wrdreg $0x0  }
0xa8: {  	s4 =	sshll.u32 s28, $0x1;
	[dreg:$0x2] =	wrdreg s2  }
0xa9: {  	[dreg:$0x3] =	wrdreg s4  }
0xaa: {  	[dreg:$0x4] =	wrdreg $0xC0  }
0xab: {  	_ =	task [dreg:s6], $0x5FFFF  }
0xac: {  	[dreg:$0x1] =	wrdreg $0xFFFFFFFF  }
0xad: {  	[dreg:$0x0] =	wrdreg $0x60  }
0xae: {  	[dreg:$0x2] =	wrdreg s24  }
0xaf: {  	[dreg:$0x3] =	wrdreg $0x28000  }
0xb0: {  	[dreg:$0x4] =	wrdreg $0x9  }
0xb1: {  	_ =	task.clear_ibuf [dreg:s6], $0x5FFFF;
	_ =	strace $0x9000004C  }
0xb2: {  	s29 =	simm.s32 $0x9;
	_ =	strace $0x8000004E  }
0xb3: {  	_ =	swait.ge [sflag:s29], $0x1  }
0xb4: {  	[sflag:s29] =	ssyncadd.s32 $0xFFFFFFFF  }
0xb5: {  	_ =	strace $0x9000004E  }
0xb6: {  	_ =	sfence  }
0xb7: {  	s30 =	sld [smem:$0x0];
	_ =	sdelay $0x2  }
0xb8: {  	s31 =	sshll.u32 s1, $0xD;
	s1 =	sshrl.u32 s1, $0x2  }
0xb9: {  	s3 =	sand.u32 $0x4000, s31;
	s1 =	sadd.s32 s1, s30  }
0xba: {  	s0 =	sor.u32 s3, s0;
	s1 =	sshll.u32 s1, $0x11  }
0xbb: {  	s0 =	sor.u32 s1, s0  }
0xbc: {  	s0 =	sadd.s32 $0x8F2B, s0  }
0xbd: {  	[sflag:s0] =	ssyncadd.remote.s32 $0x1  }
0xbe: {  	_ =	sfence.sel $0xFFFF  }
0xbf: {  	[dreg:$0x0] =	wrdreg $0xFFFFFFFF;
	(pc) =	sbr.abs _section_cstart, $3  }
0xc0: {  	[dreg:$0x1] =	wrdreg $0xFFFFFFFF  }
0xc1: {  	_ =	task.clear_ibuf [dreg:s6], $0x2FFFF;
	_ =	strace $0x9FFFFFFF  }
0xc2: {  	(tm) =	ssettm $0x7FFFFFFF  }
0xc3: {  	_ =	shalt  }
tec
execute0_lowered:
.L_overlay_start_1:
0x0: {  	(tag) =	ssettag $0x1  }
0x1: {  	s0 =	srdreg.scid  }
0x2: {  	s7 =	stileid.u32;
	s5 =	rddreg [dreg:$0x0]  }
0x3: {  	s2 =	rddreg [dreg:$0x1];
	s3 =	simm.s32 $0x0;
	s28 =	simm.s32 $0x180  }
0x4: {  	s29 =	simm.s32 $0x580;
	s30 =	simm.s32 $0x200;
	s1 =	smul.u32 $0x5000, s7  }
0x5: {  	s31 =	simm.s32 $0x600;
	s0 =	sand.u32 $0x1, s0;
	s10 =	smul.u32 $0xA000, s7  }
0x6: {  	[smem:$0x7FF] =	sst s3;
	s18 =	sadd.s32 $0x298400, s5;
	s4 =	smul.u32 $0x2800, s0  }
0x7: {  	_ =	strace $0x8000004D;
	s6 =	ssub.s32 $0x2, s0;
	[dreg:$0x3] =	wrdreg s18  }
0x8: {  	s0 =	smul.u32 $0xA0000, s0;
	s19 =	sshrl.u32 s6, $0x1;
	s7 =	sadd.s32 s10, s2  }
0x9: {  	s11 =	sadd.s32 $0x2000, s10;
	s12 =	sadd.s32 $0x4000, s10;
	s13 =	sadd.s32 $0x6000, s10  }
0xa: {  	s14 =	sadd.s32 $0x8000, s10;
	s1 =	sadd.s32 s4, s1;
	s4 =	sadd.s32 $0x18000, s5  }
0xb: {  	s6 =	ssub.s32 s6, s19;
	s8 =	sadd.s32 s11, s2;
	s16 =	sadd.s32 s12, s2  }
0xc: {  	s9 =	sadd.s32 s13, s2;
	s15 =	sadd.s32 s10, s0;
	s11 =	sadd.s32 s0, s11  }
0xd: {  	s10 =	sadd.s32 s14, s2;
	s21 =	sadd.s32 s0, s12;
	s22 =	sadd.s32 s0, s13  }
0xe: {  	s0 =	sadd.s32 s0, s14;
	s19 =	simm.s32 $0x800;
	s12 =	simm.s32 $0x380  }
0xf: {  	s13 =	simm.s32 $0x780;
	s14 =	simm.s32 $0x0;
	s1 =	sshrl.u32 s1, $0x3  }
0x10: {  	s15 =	sshrl.u32 s15, $0x3;
	s11 =	sshrl.u32 s11, $0x3;
	s24 =	sshrl.u32 s22, $0x3  }
0x11: {  	s0 =	sshrl.u32 s0, $0x3;
	s26 =	smax.u32 s6, $0x1;
	[dreg:$0x4] =	wrdreg s16  }
0x12: {  	s22 =	simm.s32 $0x80;
	[dreg:$0x6] =	wrdreg s10;
	s1 =	sadd.s32 s1, s5  }
0x13: {  	s5 =	sadd.s32 $0x2C000, s5;
	[dreg:$0xc] =	wrdreg s26;
	s26 =	simm.s32 $0x500  }
0x14: {  	s15 =	sadd.s32 s5, s15;
	s20 =	sadd.s32 s5, s11;
	s11 =	sshrl.u32 s21, $0x3  }
0x15: {  	s25 =	sadd.s32 s5, s24;
	s0 =	sadd.s32 s5, s0;
	s17 =	sadd.s32 $0xE000, s1  }
0x16: {  	s18 =	sadd.s32 $0x4000, s1;
	s21 =	simm.s32 $0x400;
	[dreg:$0x7] =	wrdreg s15  }
0x17: {  	s24 =	simm.s32 $0x480;
	s1 =	simm.s32 $0x280;
	[dreg:$0x8] =	wrdreg s20  }
0x18: {  	s15 =	smov.u32 s9;
	s23 =	sadd.s32 s5, s11;
	[dreg:$0xa] =	wrdreg s25  }
0x19: {  	[dreg:$0xb] =	wrdreg s0;
	s20 =	simm.s32 $0x2;
	s25 =	simm.s32 $0x100  }
0x1a: {  	s0 =	simm.s32 $0x680;
	s5 =	simm.s32 $0x300;
	[dreg:$0x9] =	wrdreg s23  }
0x1b: {  	s11 =	simm.s32 $0x700;
	s23 =	simm.s32 $0x1;
	[dreg:$0x5] =	wrdreg s15  }
.LBB2_1:
0x1c: {  	s6 =	rddreg [dreg:$0x3]  }
0x1d: {  	[tilespmem:s19], [sflag:$0x2] =	stream.linear.gather [hbm4b:s6+s3], $0x2000, $0x38;
	[tilespmem:$0xC800] =	vst v63  }
0x1e: {  	_ =	swait.ge [sflag:s20], $0x2000  }
0x1f: {  	[sflag:s20] =	ssyncset.done $0x0  }
0x20: {  	[sflag:s20] =	ssyncadd.s32 $0xFFFFE000  }
0x21: {  	[spmem:s7] =	stream.linear.scatter [tilespmem:s19], [sflag:$0x2], $0x2000, $0x38;
	[tilespmem:$0xC800] =	vst v63  }
0x22: {  	_ =	swait.ge [sflag:s20], $0x2000  }
0x23: {  	[sflag:s20] =	ssyncset.done $0x0  }
0x24: {  	[sflag:s20] =	ssyncadd.s32 $0xFFFFE000  }
0x25: {  	[spmem:s8] =	stream.linear.scatter [tilespmem:s19], [sflag:$0x2], $0x2000, $0x38;
	[tilespmem:$0xC800] =	vst v63  }
0x26: {  	_ =	swait.ge [sflag:s20], $0x2000  }
0x27: {  	[sflag:s20] =	ssyncset.done $0x0  }
0x28: {  	[sflag:s20] =	ssyncadd.s32 $0xFFFFE000  }
0x29: {  	[spmem:s16] =	stream.linear.scatter [tilespmem:s19], [sflag:$0x2], $0x2000, $0x38;
	[tilespmem:$0xC800] =	vst v63  }
0x2a: {  	_ =	swait.ge [sflag:s20], $0x2000  }
0x2b: {  	[sflag:s20] =	ssyncset.done $0x0  }
0x2c: {  	[sflag:s20] =	ssyncadd.s32 $0xFFFFE000  }
0x2d: {  	[spmem:s15] =	stream.linear.scatter [tilespmem:s19], [sflag:$0x2], $0x2000, $0x38;
	[tilespmem:$0xC800] =	vst v63  }
0x2e: {  	_ =	swait.ge [sflag:s20], $0x2000  }
0x2f: {  	[sflag:s20] =	ssyncset.done $0x0  }
0x30: {  	s9 =	smov.u32 s7;
	s7 =	smov.u32 s10;
	[sflag:s20] =	ssyncadd.s32 $0xFFFFE000  }
0x31: {  	[spmem:s7] =	stream.linear.scatter [tilespmem:s19], [sflag:$0x2], $0x2000, $0x38;
	[tilespmem:$0xC800] =	vst v63  }
0x32: {  	_ =	swait.ge [sflag:s20], $0x2000  }
0x33: {  	[sflag:s20] =	ssyncset.done $0x0  }
0x34: {  	[sflag:s20] =	ssyncadd.s32 $0xFFFFE000  }
0x35: {  	s15 =	sadd.s32 $0x0, s18;
	[bflag:$0x0] =	sbarrier.arrive $0xFFFF  }
0x36: {  	[tilespmem:s3], [sflag:$0x2] =	stream.linear.gather [hbm4b:s15+s3], $0x400, $0x38;
	[tilespmem:$0xC800] =	vst v63  }
0x37: {  	_ =	swait.ge [sflag:s20], $0x400  }
0x38: {  	[sflag:s20] =	ssyncset.done $0x0  }
0x39: {  	s16 =	sadd.s32 $0x0, s17;
	[sflag:s20] =	ssyncadd.s32 $0xFFFFFC00  }
0x3a: {  	[tilespmem:s21], [sflag:$0x2] =	stream.linear.gather [hbm4b:s16+s3], $0x400, $0x38;
	[tilespmem:$0xC800] =	vst v63  }
0x3b: {  	_ =	swait.ge [sflag:s20], $0x400  }
0x3c: {  	[sflag:s20] =	ssyncset.done $0x0  }
0x3d: {  	[sflag:s20] =	ssyncadd.s32 $0xFFFFFC00  }
0x3e: {  	[tilespmem:s19], [sflag:$0x1] =	stream.indirect.gather [hbm4b:s4+s22], $0x40, s3, s22, $0xb8;
	[tilespmem:$0xC800] =	vst v63  }
0x3f: {  	_ =	swait.ge [sflag:s23], $0x2000  }
0x40: {  	[sflag:s23] =	ssyncset.done $0x0  }
0x41: {  	[sflag:s23] =	ssyncadd.s32 $0xFFFFE000  }
0x42: {  	[spmem:s2] =	stream.indirect.scatter.add.f32 [tilespmem:s19], [sflag:$0x2], $0x40, s21, s22, $0xb8;
	[tilespmem:$0xC800] =	vst v63  }
0x43: {  	_ =	swait.ge [sflag:s20], $0x2000  }
0x44: {  	[sflag:s20] =	ssyncset.done $0x0  }
0x45: {  	[sflag:s20] =	ssyncadd.s32 $0xFFFFE000  }
0x46: {  	[tilespmem:s19], [sflag:$0x1] =	stream.indirect.gather [hbm4b:s4+s22], $0x40, s22, s22, $0xb8;
	[tilespmem:$0xC800] =	vst v63  }
0x47: {  	_ =	swait.ge [sflag:s23], $0x2000  }
0x48: {  	[sflag:s23] =	ssyncset.done $0x0  }
0x49: {  	[sflag:s23] =	ssyncadd.s32 $0xFFFFE000  }
0x4a: {  	[spmem:s2] =	stream.indirect.scatter.add.f32 [tilespmem:s19], [sflag:$0x2], $0x40, s24, s22, $0xb8;
	[tilespmem:$0xC800] =	vst v63  }
0x4b: {  	_ =	swait.ge [sflag:s20], $0x2000  }
0x4c: {  	[sflag:s20] =	ssyncset.done $0x0  }
0x4d: {  	[sflag:s20] =	ssyncadd.s32 $0xFFFFE000  }
0x4e: {  	[tilespmem:s19], [sflag:$0x1] =	stream.indirect.gather [hbm4b:s4+s22], $0x40, s25, s22, $0xb8;
	[tilespmem:$0xC800] =	vst v63  }
0x4f: {  	_ =	swait.ge [sflag:s23], $0x2000  }
0x50: {  	[sflag:s23] =	ssyncset.done $0x0  }
0x51: {  	[sflag:s23] =	ssyncadd.s32 $0xFFFFE000  }
0x52: {  	[spmem:s2] =	stream.indirect.scatter.add.f32 [tilespmem:s19], [sflag:$0x2], $0x40, s26, s22, $0xb8;
	[tilespmem:$0xC800] =	vst v63  }
0x53: {  	_ =	swait.ge [sflag:s20], $0x2000  }
0x54: {  	[sflag:s20] =	ssyncset.done $0x0  }
0x55: {  	[sflag:s20] =	ssyncadd.s32 $0xFFFFE000  }
0x56: {  	[tilespmem:s19], [sflag:$0x1] =	stream.indirect.gather [hbm4b:s4+s22], $0x40, s28, s22, $0xb8;
	[tilespmem:$0xC800] =	vst v63  }
0x57: {  	_ =	swait.ge [sflag:s23], $0x2000  }
0x58: {  	[sflag:s23] =	ssyncset.done $0x0  }
0x59: {  	[sflag:s23] =	ssyncadd.s32 $0xFFFFE000  }
0x5a: {  	[spmem:s2] =	stream.indirect.scatter.add.f32 [tilespmem:s19], [sflag:$0x2], $0x40, s29, s22, $0xb8;
	[tilespmem:$0xC800] =	vst v63  }
0x5b: {  	_ =	swait.ge [sflag:s20], $0x2000  }
0x5c: {  	[sflag:s20] =	ssyncset.done $0x0  }
0x5d: {  	[sflag:s20] =	ssyncadd.s32 $0xFFFFE000  }
0x5e: {  	[tilespmem:s19], [sflag:$0x1] =	stream.indirect.gather [hbm4b:s4+s22], $0x40, s30, s22, $0xb8;
	[tilespmem:$0xC800] =	vst v63  }
0x5f: {  	_ =	swait.ge [sflag:s23], $0x2000  }
0x60: {  	[sflag:s23] =	ssyncset.done $0x0  }
0x61: {  	[sflag:s23] =	ssyncadd.s32 $0xFFFFE000  }
0x62: {  	[spmem:s2] =	stream.indirect.scatter.add.f32 [tilespmem:s19], [sflag:$0x2], $0x40, s31, s22, $0xb8;
	[tilespmem:$0xC800] =	vst v63  }
0x63: {  	_ =	swait.ge [sflag:s20], $0x2000  }
0x64: {  	[sflag:s20] =	ssyncset.done $0x0  }
0x65: {  	[sflag:s20] =	ssyncadd.s32 $0xFFFFE000  }
0x66: {  	[tilespmem:s19], [sflag:$0x1] =	stream.indirect.gather [hbm4b:s4+s22], $0x40, s1, s22, $0xb8;
	[tilespmem:$0xC800] =	vst v63  }
0x67: {  	_ =	swait.ge [sflag:s23], $0x2000  }
0x68: {  	[sflag:s23] =	ssyncset.done $0x0  }
0x69: {  	[sflag:s23] =	ssyncadd.s32 $0xFFFFE000  }
0x6a: {  	[spmem:s2] =	stream.indirect.scatter.add.f32 [tilespmem:s19], [sflag:$0x2], $0x40, s0, s22, $0xb8;
	[tilespmem:$0xC800] =	vst v63  }
0x6b: {  	_ =	swait.ge [sflag:s20], $0x2000  }
0x6c: {  	[sflag:s20] =	ssyncset.done $0x0  }
0x6d: {  	[sflag:s20] =	ssyncadd.s32 $0xFFFFE000  }
0x6e: {  	[tilespmem:s19], [sflag:$0x1] =	stream.indirect.gather [hbm4b:s4+s22], $0x40, s5, s22, $0xb8;
	[tilespmem:$0xC800] =	vst v63  }
0x6f: {  	_ =	swait.ge [sflag:s23], $0x2000  }
0x70: {  	[sflag:s23] =	ssyncset.done $0x0  }
0x71: {  	[sflag:s23] =	ssyncadd.s32 $0xFFFFE000  }
0x72: {  	[spmem:s2] =	stream.indirect.scatter.add.f32 [tilespmem:s19], [sflag:$0x2], $0x40, s11, s22, $0xb8;
	[tilespmem:$0xC800] =	vst v63  }
0x73: {  	_ =	swait.ge [sflag:s20], $0x2000  }
0x74: {  	[sflag:s20] =	ssyncset.done $0x0  }
0x75: {  	[sflag:s20] =	ssyncadd.s32 $0xFFFFE000  }
0x76: {  	[tilespmem:s19], [sflag:$0x1] =	stream.indirect.gather [hbm4b:s4+s22], $0x40, s12, s22, $0xb8;
	[tilespmem:$0xC800] =	vst v63  }
0x77: {  	_ =	swait.ge [sflag:s23], $0x2000  }
0x78: {  	[sflag:s23] =	ssyncset.done $0x0  }
0x79: {  	[sflag:s23] =	ssyncadd.s32 $0xFFFFE000  }
0x7a: {  	[spmem:s2] =	stream.indirect.scatter.add.f32 [tilespmem:s19], [sflag:$0x2], $0x40, s13, s22, $0xb8;
	[tilespmem:$0xC800] =	vst v63  }
0x7b: {  	s10 =	smov.u32 s8;
	_ =	swait.ge [sflag:s20], $0x2000  }
0x7c: {  	s15 =	simm.s32 $0x80;
	s16 =	simm.s32 $0x100;
	[sflag:s20] =	ssyncset.done $0x0  }
.LBB2_2:
0x7d: {  	s7 =	sadd.s32 s15, s18  }
0x7e: {  	[sflag:s20] =	ssyncadd.s32 $0xFFFFE000;
	s8 =	smov.u32 s16;
	s6 =	sadd.s32 $0x80, s16  }
0x7f: {  	[tilespmem:s3], [sflag:$0x2] =	stream.linear.gather [hbm4b:s7+s3], $0x400, $0x38;
	[tilespmem:$0xC800] =	vst v63  }
0x80: {  	p0 =	sne.s32 s16, $0x480;
	_ =	swait.ge [sflag:s20], $0x400  }
0x81: {  	[sflag:s20] =	ssyncset.done $0x0  }
0x82: {  	s7 =	sadd.s32 s15, s17;
	s15 =	smov.u32 s8;
	[sflag:s20] =	ssyncadd.s32 $0xFFFFFC00  }
0x83: {  	[tilespmem:s21], [sflag:$0x2] =	stream.linear.gather [hbm4b:s7+s3], $0x400, $0x38;
	[tilespmem:$0xC800] =	vst v63  }
0x84: {  	_ =	swait.ge [sflag:s20], $0x400  }
0x85: {  	[sflag:s20] =	ssyncset.done $0x0  }
0x86: {  	[sflag:s20] =	ssyncadd.s32 $0xFFFFFC00  }
0x87: {  	[tilespmem:s19], [sflag:$0x1] =	stream.indirect.gather [hbm4b:s4+s22], $0x40, s3, s22, $0xb8;
	[tilespmem:$0xC800] =	vst v63  }
0x88: {  	_ =	swait.ge [sflag:s23], $0x2000  }
0x89: {  	[sflag:s23] =	ssyncset.done $0x0  }
0x8a: {  	[sflag:s23] =	ssyncadd.s32 $0xFFFFE000  }
0x8b: {  	[spmem:s2] =	stream.indirect.scatter.add.f32 [tilespmem:s19], [sflag:$0x2], $0x40, s21, s22, $0xb8;
	[tilespmem:$0xC800] =	vst v63  }
0x8c: {  	_ =	swait.ge [sflag:s20], $0x2000  }
0x8d: {  	[sflag:s20] =	ssyncset.done $0x0  }
0x8e: {  	[sflag:s20] =	ssyncadd.s32 $0xFFFFE000  }
0x8f: {  	[tilespmem:s19], [sflag:$0x1] =	stream.indirect.gather [hbm4b:s4+s22], $0x40, s22, s22, $0xb8;
	[tilespmem:$0xC800] =	vst v63  }
0x90: {  	_ =	swait.ge [sflag:s23], $0x2000  }
0x91: {  	[sflag:s23] =	ssyncset.done $0x0  }
0x92: {  	[sflag:s23] =	ssyncadd.s32 $0xFFFFE000  }
0x93: {  	[spmem:s2] =	stream.indirect.scatter.add.f32 [tilespmem:s19], [sflag:$0x2], $0x40, s24, s22, $0xb8;
	[tilespmem:$0xC800] =	vst v63  }
0x94: {  	_ =	swait.ge [sflag:s20], $0x2000  }
0x95: {  	[sflag:s20] =	ssyncset.done $0x0  }
0x96: {  	[sflag:s20] =	ssyncadd.s32 $0xFFFFE000  }
0x97: {  	[tilespmem:s19], [sflag:$0x1] =	stream.indirect.gather [hbm4b:s4+s22], $0x40, s25, s22, $0xb8;
	[tilespmem:$0xC800] =	vst v63  }
0x98: {  	_ =	swait.ge [sflag:s23], $0x2000  }
0x99: {  	[sflag:s23] =	ssyncset.done $0x0  }
0x9a: {  	[sflag:s23] =	ssyncadd.s32 $0xFFFFE000  }
0x9b: {  	[spmem:s2] =	stream.indirect.scatter.add.f32 [tilespmem:s19], [sflag:$0x2], $0x40, s26, s22, $0xb8;
	[tilespmem:$0xC800] =	vst v63  }
0x9c: {  	_ =	swait.ge [sflag:s20], $0x2000  }
0x9d: {  	[sflag:s20] =	ssyncset.done $0x0  }
0x9e: {  	[sflag:s20] =	ssyncadd.s32 $0xFFFFE000  }
0x9f: {  	[tilespmem:s19], [sflag:$0x1] =	stream.indirect.gather [hbm4b:s4+s22], $0x40, s28, s22, $0xb8;
	[tilespmem:$0xC800] =	vst v63  }
0xa0: {  	_ =	swait.ge [sflag:s23], $0x2000  }
0xa1: {  	[sflag:s23] =	ssyncset.done $0x0  }
0xa2: {  	[sflag:s23] =	ssyncadd.s32 $0xFFFFE000  }
0xa3: {  	[spmem:s2] =	stream.indirect.scatter.add.f32 [tilespmem:s19], [sflag:$0x2], $0x40, s29, s22, $0xb8;
	[tilespmem:$0xC800] =	vst v63  }
0xa4: {  	_ =	swait.ge [sflag:s20], $0x2000  }
0xa5: {  	[sflag:s20] =	ssyncset.done $0x0  }
0xa6: {  	[sflag:s20] =	ssyncadd.s32 $0xFFFFE000  }
0xa7: {  	[tilespmem:s19], [sflag:$0x1] =	stream.indirect.gather [hbm4b:s4+s22], $0x40, s30, s22, $0xb8;
	[tilespmem:$0xC800] =	vst v63  }
0xa8: {  	_ =	swait.ge [sflag:s23], $0x2000  }
0xa9: {  	[sflag:s23] =	ssyncset.done $0x0  }
0xaa: {  	[sflag:s23] =	ssyncadd.s32 $0xFFFFE000  }
0xab: {  	[spmem:s2] =	stream.indirect.scatter.add.f32 [tilespmem:s19], [sflag:$0x2], $0x40, s31, s22, $0xb8;
	[tilespmem:$0xC800] =	vst v63  }
0xac: {  	_ =	swait.ge [sflag:s20], $0x2000  }
0xad: {  	[sflag:s20] =	ssyncset.done $0x0  }
0xae: {  	[sflag:s20] =	ssyncadd.s32 $0xFFFFE000  }
0xaf: {  	[tilespmem:s19], [sflag:$0x1] =	stream.indirect.gather [hbm4b:s4+s22], $0x40, s1, s22, $0xb8;
	[tilespmem:$0xC800] =	vst v63  }
0xb0: {  	_ =	swait.ge [sflag:s23], $0x2000  }
0xb1: {  	[sflag:s23] =	ssyncset.done $0x0  }
0xb2: {  	[sflag:s23] =	ssyncadd.s32 $0xFFFFE000  }
0xb3: {  	[spmem:s2] =	stream.indirect.scatter.add.f32 [tilespmem:s19], [sflag:$0x2], $0x40, s0, s22, $0xb8;
	[tilespmem:$0xC800] =	vst v63  }
0xb4: {  	_ =	swait.ge [sflag:s20], $0x2000  }
0xb5: {  	[sflag:s20] =	ssyncset.done $0x0  }
0xb6: {  	[sflag:s20] =	ssyncadd.s32 $0xFFFFE000  }
0xb7: {  	[tilespmem:s19], [sflag:$0x1] =	stream.indirect.gather [hbm4b:s4+s22], $0x40, s5, s22, $0xb8;
	[tilespmem:$0xC800] =	vst v63  }
0xb8: {  	_ =	swait.ge [sflag:s23], $0x2000  }
0xb9: {  	[sflag:s23] =	ssyncset.done $0x0  }
0xba: {  	[sflag:s23] =	ssyncadd.s32 $0xFFFFE000  }
0xbb: {  	[spmem:s2] =	stream.indirect.scatter.add.f32 [tilespmem:s19], [sflag:$0x2], $0x40, s11, s22, $0xb8;
	[tilespmem:$0xC800] =	vst v63  }
0xbc: {  	_ =	swait.ge [sflag:s20], $0x2000  }
0xbd: {  	[sflag:s20] =	ssyncset.done $0x0  }
0xbe: {  	[sflag:s20] =	ssyncadd.s32 $0xFFFFE000  }
0xbf: {  	[tilespmem:s19], [sflag:$0x1] =	stream.indirect.gather [hbm4b:s4+s22], $0x40, s12, s22, $0xb8;
	[tilespmem:$0xC800] =	vst v63  }
0xc0: {  	_ =	swait.ge [sflag:s23], $0x2000  }
.Ltmp0:
0xc1: {  	[sflag:s23] =	ssyncset.done $0x0;
	(pc) =	sbr.rel @p0 .LBB2_2-.Ltmp0, $4  }
0xc2: {  	[sflag:s23] =	ssyncadd.s32 $0xFFFFE000  }
0xc3: {  	[spmem:s2] =	stream.indirect.scatter.add.f32 [tilespmem:s19], [sflag:$0x2], $0x40, s13, s22, $0xb8;
	[tilespmem:$0xC800] =	vst v63  }
0xc4: {  	_ =	swait.ge [sflag:s20], $0x2000  }
0xc5: {  	s16 =	smov.u32 s6;
	[sflag:s20] =	ssyncset.done $0x0  }
0xc6: {  	s6 =	sadd.s32 s15, s18;
	[sflag:s20] =	ssyncadd.s32 $0xFFFFE000  }
0xc7: {  	[tilespmem:s3], [sflag:$0x2] =	stream.linear.gather [hbm4b:s6+s3], $0x400, $0x38;
	[tilespmem:$0xC800] =	vst v63  }
0xc8: {  	_ =	swait.ge [sflag:s20], $0x400  }
0xc9: {  	[sflag:s20] =	ssyncset.done $0x0  }
0xca: {  	s8 =	sadd.s32 s15, s17;
	[sflag:s20] =	ssyncadd.s32 $0xFFFFFC00  }
0xcb: {  	[tilespmem:s21], [sflag:$0x2] =	stream.linear.gather [hbm4b:s8+s3], $0x400, $0x38;
	[tilespmem:$0xC800] =	vst v63  }
0xcc: {  	_ =	swait.ge [sflag:s20], $0x400  }
0xcd: {  	[sflag:s20] =	ssyncset.done $0x0  }
0xce: {  	[sflag:s20] =	ssyncadd.s32 $0xFFFFFC00  }
0xcf: {  	[tilespmem:s19], [sflag:$0x1] =	stream.indirect.gather [hbm4b:s4+s22], $0x40, s3, s22, $0xb8;
	[tilespmem:$0xC800] =	vst v63  }
0xd0: {  	_ =	swait.ge [sflag:s23], $0x2000  }
0xd1: {  	[sflag:s23] =	ssyncset.done $0x0  }
0xd2: {  	[sflag:s23] =	ssyncadd.s32 $0xFFFFE000  }
0xd3: {  	[spmem:s2] =	stream.indirect.scatter.add.f32 [tilespmem:s19], [sflag:$0x2], $0x40, s21, s22, $0xb8;
	[tilespmem:$0xC800] =	vst v63  }
0xd4: {  	_ =	swait.ge [sflag:s20], $0x2000  }
0xd5: {  	[sflag:s20] =	ssyncset.done $0x0  }
0xd6: {  	[sflag:s20] =	ssyncadd.s32 $0xFFFFE000  }
0xd7: {  	[tilespmem:s19], [sflag:$0x1] =	stream.indirect.gather [hbm4b:s4+s22], $0x40, s22, s22, $0xb8;
	[tilespmem:$0xC800] =	vst v63  }
0xd8: {  	_ =	swait.ge [sflag:s23], $0x2000  }
0xd9: {  	[sflag:s23] =	ssyncset.done $0x0  }
0xda: {  	[sflag:s23] =	ssyncadd.s32 $0xFFFFE000  }
0xdb: {  	[spmem:s2] =	stream.indirect.scatter.add.f32 [tilespmem:s19], [sflag:$0x2], $0x40, s24, s22, $0xb8;
	[tilespmem:$0xC800] =	vst v63  }
0xdc: {  	_ =	swait.ge [sflag:s20], $0x2000  }
0xdd: {  	[sflag:s20] =	ssyncset.done $0x0  }
0xde: {  	[sflag:s20] =	ssyncadd.s32 $0xFFFFE000  }
0xdf: {  	[tilespmem:s19], [sflag:$0x1] =	stream.indirect.gather [hbm4b:s4+s22], $0x40, s25, s22, $0xb8;
	[tilespmem:$0xC800] =	vst v63  }
0xe0: {  	_ =	swait.ge [sflag:s23], $0x2000  }
0xe1: {  	[sflag:s23] =	ssyncset.done $0x0  }
0xe2: {  	[sflag:s23] =	ssyncadd.s32 $0xFFFFE000  }
0xe3: {  	[spmem:s2] =	stream.indirect.scatter.add.f32 [tilespmem:s19], [sflag:$0x2], $0x40, s26, s22, $0xb8;
	[tilespmem:$0xC800] =	vst v63  }
0xe4: {  	_ =	swait.ge [sflag:s20], $0x2000  }
0xe5: {  	[sflag:s20] =	ssyncset.done $0x0  }
0xe6: {  	[sflag:s20] =	ssyncadd.s32 $0xFFFFE000  }
0xe7: {  	[tilespmem:s19], [sflag:$0x1] =	stream.indirect.gather [hbm4b:s4+s22], $0x40, s28, s22, $0xb8;
	[tilespmem:$0xC800] =	vst v63  }
0xe8: {  	_ =	swait.ge [sflag:s23], $0x2000  }
0xe9: {  	[sflag:s23] =	ssyncset.done $0x0  }
0xea: {  	[sflag:s23] =	ssyncadd.s32 $0xFFFFE000  }
0xeb: {  	[spmem:s2] =	stream.indirect.scatter.add.f32 [tilespmem:s19], [sflag:$0x2], $0x40, s29, s22, $0xb8;
	[tilespmem:$0xC800] =	vst v63  }
0xec: {  	_ =	swait.ge [sflag:s20], $0x2000  }
0xed: {  	[sflag:s20] =	ssyncset.done $0x0  }
0xee: {  	[sflag:s20] =	ssyncadd.s32 $0xFFFFE000  }
0xef: {  	[tilespmem:s19], [sflag:$0x1] =	stream.indirect.gather [hbm4b:s4+s22], $0x40, s30, s22, $0xb8;
	[tilespmem:$0xC800] =	vst v63  }
0xf0: {  	_ =	swait.ge [sflag:s23], $0x2000  }
0xf1: {  	[sflag:s23] =	ssyncset.done $0x0  }
0xf2: {  	[sflag:s23] =	ssyncadd.s32 $0xFFFFE000  }
0xf3: {  	[spmem:s2] =	stream.indirect.scatter.add.f32 [tilespmem:s19], [sflag:$0x2], $0x40, s31, s22, $0xb8;
	[tilespmem:$0xC800] =	vst v63  }
0xf4: {  	_ =	swait.ge [sflag:s20], $0x2000  }
0xf5: {  	[sflag:s20] =	ssyncset.done $0x0  }
0xf6: {  	[sflag:s20] =	ssyncadd.s32 $0xFFFFE000  }
0xf7: {  	[tilespmem:s19], [sflag:$0x1] =	stream.indirect.gather [hbm4b:s4+s22], $0x40, s1, s22, $0xb8;
	[tilespmem:$0xC800] =	vst v63  }
0xf8: {  	_ =	swait.ge [sflag:s23], $0x2000  }
0xf9: {  	[sflag:s23] =	ssyncset.done $0x0  }
0xfa: {  	[sflag:s23] =	ssyncadd.s32 $0xFFFFE000  }
0xfb: {  	[spmem:s2] =	stream.indirect.scatter.add.f32 [tilespmem:s19], [sflag:$0x2], $0x40, s0, s22, $0xb8;
	[tilespmem:$0xC800] =	vst v63  }
0xfc: {  	_ =	swait.ge [sflag:s20], $0x2000  }
0xfd: {  	[sflag:s20] =	ssyncset.done $0x0  }
0xfe: {  	[sflag:s20] =	ssyncadd.s32 $0xFFFFE000  }
0xff: {  	[tilespmem:s19], [sflag:$0x1] =	stream.indirect.gather [hbm4b:s4+s22], $0x40, s5, s22, $0xb8;
	[tilespmem:$0xC800] =	vst v63  }
0x100: {  	_ =	swait.ge [sflag:s23], $0x2000  }
0x101: {  	[sflag:s23] =	ssyncset.done $0x0  }
0x102: {  	[sflag:s23] =	ssyncadd.s32 $0xFFFFE000  }
0x103: {  	[spmem:s2] =	stream.indirect.scatter.add.f32 [tilespmem:s19], [sflag:$0x2], $0x40, s11, s22, $0xb8;
	[tilespmem:$0xC800] =	vst v63  }
0x104: {  	_ =	swait.ge [sflag:s20], $0x2000  }
0x105: {  	[sflag:s20] =	ssyncset.done $0x0  }
0x106: {  	[sflag:s20] =	ssyncadd.s32 $0xFFFFE000  }
0x107: {  	[tilespmem:s19], [sflag:$0x1] =	stream.indirect.gather [hbm4b:s4+s22], $0x40, s12, s22, $0xb8;
	[tilespmem:$0xC800] =	vst v63  }
0x108: {  	_ =	swait.ge [sflag:s23], $0x2000  }
0x109: {  	[sflag:s23] =	ssyncset.done $0x0  }
0x10a: {  	[sflag:s23] =	ssyncadd.s32 $0xFFFFE000  }
0x10b: {  	[spmem:s2] =	stream.indirect.scatter.add.f32 [tilespmem:s19], [sflag:$0x2], $0x40, s13, s22, $0xb8;
	[tilespmem:$0xC800] =	vst v63  }
0x10c: {  	_ =	swait.ge [sflag:s20], $0x2000  }
0x10d: {  	[sflag:s20] =	ssyncset.done $0x0  }
0x10e: {  	[sflag:s20] =	ssyncadd.s32 $0xFFFFE000  }
0x10f: {  	[bflag:$0x0] =	sbarrier.arrive $0xFFFF  }
0x110: {  	[tilespmem:s19], [sflag:$0x2] =	stream.linear.gather [spmem:s9], $0x2000, $0x38;
	[tilespmem:$0xC800] =	vst v63  }
0x111: {  	_ =	swait.ge [sflag:s20], $0x2000  }
0x112: {  	[sflag:s20] =	ssyncset.done $0x0  }
0x113: {  	s15 =	rddreg [dreg:$0x7];
	[sflag:s20] =	ssyncadd.s32 $0xFFFFE000  }
0x114: {  	[hbm4b:s15+s3] =	stream.linear.scatter [tilespmem:s19], [sflag:$0x2], $0x2000, $0x38;
	[tilespmem:$0xC800] =	vst v63  }
0x115: {  	_ =	swait.ge [sflag:s20], $0x2000  }
0x116: {  	[sflag:s20] =	ssyncset.done $0x0  }
0x117: {  	[sflag:s20] =	ssyncadd.s32 $0xFFFFE000  }
0x118: {  	[tilespmem:s19], [sflag:$0x2] =	stream.linear.gather [spmem:s10], $0x2000, $0x38;
	[tilespmem:$0xC800] =	vst v63  }
0x119: {  	_ =	swait.ge [sflag:s20], $0x2000  }
0x11a: {  	[sflag:s20] =	ssyncset.done $0x0  }
0x11b: {  	s16 =	rddreg [dreg:$0x8];
	[sflag:s20] =	ssyncadd.s32 $0xFFFFE000  }
0x11c: {  	[hbm4b:s16+s3] =	stream.linear.scatter [tilespmem:s19], [sflag:$0x2], $0x2000, $0x38;
	[tilespmem:$0xC800] =	vst v63  }
0x11d: {  	_ =	swait.ge [sflag:s20], $0x2000  }
0x11e: {  	[sflag:s20] =	ssyncset.done $0x0  }
0x11f: {  	s16 =	rddreg [dreg:$0x4];
	[sflag:s20] =	ssyncadd.s32 $0xFFFFE000  }
0x120: {  	[tilespmem:s19], [sflag:$0x2] =	stream.linear.gather [spmem:s16], $0x2000, $0x38;
	[tilespmem:$0xC800] =	vst v63  }
0x121: {  	_ =	swait.ge [sflag:s20], $0x2000  }
0x122: {  	[sflag:s20] =	ssyncset.done $0x0  }
0x123: {  	s7 =	smov.u32 s9;
	s9 =	rddreg [dreg:$0x9];
	[sflag:s20] =	ssyncadd.s32 $0xFFFFE000  }
0x124: {  	[hbm4b:s9+s3] =	stream.linear.scatter [tilespmem:s19], [sflag:$0x2], $0x2000, $0x38;
	[tilespmem:$0xC800] =	vst v63  }
0x125: {  	_ =	swait.ge [sflag:s20], $0x2000  }
0x126: {  	[sflag:s20] =	ssyncset.done $0x0  }
0x127: {  	s15 =	rddreg [dreg:$0x5];
	[sflag:s20] =	ssyncadd.s32 $0xFFFFE000  }
0x128: {  	[tilespmem:s19], [sflag:$0x2] =	stream.linear.gather [spmem:s15], $0x2000, $0x38;
	[tilespmem:$0xC800] =	vst v63  }
0x129: {  	_ =	swait.ge [sflag:s20], $0x2000  }
0x12a: {  	[sflag:s20] =	ssyncset.done $0x0  }
0x12b: {  	s8 =	smov.u32 s10;
	s10 =	rddreg [dreg:$0xa];
	[sflag:s20] =	ssyncadd.s32 $0xFFFFE000  }
0x12c: {  	[hbm4b:s10+s3] =	stream.linear.scatter [tilespmem:s19], [sflag:$0x2], $0x2000, $0x38;
	[tilespmem:$0xC800] =	vst v63  }
0x12d: {  	_ =	swait.ge [sflag:s20], $0x2000  }
0x12e: {  	[sflag:s20] =	ssyncset.done $0x0  }
0x12f: {  	s10 =	rddreg [dreg:$0x6];
	[sflag:s20] =	ssyncadd.s32 $0xFFFFE000  }
0x130: {  	[tilespmem:s19], [sflag:$0x2] =	stream.linear.gather [spmem:s10], $0x2000, $0x38;
	[tilespmem:$0xC800] =	vst v63  }
0x131: {  	_ =	swait.ge [sflag:s20], $0x2000  }
0x132: {  	[sflag:s20] =	ssyncset.done $0x0  }
0x133: {  	s9 =	rddreg [dreg:$0xb];
	[sflag:s20] =	ssyncadd.s32 $0xFFFFE000  }
0x134: {  	[hbm4b:s9+s3] =	stream.linear.scatter [tilespmem:s19], [sflag:$0x2], $0x2000, $0x38;
	[tilespmem:$0xC800] =	vst v63  }
0x135: {  	_ =	swait.ge [sflag:s20], $0x2000  }
0x136: {  	s14 =	sadd.s32 $0x1, s14;
	s9 =	rddreg [dreg:$0xc]  }
0x137: {  	p0 =	sne.s32 s14, s9  }
.Ltmp1:
0x138: {  	_ = 	snop;
	(pc) =	sbr.rel @p0 .LBB2_1-.Ltmp1, $3  }
0x139: {  	_ =	sdelay $0x1  }
0x13a: {  	[sflag:s20] =	ssyncset.done $0x0  }
0x13b: {  	[sflag:s20] =	ssyncadd.s32 $0xFFFFE000  }
0x13c: {  	_ =	sfence.sel $0x180000  }
0x13d: {  	[bflag:$0x0] =	sbarrier.arrive $0xFFFF  }
0x13e: {  	_ =	strace $0x9000004D  }
0x13f: {  	s0 =	stileid.u32;
	[bflag:$0x2] =	sbarrier.arrive $0xFFFF  }
0x140: {  	p0 =	sne.s32 s0, $0x0;
	s0 =	rddreg [dreg:$0x2]  }
0x141: {  	s0 =	sadd.s32 @!p0 $0x100000, s0  }
0x142: {  	[sflag:s0] =	ssyncadd.tile.s32 @!p0 $0x1;
	_ =	shalt  }
.Lfunc_end2:
_tile_overlayer_lowered:
.L_overlay_start_2:
0x143: {  	(tag) =	ssettag $0x2  }
0x144: {  	s0 =	rddreg [dreg:$0x0];
	s2 =	stileid.u32  }
0x145: {  	s1 =	rddreg [dreg:$0x1];
	p0 =	sne.s32 s2, $0x0  }
0x146: {  	s3 =	rddreg [dreg:$0x2];
	[bflag:$0x3] =	sbarrier.arrive $0xFFFF;
	s2 =	simm.s32 @!p0 $0x1C02  }
0x147: {  	[timem:s3], [sflag:s2] =	dma.local @!p0 [hbm:s0], s1  }
0x148: {  	s0 =	simm.s32 @!p0 $0x2  }
0x149: {  	_ =	swait.ge @!p0 [sflag:s0], s1  }
0x14a: {  	s1 =	ssub.s32 @!p0 $0x0, s1;
	[sflag:s0] =	ssyncset.done @!p0 $0x0  }
0x14b: {  	[sflag:s0] =	ssyncadd.s32 @!p0 s1  }
0x14c: {  	[bflag:$0x3] =	sbarrier.arrive $0xFFFF  }
0x14d: {  	_ =	shalt  }

// kernel: kernel.21.cloned.1.call-start
scs
__scs_entry_jumppad:
0x0: {  	(pc) =	sbr.rel $0x88, $3  }
0x1: {  	(tag) =	ssettag $0x0;
	lr =	simm.s32 $0x1  }
0x2: {  	[smem:$0x3F90] =	sst lr;
	_ =	strace $0xD0000000  }
0x3: {  	_ = 	snop  }
0x4: {  	_ = 	snop  }
0x5: {  	_ = 	snop  }
0x6: {  	_ = 	snop  }
0x7: {  	_ = 	snop  }
__scs_overlays_trampoline_lowered:
0x8: {  	[smem:$0x3F9F] =	sst s0  }
0x9: {  	[smem:$0x3FA0] =	sst s1  }
0xa: {  	[smem:$0x3FA1] =	sst s2  }
0xb: {  	[smem:$0x3FA2] =	sst s3  }
0xc: {  	[smem:$0x3FA3] =	sst s4  }
0xd: {  	[smem:$0x3FA4] =	sst s5  }
0xe: {  	[smem:$0x3FA5] =	sst s6  }
0xf: {  	[smem:$0x3FA6] =	sst s7  }
0x10: {  	[smem:$0x3FA7] =	sst s8  }
0x11: {  	[smem:$0x3FA8] =	sst s9;
	s0 =	simm.s32 @!p0 $0x0  }
0x12: {  	s1 =	sld [smem:$0x3F8E];
	s0 =	simm.s32 @p0 $0x1  }
0x13: {  	[smem:$0x3FA9] =	sst s0;
	s0 =	simm.s32 @!p1 $0x0  }
0x14: {  	s2 =	sld [smem:$0x3F8D];
	s0 =	simm.s32 @p1 $0x1  }
0x15: {  	[smem:$0x3FAA] =	sst s0;
	s0 =	simm.s32 @!p2 $0x0  }
0x16: {  	s3 =	sld [smem:$0x3FDB];
	s0 =	simm.s32 @p2 $0x1  }
0x17: {  	s4 =	simm.s32 $0x1BF5;
	[smem:$0x3FAC] =	sst s0  }
0x18: {  	s0 =	sld [smem:$0x3F8F];
	_ =	swait.ge [sflag:s4], $0x0  }
0x19: {  	s7 =	sld [smem:$0x3F90]  }
0x1a: {  	s8 =	sadd.s32 $0xFFFFE003, lr  }
0x1b: {  	s9 =	sadd.s32 $0xFFFFFEF7, lr;
	s5 =	simm.s32 $0xFFFFFFFF;
	p2 =	slt.u32 s8, $0xFFFFF086  }
0x1c: {  	p1 =	slt.u32 s9, $0xF7A;
	s5 =	simm.s32 @!p2 $0x0  }
0x1d: {  	s5 =	simm.s32 @p1 $0x1;
	p0 =	seq.s32 s7, s2  }
0x1e: {  	s7 =	smul.u32 @!p0 $0xF7A, s2;
	p2 =	seq.s32 @!p0 s5, $0x0  }
0x1f: {  	s9 =	smul.u32 $0xF7A, s1;
	s8 =	simm.s32 @!p0 $0x1BF5;
	p2 =	por !p2, p0  }
0x20: {  	[sflag:s8] =	ssyncset.s32 @!p0 $0xFFFFF086;
	s6 =	sadd.s32 @!p0 s3, s7;
	s7 =	simm.s32 @!p0 $0x108  }
0x21: {  	s3 =	sadd.s32 s3, s9;
	s6 =	sadd.s32 @!p0 $0x88, s6;
	s7 =	simm.s32 @p2 $0x1082  }
0x22: {  	[simem:s7], [sflag:s8] =	dma.local @!p0 [hbm:s6], $0xF7A  }
0x23: {  	s9 =	sor.u32 $0xD0000000, s2;
	s6 =	simm.s32 $0x108;
	_ =	swait.ge @!p0 [sflag:s8], $0x0  }
0x24: {  	s3 =	sadd.s32 $0x88, s3;
	s6 =	simm.s32 @!p1 $0x1082;
	[sflag:s4] =	ssyncset.s32 $0xFFFFF086  }
0x25: {  	[simem:s6], [sflag:s4] =	dma.local [hbm:s3], $0xF7A  }
0x26: {  	[smem:$0x3F90] =	sst s1;
	(tag) =	ssettag s2;
	_ =	strace s9  }
0x27: {  	s1 =	sld [smem:$0x3FA0]  }
0x28: {  	s2 =	sld [smem:$0x3FA1]  }
0x29: {  	s4 =	sld [smem:$0x3FA3]  }
0x2a: {  	p0 =	seq.s32 s5, $0x0;
	s5 =	sld [smem:$0x3FA4]  }
0x2b: {  	s6 =	sld [smem:$0x3FA5]  }
0x2c: {  	s7 =	sld [smem:$0x3FA6]  }
0x2d: {  	s3 =	simm.s32 $0x108;
	s8 =	sld [smem:$0x3FA7]  }
0x2e: {  	s3 =	simm.s32 @!p0 $0x1082;
	s9 =	sld [smem:$0x3FA8]  }
0x2f: {  	lr =	sadd.s32 s0, s3;
	s0 =	sld [smem:$0x3F9F]  }
0x30: {  	s3 =	sld [smem:$0x3FA2]  }
0x31: {  	[smem:$0x3FAB] =	sst s10  }
0x32: {  	s10 =	sld [smem:$0x3FA9];
	_ =	sdelay $0x3  }
0x33: {  	p0 =	seq.s32 s10, $0x1;
	s10 =	sld [smem:$0x3FAB];
	_ =	sdelay $0x3  }
0x34: {  	[smem:$0x3FAB] =	sst s10  }
0x35: {  	s10 =	sld [smem:$0x3FAA];
	_ =	sdelay $0x3  }
0x36: {  	p1 =	seq.s32 s10, $0x1;
	s10 =	sld [smem:$0x3FAB];
	_ =	sdelay $0x3  }
0x37: {  	[smem:$0x3FAB] =	sst s10  }
0x38: {  	s10 =	sld [smem:$0x3FAC]  }
0x39: {  	_ = 	snop;
	(pc) =	sbr.ind lr, $3  }
0x3a: {  	_ = 	snop  }
0x3b: {  	_ = 	snop  }
0x3c: {  	p2 =	seq.s32 s10, $0x1;
	s10 =	sld [smem:$0x3FAB]  }
0x3d: {  	_ =	shalt  }
0x3e: {  	_ =	shalt  }
0x3f: {  	_ =	shalt  }
0x40: {  	_ =	shalt  }
0x41: {  	_ =	shalt  }
0x42: {  	_ =	shalt  }
0x43: {  	_ =	shalt  }
0x44: {  	_ =	shalt  }
0x45: {  	_ =	shalt  }
0x46: {  	_ =	shalt  }
0x47: {  	_ =	shalt  }
0x48: {  	_ =	shalt  }
0x49: {  	_ =	shalt  }
0x4a: {  	_ =	shalt  }
0x4b: {  	_ =	shalt  }
0x4c: {  	_ =	shalt  }
0x4d: {  	_ =	shalt  }
0x4e: {  	_ =	shalt  }
0x4f: {  	_ =	shalt  }
0x50: {  	_ =	shalt  }
0x51: {  	_ =	shalt  }
0x52: {  	_ =	shalt  }
0x53: {  	_ =	shalt  }
0x54: {  	_ =	shalt  }
0x55: {  	_ =	shalt  }
0x56: {  	_ =	shalt  }
0x57: {  	_ =	shalt  }
0x58: {  	_ =	shalt  }
0x59: {  	_ =	shalt  }
0x5a: {  	_ =	shalt  }
0x5b: {  	_ =	shalt  }
0x5c: {  	_ =	shalt  }
0x5d: {  	_ =	shalt  }
0x5e: {  	_ =	shalt  }
0x5f: {  	_ =	shalt  }
0x60: {  	_ =	shalt  }
0x61: {  	_ =	shalt  }
0x62: {  	_ =	shalt  }
0x63: {  	_ =	shalt  }
0x64: {  	_ =	shalt  }
0x65: {  	_ =	shalt  }
0x66: {  	_ =	shalt  }
0x67: {  	_ =	shalt  }
0x68: {  	_ =	shalt  }
0x69: {  	_ =	shalt  }
0x6a: {  	_ =	shalt  }
0x6b: {  	_ =	shalt  }
0x6c: {  	_ =	shalt  }
0x6d: {  	_ =	shalt  }
0x6e: {  	_ =	shalt  }
0x6f: {  	_ =	shalt  }
0x70: {  	_ =	shalt  }
0x71: {  	_ =	shalt  }
0x72: {  	_ =	shalt  }
0x73: {  	_ =	shalt  }
0x74: {  	_ =	shalt  }
0x75: {  	_ =	shalt  }
0x76: {  	_ =	shalt  }
0x77: {  	_ =	shalt  }
0x78: {  	_ =	shalt  }
0x79: {  	_ =	shalt  }
0x7a: {  	_ =	shalt  }
0x7b: {  	_ =	shalt  }
0x7c: {  	_ =	shalt  }
0x7d: {  	_ =	shalt  }
0x7e: {  	_ =	shalt  }
0x7f: {  	_ =	shalt  }
0x80: {  	_ =	shalt  }
0x81: {  	_ =	shalt  }
0x82: {  	_ =	shalt  }
0x83: {  	_ =	shalt  }
0x84: {  	_ =	shalt  }
0x85: {  	_ =	shalt  }
0x86: {  	_ =	shalt  }
0x87: {  	_ =	shalt  }
.Lfunc_end0:
.L_simem_size_0:
called_computation.3_lowered:
.L_overlay_start_0:
0x88: {  	s2 =	sld [smem:$0x3FD9]  }
0x89: {  	s3 =	sld [smem:$0x3FFE];
	_ =	sdelay $0x1  }
0x8a: {  	s1 =	srdreg.scid  }
0x8b: {  	s0 =	sand.u32 $0x1, s1  }
0x8c: {  	s16 =	sshll.u32 s0, $0xA;
	s2 =	sadd.s32 s3, s2  }
0x8d: {  	s2 =	sadd.s32 s2, s16  }
0x8e: {  	[smem:$0x3FB7] =	sst s2  }
0x8f: {  	_ = 	snop  }
0x90: {  	(tm) =	ssettm $0x1  }
0x91: {  	s17 =	sld [smem:$0x3FFB];
	_ =	sdelay $0x3  }
0x92: {  	_ =	strace s17  }
0x93: {  	s2 =	sld [smem:$0x3FFC];
	_ =	sdelay $0x3  }
0x94: {  	_ =	strace s2  }
0x95: {  	s2 =	sld [smem:$0x3FFD];
	_ =	sdelay $0x3  }
0x96: {  	_ =	strace s2  }
0x97: {  	_ =	strace $0x8FFFFFFF  }
0x98: {  	s18 =	sld [smem:$0x3FDB];
	_ =	sdelay $0x1  }
0x99: {  	s19 =	simm.s32 $_scs_section_size  }
0x9a: {  	s4 =	simm.s32 $_size__tile_overlayer_lowered;
	s5 =	simm.s32 $_tile_overlayer_lowered  }
0x9b: {  	s22 =	simm.s32 $0x1BFF;
	s21 =	sshll.u32 s5, $0x1;
	s2 =	sadd.s32 s19, s18  }
0x9c: {  	s6 =	simm.s32 $0x0;
	s20 =	sshll.u32 s4, $0x1;
	s4 =	sadd.s32 s21, s2  }
0x9d: {  	[timem:s6], [sflag:s22] =	dma.local [hbm:s4], s20  }
0x9e: {  	_ =	swait.ge [sflag:s22], s20  }
0x9f: {  	s3 =	ssub.s32 $0x0, s20;
	[sflag:s22] =	ssyncset.done $0x0  }
0xa0: {  	[sflag:s22] =	ssyncadd.s32 s3;
	_ =	sdelay $0x1  }
0xa1: {  	s23 =	simm.s32 $0x1B8B  }
0xa2: {  	_ =	swait.ge [sflag:s23], $0x1  }
0xa3: {  	[sflag:s23] =	ssyncset.done $0x0  }
0xa4: {  	s25 =	simm.s32 $0x1B8E;
	s24 =	sld [smem:$0x3FFE];
	[sflag:s23] =	ssyncadd.s32 $0xFFFFFFFF  }
0xa5: {  	s26 =	simm.s32 $execute0_lowered;
	[smem:$0x3FD2] =	sst s25  }
0xa6: {  	s4 =	sshll.u32 s26, $0x1;
	_ =	strace $0x8000004F;
	[dreg:$0x1] =	wrdreg $0xFFFFFFFF  }
0xa7: {  	s28 =	simm.s32 $_size_execute0_lowered;
	s2 =	sadd.s32 s2, s4;
	[dreg:$0x0] =	wrdreg $0x0  }
0xa8: {  	s4 =	sshll.u32 s28, $0x1;
	[dreg:$0x2] =	wrdreg s2  }
0xa9: {  	[dreg:$0x3] =	wrdreg s4  }
0xaa: {  	[dreg:$0x4] =	wrdreg $0xC0  }
0xab: {  	_ =	task [dreg:s6], $0x5FFFF  }
0xac: {  	[dreg:$0x1] =	wrdreg $0xFFFFFFFF  }
0xad: {  	[dreg:$0x0] =	wrdreg $0x60  }
0xae: {  	[dreg:$0x2] =	wrdreg s24  }
0xaf: {  	[dreg:$0x3] =	wrdreg $0x28000  }
0xb0: {  	[dreg:$0x4] =	wrdreg $0x9  }
0xb1: {  	_ =	task.clear_ibuf [dreg:s6], $0x5FFFF;
	_ =	strace $0x9000004F  }
0xb2: {  	s29 =	simm.s32 $0x9;
	_ =	strace $0x80000051  }
0xb3: {  	_ =	swait.ge [sflag:s29], $0x1  }
0xb4: {  	[sflag:s29] =	ssyncadd.s32 $0xFFFFFFFF  }
0xb5: {  	_ =	strace $0x90000051  }
0xb6: {  	_ =	sfence  }
0xb7: {  	s30 =	sld [smem:$0x0];
	_ =	sdelay $0x2  }
0xb8: {  	s31 =	sshll.u32 s1, $0xD;
	s1 =	sshrl.u32 s1, $0x2  }
0xb9: {  	s3 =	sand.u32 $0x4000, s31;
	s1 =	sadd.s32 s1, s30  }
0xba: {  	s0 =	sor.u32 s3, s0;
	s1 =	sshll.u32 s1, $0x11  }
0xbb: {  	s0 =	sor.u32 s1, s0  }
0xbc: {  	s0 =	sadd.s32 $0x8F2B, s0  }
0xbd: {  	[sflag:s0] =	ssyncadd.remote.s32 $0x1  }
0xbe: {  	_ =	sfence.sel $0xFFFF  }
0xbf: {  	[dreg:$0x0] =	wrdreg $0xFFFFFFFF;
	(pc) =	sbr.abs _section_cstart, $3  }
0xc0: {  	[dreg:$0x1] =	wrdreg $0xFFFFFFFF  }
0xc1: {  	_ =	task.clear_ibuf [dreg:s6], $0x2FFFF;
	_ =	strace $0x9FFFFFFF  }
0xc2: {  	(tm) =	ssettm $0x7FFFFFFF  }
0xc3: {  	_ =	shalt  }
tec
execute0_lowered:
.L_overlay_start_1:
0x0: {  	(tag) =	ssettag $0x1  }
0x1: {  	s0 =	srdreg.scid  }
0x2: {  	s7 =	stileid.u32;
	s5 =	rddreg [dreg:$0x0]  }
0x3: {  	s2 =	rddreg [dreg:$0x1];
	s3 =	simm.s32 $0x0;
	s28 =	simm.s32 $0x180  }
0x4: {  	s29 =	simm.s32 $0x580;
	s30 =	simm.s32 $0x200;
	s1 =	smul.u32 $0x5000, s7  }
0x5: {  	s31 =	simm.s32 $0x600;
	s0 =	sand.u32 $0x1, s0;
	s10 =	smul.u32 $0xA000, s7  }
0x6: {  	[smem:$0x7FF] =	sst s3;
	s18 =	sadd.s32 $0x298400, s5;
	s4 =	smul.u32 $0x2800, s0  }
0x7: {  	_ =	strace $0x80000050;
	s6 =	ssub.s32 $0x2, s0;
	[dreg:$0x3] =	wrdreg s18  }
0x8: {  	s0 =	smul.u32 $0xA0000, s0;
	s19 =	sshrl.u32 s6, $0x1;
	s7 =	sadd.s32 s10, s2  }
0x9: {  	s11 =	sadd.s32 $0x2000, s10;
	s12 =	sadd.s32 $0x4000, s10;
	s13 =	sadd.s32 $0x6000, s10  }
0xa: {  	s14 =	sadd.s32 $0x8000, s10;
	s1 =	sadd.s32 s4, s1;
	s4 =	sadd.s32 $0x18000, s5  }
0xb: {  	s6 =	ssub.s32 s6, s19;
	s8 =	sadd.s32 s11, s2;
	s16 =	sadd.s32 s12, s2  }
0xc: {  	s9 =	sadd.s32 s13, s2;
	s15 =	sadd.s32 s10, s0;
	s11 =	sadd.s32 s0, s11  }
0xd: {  	s10 =	sadd.s32 s14, s2;
	s21 =	sadd.s32 s0, s12;
	s22 =	sadd.s32 s0, s13  }
0xe: {  	s0 =	sadd.s32 s0, s14;
	s19 =	simm.s32 $0x800;
	s12 =	simm.s32 $0x380  }
0xf: {  	s13 =	simm.s32 $0x780;
	s14 =	simm.s32 $0x0;
	s1 =	sshrl.u32 s1, $0x3  }
0x10: {  	s15 =	sshrl.u32 s15, $0x3;
	s11 =	sshrl.u32 s11, $0x3;
	s24 =	sshrl.u32 s22, $0x3  }
0x11: {  	s0 =	sshrl.u32 s0, $0x3;
	s26 =	smax.u32 s6, $0x1;
	[dreg:$0x4] =	wrdreg s16  }
0x12: {  	s22 =	simm.s32 $0x80;
	[dreg:$0x6] =	wrdreg s10;
	s1 =	sadd.s32 s1, s5  }
0x13: {  	s5 =	sadd.s32 $0x2C000, s5;
	[dreg:$0xc] =	wrdreg s26;
	s26 =	simm.s32 $0x500  }
0x14: {  	s15 =	sadd.s32 s5, s15;
	s20 =	sadd.s32 s5, s11;
	s11 =	sshrl.u32 s21, $0x3  }
0x15: {  	s25 =	sadd.s32 s5, s24;
	s0 =	sadd.s32 s5, s0;
	s17 =	sadd.s32 $0xE000, s1  }
0x16: {  	s18 =	sadd.s32 $0x4000, s1;
	s21 =	simm.s32 $0x400;
	[dreg:$0x7] =	wrdreg s15  }
0x17: {  	s24 =	simm.s32 $0x480;
	s1 =	simm.s32 $0x280;
	[dreg:$0x8] =	wrdreg s20  }
0x18: {  	s15 =	smov.u32 s9;
	s23 =	sadd.s32 s5, s11;
	[dreg:$0xa] =	wrdreg s25  }
0x19: {  	[dreg:$0xb] =	wrdreg s0;
	s20 =	simm.s32 $0x2;
	s25 =	simm.s32 $0x100  }
0x1a: {  	s0 =	simm.s32 $0x680;
	s5 =	simm.s32 $0x300;
	[dreg:$0x9] =	wrdreg s23  }
0x1b: {  	s11 =	simm.s32 $0x700;
	s23 =	simm.s32 $0x1;
	[dreg:$0x5] =	wrdreg s15  }
.LBB2_1:
0x1c: {  	s6 =	rddreg [dreg:$0x3]  }
0x1d: {  	[tilespmem:s19], [sflag:$0x2] =	stream.linear.gather [hbm4b:s6+s3], $0x2000, $0x38;
	[tilespmem:$0xC800] =	vst v63  }
0x1e: {  	_ =	swait.ge [sflag:s20], $0x2000  }
0x1f: {  	[sflag:s20] =	ssyncset.done $0x0  }
0x20: {  	[sflag:s20] =	ssyncadd.s32 $0xFFFFE000  }
0x21: {  	[spmem:s7] =	stream.linear.scatter [tilespmem:s19], [sflag:$0x2], $0x2000, $0x38;
	[tilespmem:$0xC800] =	vst v63  }
0x22: {  	_ =	swait.ge [sflag:s20], $0x2000  }
0x23: {  	[sflag:s20] =	ssyncset.done $0x0  }
0x24: {  	[sflag:s20] =	ssyncadd.s32 $0xFFFFE000  }
0x25: {  	[spmem:s8] =	stream.linear.scatter [tilespmem:s19], [sflag:$0x2], $0x2000, $0x38;
	[tilespmem:$0xC800] =	vst v63  }
0x26: {  	_ =	swait.ge [sflag:s20], $0x2000  }
0x27: {  	[sflag:s20] =	ssyncset.done $0x0  }
0x28: {  	[sflag:s20] =	ssyncadd.s32 $0xFFFFE000  }
0x29: {  	[spmem:s16] =	stream.linear.scatter [tilespmem:s19], [sflag:$0x2], $0x2000, $0x38;
	[tilespmem:$0xC800] =	vst v63  }
0x2a: {  	_ =	swait.ge [sflag:s20], $0x2000  }
0x2b: {  	[sflag:s20] =	ssyncset.done $0x0  }
0x2c: {  	[sflag:s20] =	ssyncadd.s32 $0xFFFFE000  }
0x2d: {  	[spmem:s15] =	stream.linear.scatter [tilespmem:s19], [sflag:$0x2], $0x2000, $0x38;
	[tilespmem:$0xC800] =	vst v63  }
0x2e: {  	_ =	swait.ge [sflag:s20], $0x2000  }
0x2f: {  	[sflag:s20] =	ssyncset.done $0x0  }
0x30: {  	s9 =	smov.u32 s7;
	s7 =	smov.u32 s10;
	[sflag:s20] =	ssyncadd.s32 $0xFFFFE000  }
0x31: {  	[spmem:s7] =	stream.linear.scatter [tilespmem:s19], [sflag:$0x2], $0x2000, $0x38;
	[tilespmem:$0xC800] =	vst v63  }
0x32: {  	_ =	swait.ge [sflag:s20], $0x2000  }
0x33: {  	[sflag:s20] =	ssyncset.done $0x0  }
0x34: {  	[sflag:s20] =	ssyncadd.s32 $0xFFFFE000  }
0x35: {  	s15 =	sadd.s32 $0x0, s18;
	[bflag:$0x0] =	sbarrier.arrive $0xFFFF  }
0x36: {  	[tilespmem:s3], [sflag:$0x2] =	stream.linear.gather [hbm4b:s15+s3], $0x400, $0x38;
	[tilespmem:$0xC800] =	vst v63  }
0x37: {  	_ =	swait.ge [sflag:s20], $0x400  }
0x38: {  	[sflag:s20] =	ssyncset.done $0x0  }
0x39: {  	s16 =	sadd.s32 $0x0, s17;
	[sflag:s20] =	ssyncadd.s32 $0xFFFFFC00  }
0x3a: {  	[tilespmem:s21], [sflag:$0x2] =	stream.linear.gather [hbm4b:s16+s3], $0x400, $0x38;
	[tilespmem:$0xC800] =	vst v63  }
0x3b: {  	_ =	swait.ge [sflag:s20], $0x400  }
0x3c: {  	[sflag:s20] =	ssyncset.done $0x0  }
0x3d: {  	[sflag:s20] =	ssyncadd.s32 $0xFFFFFC00  }
0x3e: {  	[tilespmem:s19], [sflag:$0x1] =	stream.indirect.gather [hbm4b:s4+s22], $0x40, s3, s22, $0xb8;
	[tilespmem:$0xC800] =	vst v63  }
0x3f: {  	_ =	swait.ge [sflag:s23], $0x2000  }
0x40: {  	[sflag:s23] =	ssyncset.done $0x0  }
0x41: {  	[sflag:s23] =	ssyncadd.s32 $0xFFFFE000  }
0x42: {  	[spmem:s2] =	stream.indirect.scatter.add.f32 [tilespmem:s19], [sflag:$0x2], $0x40, s21, s22, $0xb8;
	[tilespmem:$0xC800] =	vst v63  }
0x43: {  	_ =	swait.ge [sflag:s20], $0x2000  }
0x44: {  	[sflag:s20] =	ssyncset.done $0x0  }
0x45: {  	[sflag:s20] =	ssyncadd.s32 $0xFFFFE000  }
0x46: {  	[tilespmem:s19], [sflag:$0x1] =	stream.indirect.gather [hbm4b:s4+s22], $0x40, s22, s22, $0xb8;
	[tilespmem:$0xC800] =	vst v63  }
0x47: {  	_ =	swait.ge [sflag:s23], $0x2000  }
0x48: {  	[sflag:s23] =	ssyncset.done $0x0  }
0x49: {  	[sflag:s23] =	ssyncadd.s32 $0xFFFFE000  }
0x4a: {  	[spmem:s2] =	stream.indirect.scatter.add.f32 [tilespmem:s19], [sflag:$0x2], $0x40, s24, s22, $0xb8;
	[tilespmem:$0xC800] =	vst v63  }
0x4b: {  	_ =	swait.ge [sflag:s20], $0x2000  }
0x4c: {  	[sflag:s20] =	ssyncset.done $0x0  }
0x4d: {  	[sflag:s20] =	ssyncadd.s32 $0xFFFFE000  }
0x4e: {  	[tilespmem:s19], [sflag:$0x1] =	stream.indirect.gather [hbm4b:s4+s22], $0x40, s25, s22, $0xb8;
	[tilespmem:$0xC800] =	vst v63  }
0x4f: {  	_ =	swait.ge [sflag:s23], $0x2000  }
0x50: {  	[sflag:s23] =	ssyncset.done $0x0  }
0x51: {  	[sflag:s23] =	ssyncadd.s32 $0xFFFFE000  }
0x52: {  	[spmem:s2] =	stream.indirect.scatter.add.f32 [tilespmem:s19], [sflag:$0x2], $0x40, s26, s22, $0xb8;
	[tilespmem:$0xC800] =	vst v63  }
0x53: {  	_ =	swait.ge [sflag:s20], $0x2000  }
0x54: {  	[sflag:s20] =	ssyncset.done $0x0  }
0x55: {  	[sflag:s20] =	ssyncadd.s32 $0xFFFFE000  }
0x56: {  	[tilespmem:s19], [sflag:$0x1] =	stream.indirect.gather [hbm4b:s4+s22], $0x40, s28, s22, $0xb8;
	[tilespmem:$0xC800] =	vst v63  }
0x57: {  	_ =	swait.ge [sflag:s23], $0x2000  }
0x58: {  	[sflag:s23] =	ssyncset.done $0x0  }
0x59: {  	[sflag:s23] =	ssyncadd.s32 $0xFFFFE000  }
0x5a: {  	[spmem:s2] =	stream.indirect.scatter.add.f32 [tilespmem:s19], [sflag:$0x2], $0x40, s29, s22, $0xb8;
	[tilespmem:$0xC800] =	vst v63  }
0x5b: {  	_ =	swait.ge [sflag:s20], $0x2000  }
0x5c: {  	[sflag:s20] =	ssyncset.done $0x0  }
0x5d: {  	[sflag:s20] =	ssyncadd.s32 $0xFFFFE000  }
0x5e: {  	[tilespmem:s19], [sflag:$0x1] =	stream.indirect.gather [hbm4b:s4+s22], $0x40, s30, s22, $0xb8;
	[tilespmem:$0xC800] =	vst v63  }
0x5f: {  	_ =	swait.ge [sflag:s23], $0x2000  }
0x60: {  	[sflag:s23] =	ssyncset.done $0x0  }
0x61: {  	[sflag:s23] =	ssyncadd.s32 $0xFFFFE000  }
0x62: {  	[spmem:s2] =	stream.indirect.scatter.add.f32 [tilespmem:s19], [sflag:$0x2], $0x40, s31, s22, $0xb8;
	[tilespmem:$0xC800] =	vst v63  }
0x63: {  	_ =	swait.ge [sflag:s20], $0x2000  }
0x64: {  	[sflag:s20] =	ssyncset.done $0x0  }
0x65: {  	[sflag:s20] =	ssyncadd.s32 $0xFFFFE000  }
0x66: {  	[tilespmem:s19], [sflag:$0x1] =	stream.indirect.gather [hbm4b:s4+s22], $0x40, s1, s22, $0xb8;
	[tilespmem:$0xC800] =	vst v63  }
0x67: {  	_ =	swait.ge [sflag:s23], $0x2000  }
0x68: {  	[sflag:s23] =	ssyncset.done $0x0  }
0x69: {  	[sflag:s23] =	ssyncadd.s32 $0xFFFFE000  }
0x6a: {  	[spmem:s2] =	stream.indirect.scatter.add.f32 [tilespmem:s19], [sflag:$0x2], $0x40, s0, s22, $0xb8;
	[tilespmem:$0xC800] =	vst v63  }
0x6b: {  	_ =	swait.ge [sflag:s20], $0x2000  }
0x6c: {  	[sflag:s20] =	ssyncset.done $0x0  }
0x6d: {  	[sflag:s20] =	ssyncadd.s32 $0xFFFFE000  }
0x6e: {  	[tilespmem:s19], [sflag:$0x1] =	stream.indirect.gather [hbm4b:s4+s22], $0x40, s5, s22, $0xb8;
	[tilespmem:$0xC800] =	vst v63  }
0x6f: {  	_ =	swait.ge [sflag:s23], $0x2000  }
0x70: {  	[sflag:s23] =	ssyncset.done $0x0  }
0x71: {  	[sflag:s23] =	ssyncadd.s32 $0xFFFFE000  }
0x72: {  	[spmem:s2] =	stream.indirect.scatter.add.f32 [tilespmem:s19], [sflag:$0x2], $0x40, s11, s22, $0xb8;
	[tilespmem:$0xC800] =	vst v63  }
0x73: {  	_ =	swait.ge [sflag:s20], $0x2000  }
0x74: {  	[sflag:s20] =	ssyncset.done $0x0  }
0x75: {  	[sflag:s20] =	ssyncadd.s32 $0xFFFFE000  }
0x76: {  	[tilespmem:s19], [sflag:$0x1] =	stream.indirect.gather [hbm4b:s4+s22], $0x40, s12, s22, $0xb8;
	[tilespmem:$0xC800] =	vst v63  }
0x77: {  	_ =	swait.ge [sflag:s23], $0x2000  }
0x78: {  	[sflag:s23] =	ssyncset.done $0x0  }
0x79: {  	[sflag:s23] =	ssyncadd.s32 $0xFFFFE000  }
0x7a: {  	[spmem:s2] =	stream.indirect.scatter.add.f32 [tilespmem:s19], [sflag:$0x2], $0x40, s13, s22, $0xb8;
	[tilespmem:$0xC800] =	vst v63  }
0x7b: {  	s10 =	smov.u32 s8;
	_ =	swait.ge [sflag:s20], $0x2000  }
0x7c: {  	s15 =	simm.s32 $0x80;
	s16 =	simm.s32 $0x100;
	[sflag:s20] =	ssyncset.done $0x0  }
.LBB2_2:
0x7d: {  	s7 =	sadd.s32 s15, s18  }
0x7e: {  	[sflag:s20] =	ssyncadd.s32 $0xFFFFE000;
	s8 =	smov.u32 s16;
	s6 =	sadd.s32 $0x80, s16  }
0x7f: {  	[tilespmem:s3], [sflag:$0x2] =	stream.linear.gather [hbm4b:s7+s3], $0x400, $0x38;
	[tilespmem:$0xC800] =	vst v63  }
0x80: {  	p0 =	sne.s32 s16, $0x480;
	_ =	swait.ge [sflag:s20], $0x400  }
0x81: {  	[sflag:s20] =	ssyncset.done $0x0  }
0x82: {  	s7 =	sadd.s32 s15, s17;
	s15 =	smov.u32 s8;
	[sflag:s20] =	ssyncadd.s32 $0xFFFFFC00  }
0x83: {  	[tilespmem:s21], [sflag:$0x2] =	stream.linear.gather [hbm4b:s7+s3], $0x400, $0x38;
	[tilespmem:$0xC800] =	vst v63  }
0x84: {  	_ =	swait.ge [sflag:s20], $0x400  }
0x85: {  	[sflag:s20] =	ssyncset.done $0x0  }
0x86: {  	[sflag:s20] =	ssyncadd.s32 $0xFFFFFC00  }
0x87: {  	[tilespmem:s19], [sflag:$0x1] =	stream.indirect.gather [hbm4b:s4+s22], $0x40, s3, s22, $0xb8;
	[tilespmem:$0xC800] =	vst v63  }
0x88: {  	_ =	swait.ge [sflag:s23], $0x2000  }
0x89: {  	[sflag:s23] =	ssyncset.done $0x0  }
0x8a: {  	[sflag:s23] =	ssyncadd.s32 $0xFFFFE000  }
0x8b: {  	[spmem:s2] =	stream.indirect.scatter.add.f32 [tilespmem:s19], [sflag:$0x2], $0x40, s21, s22, $0xb8;
	[tilespmem:$0xC800] =	vst v63  }
0x8c: {  	_ =	swait.ge [sflag:s20], $0x2000  }
0x8d: {  	[sflag:s20] =	ssyncset.done $0x0  }
0x8e: {  	[sflag:s20] =	ssyncadd.s32 $0xFFFFE000  }
0x8f: {  	[tilespmem:s19], [sflag:$0x1] =	stream.indirect.gather [hbm4b:s4+s22], $0x40, s22, s22, $0xb8;
	[tilespmem:$0xC800] =	vst v63  }
0x90: {  	_ =	swait.ge [sflag:s23], $0x2000  }
0x91: {  	[sflag:s23] =	ssyncset.done $0x0  }
0x92: {  	[sflag:s23] =	ssyncadd.s32 $0xFFFFE000  }
0x93: {  	[spmem:s2] =	stream.indirect.scatter.add.f32 [tilespmem:s19], [sflag:$0x2], $0x40, s24, s22, $0xb8;
	[tilespmem:$0xC800] =	vst v63  }
0x94: {  	_ =	swait.ge [sflag:s20], $0x2000  }
0x95: {  	[sflag:s20] =	ssyncset.done $0x0  }
0x96: {  	[sflag:s20] =	ssyncadd.s32 $0xFFFFE000  }
0x97: {  	[tilespmem:s19], [sflag:$0x1] =	stream.indirect.gather [hbm4b:s4+s22], $0x40, s25, s22, $0xb8;
	[tilespmem:$0xC800] =	vst v63  }
0x98: {  	_ =	swait.ge [sflag:s23], $0x2000  }
0x99: {  	[sflag:s23] =	ssyncset.done $0x0  }
0x9a: {  	[sflag:s23] =	ssyncadd.s32 $0xFFFFE000  }
0x9b: {  	[spmem:s2] =	stream.indirect.scatter.add.f32 [tilespmem:s19], [sflag:$0x2], $0x40, s26, s22, $0xb8;
	[tilespmem:$0xC800] =	vst v63  }
0x9c: {  	_ =	swait.ge [sflag:s20], $0x2000  }
0x9d: {  	[sflag:s20] =	ssyncset.done $0x0  }
0x9e: {  	[sflag:s20] =	ssyncadd.s32 $0xFFFFE000  }
0x9f: {  	[tilespmem:s19], [sflag:$0x1] =	stream.indirect.gather [hbm4b:s4+s22], $0x40, s28, s22, $0xb8;
	[tilespmem:$0xC800] =	vst v63  }
0xa0: {  	_ =	swait.ge [sflag:s23], $0x2000  }
0xa1: {  	[sflag:s23] =	ssyncset.done $0x0  }
0xa2: {  	[sflag:s23] =	ssyncadd.s32 $0xFFFFE000  }
0xa3: {  	[spmem:s2] =	stream.indirect.scatter.add.f32 [tilespmem:s19], [sflag:$0x2], $0x40, s29, s22, $0xb8;
	[tilespmem:$0xC800] =	vst v63  }
0xa4: {  	_ =	swait.ge [sflag:s20], $0x2000  }
0xa5: {  	[sflag:s20] =	ssyncset.done $0x0  }
0xa6: {  	[sflag:s20] =	ssyncadd.s32 $0xFFFFE000  }
0xa7: {  	[tilespmem:s19], [sflag:$0x1] =	stream.indirect.gather [hbm4b:s4+s22], $0x40, s30, s22, $0xb8;
	[tilespmem:$0xC800] =	vst v63  }
0xa8: {  	_ =	swait.ge [sflag:s23], $0x2000  }
0xa9: {  	[sflag:s23] =	ssyncset.done $0x0  }
0xaa: {  	[sflag:s23] =	ssyncadd.s32 $0xFFFFE000  }
0xab: {  	[spmem:s2] =	stream.indirect.scatter.add.f32 [tilespmem:s19], [sflag:$0x2], $0x40, s31, s22, $0xb8;
	[tilespmem:$0xC800] =	vst v63  }
0xac: {  	_ =	swait.ge [sflag:s20], $0x2000  }
0xad: {  	[sflag:s20] =	ssyncset.done $0x0  }
0xae: {  	[sflag:s20] =	ssyncadd.s32 $0xFFFFE000  }
0xaf: {  	[tilespmem:s19], [sflag:$0x1] =	stream.indirect.gather [hbm4b:s4+s22], $0x40, s1, s22, $0xb8;
	[tilespmem:$0xC800] =	vst v63  }
0xb0: {  	_ =	swait.ge [sflag:s23], $0x2000  }
0xb1: {  	[sflag:s23] =	ssyncset.done $0x0  }
0xb2: {  	[sflag:s23] =	ssyncadd.s32 $0xFFFFE000  }
0xb3: {  	[spmem:s2] =	stream.indirect.scatter.add.f32 [tilespmem:s19], [sflag:$0x2], $0x40, s0, s22, $0xb8;
	[tilespmem:$0xC800] =	vst v63  }
0xb4: {  	_ =	swait.ge [sflag:s20], $0x2000  }
0xb5: {  	[sflag:s20] =	ssyncset.done $0x0  }
0xb6: {  	[sflag:s20] =	ssyncadd.s32 $0xFFFFE000  }
0xb7: {  	[tilespmem:s19], [sflag:$0x1] =	stream.indirect.gather [hbm4b:s4+s22], $0x40, s5, s22, $0xb8;
	[tilespmem:$0xC800] =	vst v63  }
0xb8: {  	_ =	swait.ge [sflag:s23], $0x2000  }
0xb9: {  	[sflag:s23] =	ssyncset.done $0x0  }
0xba: {  	[sflag:s23] =	ssyncadd.s32 $0xFFFFE000  }
0xbb: {  	[spmem:s2] =	stream.indirect.scatter.add.f32 [tilespmem:s19], [sflag:$0x2], $0x40, s11, s22, $0xb8;
	[tilespmem:$0xC800] =	vst v63  }
0xbc: {  	_ =	swait.ge [sflag:s20], $0x2000  }
0xbd: {  	[sflag:s20] =	ssyncset.done $0x0  }
0xbe: {  	[sflag:s20] =	ssyncadd.s32 $0xFFFFE000  }
0xbf: {  	[tilespmem:s19], [sflag:$0x1] =	stream.indirect.gather [hbm4b:s4+s22], $0x40, s12, s22, $0xb8;
	[tilespmem:$0xC800] =	vst v63  }
0xc0: {  	_ =	swait.ge [sflag:s23], $0x2000  }
.Ltmp0:
0xc1: {  	[sflag:s23] =	ssyncset.done $0x0;
	(pc) =	sbr.rel @p0 .LBB2_2-.Ltmp0, $4  }
0xc2: {  	[sflag:s23] =	ssyncadd.s32 $0xFFFFE000  }
0xc3: {  	[spmem:s2] =	stream.indirect.scatter.add.f32 [tilespmem:s19], [sflag:$0x2], $0x40, s13, s22, $0xb8;
	[tilespmem:$0xC800] =	vst v63  }
0xc4: {  	_ =	swait.ge [sflag:s20], $0x2000  }
0xc5: {  	s16 =	smov.u32 s6;
	[sflag:s20] =	ssyncset.done $0x0  }
0xc6: {  	s6 =	sadd.s32 s15, s18;
	[sflag:s20] =	ssyncadd.s32 $0xFFFFE000  }
0xc7: {  	[tilespmem:s3], [sflag:$0x2] =	stream.linear.gather [hbm4b:s6+s3], $0x400, $0x38;
	[tilespmem:$0xC800] =	vst v63  }
0xc8: {  	_ =	swait.ge [sflag:s20], $0x400  }
0xc9: {  	[sflag:s20] =	ssyncset.done $0x0  }
0xca: {  	s8 =	sadd.s32 s15, s17;
	[sflag:s20] =	ssyncadd.s32 $0xFFFFFC00  }
0xcb: {  	[tilespmem:s21], [sflag:$0x2] =	stream.linear.gather [hbm4b:s8+s3], $0x400, $0x38;
	[tilespmem:$0xC800] =	vst v63  }
0xcc: {  	_ =	swait.ge [sflag:s20], $0x400  }
0xcd: {  	[sflag:s20] =	ssyncset.done $0x0  }
0xce: {  	[sflag:s20] =	ssyncadd.s32 $0xFFFFFC00  }
0xcf: {  	[tilespmem:s19], [sflag:$0x1] =	stream.indirect.gather [hbm4b:s4+s22], $0x40, s3, s22, $0xb8;
	[tilespmem:$0xC800] =	vst v63  }
0xd0: {  	_ =	swait.ge [sflag:s23], $0x2000  }
0xd1: {  	[sflag:s23] =	ssyncset.done $0x0  }
0xd2: {  	[sflag:s23] =	ssyncadd.s32 $0xFFFFE000  }
0xd3: {  	[spmem:s2] =	stream.indirect.scatter.add.f32 [tilespmem:s19], [sflag:$0x2], $0x40, s21, s22, $0xb8;
	[tilespmem:$0xC800] =	vst v63  }
0xd4: {  	_ =	swait.ge [sflag:s20], $0x2000  }
0xd5: {  	[sflag:s20] =	ssyncset.done $0x0  }
0xd6: {  	[sflag:s20] =	ssyncadd.s32 $0xFFFFE000  }
0xd7: {  	[tilespmem:s19], [sflag:$0x1] =	stream.indirect.gather [hbm4b:s4+s22], $0x40, s22, s22, $0xb8;
	[tilespmem:$0xC800] =	vst v63  }
0xd8: {  	_ =	swait.ge [sflag:s23], $0x2000  }
0xd9: {  	[sflag:s23] =	ssyncset.done $0x0  }
0xda: {  	[sflag:s23] =	ssyncadd.s32 $0xFFFFE000  }
0xdb: {  	[spmem:s2] =	stream.indirect.scatter.add.f32 [tilespmem:s19], [sflag:$0x2], $0x40, s24, s22, $0xb8;
	[tilespmem:$0xC800] =	vst v63  }
0xdc: {  	_ =	swait.ge [sflag:s20], $0x2000  }
0xdd: {  	[sflag:s20] =	ssyncset.done $0x0  }
0xde: {  	[sflag:s20] =	ssyncadd.s32 $0xFFFFE000  }
0xdf: {  	[tilespmem:s19], [sflag:$0x1] =	stream.indirect.gather [hbm4b:s4+s22], $0x40, s25, s22, $0xb8;
	[tilespmem:$0xC800] =	vst v63  }
0xe0: {  	_ =	swait.ge [sflag:s23], $0x2000  }
0xe1: {  	[sflag:s23] =	ssyncset.done $0x0  }
0xe2: {  	[sflag:s23] =	ssyncadd.s32 $0xFFFFE000  }
0xe3: {  	[spmem:s2] =	stream.indirect.scatter.add.f32 [tilespmem:s19], [sflag:$0x2], $0x40, s26, s22, $0xb8;
	[tilespmem:$0xC800] =	vst v63  }
0xe4: {  	_ =	swait.ge [sflag:s20], $0x2000  }
0xe5: {  	[sflag:s20] =	ssyncset.done $0x0  }
0xe6: {  	[sflag:s20] =	ssyncadd.s32 $0xFFFFE000  }
0xe7: {  	[tilespmem:s19], [sflag:$0x1] =	stream.indirect.gather [hbm4b:s4+s22], $0x40, s28, s22, $0xb8;
	[tilespmem:$0xC800] =	vst v63  }
0xe8: {  	_ =	swait.ge [sflag:s23], $0x2000  }
0xe9: {  	[sflag:s23] =	ssyncset.done $0x0  }
0xea: {  	[sflag:s23] =	ssyncadd.s32 $0xFFFFE000  }
0xeb: {  	[spmem:s2] =	stream.indirect.scatter.add.f32 [tilespmem:s19], [sflag:$0x2], $0x40, s29, s22, $0xb8;
	[tilespmem:$0xC800] =	vst v63  }
0xec: {  	_ =	swait.ge [sflag:s20], $0x2000  }
0xed: {  	[sflag:s20] =	ssyncset.done $0x0  }
0xee: {  	[sflag:s20] =	ssyncadd.s32 $0xFFFFE000  }
0xef: {  	[tilespmem:s19], [sflag:$0x1] =	stream.indirect.gather [hbm4b:s4+s22], $0x40, s30, s22, $0xb8;
	[tilespmem:$0xC800] =	vst v63  }
0xf0: {  	_ =	swait.ge [sflag:s23], $0x2000  }
0xf1: {  	[sflag:s23] =	ssyncset.done $0x0  }
0xf2: {  	[sflag:s23] =	ssyncadd.s32 $0xFFFFE000  }
0xf3: {  	[spmem:s2] =	stream.indirect.scatter.add.f32 [tilespmem:s19], [sflag:$0x2], $0x40, s31, s22, $0xb8;
	[tilespmem:$0xC800] =	vst v63  }
0xf4: {  	_ =	swait.ge [sflag:s20], $0x2000  }
0xf5: {  	[sflag:s20] =	ssyncset.done $0x0  }
0xf6: {  	[sflag:s20] =	ssyncadd.s32 $0xFFFFE000  }
0xf7: {  	[tilespmem:s19], [sflag:$0x1] =	stream.indirect.gather [hbm4b:s4+s22], $0x40, s1, s22, $0xb8;
	[tilespmem:$0xC800] =	vst v63  }
0xf8: {  	_ =	swait.ge [sflag:s23], $0x2000  }
0xf9: {  	[sflag:s23] =	ssyncset.done $0x0  }
0xfa: {  	[sflag:s23] =	ssyncadd.s32 $0xFFFFE000  }
0xfb: {  	[spmem:s2] =	stream.indirect.scatter.add.f32 [tilespmem:s19], [sflag:$0x2], $0x40, s0, s22, $0xb8;
	[tilespmem:$0xC800] =	vst v63  }
0xfc: {  	_ =	swait.ge [sflag:s20], $0x2000  }
0xfd: {  	[sflag:s20] =	ssyncset.done $0x0  }
0xfe: {  	[sflag:s20] =	ssyncadd.s32 $0xFFFFE000  }
0xff: {  	[tilespmem:s19], [sflag:$0x1] =	stream.indirect.gather [hbm4b:s4+s22], $0x40, s5, s22, $0xb8;
	[tilespmem:$0xC800] =	vst v63  }
0x100: {  	_ =	swait.ge [sflag:s23], $0x2000  }
0x101: {  	[sflag:s23] =	ssyncset.done $0x0  }
0x102: {  	[sflag:s23] =	ssyncadd.s32 $0xFFFFE000  }
0x103: {  	[spmem:s2] =	stream.indirect.scatter.add.f32 [tilespmem:s19], [sflag:$0x2], $0x40, s11, s22, $0xb8;
	[tilespmem:$0xC800] =	vst v63  }
0x104: {  	_ =	swait.ge [sflag:s20], $0x2000  }
0x105: {  	[sflag:s20] =	ssyncset.done $0x0  }
0x106: {  	[sflag:s20] =	ssyncadd.s32 $0xFFFFE000  }
0x107: {  	[tilespmem:s19], [sflag:$0x1] =	stream.indirect.gather [hbm4b:s4+s22], $0x40, s12, s22, $0xb8;
	[tilespmem:$0xC800] =	vst v63  }
0x108: {  	_ =	swait.ge [sflag:s23], $0x2000  }
0x109: {  	[sflag:s23] =	ssyncset.done $0x0  }
0x10a: {  	[sflag:s23] =	ssyncadd.s32 $0xFFFFE000  }
0x10b: {  	[spmem:s2] =	stream.indirect.scatter.add.f32 [tilespmem:s19], [sflag:$0x2], $0x40, s13, s22, $0xb8;
	[tilespmem:$0xC800] =	vst v63  }
0x10c: {  	_ =	swait.ge [sflag:s20], $0x2000  }
0x10d: {  	[sflag:s20] =	ssyncset.done $0x0  }
0x10e: {  	[sflag:s20] =	ssyncadd.s32 $0xFFFFE000  }
0x10f: {  	[bflag:$0x0] =	sbarrier.arrive $0xFFFF  }
0x110: {  	[tilespmem:s19], [sflag:$0x2] =	stream.linear.gather [spmem:s9], $0x2000, $0x38;
	[tilespmem:$0xC800] =	vst v63  }
0x111: {  	_ =	swait.ge [sflag:s20], $0x2000  }
0x112: {  	[sflag:s20] =	ssyncset.done $0x0  }
0x113: {  	s15 =	rddreg [dreg:$0x7];
	[sflag:s20] =	ssyncadd.s32 $0xFFFFE000  }
0x114: {  	[hbm4b:s15+s3] =	stream.linear.scatter [tilespmem:s19], [sflag:$0x2], $0x2000, $0x38;
	[tilespmem:$0xC800] =	vst v63  }
0x115: {  	_ =	swait.ge [sflag:s20], $0x2000  }
0x116: {  	[sflag:s20] =	ssyncset.done $0x0  }
0x117: {  	[sflag:s20] =	ssyncadd.s32 $0xFFFFE000  }
0x118: {  	[tilespmem:s19], [sflag:$0x2] =	stream.linear.gather [spmem:s10], $0x2000, $0x38;
	[tilespmem:$0xC800] =	vst v63  }
0x119: {  	_ =	swait.ge [sflag:s20], $0x2000  }
0x11a: {  	[sflag:s20] =	ssyncset.done $0x0  }
0x11b: {  	s16 =	rddreg [dreg:$0x8];
	[sflag:s20] =	ssyncadd.s32 $0xFFFFE000  }
0x11c: {  	[hbm4b:s16+s3] =	stream.linear.scatter [tilespmem:s19], [sflag:$0x2], $0x2000, $0x38;
	[tilespmem:$0xC800] =	vst v63  }
0x11d: {  	_ =	swait.ge [sflag:s20], $0x2000  }
0x11e: {  	[sflag:s20] =	ssyncset.done $0x0  }
0x11f: {  	s16 =	rddreg [dreg:$0x4];
	[sflag:s20] =	ssyncadd.s32 $0xFFFFE000  }
0x120: {  	[tilespmem:s19], [sflag:$0x2] =	stream.linear.gather [spmem:s16], $0x2000, $0x38;
	[tilespmem:$0xC800] =	vst v63  }
0x121: {  	_ =	swait.ge [sflag:s20], $0x2000  }
0x122: {  	[sflag:s20] =	ssyncset.done $0x0  }
0x123: {  	s7 =	smov.u32 s9;
	s9 =	rddreg [dreg:$0x9];
	[sflag:s20] =	ssyncadd.s32 $0xFFFFE000  }
0x124: {  	[hbm4b:s9+s3] =	stream.linear.scatter [tilespmem:s19], [sflag:$0x2], $0x2000, $0x38;
	[tilespmem:$0xC800] =	vst v63  }
0x125: {  	_ =	swait.ge [sflag:s20], $0x2000  }
0x126: {  	[sflag:s20] =	ssyncset.done $0x0  }
0x127: {  	s15 =	rddreg [dreg:$0x5];
	[sflag:s20] =	ssyncadd.s32 $0xFFFFE000  }
0x128: {  	[tilespmem:s19], [sflag:$0x2] =	stream.linear.gather [spmem:s15], $0x2000, $0x38;
	[tilespmem:$0xC800] =	vst v63  }
0x129: {  	_ =	swait.ge [sflag:s20], $0x2000  }
0x12a: {  	[sflag:s20] =	ssyncset.done $0x0  }
0x12b: {  	s8 =	smov.u32 s10;
	s10 =	rddreg [dreg:$0xa];
	[sflag:s20] =	ssyncadd.s32 $0xFFFFE000  }
0x12c: {  	[hbm4b:s10+s3] =	stream.linear.scatter [tilespmem:s19], [sflag:$0x2], $0x2000, $0x38;
	[tilespmem:$0xC800] =	vst v63  }
0x12d: {  	_ =	swait.ge [sflag:s20], $0x2000  }
0x12e: {  	[sflag:s20] =	ssyncset.done $0x0  }
0x12f: {  	s10 =	rddreg [dreg:$0x6];
	[sflag:s20] =	ssyncadd.s32 $0xFFFFE000  }
0x130: {  	[tilespmem:s19], [sflag:$0x2] =	stream.linear.gather [spmem:s10], $0x2000, $0x38;
	[tilespmem:$0xC800] =	vst v63  }
0x131: {  	_ =	swait.ge [sflag:s20], $0x2000  }
0x132: {  	[sflag:s20] =	ssyncset.done $0x0  }
0x133: {  	s9 =	rddreg [dreg:$0xb];
	[sflag:s20] =	ssyncadd.s32 $0xFFFFE000  }
0x134: {  	[hbm4b:s9+s3] =	stream.linear.scatter [tilespmem:s19], [sflag:$0x2], $0x2000, $0x38;
	[tilespmem:$0xC800] =	vst v63  }
0x135: {  	_ =	swait.ge [sflag:s20], $0x2000  }
0x136: {  	s14 =	sadd.s32 $0x1, s14;
	s9 =	rddreg [dreg:$0xc]  }
0x137: {  	p0 =	sne.s32 s14, s9  }
.Ltmp1:
0x138: {  	_ = 	snop;
	(pc) =	sbr.rel @p0 .LBB2_1-.Ltmp1, $3  }
0x139: {  	_ =	sdelay $0x1  }
0x13a: {  	[sflag:s20] =	ssyncset.done $0x0  }
0x13b: {  	[sflag:s20] =	ssyncadd.s32 $0xFFFFE000  }
0x13c: {  	_ =	sfence.sel $0x180000  }
0x13d: {  	[bflag:$0x0] =	sbarrier.arrive $0xFFFF  }
0x13e: {  	_ =	strace $0x90000050  }
0x13f: {  	s0 =	stileid.u32;
	[bflag:$0x2] =	sbarrier.arrive $0xFFFF  }
0x140: {  	p0 =	sne.s32 s0, $0x0;
	s0 =	rddreg [dreg:$0x2]  }
0x141: {  	s0 =	sadd.s32 @!p0 $0x100000, s0  }
0x142: {  	[sflag:s0] =	ssyncadd.tile.s32 @!p0 $0x1;
	_ =	shalt  }
.Lfunc_end2:
_tile_overlayer_lowered:
.L_overlay_start_2:
0x143: {  	(tag) =	ssettag $0x2  }
0x144: {  	s0 =	rddreg [dreg:$0x0];
	s2 =	stileid.u32  }
0x145: {  	s1 =	rddreg [dreg:$0x1];
	p0 =	sne.s32 s2, $0x0  }
0x146: {  	s3 =	rddreg [dreg:$0x2];
	[bflag:$0x3] =	sbarrier.arrive $0xFFFF;
	s2 =	simm.s32 @!p0 $0x1C02  }
0x147: {  	[timem:s3], [sflag:s2] =	dma.local @!p0 [hbm:s0], s1  }
0x148: {  	s0 =	simm.s32 @!p0 $0x2  }
0x149: {  	_ =	swait.ge @!p0 [sflag:s0], s1  }
0x14a: {  	s1 =	ssub.s32 @!p0 $0x0, s1;
	[sflag:s0] =	ssyncset.done @!p0 $0x0  }
0x14b: {  	[sflag:s0] =	ssyncadd.s32 @!p0 s1  }
0x14c: {  	[bflag:$0x3] =	sbarrier.arrive $0xFFFF  }
0x14d: {  	_ =	shalt  }

</sc_bundles>
